<compile_context>
chip_gen: v7x
topology: tpu7x:2x2x1
jax: 0.10.2.dev20260603
libtpu: 0.0.44.dev20260713+nightly
codegen_flags: <defaults>
</compile_context>

<pallas_src>
import functools

import jax
import jax.numpy as jnp
from jax import lax
from jax.experimental import pallas as pl
from jax.experimental.pallas import tpu as pltpu
from jax.experimental.pallas import tpu_sc as plsc

N = 10000
E = 320000
D = 128
H = 8
FH = 16

NC = 2
NS = 16
NW = NC * NS
EPW = E // NW
CH = 80
NCHUNK = EPW // CH
NP = 10240
RPT = NP // NS

_f32 = jnp.float32


def _attn_mat(attn):
    rows = jnp.arange(H * FH)
    cols = rows // FH
    M = jnp.zeros((H * FH, 2 * H), _f32)
    M = M.at[rows, cols].set(attn.reshape(-1))
    M = M.at[rows, cols + H].set(attn.reshape(-1))
    return M


def _expand_mat():
    r = jnp.arange(16)[:, None]
    c = jnp.arange(D)[None, :]
    return (((c // FH) == r) & (r < H)).astype(_f32)


def _tc_prep(h, WT, ALd, ARd):
    B = 2000

    def body(h_ref, w_ref, al_ref, ar_ref, f_ref, el_ref, er_ref):
        f = jnp.dot(h_ref[...], w_ref[...], preferred_element_type=_f32)
        f_ref[...] = f
        el_ref[...] = jnp.dot(f, al_ref[...], preferred_element_type=_f32)
        er_ref[...] = jnp.dot(f, ar_ref[...], preferred_element_type=_f32)

    return pl.pallas_call(
        body,
        grid=(N // B,),
        in_specs=[
            pl.BlockSpec((B, D), lambda i: (i, 0)),
            pl.BlockSpec((D, D), lambda i: (0, 0)),
            pl.BlockSpec((D, 2 * H), lambda i: (0, 0)),
            pl.BlockSpec((D, 2 * H), lambda i: (0, 0)),
        ],
        out_specs=[
            pl.BlockSpec((B, D), lambda i: (i, 0)),
            pl.BlockSpec((B, 2 * H), lambda i: (i, 0)),
            pl.BlockSpec((B, 2 * H), lambda i: (i, 0)),
        ],
        out_shape=[
            jax.ShapeDtypeStruct((N, D), _f32),
            jax.ShapeDtypeStruct((N, 2 * H), _f32),
            jax.ShapeDtypeStruct((N, 2 * H), _f32),
        ],
    )(h, WT, ALd, ARd)


def _tc_mid(dp, mp, b, Eexp, WT, ALd, ARd):
    B = 2000

    def body(dp_ref, mp_ref, b_ref, e_ref, w_ref, al_ref, ar_ref,
             f_ref, el_ref, er_ref):
        d = dp_ref[0] + dp_ref[1]
        m = mp_ref[0] + mp_ref[1]
        invd = 1.0 / (d + 1e-9)
        invdx = jnp.dot(invd, e_ref[...], preferred_element_type=_f32)
        rst = m * invdx + b_ref[...]
        hh = jnp.where(rst >= 0, rst, 0.01 * rst)
        f = jnp.dot(hh, w_ref[...], preferred_element_type=_f32)
        f_ref[...] = f
        el_ref[...] = jnp.dot(f, al_ref[...], preferred_element_type=_f32)
        er_ref[...] = jnp.dot(f, ar_ref[...], preferred_element_type=_f32)

    return pl.pallas_call(
        body,
        grid=(N // B,),
        in_specs=[
            pl.BlockSpec((NC, B, 2 * H), lambda i: (0, i, 0)),
            pl.BlockSpec((NC, B, D), lambda i: (0, i, 0)),
            pl.BlockSpec((1, D), lambda i: (0, 0)),
            pl.BlockSpec((2 * H, D), lambda i: (0, 0)),
            pl.BlockSpec((D, D), lambda i: (0, 0)),
            pl.BlockSpec((D, 2 * H), lambda i: (0, 0)),
            pl.BlockSpec((D, 2 * H), lambda i: (0, 0)),
        ],
        out_specs=[
            pl.BlockSpec((B, D), lambda i: (i, 0)),
            pl.BlockSpec((B, 2 * H), lambda i: (i, 0)),
            pl.BlockSpec((B, 2 * H), lambda i: (i, 0)),
        ],
        out_shape=[
            jax.ShapeDtypeStruct((N, D), _f32),
            jax.ShapeDtypeStruct((N, 2 * H), _f32),
            jax.ShapeDtypeStruct((N, 2 * H), _f32),
        ],
    )(dp, mp, b, Eexp, WT, ALd, ARd)


def _tc_final(dp, mp, b, Eexp):
    B = 2000

    def body(dp_ref, mp_ref, b_ref, e_ref, o_ref):
        d = dp_ref[0] + dp_ref[1]
        m = mp_ref[0] + mp_ref[1]
        invd = 1.0 / (d + 1e-9)
        invdx = jnp.dot(invd, e_ref[...], preferred_element_type=_f32)
        o_ref[...] = m * invdx + b_ref[...]

    return pl.pallas_call(
        body,
        grid=(N // B,),
        in_specs=[
            pl.BlockSpec((NC, B, 2 * H), lambda i: (0, i, 0)),
            pl.BlockSpec((NC, B, D), lambda i: (0, i, 0)),
            pl.BlockSpec((1, D), lambda i: (0, 0)),
            pl.BlockSpec((2 * H, D), lambda i: (0, 0)),
        ],
        out_specs=pl.BlockSpec((B, D), lambda i: (i, 0)),
        out_shape=jax.ShapeDtypeStruct((N, D), _f32),
    )(dp, mp, b, Eexp)


def _edge_pass(src, dst, eld, erd, feat):
    mesh = plsc.VectorSubcoreMesh(core_axis_name="c", subcore_axis_name="s")

    @functools.partial(
        pl.kernel,
        out_type=(
            jax.ShapeDtypeStruct((NC, NP, 2 * H), _f32),
            jax.ShapeDtypeStruct((NC, NP, D), _f32),
        ),
        mesh=mesh,
        compiler_params=pltpu.CompilerParams(
            needs_layout_passes=False, use_tc_tiling_on_sc=False),
        scratch_types=[
            [pltpu.VMEM((CH,), jnp.int32)] * 2,
            [pltpu.VMEM((CH,), jnp.int32)] * 2,
            [pltpu.VMEM((CH, 2 * H), _f32)] * 2,
            [pltpu.VMEM((CH, 2 * H), _f32)] * 2,
            [pltpu.VMEM((CH, 2 * H), _f32)] * 2,
            [pltpu.VMEM((CH, D), _f32)] * 2,
            [pltpu.SemaphoreType.DMA] * 2,
            [pltpu.SemaphoreType.DMA] * 2,
            pltpu.VMEM_SHARED((NP, 2 * H), _f32),
            pltpu.VMEM_SHARED((NP, D), _f32),
        ],
    )
    def kfn(src_h, dst_h, eld_h, erd_h, feat_h, den_h, msg_h,
            idx_s, idx_d, elv, erv, eev, msg, isem, gsem, dacc, macc):
        c = lax.axis_index("c")
        s = lax.axis_index("s")
        wid = s * NC + c
        row0 = s * RPT
        ebase = wid * EPW

        def z1(i, _):
            eev[0][i, :] = jnp.zeros((16,), _f32)
            for jj in range(D // 16):
                msg[0][i, pl.ds(jj * 16, 16)] = jnp.zeros((16,), _f32)
            return 0
        lax.fori_loop(0, CH, z1, 0)

        for t in range(RPT // CH):
            pltpu.sync_copy(eev[0], dacc.at[pl.ds(row0 + t * CH, CH)])
            pltpu.sync_copy(msg[0], macc.at[pl.ds(row0 + t * CH, CH)])
        plsc.subcore_barrier()

        def issue_idx(j, p):
            base = ebase + j * CH
            pltpu.async_copy(src_h.at[pl.ds(base, CH)], idx_s[p], isem[p])
            pltpu.async_copy(dst_h.at[pl.ds(base, CH)], idx_d[p], isem[p])

        def wait_idx(p):
            pltpu.make_async_copy(src_h.at[pl.ds(0, CH)], idx_s[p],
                                  isem[p]).wait()
            pltpu.make_async_copy(dst_h.at[pl.ds(0, CH)], idx_d[p],
                                  isem[p]).wait()

        def issue_gather(p):
            pltpu.async_copy(eld_h.at[idx_s[p]], elv[p], gsem[p])
            pltpu.async_copy(erd_h.at[idx_d[p]], erv[p], gsem[p])
            pltpu.async_copy(feat_h.at[idx_s[p]], msg[p], gsem[p])

        def wait_gather(p):
            pltpu.make_async_copy(eld_h.at[idx_s[p]], elv[p], gsem[p]).wait()
            pltpu.make_async_copy(erd_h.at[idx_d[p]], erv[p], gsem[p]).wait()
            pltpu.make_async_copy(feat_h.at[idx_s[p]], msg[p], gsem[p]).wait()

        def compute_scatter(p):
            def edge(r, _):
                v = elv[p][r, :] + erv[p][r, :]
                v = jnp.where(v >= 0, v, v * 0.2)
                v = jnp.exp(v)
                eev[p][r, :] = v
                for h in range(H):
                    sc = jnp.take_along_axis(
                        v, jnp.full((16,), h, jnp.int32), axis=0,
                        mode="promise_in_bounds")
                    seg = msg[p][r, pl.ds(h * FH, FH)]
                    msg[p][r, pl.ds(h * FH, FH)] = seg * sc
                return 0
            lax.fori_loop(0, CH, edge, 0)
            pltpu.sync_copy(eev[p], dacc.at[idx_d[p]], add=True)
            pltpu.sync_copy(msg[p], macc.at[idx_d[p]], add=True)

        issue_idx(0, 0)
        issue_idx(1, 1)
        wait_idx(0)
        issue_gather(0)

        def two_chunks(j2, _):
            for b in range(2):
                j = j2 * 2 + b
                p = b
                wait_idx(1 - p)
                issue_gather(1 - p)
                wait_gather(p)
                compute_scatter(p)

                @pl.when(j + 2 < NCHUNK)
                def _():
                    issue_idx(j + 2, p)
            return 0
        lax.fori_loop(0, (NCHUNK - 1) // 2, two_chunks, 0)
        wait_gather(0)
        compute_scatter(0)

        plsc.subcore_barrier()
        pltpu.sync_copy(dacc.at[pl.ds(row0, RPT)],
                        den_h.at[c, pl.ds(row0, RPT)])
        for t in range(RPT // CH):
            r0 = row0 + t * CH
            pltpu.sync_copy(macc.at[pl.ds(r0, CH)],
                            msg_h.at[c, pl.ds(r0, CH)])

    return kfn(src, dst, eld, erd, feat)


def kernel(x, edge_index, W0, b0, attn_l0, attn_r0, W1, b1, attn_l1, attn_r1):
    src = edge_index[0].astype(jnp.int32)
    dst = edge_index[1].astype(jnp.int32)
    ALd0 = _attn_mat(attn_l0)
    ARd0 = _attn_mat(attn_r0)
    ALd1 = _attn_mat(attn_l1)
    ARd1 = _attn_mat(attn_r1)
    Eexp = _expand_mat()

    f0, el0, er0 = _tc_prep(x, W0.T, ALd0, ARd0)
    dp0, mp0 = _edge_pass(src, dst, el0, er0, f0)
    f1, el1, er1 = _tc_mid(dp0, mp0, b0.reshape(1, D), Eexp, W1.T, ALd1, ARd1)
    dp1, mp1 = _edge_pass(src, dst, el1, er1, f1)
    out = _tc_final(dp1, mp1, b1.reshape(1, D), Eexp)
    return out.reshape(N, H, FH)

# --- scband reference (transcript-rebuilt; emitter-appended) ---
"""Pipeline reference for scband-unsupervised-gat-27771258536066 (READ-ONLY COPY).

The authoritative reference and input builder live on the scoring server;
editing this copy changes nothing except your own understanding.
"""

import jax, jax.numpy as jnp
import numpy as np

N_NODES = 10000
N_EDGES = 320000
D_IN = 128
D_HID = 128
N_HEADS = 8
D_HEAD = D_HID // N_HEADS  # 16


def setup_inputs(seed: int = 0) -> dict:
    key = jax.random.key(seed)
    ks = jax.random.split(key, 12)
    x = jax.random.normal(ks[0], (N_NODES, D_IN), dtype=jnp.float32)
    edge_index = jax.random.randint(ks[1], (2, N_EDGES), 0, N_NODES, dtype=jnp.int64)
    s0 = 1.0 / np.sqrt(D_IN)
    s1 = 1.0 / np.sqrt(D_HID)
    W0 = jax.random.normal(ks[2], (D_HID, D_IN), dtype=jnp.float32) * s0
    b0 = jnp.zeros((D_HID,), dtype=jnp.float32)
    attn_l0 = jax.random.normal(ks[3], (N_HEADS, D_HEAD), dtype=jnp.float32) * 0.1
    attn_r0 = jax.random.normal(ks[4], (N_HEADS, D_HEAD), dtype=jnp.float32) * 0.1
    W1 = jax.random.normal(ks[5], (D_HID, D_HID), dtype=jnp.float32) * s1
    b1 = jnp.zeros((D_HID,), dtype=jnp.float32)
    attn_l1 = jax.random.normal(ks[6], (N_HEADS, D_HEAD), dtype=jnp.float32) * 0.1
    attn_r1 = jax.random.normal(ks[7], (N_HEADS, D_HEAD), dtype=jnp.float32) * 0.1
    return {"x": x, "edge_index": edge_index,
            "W0": W0, "b0": b0, "attn_l0": attn_l0, "attn_r0": attn_r0,
            "W1": W1, "b1": b1, "attn_l1": attn_l1, "attn_r1": attn_r1}


def _gat_layer(h, src, dst, W, b, attn_l, attn_r, apply_activation):
    # DGL GATConv semantics: fc -> per-head attention -> edge softmax -> aggregate
    N = h.shape[0]
    H, Fh = attn_l.shape
    feat = (h @ W.T).reshape(N, H, Fh)                    # (N, H, Fh)
    el = jnp.sum(feat * attn_l[None, :, :], axis=-1)      # (N, H)
    er = jnp.sum(feat * attn_r[None, :, :], axis=-1)      # (N, H)
    e = el[src] + er[dst]                                 # (E, H)
    e = jax.nn.leaky_relu(e, 0.2)
    # edge softmax over incoming edges of each dst node
    emax = jax.ops.segment_max(e, dst, num_segments=N)    # (N, H), -inf for isolated
    e_exp = jnp.exp(e - emax[dst])
    denom = jax.ops.segment_sum(e_exp, dst, num_segments=N)
    alpha = e_exp / (denom[dst] + 1e-9)                   # (E, H)
    msg = feat[src] * alpha[:, :, None]                   # (E, H, Fh)
    rst = jax.ops.segment_sum(msg, dst, num_segments=N)   # (N, H, Fh)
    rst = rst + b.reshape(1, H, Fh)
    if apply_activation:
        rst = jax.nn.leaky_relu(rst, 0.01)                # F.leaky_relu default slope
    return rst


def reference(x, edge_index, W0, b0, attn_l0, attn_r0, W1, b1, attn_l1, attn_r1):
    src = edge_index[0]
    dst = edge_index[1]
    h = _gat_layer(x, src, dst, W0, b0, attn_l0, attn_r0, True)   # (N, H, Fh)
    h = h.reshape(h.shape[0], -1)                                  # flatten(1)
    out = _gat_layer(h, src, dst, W1, b1, attn_l1, attn_r1, False) # (N, H, Fh)
    return out

if __name__ == "__main__":
    import jax
    _d = setup_inputs()
    print(jax.jit(kernel)(*tuple(_d.values())))

</pallas_src>

<mosaic_0001>
#map = affine_map<(d0, d1) -> (0)>
#map1 = affine_map<(d0, d1) -> (0, 0)>
#map2 = affine_map<(d0, d1) -> (0, 0, 0)>
module attributes {stable_mosaic.version = 14 : i64} {
  func.func @kfn(%arg0: i32, %arg1: i32, %arg2: memref<320000xi32, #tpu.memory_space<hbm>>, %arg3: memref<320000xi32, #tpu.memory_space<hbm>>, %arg4: memref<10000x16xf32, #tpu.memory_space<hbm>>, %arg5: memref<10000x16xf32, #tpu.memory_space<hbm>>, %arg6: memref<10000x128xf32, #tpu.memory_space<hbm>>, %arg7: memref<2x10240x16xf32, #tpu.memory_space<hbm>>, %arg8: memref<2x10240x128xf32, #tpu.memory_space<hbm>>, %arg9: memref<80xi32, #tpu.memory_space<vmem>>, %arg10: memref<80xi32, #tpu.memory_space<vmem>>, %arg11: memref<80xi32, #tpu.memory_space<vmem>>, %arg12: memref<80xi32, #tpu.memory_space<vmem>>, %arg13: memref<80x16xf32, #tpu.memory_space<vmem>>, %arg14: memref<80x16xf32, #tpu.memory_space<vmem>>, %arg15: memref<80x16xf32, #tpu.memory_space<vmem>>, %arg16: memref<80x16xf32, #tpu.memory_space<vmem>>, %arg17: memref<80x16xf32, #tpu.memory_space<vmem>>, %arg18: memref<80x16xf32, #tpu.memory_space<vmem>>, %arg19: memref<80x128xf32, #tpu.memory_space<vmem>>, %arg20: memref<80x128xf32, #tpu.memory_space<vmem>>, %arg21: memref<!tpu.dma_semaphore, #tpu.memory_space<semaphore_mem>>, %arg22: memref<!tpu.dma_semaphore, #tpu.memory_space<semaphore_mem>>, %arg23: memref<!tpu.dma_semaphore, #tpu.memory_space<semaphore_mem>>, %arg24: memref<!tpu.dma_semaphore, #tpu.memory_space<semaphore_mem>>, %arg25: memref<10240x16xf32, #tpu.memory_space<vmem_shared>>, %arg26: memref<10240x128xf32, #tpu.memory_space<vmem_shared>>) attributes {dimension_semantics = [#tpu.dimension_semantics<core_parallel>, #tpu.dimension_semantics<subcore_parallel>], iteration_bounds = array<i64: 2, 16>, scalar_prefetch = 0 : i64, scratch_operands = 18 : i64, tpu.core_type = #tpu.core_type<sc_vector_subcore>, window_params = [{transform_indices = #map}, {transform_indices = #map}, {transform_indices = #map1}, {transform_indices = #map1}, {transform_indices = #map1}, {transform_indices = #map2}, {transform_indices = #map2}]} {
    %mul3A = arith.constant 2 : i32
    %mul3A_0 = arith.muli %arg1, %mul3A : i32
    %add3A = arith.addi %mul3A_0, %arg0 : i32
    %mul3A_1 = arith.constant 640 : i32
    %mul3A_2 = arith.muli %arg1, %mul3A_1 : i32
    %mul3A_3 = arith.constant 10000 : i32
    %mul3A_4 = arith.muli %add3A, %mul3A_3 : i32
    %scan3A = arith.constant 0 : i32
    %scan3A_5 = arith.constant 0 : i32
    %scan3A_6 = arith.constant 80 : i32
    %scan3A_7 = arith.addi %scan3A_5, %scan3A_6 : i32
    %scan3A_8 = arith.constant 1 : i32
    %scan3A_9 = scf.for %scan3A_110 = %scan3A_5 to %scan3A_7 step %scan3A_8 iter_args(%scan3A_111 = %scan3A) -> (i32)  : i32 {
      %broadcast_in_dim3A = arith.constant 0.000000e+00 : f32
      %broadcast_in_dim3A_112 = vector.broadcast %broadcast_in_dim3A : f32 to vector<16xf32>
      %swap3A = arith.index_cast %scan3A_110 : i32 to index
      %swap3A_113 = arith.constant 0 : index
      %swap3A_114 = tpu.vector_load %arg17[%swap3A, %swap3A_113] {strides = array<i32>} : memref<80x16xf32, #tpu.memory_space<vmem>>, vector<16xf32>,
      tpu.vector_store %arg17[%swap3A, %swap3A_113], %broadcast_in_dim3A_112 {strides = array<i32>} : memref<80x16xf32, #tpu.memory_space<vmem>>, vector<16xf32>,
      %broadcast_in_dim3A_115 = arith.constant 0.000000e+00 : f32
      %broadcast_in_dim3A_116 = vector.broadcast %broadcast_in_dim3A_115 : f32 to vector<16xf32>
      %swap3A_117 = arith.index_cast %scan3A_110 : i32 to index
      %swap3A_118 = arith.constant 0 : index
      %swap3A_119 = tpu.vector_load %arg19[%swap3A_117, %swap3A_118] {strides = array<i32>} : memref<80x128xf32, #tpu.memory_space<vmem>>, vector<16xf32>,
      tpu.vector_store %arg19[%swap3A_117, %swap3A_118], %broadcast_in_dim3A_116 {strides = array<i32>} : memref<80x128xf32, #tpu.memory_space<vmem>>, vector<16xf32>,
      %broadcast_in_dim3A_120 = arith.constant 0.000000e+00 : f32
      %broadcast_in_dim3A_121 = vector.broadcast %broadcast_in_dim3A_120 : f32 to vector<16xf32>
      %swap3A_122 = arith.index_cast %scan3A_110 : i32 to index
      %swap3A_123 = arith.constant 16 : index
      %swap3A_124 = tpu.vector_load %arg19[%swap3A_122, %swap3A_123] {strides = array<i32>} : memref<80x128xf32, #tpu.memory_space<vmem>>, vector<16xf32>,
      tpu.vector_store %arg19[%swap3A_122, %swap3A_123], %broadcast_in_dim3A_121 {strides = array<i32>} : memref<80x128xf32, #tpu.memory_space<vmem>>, vector<16xf32>,
      %broadcast_in_dim3A_125 = arith.constant 0.000000e+00 : f32
      %broadcast_in_dim3A_126 = vector.broadcast %broadcast_in_dim3A_125 : f32 to vector<16xf32>
      %swap3A_127 = arith.index_cast %scan3A_110 : i32 to index
      %swap3A_128 = arith.constant 32 : index
      %swap3A_129 = tpu.vector_load %arg19[%swap3A_127, %swap3A_128] {strides = array<i32>} : memref<80x128xf32, #tpu.memory_space<vmem>>, vector<16xf32>,
      tpu.vector_store %arg19[%swap3A_127, %swap3A_128], %broadcast_in_dim3A_126 {strides = array<i32>} : memref<80x128xf32, #tpu.memory_space<vmem>>, vector<16xf32>,
      %broadcast_in_dim3A_130 = arith.constant 0.000000e+00 : f32
      %broadcast_in_dim3A_131 = vector.broadcast %broadcast_in_dim3A_130 : f32 to vector<16xf32>
      %swap3A_132 = arith.index_cast %scan3A_110 : i32 to index
      %swap3A_133 = arith.constant 48 : index
      %swap3A_134 = tpu.vector_load %arg19[%swap3A_132, %swap3A_133] {strides = array<i32>} : memref<80x128xf32, #tpu.memory_space<vmem>>, vector<16xf32>,
      tpu.vector_store %arg19[%swap3A_132, %swap3A_133], %broadcast_in_dim3A_131 {strides = array<i32>} : memref<80x128xf32, #tpu.memory_space<vmem>>, vector<16xf32>,
      %broadcast_in_dim3A_135 = arith.constant 0.000000e+00 : f32
      %broadcast_in_dim3A_136 = vector.broadcast %broadcast_in_dim3A_135 : f32 to vector<16xf32>
      %swap3A_137 = arith.index_cast %scan3A_110 : i32 to index
      %swap3A_138 = arith.constant 64 : index
      %swap3A_139 = tpu.vector_load %arg19[%swap3A_137, %swap3A_138] {strides = array<i32>} : memref<80x128xf32, #tpu.memory_space<vmem>>, vector<16xf32>,
      tpu.vector_store %arg19[%swap3A_137, %swap3A_138], %broadcast_in_dim3A_136 {strides = array<i32>} : memref<80x128xf32, #tpu.memory_space<vmem>>, vector<16xf32>,
      %broadcast_in_dim3A_140 = arith.constant 0.000000e+00 : f32
      %broadcast_in_dim3A_141 = vector.broadcast %broadcast_in_dim3A_140 : f32 to vector<16xf32>
      %swap3A_142 = arith.index_cast %scan3A_110 : i32 to index
      %swap3A_143 = arith.constant 80 : index
      %swap3A_144 = tpu.vector_load %arg19[%swap3A_142, %swap3A_143] {strides = array<i32>} : memref<80x128xf32, #tpu.memory_space<vmem>>, vector<16xf32>,
      tpu.vector_store %arg19[%swap3A_142, %swap3A_143], %broadcast_in_dim3A_141 {strides = array<i32>} : memref<80x128xf32, #tpu.memory_space<vmem>>, vector<16xf32>,
      %broadcast_in_dim3A_145 = arith.constant 0.000000e+00 : f32
      %broadcast_in_dim3A_146 = vector.broadcast %broadcast_in_dim3A_145 : f32 to vector<16xf32>
      %swap3A_147 = arith.index_cast %scan3A_110 : i32 to index
      %swap3A_148 = arith.constant 96 : index
      %swap3A_149 = tpu.vector_load %arg19[%swap3A_147, %swap3A_148] {strides = array<i32>} : memref<80x128xf32, #tpu.memory_space<vmem>>, vector<16xf32>,
      tpu.vector_store %arg19[%swap3A_147, %swap3A_148], %broadcast_in_dim3A_146 {strides = array<i32>} : memref<80x128xf32, #tpu.memory_space<vmem>>, vector<16xf32>,
      %broadcast_in_dim3A_150 = arith.constant 0.000000e+00 : f32
      %broadcast_in_dim3A_151 = vector.broadcast %broadcast_in_dim3A_150 : f32 to vector<16xf32>
      %swap3A_152 = arith.index_cast %scan3A_110 : i32 to index
      %swap3A_153 = arith.constant 112 : index
      %swap3A_154 = tpu.vector_load %arg19[%swap3A_152, %swap3A_153] {strides = array<i32>} : memref<80x128xf32, #tpu.memory_space<vmem>>, vector<16xf32>,
      tpu.vector_store %arg19[%swap3A_152, %swap3A_153], %broadcast_in_dim3A_151 {strides = array<i32>} : memref<80x128xf32, #tpu.memory_space<vmem>>, vector<16xf32>,
      %scan3A_155 = arith.constant 0 : i32
      scf.yield %scan3A_155 : i32
    }
    %scan3A_10 = arith.constant 80 : i32
    %add3A_11 = arith.constant 0 : i32
    %add3A_12 = arith.addi %mul3A_2, %add3A_11 : i32
    "tpu.region"() ({
      %run_scoped3A = tpu.sem_alloc : memref<!tpu.dma_semaphore, #tpu.memory_space<semaphore_mem>>
      %dma_start3A_110 = arith.constant 0 : i32
      %dma_start3A_111 = tpu.memref_slice %arg25[%add3A_12, %dma_start3A_110] : memref<10240x16xf32, #tpu.memory_space<vmem_shared>> -> memref<80x16xf32, #tpu.memory_space<vmem_shared>>
      %dma_start3A_112 = arith.constant 0 : i32
      %dma_start3A_113 = tpu.memref_slice %arg25[%add3A_12, %dma_start3A_112] : memref<10240x16xf32, #tpu.memory_space<vmem_shared>> -> memref<80x16xf32, #tpu.memory_space<vmem_shared>>
      tpu.enqueue_dma source(%arg17 : memref<80x16xf32, #tpu.memory_space<vmem>>) target(%dma_start3A_113 : memref<80x16xf32, #tpu.memory_space<vmem_shared>>) target_semaphore(%run_scoped3A : memref<!tpu.dma_semaphore, #tpu.memory_space<semaphore_mem>>)
      %dma_wait3A_114 = arith.constant 0 : i32
      %dma_wait3A_115 = tpu.memref_slice %arg25[%add3A_12, %dma_wait3A_114] : memref<10240x16xf32, #tpu.memory_space<vmem_shared>> -> memref<80x16xf32, #tpu.memory_space<vmem_shared>>
      %dma_wait3A_116 = arith.constant 0 : i32
      %dma_wait3A_117 = tpu.memref_slice %arg25[%add3A_12, %dma_wait3A_116] : memref<10240x16xf32, #tpu.memory_space<vmem_shared>> -> memref<80x16xf32, #tpu.memory_space<vmem_shared>>
      tpu.wait_dma2 semaphore(%run_scoped3A : memref<!tpu.dma_semaphore, #tpu.memory_space<semaphore_mem>>) src(%arg17 : memref<80x16xf32, #tpu.memory_space<vmem>>) dst(%dma_wait3A_117 : memref<80x16xf32, #tpu.memory_space<vmem_shared>>)
      tpu.yield
    }) : () -> ()
    %add3A_13 = arith.constant 0 : i32
    %add3A_14 = arith.addi %mul3A_2, %add3A_13 : i32
    "tpu.region"() ({
      %run_scoped3A = tpu.sem_alloc : memref<!tpu.dma_semaphore, #tpu.memory_space<semaphore_mem>>
      %dma_start3A_110 = arith.constant 0 : i32
      %dma_start3A_111 = tpu.memref_slice %arg26[%add3A_14, %dma_start3A_110] : memref<10240x128xf32, #tpu.memory_space<vmem_shared>> -> memref<80x128xf32, #tpu.memory_space<vmem_shared>>
      %dma_start3A_112 = arith.constant 0 : i32
      %dma_start3A_113 = tpu.memref_slice %arg26[%add3A_14, %dma_start3A_112] : memref<10240x128xf32, #tpu.memory_space<vmem_shared>> -> memref<80x128xf32, #tpu.memory_space<vmem_shared>>
      tpu.enqueue_dma source(%arg19 : memref<80x128xf32, #tpu.memory_space<vmem>>) target(%dma_start3A_113 : memref<80x128xf32, #tpu.memory_space<vmem_shared>>) target_semaphore(%run_scoped3A : memref<!tpu.dma_semaphore, #tpu.memory_space<semaphore_mem>>)
      %dma_wait3A_114 = arith.constant 0 : i32
      %dma_wait3A_115 = tpu.memref_slice %arg26[%add3A_14, %dma_wait3A_114] : memref<10240x128xf32, #tpu.memory_space<vmem_shared>> -> memref<80x128xf32, #tpu.memory_space<vmem_shared>>
      %dma_wait3A_116 = arith.constant 0 : i32
      %dma_wait3A_117 = tpu.memref_slice %arg26[%add3A_14, %dma_wait3A_116] : memref<10240x128xf32, #tpu.memory_space<vmem_shared>> -> memref<80x128xf32, #tpu.memory_space<vmem_shared>>
      tpu.wait_dma2 semaphore(%run_scoped3A : memref<!tpu.dma_semaphore, #tpu.memory_space<semaphore_mem>>) src(%arg19 : memref<80x128xf32, #tpu.memory_space<vmem>>) dst(%dma_wait3A_117 : memref<80x128xf32, #tpu.memory_space<vmem_shared>>)
      tpu.yield
    }) : () -> ()
    %add3A_15 = arith.constant 80 : i32
    %add3A_16 = arith.addi %mul3A_2, %add3A_15 : i32
    "tpu.region"() ({
      %run_scoped3A = tpu.sem_alloc : memref<!tpu.dma_semaphore, #tpu.memory_space<semaphore_mem>>
      %dma_start3A_110 = arith.constant 0 : i32
      %dma_start3A_111 = tpu.memref_slice %arg25[%add3A_16, %dma_start3A_110] : memref<10240x16xf32, #tpu.memory_space<vmem_shared>> -> memref<80x16xf32, #tpu.memory_space<vmem_shared>>
      %dma_start3A_112 = arith.constant 0 : i32
      %dma_start3A_113 = tpu.memref_slice %arg25[%add3A_16, %dma_start3A_112] : memref<10240x16xf32, #tpu.memory_space<vmem_shared>> -> memref<80x16xf32, #tpu.memory_space<vmem_shared>>
      tpu.enqueue_dma source(%arg17 : memref<80x16xf32, #tpu.memory_space<vmem>>) target(%dma_start3A_113 : memref<80x16xf32, #tpu.memory_space<vmem_shared>>) target_semaphore(%run_scoped3A : memref<!tpu.dma_semaphore, #tpu.memory_space<semaphore_mem>>)
      %dma_wait3A_114 = arith.constant 0 : i32
      %dma_wait3A_115 = tpu.memref_slice %arg25[%add3A_16, %dma_wait3A_114] : memref<10240x16xf32, #tpu.memory_space<vmem_shared>> -> memref<80x16xf32, #tpu.memory_space<vmem_shared>>
      %dma_wait3A_116 = arith.constant 0 : i32
      %dma_wait3A_117 = tpu.memref_slice %arg25[%add3A_16, %dma_wait3A_116] : memref<10240x16xf32, #tpu.memory_space<vmem_shared>> -> memref<80x16xf32, #tpu.memory_space<vmem_shared>>
      tpu.wait_dma2 semaphore(%run_scoped3A : memref<!tpu.dma_semaphore, #tpu.memory_space<semaphore_mem>>) src(%arg17 : memref<80x16xf32, #tpu.memory_space<vmem>>) dst(%dma_wait3A_117 : memref<80x16xf32, #tpu.memory_space<vmem_shared>>)
      tpu.yield
    }) : () -> ()
    %add3A_17 = arith.constant 80 : i32
    %add3A_18 = arith.addi %mul3A_2, %add3A_17 : i32
    "tpu.region"() ({
      %run_scoped3A = tpu.sem_alloc : memref<!tpu.dma_semaphore, #tpu.memory_space<semaphore_mem>>
      %dma_start3A_110 = arith.constant 0 : i32
      %dma_start3A_111 = tpu.memref_slice %arg26[%add3A_18, %dma_start3A_110] : memref<10240x128xf32, #tpu.memory_space<vmem_shared>> -> memref<80x128xf32, #tpu.memory_space<vmem_shared>>
      %dma_start3A_112 = arith.constant 0 : i32
      %dma_start3A_113 = tpu.memref_slice %arg26[%add3A_18, %dma_start3A_112] : memref<10240x128xf32, #tpu.memory_space<vmem_shared>> -> memref<80x128xf32, #tpu.memory_space<vmem_shared>>
      tpu.enqueue_dma source(%arg19 : memref<80x128xf32, #tpu.memory_space<vmem>>) target(%dma_start3A_113 : memref<80x128xf32, #tpu.memory_space<vmem_shared>>) target_semaphore(%run_scoped3A : memref<!tpu.dma_semaphore, #tpu.memory_space<semaphore_mem>>)
      %dma_wait3A_114 = arith.constant 0 : i32
      %dma_wait3A_115 = tpu.memref_slice %arg26[%add3A_18, %dma_wait3A_114] : memref<10240x128xf32, #tpu.memory_space<vmem_shared>> -> memref<80x128xf32, #tpu.memory_space<vmem_shared>>
      %dma_wait3A_116 = arith.constant 0 : i32
      %dma_wait3A_117 = tpu.memref_slice %arg26[%add3A_18, %dma_wait3A_116] : memref<10240x128xf32, #tpu.memory_space<vmem_shared>> -> memref<80x128xf32, #tpu.memory_space<vmem_shared>>
      tpu.wait_dma2 semaphore(%run_scoped3A : memref<!tpu.dma_semaphore, #tpu.memory_space<semaphore_mem>>) src(%arg19 : memref<80x128xf32, #tpu.memory_space<vmem>>) dst(%dma_wait3A_117 : memref<80x128xf32, #tpu.memory_space<vmem_shared>>)
      tpu.yield
    }) : () -> ()
    %add3A_19 = arith.constant 160 : i32
    %add3A_20 = arith.addi %mul3A_2, %add3A_19 : i32
    "tpu.region"() ({
      %run_scoped3A = tpu.sem_alloc : memref<!tpu.dma_semaphore, #tpu.memory_space<semaphore_mem>>
      %dma_start3A_110 = arith.constant 0 : i32
      %dma_start3A_111 = tpu.memref_slice %arg25[%add3A_20, %dma_start3A_110] : memref<10240x16xf32, #tpu.memory_space<vmem_shared>> -> memref<80x16xf32, #tpu.memory_space<vmem_shared>>
      %dma_start3A_112 = arith.constant 0 : i32
      %dma_start3A_113 = tpu.memref_slice %arg25[%add3A_20, %dma_start3A_112] : memref<10240x16xf32, #tpu.memory_space<vmem_shared>> -> memref<80x16xf32, #tpu.memory_space<vmem_shared>>
      tpu.enqueue_dma source(%arg17 : memref<80x16xf32, #tpu.memory_space<vmem>>) target(%dma_start3A_113 : memref<80x16xf32, #tpu.memory_space<vmem_shared>>) target_semaphore(%run_scoped3A : memref<!tpu.dma_semaphore, #tpu.memory_space<semaphore_mem>>)
      %dma_wait3A_114 = arith.constant 0 : i32
      %dma_wait3A_115 = tpu.memref_slice %arg25[%add3A_20, %dma_wait3A_114] : memref<10240x16xf32, #tpu.memory_space<vmem_shared>> -> memref<80x16xf32, #tpu.memory_space<vmem_shared>>
      %dma_wait3A_116 = arith.constant 0 : i32
      %dma_wait3A_117 = tpu.memref_slice %arg25[%add3A_20, %dma_wait3A_116] : memref<10240x16xf32, #tpu.memory_space<vmem_shared>> -> memref<80x16xf32, #tpu.memory_space<vmem_shared>>
      tpu.wait_dma2 semaphore(%run_scoped3A : memref<!tpu.dma_semaphore, #tpu.memory_space<semaphore_mem>>) src(%arg17 : memref<80x16xf32, #tpu.memory_space<vmem>>) dst(%dma_wait3A_117 : memref<80x16xf32, #tpu.memory_space<vmem_shared>>)
      tpu.yield
    }) : () -> ()
    %add3A_21 = arith.constant 160 : i32
    %add3A_22 = arith.addi %mul3A_2, %add3A_21 : i32
    "tpu.region"() ({
      %run_scoped3A = tpu.sem_alloc : memref<!tpu.dma_semaphore, #tpu.memory_space<semaphore_mem>>
      %dma_start3A_110 = arith.constant 0 : i32
      %dma_start3A_111 = tpu.memref_slice %arg26[%add3A_22, %dma_start3A_110] : memref<10240x128xf32, #tpu.memory_space<vmem_shared>> -> memref<80x128xf32, #tpu.memory_space<vmem_shared>>
      %dma_start3A_112 = arith.constant 0 : i32
      %dma_start3A_113 = tpu.memref_slice %arg26[%add3A_22, %dma_start3A_112] : memref<10240x128xf32, #tpu.memory_space<vmem_shared>> -> memref<80x128xf32, #tpu.memory_space<vmem_shared>>
      tpu.enqueue_dma source(%arg19 : memref<80x128xf32, #tpu.memory_space<vmem>>) target(%dma_start3A_113 : memref<80x128xf32, #tpu.memory_space<vmem_shared>>) target_semaphore(%run_scoped3A : memref<!tpu.dma_semaphore, #tpu.memory_space<semaphore_mem>>)
      %dma_wait3A_114 = arith.constant 0 : i32
      %dma_wait3A_115 = tpu.memref_slice %arg26[%add3A_22, %dma_wait3A_114] : memref<10240x128xf32, #tpu.memory_space<vmem_shared>> -> memref<80x128xf32, #tpu.memory_space<vmem_shared>>
      %dma_wait3A_116 = arith.constant 0 : i32
      %dma_wait3A_117 = tpu.memref_slice %arg26[%add3A_22, %dma_wait3A_116] : memref<10240x128xf32, #tpu.memory_space<vmem_shared>> -> memref<80x128xf32, #tpu.memory_space<vmem_shared>>
      tpu.wait_dma2 semaphore(%run_scoped3A : memref<!tpu.dma_semaphore, #tpu.memory_space<semaphore_mem>>) src(%arg19 : memref<80x128xf32, #tpu.memory_space<vmem>>) dst(%dma_wait3A_117 : memref<80x128xf32, #tpu.memory_space<vmem_shared>>)
      tpu.yield
    }) : () -> ()
    %add3A_23 = arith.constant 240 : i32
    %add3A_24 = arith.addi %mul3A_2, %add3A_23 : i32
    "tpu.region"() ({
      %run_scoped3A = tpu.sem_alloc : memref<!tpu.dma_semaphore, #tpu.memory_space<semaphore_mem>>
      %dma_start3A_110 = arith.constant 0 : i32
      %dma_start3A_111 = tpu.memref_slice %arg25[%add3A_24, %dma_start3A_110] : memref<10240x16xf32, #tpu.memory_space<vmem_shared>> -> memref<80x16xf32, #tpu.memory_space<vmem_shared>>
      %dma_start3A_112 = arith.constant 0 : i32
      %dma_start3A_113 = tpu.memref_slice %arg25[%add3A_24, %dma_start3A_112] : memref<10240x16xf32, #tpu.memory_space<vmem_shared>> -> memref<80x16xf32, #tpu.memory_space<vmem_shared>>
      tpu.enqueue_dma source(%arg17 : memref<80x16xf32, #tpu.memory_space<vmem>>) target(%dma_start3A_113 : memref<80x16xf32, #tpu.memory_space<vmem_shared>>) target_semaphore(%run_scoped3A : memref<!tpu.dma_semaphore, #tpu.memory_space<semaphore_mem>>)
      %dma_wait3A_114 = arith.constant 0 : i32
      %dma_wait3A_115 = tpu.memref_slice %arg25[%add3A_24, %dma_wait3A_114] : memref<10240x16xf32, #tpu.memory_space<vmem_shared>> -> memref<80x16xf32, #tpu.memory_space<vmem_shared>>
      %dma_wait3A_116 = arith.constant 0 : i32
      %dma_wait3A_117 = tpu.memref_slice %arg25[%add3A_24, %dma_wait3A_116] : memref<10240x16xf32, #tpu.memory_space<vmem_shared>> -> memref<80x16xf32, #tpu.memory_space<vmem_shared>>
      tpu.wait_dma2 semaphore(%run_scoped3A : memref<!tpu.dma_semaphore, #tpu.memory_space<semaphore_mem>>) src(%arg17 : memref<80x16xf32, #tpu.memory_space<vmem>>) dst(%dma_wait3A_117 : memref<80x16xf32, #tpu.memory_space<vmem_shared>>)
      tpu.yield
    }) : () -> ()
    %add3A_25 = arith.constant 240 : i32
    %add3A_26 = arith.addi %mul3A_2, %add3A_25 : i32
    "tpu.region"() ({
      %run_scoped3A = tpu.sem_alloc : memref<!tpu.dma_semaphore, #tpu.memory_space<semaphore_mem>>
      %dma_start3A_110 = arith.constant 0 : i32
      %dma_start3A_111 = tpu.memref_slice %arg26[%add3A_26, %dma_start3A_110] : memref<10240x128xf32, #tpu.memory_space<vmem_shared>> -> memref<80x128xf32, #tpu.memory_space<vmem_shared>>
      %dma_start3A_112 = arith.constant 0 : i32
      %dma_start3A_113 = tpu.memref_slice %arg26[%add3A_26, %dma_start3A_112] : memref<10240x128xf32, #tpu.memory_space<vmem_shared>> -> memref<80x128xf32, #tpu.memory_space<vmem_shared>>
      tpu.enqueue_dma source(%arg19 : memref<80x128xf32, #tpu.memory_space<vmem>>) target(%dma_start3A_113 : memref<80x128xf32, #tpu.memory_space<vmem_shared>>) target_semaphore(%run_scoped3A : memref<!tpu.dma_semaphore, #tpu.memory_space<semaphore_mem>>)
      %dma_wait3A_114 = arith.constant 0 : i32
      %dma_wait3A_115 = tpu.memref_slice %arg26[%add3A_26, %dma_wait3A_114] : memref<10240x128xf32, #tpu.memory_space<vmem_shared>> -> memref<80x128xf32, #tpu.memory_space<vmem_shared>>
      %dma_wait3A_116 = arith.constant 0 : i32
      %dma_wait3A_117 = tpu.memref_slice %arg26[%add3A_26, %dma_wait3A_116] : memref<10240x128xf32, #tpu.memory_space<vmem_shared>> -> memref<80x128xf32, #tpu.memory_space<vmem_shared>>
      tpu.wait_dma2 semaphore(%run_scoped3A : memref<!tpu.dma_semaphore, #tpu.memory_space<semaphore_mem>>) src(%arg19 : memref<80x128xf32, #tpu.memory_space<vmem>>) dst(%dma_wait3A_117 : memref<80x128xf32, #tpu.memory_space<vmem_shared>>)
      tpu.yield
    }) : () -> ()
    %add3A_27 = arith.constant 320 : i32
    %add3A_28 = arith.addi %mul3A_2, %add3A_27 : i32
    "tpu.region"() ({
      %run_scoped3A = tpu.sem_alloc : memref<!tpu.dma_semaphore, #tpu.memory_space<semaphore_mem>>
      %dma_start3A_110 = arith.constant 0 : i32
      %dma_start3A_111 = tpu.memref_slice %arg25[%add3A_28, %dma_start3A_110] : memref<10240x16xf32, #tpu.memory_space<vmem_shared>> -> memref<80x16xf32, #tpu.memory_space<vmem_shared>>
      %dma_start3A_112 = arith.constant 0 : i32
      %dma_start3A_113 = tpu.memref_slice %arg25[%add3A_28, %dma_start3A_112] : memref<10240x16xf32, #tpu.memory_space<vmem_shared>> -> memref<80x16xf32, #tpu.memory_space<vmem_shared>>
      tpu.enqueue_dma source(%arg17 : memref<80x16xf32, #tpu.memory_space<vmem>>) target(%dma_start3A_113 : memref<80x16xf32, #tpu.memory_space<vmem_shared>>) target_semaphore(%run_scoped3A : memref<!tpu.dma_semaphore, #tpu.memory_space<semaphore_mem>>)
      %dma_wait3A_114 = arith.constant 0 : i32
      %dma_wait3A_115 = tpu.memref_slice %arg25[%add3A_28, %dma_wait3A_114] : memref<10240x16xf32, #tpu.memory_space<vmem_shared>> -> memref<80x16xf32, #tpu.memory_space<vmem_shared>>
      %dma_wait3A_116 = arith.constant 0 : i32
      %dma_wait3A_117 = tpu.memref_slice %arg25[%add3A_28, %dma_wait3A_116] : memref<10240x16xf32, #tpu.memory_space<vmem_shared>> -> memref<80x16xf32, #tpu.memory_space<vmem_shared>>
      tpu.wait_dma2 semaphore(%run_scoped3A : memref<!tpu.dma_semaphore, #tpu.memory_space<semaphore_mem>>) src(%arg17 : memref<80x16xf32, #tpu.memory_space<vmem>>) dst(%dma_wait3A_117 : memref<80x16xf32, #tpu.memory_space<vmem_shared>>)
      tpu.yield
    }) : () -> ()
    %add3A_29 = arith.constant 320 : i32
    %add3A_30 = arith.addi %mul3A_2, %add3A_29 : i32
    "tpu.region"() ({
      %run_scoped3A = tpu.sem_alloc : memref<!tpu.dma_semaphore, #tpu.memory_space<semaphore_mem>>
      %dma_start3A_110 = arith.constant 0 : i32
      %dma_start3A_111 = tpu.memref_slice %arg26[%add3A_30, %dma_start3A_110] : memref<10240x128xf32, #tpu.memory_space<vmem_shared>> -> memref<80x128xf32, #tpu.memory_space<vmem_shared>>
      %dma_start3A_112 = arith.constant 0 : i32
      %dma_start3A_113 = tpu.memref_slice %arg26[%add3A_30, %dma_start3A_112] : memref<10240x128xf32, #tpu.memory_space<vmem_shared>> -> memref<80x128xf32, #tpu.memory_space<vmem_shared>>
      tpu.enqueue_dma source(%arg19 : memref<80x128xf32, #tpu.memory_space<vmem>>) target(%dma_start3A_113 : memref<80x128xf32, #tpu.memory_space<vmem_shared>>) target_semaphore(%run_scoped3A : memref<!tpu.dma_semaphore, #tpu.memory_space<semaphore_mem>>)
      %dma_wait3A_114 = arith.constant 0 : i32
      %dma_wait3A_115 = tpu.memref_slice %arg26[%add3A_30, %dma_wait3A_114] : memref<10240x128xf32, #tpu.memory_space<vmem_shared>> -> memref<80x128xf32, #tpu.memory_space<vmem_shared>>
      %dma_wait3A_116 = arith.constant 0 : i32
      %dma_wait3A_117 = tpu.memref_slice %arg26[%add3A_30, %dma_wait3A_116] : memref<10240x128xf32, #tpu.memory_space<vmem_shared>> -> memref<80x128xf32, #tpu.memory_space<vmem_shared>>
      tpu.wait_dma2 semaphore(%run_scoped3A : memref<!tpu.dma_semaphore, #tpu.memory_space<semaphore_mem>>) src(%arg19 : memref<80x128xf32, #tpu.memory_space<vmem>>) dst(%dma_wait3A_117 : memref<80x128xf32, #tpu.memory_space<vmem_shared>>)
      tpu.yield
    }) : () -> ()
    %add3A_31 = arith.constant 400 : i32
    %add3A_32 = arith.addi %mul3A_2, %add3A_31 : i32
    "tpu.region"() ({
      %run_scoped3A = tpu.sem_alloc : memref<!tpu.dma_semaphore, #tpu.memory_space<semaphore_mem>>
      %dma_start3A_110 = arith.constant 0 : i32
      %dma_start3A_111 = tpu.memref_slice %arg25[%add3A_32, %dma_start3A_110] : memref<10240x16xf32, #tpu.memory_space<vmem_shared>> -> memref<80x16xf32, #tpu.memory_space<vmem_shared>>
      %dma_start3A_112 = arith.constant 0 : i32
      %dma_start3A_113 = tpu.memref_slice %arg25[%add3A_32, %dma_start3A_112] : memref<10240x16xf32, #tpu.memory_space<vmem_shared>> -> memref<80x16xf32, #tpu.memory_space<vmem_shared>>
      tpu.enqueue_dma source(%arg17 : memref<80x16xf32, #tpu.memory_space<vmem>>) target(%dma_start3A_113 : memref<80x16xf32, #tpu.memory_space<vmem_shared>>) target_semaphore(%run_scoped3A : memref<!tpu.dma_semaphore, #tpu.memory_space<semaphore_mem>>)
      %dma_wait3A_114 = arith.constant 0 : i32
      %dma_wait3A_115 = tpu.memref_slice %arg25[%add3A_32, %dma_wait3A_114] : memref<10240x16xf32, #tpu.memory_space<vmem_shared>> -> memref<80x16xf32, #tpu.memory_space<vmem_shared>>
      %dma_wait3A_116 = arith.constant 0 : i32
      %dma_wait3A_117 = tpu.memref_slice %arg25[%add3A_32, %dma_wait3A_116] : memref<10240x16xf32, #tpu.memory_space<vmem_shared>> -> memref<80x16xf32, #tpu.memory_space<vmem_shared>>
      tpu.wait_dma2 semaphore(%run_scoped3A : memref<!tpu.dma_semaphore, #tpu.memory_space<semaphore_mem>>) src(%arg17 : memref<80x16xf32, #tpu.memory_space<vmem>>) dst(%dma_wait3A_117 : memref<80x16xf32, #tpu.memory_space<vmem_shared>>)
      tpu.yield
    }) : () -> ()
    %add3A_33 = arith.constant 400 : i32
    %add3A_34 = arith.addi %mul3A_2, %add3A_33 : i32
    "tpu.region"() ({
      %run_scoped3A = tpu.sem_alloc : memref<!tpu.dma_semaphore, #tpu.memory_space<semaphore_mem>>
      %dma_start3A_110 = arith.constant 0 : i32
      %dma_start3A_111 = tpu.memref_slice %arg26[%add3A_34, %dma_start3A_110] : memref<10240x128xf32, #tpu.memory_space<vmem_shared>> -> memref<80x128xf32, #tpu.memory_space<vmem_shared>>
      %dma_start3A_112 = arith.constant 0 : i32
      %dma_start3A_113 = tpu.memref_slice %arg26[%add3A_34, %dma_start3A_112] : memref<10240x128xf32, #tpu.memory_space<vmem_shared>> -> memref<80x128xf32, #tpu.memory_space<vmem_shared>>
      tpu.enqueue_dma source(%arg19 : memref<80x128xf32, #tpu.memory_space<vmem>>) target(%dma_start3A_113 : memref<80x128xf32, #tpu.memory_space<vmem_shared>>) target_semaphore(%run_scoped3A : memref<!tpu.dma_semaphore, #tpu.memory_space<semaphore_mem>>)
      %dma_wait3A_114 = arith.constant 0 : i32
      %dma_wait3A_115 = tpu.memref_slice %arg26[%add3A_34, %dma_wait3A_114] : memref<10240x128xf32, #tpu.memory_space<vmem_shared>> -> memref<80x128xf32, #tpu.memory_space<vmem_shared>>
      %dma_wait3A_116 = arith.constant 0 : i32
      %dma_wait3A_117 = tpu.memref_slice %arg26[%add3A_34, %dma_wait3A_116] : memref<10240x128xf32, #tpu.memory_space<vmem_shared>> -> memref<80x128xf32, #tpu.memory_space<vmem_shared>>
      tpu.wait_dma2 semaphore(%run_scoped3A : memref<!tpu.dma_semaphore, #tpu.memory_space<semaphore_mem>>) src(%arg19 : memref<80x128xf32, #tpu.memory_space<vmem>>) dst(%dma_wait3A_117 : memref<80x128xf32, #tpu.memory_space<vmem_shared>>)
      tpu.yield
    }) : () -> ()
    %add3A_35 = arith.constant 480 : i32
    %add3A_36 = arith.addi %mul3A_2, %add3A_35 : i32
    "tpu.region"() ({
      %run_scoped3A = tpu.sem_alloc : memref<!tpu.dma_semaphore, #tpu.memory_space<semaphore_mem>>
      %dma_start3A_110 = arith.constant 0 : i32
      %dma_start3A_111 = tpu.memref_slice %arg25[%add3A_36, %dma_start3A_110] : memref<10240x16xf32, #tpu.memory_space<vmem_shared>> -> memref<80x16xf32, #tpu.memory_space<vmem_shared>>
      %dma_start3A_112 = arith.constant 0 : i32
      %dma_start3A_113 = tpu.memref_slice %arg25[%add3A_36, %dma_start3A_112] : memref<10240x16xf32, #tpu.memory_space<vmem_shared>> -> memref<80x16xf32, #tpu.memory_space<vmem_shared>>
      tpu.enqueue_dma source(%arg17 : memref<80x16xf32, #tpu.memory_space<vmem>>) target(%dma_start3A_113 : memref<80x16xf32, #tpu.memory_space<vmem_shared>>) target_semaphore(%run_scoped3A : memref<!tpu.dma_semaphore, #tpu.memory_space<semaphore_mem>>)
      %dma_wait3A_114 = arith.constant 0 : i32
      %dma_wait3A_115 = tpu.memref_slice %arg25[%add3A_36, %dma_wait3A_114] : memref<10240x16xf32, #tpu.memory_space<vmem_shared>> -> memref<80x16xf32, #tpu.memory_space<vmem_shared>>
      %dma_wait3A_116 = arith.constant 0 : i32
      %dma_wait3A_117 = tpu.memref_slice %arg25[%add3A_36, %dma_wait3A_116] : memref<10240x16xf32, #tpu.memory_space<vmem_shared>> -> memref<80x16xf32, #tpu.memory_space<vmem_shared>>
      tpu.wait_dma2 semaphore(%run_scoped3A : memref<!tpu.dma_semaphore, #tpu.memory_space<semaphore_mem>>) src(%arg17 : memref<80x16xf32, #tpu.memory_space<vmem>>) dst(%dma_wait3A_117 : memref<80x16xf32, #tpu.memory_space<vmem_shared>>)
      tpu.yield
    }) : () -> ()
    %add3A_37 = arith.constant 480 : i32
    %add3A_38 = arith.addi %mul3A_2, %add3A_37 : i32
    "tpu.region"() ({
      %run_scoped3A = tpu.sem_alloc : memref<!tpu.dma_semaphore, #tpu.memory_space<semaphore_mem>>
      %dma_start3A_110 = arith.constant 0 : i32
      %dma_start3A_111 = tpu.memref_slice %arg26[%add3A_38, %dma_start3A_110] : memref<10240x128xf32, #tpu.memory_space<vmem_shared>> -> memref<80x128xf32, #tpu.memory_space<vmem_shared>>
      %dma_start3A_112 = arith.constant 0 : i32
      %dma_start3A_113 = tpu.memref_slice %arg26[%add3A_38, %dma_start3A_112] : memref<10240x128xf32, #tpu.memory_space<vmem_shared>> -> memref<80x128xf32, #tpu.memory_space<vmem_shared>>
      tpu.enqueue_dma source(%arg19 : memref<80x128xf32, #tpu.memory_space<vmem>>) target(%dma_start3A_113 : memref<80x128xf32, #tpu.memory_space<vmem_shared>>) target_semaphore(%run_scoped3A : memref<!tpu.dma_semaphore, #tpu.memory_space<semaphore_mem>>)
      %dma_wait3A_114 = arith.constant 0 : i32
      %dma_wait3A_115 = tpu.memref_slice %arg26[%add3A_38, %dma_wait3A_114] : memref<10240x128xf32, #tpu.memory_space<vmem_shared>> -> memref<80x128xf32, #tpu.memory_space<vmem_shared>>
      %dma_wait3A_116 = arith.constant 0 : i32
      %dma_wait3A_117 = tpu.memref_slice %arg26[%add3A_38, %dma_wait3A_116] : memref<10240x128xf32, #tpu.memory_space<vmem_shared>> -> memref<80x128xf32, #tpu.memory_space<vmem_shared>>
      tpu.wait_dma2 semaphore(%run_scoped3A : memref<!tpu.dma_semaphore, #tpu.memory_space<semaphore_mem>>) src(%arg19 : memref<80x128xf32, #tpu.memory_space<vmem>>) dst(%dma_wait3A_117 : memref<80x128xf32, #tpu.memory_space<vmem_shared>>)
      tpu.yield
    }) : () -> ()
    %add3A_39 = arith.constant 560 : i32
    %add3A_40 = arith.addi %mul3A_2, %add3A_39 : i32
    "tpu.region"() ({
      %run_scoped3A = tpu.sem_alloc : memref<!tpu.dma_semaphore, #tpu.memory_space<semaphore_mem>>
      %dma_start3A_110 = arith.constant 0 : i32
      %dma_start3A_111 = tpu.memref_slice %arg25[%add3A_40, %dma_start3A_110] : memref<10240x16xf32, #tpu.memory_space<vmem_shared>> -> memref<80x16xf32, #tpu.memory_space<vmem_shared>>
      %dma_start3A_112 = arith.constant 0 : i32
      %dma_start3A_113 = tpu.memref_slice %arg25[%add3A_40, %dma_start3A_112] : memref<10240x16xf32, #tpu.memory_space<vmem_shared>> -> memref<80x16xf32, #tpu.memory_space<vmem_shared>>
      tpu.enqueue_dma source(%arg17 : memref<80x16xf32, #tpu.memory_space<vmem>>) target(%dma_start3A_113 : memref<80x16xf32, #tpu.memory_space<vmem_shared>>) target_semaphore(%run_scoped3A : memref<!tpu.dma_semaphore, #tpu.memory_space<semaphore_mem>>)
      %dma_wait3A_114 = arith.constant 0 : i32
      %dma_wait3A_115 = tpu.memref_slice %arg25[%add3A_40, %dma_wait3A_114] : memref<10240x16xf32, #tpu.memory_space<vmem_shared>> -> memref<80x16xf32, #tpu.memory_space<vmem_shared>>
      %dma_wait3A_116 = arith.constant 0 : i32
      %dma_wait3A_117 = tpu.memref_slice %arg25[%add3A_40, %dma_wait3A_116] : memref<10240x16xf32, #tpu.memory_space<vmem_shared>> -> memref<80x16xf32, #tpu.memory_space<vmem_shared>>
      tpu.wait_dma2 semaphore(%run_scoped3A : memref<!tpu.dma_semaphore, #tpu.memory_space<semaphore_mem>>) src(%arg17 : memref<80x16xf32, #tpu.memory_space<vmem>>) dst(%dma_wait3A_117 : memref<80x16xf32, #tpu.memory_space<vmem_shared>>)
      tpu.yield
    }) : () -> ()
    %add3A_41 = arith.constant 560 : i32
    %add3A_42 = arith.addi %mul3A_2, %add3A_41 : i32
    "tpu.region"() ({
      %run_scoped3A = tpu.sem_alloc : memref<!tpu.dma_semaphore, #tpu.memory_space<semaphore_mem>>
      %dma_start3A_110 = arith.constant 0 : i32
      %dma_start3A_111 = tpu.memref_slice %arg26[%add3A_42, %dma_start3A_110] : memref<10240x128xf32, #tpu.memory_space<vmem_shared>> -> memref<80x128xf32, #tpu.memory_space<vmem_shared>>
      %dma_start3A_112 = arith.constant 0 : i32
      %dma_start3A_113 = tpu.memref_slice %arg26[%add3A_42, %dma_start3A_112] : memref<10240x128xf32, #tpu.memory_space<vmem_shared>> -> memref<80x128xf32, #tpu.memory_space<vmem_shared>>
      tpu.enqueue_dma source(%arg19 : memref<80x128xf32, #tpu.memory_space<vmem>>) target(%dma_start3A_113 : memref<80x128xf32, #tpu.memory_space<vmem_shared>>) target_semaphore(%run_scoped3A : memref<!tpu.dma_semaphore, #tpu.memory_space<semaphore_mem>>)
      %dma_wait3A_114 = arith.constant 0 : i32
      %dma_wait3A_115 = tpu.memref_slice %arg26[%add3A_42, %dma_wait3A_114] : memref<10240x128xf32, #tpu.memory_space<vmem_shared>> -> memref<80x128xf32, #tpu.memory_space<vmem_shared>>
      %dma_wait3A_116 = arith.constant 0 : i32
      %dma_wait3A_117 = tpu.memref_slice %arg26[%add3A_42, %dma_wait3A_116] : memref<10240x128xf32, #tpu.memory_space<vmem_shared>> -> memref<80x128xf32, #tpu.memory_space<vmem_shared>>
      tpu.wait_dma2 semaphore(%run_scoped3A : memref<!tpu.dma_semaphore, #tpu.memory_space<semaphore_mem>>) src(%arg19 : memref<80x128xf32, #tpu.memory_space<vmem>>) dst(%dma_wait3A_117 : memref<80x128xf32, #tpu.memory_space<vmem_shared>>)
      tpu.yield
    }) : () -> ()
    %barrier3A = arith.constant 0 : index
    tpu.barrier barrier_id(%barrier3A)
    %add3A_43 = arith.constant 0 : i32
    %add3A_44 = arith.addi %mul3A_4, %add3A_43 : i32
    %dma_start3A = tpu.memref_slice %arg2[%add3A_44] : memref<320000xi32, #tpu.memory_space<hbm>> -> memref<80xi32, #tpu.memory_space<hbm>>
    %dma_start3A_45 = tpu.memref_slice %arg2[%add3A_44] : memref<320000xi32, #tpu.memory_space<hbm>> -> memref<80xi32, #tpu.memory_space<hbm>>
    tpu.enqueue_dma source(%dma_start3A_45 : memref<80xi32, #tpu.memory_space<hbm>>) target(%arg9 : memref<80xi32, #tpu.memory_space<vmem>>) target_semaphore(%arg21 : memref<!tpu.dma_semaphore, #tpu.memory_space<semaphore_mem>>)
    %dma_start3A_46 = tpu.memref_slice %arg3[%add3A_44] : memref<320000xi32, #tpu.memory_space<hbm>> -> memref<80xi32, #tpu.memory_space<hbm>>
    %dma_start3A_47 = tpu.memref_slice %arg3[%add3A_44] : memref<320000xi32, #tpu.memory_space<hbm>> -> memref<80xi32, #tpu.memory_space<hbm>>
    tpu.enqueue_dma source(%dma_start3A_47 : memref<80xi32, #tpu.memory_space<hbm>>) target(%arg11 : memref<80xi32, #tpu.memory_space<vmem>>) target_semaphore(%arg21 : memref<!tpu.dma_semaphore, #tpu.memory_space<semaphore_mem>>)
    %add3A_48 = arith.constant 80 : i32
    %add3A_49 = arith.addi %mul3A_4, %add3A_48 : i32
    %dma_start3A_50 = tpu.memref_slice %arg2[%add3A_49] : memref<320000xi32, #tpu.memory_space<hbm>> -> memref<80xi32, #tpu.memory_space<hbm>>
    %dma_start3A_51 = tpu.memref_slice %arg2[%add3A_49] : memref<320000xi32, #tpu.memory_space<hbm>> -> memref<80xi32, #tpu.memory_space<hbm>>
    tpu.enqueue_dma source(%dma_start3A_51 : memref<80xi32, #tpu.memory_space<hbm>>) target(%arg10 : memref<80xi32, #tpu.memory_space<vmem>>) target_semaphore(%arg22 : memref<!tpu.dma_semaphore, #tpu.memory_space<semaphore_mem>>)
    %dma_start3A_52 = tpu.memref_slice %arg3[%add3A_49] : memref<320000xi32, #tpu.memory_space<hbm>> -> memref<80xi32, #tpu.memory_space<hbm>>
    %dma_start3A_53 = tpu.memref_slice %arg3[%add3A_49] : memref<320000xi32, #tpu.memory_space<hbm>> -> memref<80xi32, #tpu.memory_space<hbm>>
    tpu.enqueue_dma source(%dma_start3A_53 : memref<80xi32, #tpu.memory_space<hbm>>) target(%arg12 : memref<80xi32, #tpu.memory_space<vmem>>) target_semaphore(%arg22 : memref<!tpu.dma_semaphore, #tpu.memory_space<semaphore_mem>>)
    %dma_wait3A = arith.constant 0 : i32
    %dma_wait3A_54 = tpu.memref_slice %arg2[%dma_wait3A] : memref<320000xi32, #tpu.memory_space<hbm>> -> memref<80xi32, #tpu.memory_space<hbm>>
    %dma_wait3A_55 = arith.constant 0 : i32
    %dma_wait3A_56 = tpu.memref_slice %arg2[%dma_wait3A_55] : memref<320000xi32, #tpu.memory_space<hbm>> -> memref<80xi32, #tpu.memory_space<hbm>>
    tpu.wait_dma2 semaphore(%arg21 : memref<!tpu.dma_semaphore, #tpu.memory_space<semaphore_mem>>) src(%dma_wait3A_56 : memref<80xi32, #tpu.memory_space<hbm>>) dst(%arg9 : memref<80xi32, #tpu.memory_space<vmem>>)
    %dma_wait3A_57 = arith.constant 0 : i32
    %dma_wait3A_58 = tpu.memref_slice %arg3[%dma_wait3A_57] : memref<320000xi32, #tpu.memory_space<hbm>> -> memref<80xi32, #tpu.memory_space<hbm>>
    %dma_wait3A_59 = arith.constant 0 : i32
    %dma_wait3A_60 = tpu.memref_slice %arg3[%dma_wait3A_59] : memref<320000xi32, #tpu.memory_space<hbm>> -> memref<80xi32, #tpu.memory_space<hbm>>
    tpu.wait_dma2 semaphore(%arg21 : memref<!tpu.dma_semaphore, #tpu.memory_space<semaphore_mem>>) src(%dma_wait3A_60 : memref<80xi32, #tpu.memory_space<hbm>>) dst(%arg11 : memref<80xi32, #tpu.memory_space<vmem>>)
    %dma_start3A_61 = arith.constant 0 : i32
    %dma_start3A_62 = arith.constant 0 : i32
    %dma_start3A_63 = tpu.memref_slice %arg4[%dma_start3A_61, %dma_start3A_62] : memref<10000x16xf32, #tpu.memory_space<hbm>> -> memref<10000x16xf32, #tpu.memory_space<hbm>>
    tpu.enqueue_indirect_dma source(%dma_start3A_63 : memref<10000x16xf32, #tpu.memory_space<hbm>>) target(%arg13 : memref<80x16xf32, #tpu.memory_space<vmem>>) offsets(%arg9 : memref<80xi32, #tpu.memory_space<vmem>>) semaphore(%arg23 : memref<!tpu.dma_semaphore, #tpu.memory_space<semaphore_mem>>)
    %dma_start3A_64 = arith.constant 0 : i32
    %dma_start3A_65 = arith.constant 0 : i32
    %dma_start3A_66 = tpu.memref_slice %arg5[%dma_start3A_64, %dma_start3A_65] : memref<10000x16xf32, #tpu.memory_space<hbm>> -> memref<10000x16xf32, #tpu.memory_space<hbm>>
    tpu.enqueue_indirect_dma source(%dma_start3A_66 : memref<10000x16xf32, #tpu.memory_space<hbm>>) target(%arg15 : memref<80x16xf32, #tpu.memory_space<vmem>>) offsets(%arg11 : memref<80xi32, #tpu.memory_space<vmem>>) semaphore(%arg23 : memref<!tpu.dma_semaphore, #tpu.memory_space<semaphore_mem>>)
    %dma_start3A_67 = arith.constant 0 : i32
    %dma_start3A_68 = arith.constant 0 : i32
    %dma_start3A_69 = tpu.memref_slice %arg6[%dma_start3A_67, %dma_start3A_68] : memref<10000x128xf32, #tpu.memory_space<hbm>> -> memref<10000x128xf32, #tpu.memory_space<hbm>>
    tpu.enqueue_indirect_dma source(%dma_start3A_69 : memref<10000x128xf32, #tpu.memory_space<hbm>>) target(%arg19 : memref<80x128xf32, #tpu.memory_space<vmem>>) offsets(%arg9 : memref<80xi32, #tpu.memory_space<vmem>>) semaphore(%arg23 : memref<!tpu.dma_semaphore, #tpu.memory_space<semaphore_mem>>)
    %scan3A_70 = arith.constant 0 : i32
    %scan3A_71 = arith.constant 0 : i32
    %scan3A_72 = arith.constant 62 : i32
    %scan3A_73 = arith.addi %scan3A_71, %scan3A_72 : i32
    %scan3A_74 = arith.constant 1 : i32
    %scan3A_75 = scf.for %scan3A_110 = %scan3A_71 to %scan3A_73 step %scan3A_74 iter_args(%scan3A_111 = %scan3A_70) -> (i32)  : i32 {
      %mul3A_112 = arith.constant 2 : i32
      %mul3A_113 = arith.muli %scan3A_110, %mul3A_112 : i32
      %add3A_114 = arith.constant 0 : i32
      %add3A_115 = arith.addi %mul3A_113, %add3A_114 : i32
      %dma_wait3A_116 = arith.constant 0 : i32
      %dma_wait3A_117 = tpu.memref_slice %arg2[%dma_wait3A_116] : memref<320000xi32, #tpu.memory_space<hbm>> -> memref<80xi32, #tpu.memory_space<hbm>>
      %dma_wait3A_118 = arith.constant 0 : i32
      %dma_wait3A_119 = tpu.memref_slice %arg2[%dma_wait3A_118] : memref<320000xi32, #tpu.memory_space<hbm>> -> memref<80xi32, #tpu.memory_space<hbm>>
      tpu.wait_dma2 semaphore(%arg22 : memref<!tpu.dma_semaphore, #tpu.memory_space<semaphore_mem>>) src(%dma_wait3A_119 : memref<80xi32, #tpu.memory_space<hbm>>) dst(%arg10 : memref<80xi32, #tpu.memory_space<vmem>>)
      %dma_wait3A_120 = arith.constant 0 : i32
      %dma_wait3A_121 = tpu.memref_slice %arg3[%dma_wait3A_120] : memref<320000xi32, #tpu.memory_space<hbm>> -> memref<80xi32, #tpu.memory_space<hbm>>
      %dma_wait3A_122 = arith.constant 0 : i32
      %dma_wait3A_123 = tpu.memref_slice %arg3[%dma_wait3A_122] : memref<320000xi32, #tpu.memory_space<hbm>> -> memref<80xi32, #tpu.memory_space<hbm>>
      tpu.wait_dma2 semaphore(%arg22 : memref<!tpu.dma_semaphore, #tpu.memory_space<semaphore_mem>>) src(%dma_wait3A_123 : memref<80xi32, #tpu.memory_space<hbm>>) dst(%arg12 : memref<80xi32, #tpu.memory_space<vmem>>)
      %dma_start3A_124 = arith.constant 0 : i32
      %dma_start3A_125 = arith.constant 0 : i32
      %dma_start3A_126 = tpu.memref_slice %arg4[%dma_start3A_124, %dma_start3A_125] : memref<10000x16xf32, #tpu.memory_space<hbm>> -> memref<10000x16xf32, #tpu.memory_space<hbm>>
      tpu.enqueue_indirect_dma source(%dma_start3A_126 : memref<10000x16xf32, #tpu.memory_space<hbm>>) target(%arg14 : memref<80x16xf32, #tpu.memory_space<vmem>>) offsets(%arg10 : memref<80xi32, #tpu.memory_space<vmem>>) semaphore(%arg24 : memref<!tpu.dma_semaphore, #tpu.memory_space<semaphore_mem>>)
      %dma_start3A_127 = arith.constant 0 : i32
      %dma_start3A_128 = arith.constant 0 : i32
      %dma_start3A_129 = tpu.memref_slice %arg5[%dma_start3A_127, %dma_start3A_128] : memref<10000x16xf32, #tpu.memory_space<hbm>> -> memref<10000x16xf32, #tpu.memory_space<hbm>>
      tpu.enqueue_indirect_dma source(%dma_start3A_129 : memref<10000x16xf32, #tpu.memory_space<hbm>>) target(%arg16 : memref<80x16xf32, #tpu.memory_space<vmem>>) offsets(%arg12 : memref<80xi32, #tpu.memory_space<vmem>>) semaphore(%arg24 : memref<!tpu.dma_semaphore, #tpu.memory_space<semaphore_mem>>)
      %dma_start3A_130 = arith.constant 0 : i32
      %dma_start3A_131 = arith.constant 0 : i32
      %dma_start3A_132 = tpu.memref_slice %arg6[%dma_start3A_130, %dma_start3A_131] : memref<10000x128xf32, #tpu.memory_space<hbm>> -> memref<10000x128xf32, #tpu.memory_space<hbm>>
      tpu.enqueue_indirect_dma source(%dma_start3A_132 : memref<10000x128xf32, #tpu.memory_space<hbm>>) target(%arg20 : memref<80x128xf32, #tpu.memory_space<vmem>>) offsets(%arg10 : memref<80xi32, #tpu.memory_space<vmem>>) semaphore(%arg24 : memref<!tpu.dma_semaphore, #tpu.memory_space<semaphore_mem>>)
      %dma_wait3A_133 = arith.constant 0 : i32
      %dma_wait3A_134 = arith.constant 0 : i32
      %dma_wait3A_135 = tpu.memref_slice %arg4[%dma_wait3A_133, %dma_wait3A_134] : memref<10000x16xf32, #tpu.memory_space<hbm>> -> memref<10000x16xf32, #tpu.memory_space<hbm>>
      tpu.wait_indirect_dma semaphore(%arg23 : memref<!tpu.dma_semaphore, #tpu.memory_space<semaphore_mem>>) src(%dma_wait3A_135 : memref<10000x16xf32, #tpu.memory_space<hbm>>) dst(%arg13 : memref<80x16xf32, #tpu.memory_space<vmem>>)
      %dma_wait3A_136 = arith.constant 0 : i32
      %dma_wait3A_137 = arith.constant 0 : i32
      %dma_wait3A_138 = tpu.memref_slice %arg5[%dma_wait3A_136, %dma_wait3A_137] : memref<10000x16xf32, #tpu.memory_space<hbm>> -> memref<10000x16xf32, #tpu.memory_space<hbm>>
      tpu.wait_indirect_dma semaphore(%arg23 : memref<!tpu.dma_semaphore, #tpu.memory_space<semaphore_mem>>) src(%dma_wait3A_138 : memref<10000x16xf32, #tpu.memory_space<hbm>>) dst(%arg15 : memref<80x16xf32, #tpu.memory_space<vmem>>)
      %dma_wait3A_139 = arith.constant 0 : i32
      %dma_wait3A_140 = arith.constant 0 : i32
      %dma_wait3A_141 = tpu.memref_slice %arg6[%dma_wait3A_139, %dma_wait3A_140] : memref<10000x128xf32, #tpu.memory_space<hbm>> -> memref<10000x128xf32, #tpu.memory_space<hbm>>
      tpu.wait_indirect_dma semaphore(%arg23 : memref<!tpu.dma_semaphore, #tpu.memory_space<semaphore_mem>>) src(%dma_wait3A_141 : memref<10000x128xf32, #tpu.memory_space<hbm>>) dst(%arg19 : memref<80x128xf32, #tpu.memory_space<vmem>>)
      %scan3A_142 = arith.constant 0 : i32
      %scan3A_143 = arith.constant 0 : i32
      %scan3A_144 = arith.constant 80 : i32
      %scan3A_145 = arith.addi %scan3A_143, %scan3A_144 : i32
      %scan3A_146 = arith.constant 1 : i32
      %scan3A_147 = scf.for %scan3A_198 = %scan3A_143 to %scan3A_145 step %scan3A_146 iter_args(%scan3A_199 = %scan3A_142) -> (i32)  : i32 {
        %get3A = arith.index_cast %scan3A_198 : i32 to index
        %get3A_200 = arith.constant 0 : index
        %get3A_201 = tpu.vector_load %arg13[%get3A, %get3A_200] {strides = array<i32>} : memref<80x16xf32, #tpu.memory_space<vmem>>, vector<16xf32>,
        %get3A_202 = arith.index_cast %scan3A_198 : i32 to index
        %get3A_203 = arith.constant 0 : index
        %get3A_204 = tpu.vector_load %arg15[%get3A_202, %get3A_203] {strides = array<i32>} : memref<80x16xf32, #tpu.memory_space<vmem>>, vector<16xf32>,
        %add3A_205 = arith.addf %get3A_201, %get3A_204 : vector<16xf32>
        %ge3A = arith.constant 0.000000e+00 : f32
        %ge3A_206 = vector.broadcast %ge3A : f32 to vector<16xf32>
        %ge3A_207 = arith.cmpf oge, %add3A_205, %ge3A_206 : vector<16xf32>
        %mul3A_208 = arith.constant 2.000000e-01 : f32
        %mul3A_209 = vector.broadcast %mul3A_208 : f32 to vector<16xf32>
        %mul3A_210 = arith.mulf %add3A_205, %mul3A_209 : vector<16xf32>
        %select_n3A = arith.select %ge3A_207, %add3A_205, %mul3A_210 : vector<16xi1>, vector<16xf32>
        %exp3A = math.exp %select_n3A : vector<16xf32>
        %swap3A = arith.index_cast %scan3A_198 : i32 to index
        %swap3A_211 = arith.constant 0 : index
        %swap3A_212 = tpu.vector_load %arg17[%swap3A, %swap3A_211] {strides = array<i32>} : memref<80x16xf32, #tpu.memory_space<vmem>>, vector<16xf32>,
        tpu.vector_store %arg17[%swap3A, %swap3A_211], %exp3A {strides = array<i32>} : memref<80x16xf32, #tpu.memory_space<vmem>>, vector<16xf32>,
        %broadcast_in_dim3A = arith.constant 0 : i32
        %broadcast_in_dim3A_213 = vector.broadcast %broadcast_in_dim3A : i32 to vector<16xi32>
        %reshape3A = vector.shape_cast %broadcast_in_dim3A_213 : vector<16xi32> to vector<16x1xi32>
        %gather3A = vector.shape_cast %reshape3A : vector<16x1xi32> to vector<16xi32>
        %gather3A_214 = tpu.dynamic_gather %exp3A[%gather3A] in [0] : vector<16xf32>, vector<16xi32> -> vector<16xf32>
        %get3A_215 = arith.index_cast %scan3A_198 : i32 to index
        %get3A_216 = arith.constant 0 : index
        %get3A_217 = tpu.vector_load %arg19[%get3A_215, %get3A_216] {strides = array<i32>} : memref<80x128xf32, #tpu.memory_space<vmem>>, vector<16xf32>,
        %mul3A_218 = arith.mulf %get3A_217, %gather3A_214 : vector<16xf32>
        %swap3A_219 = arith.index_cast %scan3A_198 : i32 to index
        %swap3A_220 = arith.constant 0 : index
        %swap3A_221 = tpu.vector_load %arg19[%swap3A_219, %swap3A_220] {strides = array<i32>} : memref<80x128xf32, #tpu.memory_space<vmem>>, vector<16xf32>,
        tpu.vector_store %arg19[%swap3A_219, %swap3A_220], %mul3A_218 {strides = array<i32>} : memref<80x128xf32, #tpu.memory_space<vmem>>, vector<16xf32>,
        %broadcast_in_dim3A_222 = arith.constant 1 : i32
        %broadcast_in_dim3A_223 = vector.broadcast %broadcast_in_dim3A_222 : i32 to vector<16xi32>
        %reshape3A_224 = vector.shape_cast %broadcast_in_dim3A_223 : vector<16xi32> to vector<16x1xi32>
        %gather3A_225 = vector.shape_cast %reshape3A_224 : vector<16x1xi32> to vector<16xi32>
        %gather3A_226 = tpu.dynamic_gather %exp3A[%gather3A_225] in [0] : vector<16xf32>, vector<16xi32> -> vector<16xf32>
        %get3A_227 = arith.index_cast %scan3A_198 : i32 to index
        %get3A_228 = arith.constant 16 : index
        %get3A_229 = tpu.vector_load %arg19[%get3A_227, %get3A_228] {strides = array<i32>} : memref<80x128xf32, #tpu.memory_space<vmem>>, vector<16xf32>,
        %mul3A_230 = arith.mulf %get3A_229, %gather3A_226 : vector<16xf32>
        %swap3A_231 = arith.index_cast %scan3A_198 : i32 to index
        %swap3A_232 = arith.constant 16 : index
        %swap3A_233 = tpu.vector_load %arg19[%swap3A_231, %swap3A_232] {strides = array<i32>} : memref<80x128xf32, #tpu.memory_space<vmem>>, vector<16xf32>,
        tpu.vector_store %arg19[%swap3A_231, %swap3A_232], %mul3A_230 {strides = array<i32>} : memref<80x128xf32, #tpu.memory_space<vmem>>, vector<16xf32>,
        %broadcast_in_dim3A_234 = arith.constant 2 : i32
        %broadcast_in_dim3A_235 = vector.broadcast %broadcast_in_dim3A_234 : i32 to vector<16xi32>
        %reshape3A_236 = vector.shape_cast %broadcast_in_dim3A_235 : vector<16xi32> to vector<16x1xi32>
        %gather3A_237 = vector.shape_cast %reshape3A_236 : vector<16x1xi32> to vector<16xi32>
        %gather3A_238 = tpu.dynamic_gather %exp3A[%gather3A_237] in [0] : vector<16xf32>, vector<16xi32> -> vector<16xf32>
        %get3A_239 = arith.index_cast %scan3A_198 : i32 to index
        %get3A_240 = arith.constant 32 : index
        %get3A_241 = tpu.vector_load %arg19[%get3A_239, %get3A_240] {strides = array<i32>} : memref<80x128xf32, #tpu.memory_space<vmem>>, vector<16xf32>,
        %mul3A_242 = arith.mulf %get3A_241, %gather3A_238 : vector<16xf32>
        %swap3A_243 = arith.index_cast %scan3A_198 : i32 to index
        %swap3A_244 = arith.constant 32 : index
        %swap3A_245 = tpu.vector_load %arg19[%swap3A_243, %swap3A_244] {strides = array<i32>} : memref<80x128xf32, #tpu.memory_space<vmem>>, vector<16xf32>,
        tpu.vector_store %arg19[%swap3A_243, %swap3A_244], %mul3A_242 {strides = array<i32>} : memref<80x128xf32, #tpu.memory_space<vmem>>, vector<16xf32>,
        %broadcast_in_dim3A_246 = arith.constant 3 : i32
        %broadcast_in_dim3A_247 = vector.broadcast %broadcast_in_dim3A_246 : i32 to vector<16xi32>
        %reshape3A_248 = vector.shape_cast %broadcast_in_dim3A_247 : vector<16xi32> to vector<16x1xi32>
        %gather3A_249 = vector.shape_cast %reshape3A_248 : vector<16x1xi32> to vector<16xi32>
        %gather3A_250 = tpu.dynamic_gather %exp3A[%gather3A_249] in [0] : vector<16xf32>, vector<16xi32> -> vector<16xf32>
        %get3A_251 = arith.index_cast %scan3A_198 : i32 to index
        %get3A_252 = arith.constant 48 : index
        %get3A_253 = tpu.vector_load %arg19[%get3A_251, %get3A_252] {strides = array<i32>} : memref<80x128xf32, #tpu.memory_space<vmem>>, vector<16xf32>,
        %mul3A_254 = arith.mulf %get3A_253, %gather3A_250 : vector<16xf32>
        %swap3A_255 = arith.index_cast %scan3A_198 : i32 to index
        %swap3A_256 = arith.constant 48 : index
        %swap3A_257 = tpu.vector_load %arg19[%swap3A_255, %swap3A_256] {strides = array<i32>} : memref<80x128xf32, #tpu.memory_space<vmem>>, vector<16xf32>,
        tpu.vector_store %arg19[%swap3A_255, %swap3A_256], %mul3A_254 {strides = array<i32>} : memref<80x128xf32, #tpu.memory_space<vmem>>, vector<16xf32>,
        %broadcast_in_dim3A_258 = arith.constant 4 : i32
        %broadcast_in_dim3A_259 = vector.broadcast %broadcast_in_dim3A_258 : i32 to vector<16xi32>
        %reshape3A_260 = vector.shape_cast %broadcast_in_dim3A_259 : vector<16xi32> to vector<16x1xi32>
        %gather3A_261 = vector.shape_cast %reshape3A_260 : vector<16x1xi32> to vector<16xi32>
        %gather3A_262 = tpu.dynamic_gather %exp3A[%gather3A_261] in [0] : vector<16xf32>, vector<16xi32> -> vector<16xf32>
        %get3A_263 = arith.index_cast %scan3A_198 : i32 to index
        %get3A_264 = arith.constant 64 : index
        %get3A_265 = tpu.vector_load %arg19[%get3A_263, %get3A_264] {strides = array<i32>} : memref<80x128xf32, #tpu.memory_space<vmem>>, vector<16xf32>,
        %mul3A_266 = arith.mulf %get3A_265, %gather3A_262 : vector<16xf32>
        %swap3A_267 = arith.index_cast %scan3A_198 : i32 to index
        %swap3A_268 = arith.constant 64 : index
        %swap3A_269 = tpu.vector_load %arg19[%swap3A_267, %swap3A_268] {strides = array<i32>} : memref<80x128xf32, #tpu.memory_space<vmem>>, vector<16xf32>,
        tpu.vector_store %arg19[%swap3A_267, %swap3A_268], %mul3A_266 {strides = array<i32>} : memref<80x128xf32, #tpu.memory_space<vmem>>, vector<16xf32>,
        %broadcast_in_dim3A_270 = arith.constant 5 : i32
        %broadcast_in_dim3A_271 = vector.broadcast %broadcast_in_dim3A_270 : i32 to vector<16xi32>
        %reshape3A_272 = vector.shape_cast %broadcast_in_dim3A_271 : vector<16xi32> to vector<16x1xi32>
        %gather3A_273 = vector.shape_cast %reshape3A_272 : vector<16x1xi32> to vector<16xi32>
        %gather3A_274 = tpu.dynamic_gather %exp3A[%gather3A_273] in [0] : vector<16xf32>, vector<16xi32> -> vector<16xf32>
        %get3A_275 = arith.index_cast %scan3A_198 : i32 to index
        %get3A_276 = arith.constant 80 : index
        %get3A_277 = tpu.vector_load %arg19[%get3A_275, %get3A_276] {strides = array<i32>} : memref<80x128xf32, #tpu.memory_space<vmem>>, vector<16xf32>,
        %mul3A_278 = arith.mulf %get3A_277, %gather3A_274 : vector<16xf32>
        %swap3A_279 = arith.index_cast %scan3A_198 : i32 to index
        %swap3A_280 = arith.constant 80 : index
        %swap3A_281 = tpu.vector_load %arg19[%swap3A_279, %swap3A_280] {strides = array<i32>} : memref<80x128xf32, #tpu.memory_space<vmem>>, vector<16xf32>,
        tpu.vector_store %arg19[%swap3A_279, %swap3A_280], %mul3A_278 {strides = array<i32>} : memref<80x128xf32, #tpu.memory_space<vmem>>, vector<16xf32>,
        %broadcast_in_dim3A_282 = arith.constant 6 : i32
        %broadcast_in_dim3A_283 = vector.broadcast %broadcast_in_dim3A_282 : i32 to vector<16xi32>
        %reshape3A_284 = vector.shape_cast %broadcast_in_dim3A_283 : vector<16xi32> to vector<16x1xi32>
        %gather3A_285 = vector.shape_cast %reshape3A_284 : vector<16x1xi32> to vector<16xi32>
        %gather3A_286 = tpu.dynamic_gather %exp3A[%gather3A_285] in [0] : vector<16xf32>, vector<16xi32> -> vector<16xf32>
        %get3A_287 = arith.index_cast %scan3A_198 : i32 to index
        %get3A_288 = arith.constant 96 : index
        %get3A_289 = tpu.vector_load %arg19[%get3A_287, %get3A_288] {strides = array<i32>} : memref<80x128xf32, #tpu.memory_space<vmem>>, vector<16xf32>,
        %mul3A_290 = arith.mulf %get3A_289, %gather3A_286 : vector<16xf32>
        %swap3A_291 = arith.index_cast %scan3A_198 : i32 to index
        %swap3A_292 = arith.constant 96 : index
        %swap3A_293 = tpu.vector_load %arg19[%swap3A_291, %swap3A_292] {strides = array<i32>} : memref<80x128xf32, #tpu.memory_space<vmem>>, vector<16xf32>,
        tpu.vector_store %arg19[%swap3A_291, %swap3A_292], %mul3A_290 {strides = array<i32>} : memref<80x128xf32, #tpu.memory_space<vmem>>, vector<16xf32>,
        %broadcast_in_dim3A_294 = arith.constant 7 : i32
        %broadcast_in_dim3A_295 = vector.broadcast %broadcast_in_dim3A_294 : i32 to vector<16xi32>
        %reshape3A_296 = vector.shape_cast %broadcast_in_dim3A_295 : vector<16xi32> to vector<16x1xi32>
        %gather3A_297 = vector.shape_cast %reshape3A_296 : vector<16x1xi32> to vector<16xi32>
        %gather3A_298 = tpu.dynamic_gather %exp3A[%gather3A_297] in [0] : vector<16xf32>, vector<16xi32> -> vector<16xf32>
        %get3A_299 = arith.index_cast %scan3A_198 : i32 to index
        %get3A_300 = arith.constant 112 : index
        %get3A_301 = tpu.vector_load %arg19[%get3A_299, %get3A_300] {strides = array<i32>} : memref<80x128xf32, #tpu.memory_space<vmem>>, vector<16xf32>,
        %mul3A_302 = arith.mulf %get3A_301, %gather3A_298 : vector<16xf32>
        %swap3A_303 = arith.index_cast %scan3A_198 : i32 to index
        %swap3A_304 = arith.constant 112 : index
        %swap3A_305 = tpu.vector_load %arg19[%swap3A_303, %swap3A_304] {strides = array<i32>} : memref<80x128xf32, #tpu.memory_space<vmem>>, vector<16xf32>,
        tpu.vector_store %arg19[%swap3A_303, %swap3A_304], %mul3A_302 {strides = array<i32>} : memref<80x128xf32, #tpu.memory_space<vmem>>, vector<16xf32>,
        %scan3A_306 = arith.constant 0 : i32
        scf.yield %scan3A_306 : i32
      }
      %scan3A_148 = arith.constant 80 : i32
      "tpu.region"() ({
        %run_scoped3A = tpu.sem_alloc : memref<!tpu.dma_semaphore, #tpu.memory_space<semaphore_mem>>
        %dma_start3A_198 = arith.constant 0 : i32
        %dma_start3A_199 = arith.constant 0 : i32
        %dma_start3A_200 = tpu.memref_slice %arg25[%dma_start3A_198, %dma_start3A_199] : memref<10240x16xf32, #tpu.memory_space<vmem_shared>> -> memref<10240x16xf32, #tpu.memory_space<vmem_shared>>
        tpu.enqueue_indirect_dma source(%arg17 : memref<80x16xf32, #tpu.memory_space<vmem>>) target(%dma_start3A_200 : memref<10240x16xf32, #tpu.memory_space<vmem_shared>>) offsets(%arg11 : memref<80xi32, #tpu.memory_space<vmem>>) semaphore(%run_scoped3A : memref<!tpu.dma_semaphore, #tpu.memory_space<semaphore_mem>>) {add = true}
        %dma_wait3A_201 = arith.constant 0 : i32
        %dma_wait3A_202 = arith.constant 0 : i32
        %dma_wait3A_203 = tpu.memref_slice %arg25[%dma_wait3A_201, %dma_wait3A_202] : memref<10240x16xf32, #tpu.memory_space<vmem_shared>> -> memref<10240x16xf32, #tpu.memory_space<vmem_shared>>
        tpu.wait_indirect_dma semaphore(%run_scoped3A : memref<!tpu.dma_semaphore, #tpu.memory_space<semaphore_mem>>) src(%arg17 : memref<80x16xf32, #tpu.memory_space<vmem>>) dst(%dma_wait3A_203 : memref<10240x16xf32, #tpu.memory_space<vmem_shared>>)
        tpu.yield
      }) : () -> ()
      "tpu.region"() ({
        %run_scoped3A = tpu.sem_alloc : memref<!tpu.dma_semaphore, #tpu.memory_space<semaphore_mem>>
        %dma_start3A_198 = arith.constant 0 : i32
        %dma_start3A_199 = arith.constant 0 : i32
        %dma_start3A_200 = tpu.memref_slice %arg26[%dma_start3A_198, %dma_start3A_199] : memref<10240x128xf32, #tpu.memory_space<vmem_shared>> -> memref<10240x128xf32, #tpu.memory_space<vmem_shared>>
        tpu.enqueue_indirect_dma source(%arg19 : memref<80x128xf32, #tpu.memory_space<vmem>>) target(%dma_start3A_200 : memref<10240x128xf32, #tpu.memory_space<vmem_shared>>) offsets(%arg11 : memref<80xi32, #tpu.memory_space<vmem>>) semaphore(%run_scoped3A : memref<!tpu.dma_semaphore, #tpu.memory_space<semaphore_mem>>) {add = true}
        %dma_wait3A_201 = arith.constant 0 : i32
        %dma_wait3A_202 = arith.constant 0 : i32
        %dma_wait3A_203 = tpu.memref_slice %arg26[%dma_wait3A_201, %dma_wait3A_202] : memref<10240x128xf32, #tpu.memory_space<vmem_shared>> -> memref<10240x128xf32, #tpu.memory_space<vmem_shared>>
        tpu.wait_indirect_dma semaphore(%run_scoped3A : memref<!tpu.dma_semaphore, #tpu.memory_space<semaphore_mem>>) src(%arg19 : memref<80x128xf32, #tpu.memory_space<vmem>>) dst(%dma_wait3A_203 : memref<10240x128xf32, #tpu.memory_space<vmem_shared>>)
        tpu.yield
      }) : () -> ()
      %add3A_149 = arith.constant 2 : i32
      %add3A_150 = arith.addi %add3A_115, %add3A_149 : i32
      %lt3A = arith.constant 125 : i32
      %lt3A_151 = arith.cmpi slt, %add3A_150, %lt3A : i32
      %convert_element_type3A = arith.extui %lt3A_151 : i1 to i32
      %cond3A = arith.constant 0 : i32
      %cond3A_152 = arith.cmpi ne, %convert_element_type3A, %cond3A : i32
      scf.if %cond3A_152 {
        %add3A_198 = arith.constant 2 : i32
        %add3A_199 = arith.addi %add3A_115, %add3A_198 : i32
        %mul3A_200 = arith.constant 80 : i32
        %mul3A_201 = arith.muli %add3A_199, %mul3A_200 : i32
        %add3A_202 = arith.addi %mul3A_4, %mul3A_201 : i32
        %dma_start3A_203 = tpu.memref_slice %arg2[%add3A_202] : memref<320000xi32, #tpu.memory_space<hbm>> -> memref<80xi32, #tpu.memory_space<hbm>>
        %dma_start3A_204 = tpu.memref_slice %arg2[%add3A_202] : memref<320000xi32, #tpu.memory_space<hbm>> -> memref<80xi32, #tpu.memory_space<hbm>>
        tpu.enqueue_dma source(%dma_start3A_204 : memref<80xi32, #tpu.memory_space<hbm>>) target(%arg9 : memref<80xi32, #tpu.memory_space<vmem>>) target_semaphore(%arg21 : memref<!tpu.dma_semaphore, #tpu.memory_space<semaphore_mem>>)
        %dma_start3A_205 = tpu.memref_slice %arg3[%add3A_202] : memref<320000xi32, #tpu.memory_space<hbm>> -> memref<80xi32, #tpu.memory_space<hbm>>
        %dma_start3A_206 = tpu.memref_slice %arg3[%add3A_202] : memref<320000xi32, #tpu.memory_space<hbm>> -> memref<80xi32, #tpu.memory_space<hbm>>
        tpu.enqueue_dma source(%dma_start3A_206 : memref<80xi32, #tpu.memory_space<hbm>>) target(%arg11 : memref<80xi32, #tpu.memory_space<vmem>>) target_semaphore(%arg21 : memref<!tpu.dma_semaphore, #tpu.memory_space<semaphore_mem>>)
      } else {
      }
      %mul3A_153 = arith.constant 2 : i32
      %mul3A_154 = arith.muli %scan3A_110, %mul3A_153 : i32
      %add3A_155 = arith.constant 1 : i32
      %add3A_156 = arith.addi %mul3A_154, %add3A_155 : i32
      %dma_wait3A_157 = arith.constant 0 : i32
      %dma_wait3A_158 = tpu.memref_slice %arg2[%dma_wait3A_157] : memref<320000xi32, #tpu.memory_space<hbm>> -> memref<80xi32, #tpu.memory_space<hbm>>
      %dma_wait3A_159 = arith.constant 0 : i32
      %dma_wait3A_160 = tpu.memref_slice %arg2[%dma_wait3A_159] : memref<320000xi32, #tpu.memory_space<hbm>> -> memref<80xi32, #tpu.memory_space<hbm>>
      tpu.wait_dma2 semaphore(%arg21 : memref<!tpu.dma_semaphore, #tpu.memory_space<semaphore_mem>>) src(%dma_wait3A_160 : memref<80xi32, #tpu.memory_space<hbm>>) dst(%arg9 : memref<80xi32, #tpu.memory_space<vmem>>)
      %dma_wait3A_161 = arith.constant 0 : i32
      %dma_wait3A_162 = tpu.memref_slice %arg3[%dma_wait3A_161] : memref<320000xi32, #tpu.memory_space<hbm>> -> memref<80xi32, #tpu.memory_space<hbm>>
      %dma_wait3A_163 = arith.constant 0 : i32
      %dma_wait3A_164 = tpu.memref_slice %arg3[%dma_wait3A_163] : memref<320000xi32, #tpu.memory_space<hbm>> -> memref<80xi32, #tpu.memory_space<hbm>>
      tpu.wait_dma2 semaphore(%arg21 : memref<!tpu.dma_semaphore, #tpu.memory_space<semaphore_mem>>) src(%dma_wait3A_164 : memref<80xi32, #tpu.memory_space<hbm>>) dst(%arg11 : memref<80xi32, #tpu.memory_space<vmem>>)
      %dma_start3A_165 = arith.constant 0 : i32
      %dma_start3A_166 = arith.constant 0 : i32
      %dma_start3A_167 = tpu.memref_slice %arg4[%dma_start3A_165, %dma_start3A_166] : memref<10000x16xf32, #tpu.memory_space<hbm>> -> memref<10000x16xf32, #tpu.memory_space<hbm>>
      tpu.enqueue_indirect_dma source(%dma_start3A_167 : memref<10000x16xf32, #tpu.memory_space<hbm>>) target(%arg13 : memref<80x16xf32, #tpu.memory_space<vmem>>) offsets(%arg9 : memref<80xi32, #tpu.memory_space<vmem>>) semaphore(%arg23 : memref<!tpu.dma_semaphore, #tpu.memory_space<semaphore_mem>>)
      %dma_start3A_168 = arith.constant 0 : i32
      %dma_start3A_169 = arith.constant 0 : i32
      %dma_start3A_170 = tpu.memref_slice %arg5[%dma_start3A_168, %dma_start3A_169] : memref<10000x16xf32, #tpu.memory_space<hbm>> -> memref<10000x16xf32, #tpu.memory_space<hbm>>
      tpu.enqueue_indirect_dma source(%dma_start3A_170 : memref<10000x16xf32, #tpu.memory_space<hbm>>) target(%arg15 : memref<80x16xf32, #tpu.memory_space<vmem>>) offsets(%arg11 : memref<80xi32, #tpu.memory_space<vmem>>) semaphore(%arg23 : memref<!tpu.dma_semaphore, #tpu.memory_space<semaphore_mem>>)
      %dma_start3A_171 = arith.constant 0 : i32
      %dma_start3A_172 = arith.constant 0 : i32
      %dma_start3A_173 = tpu.memref_slice %arg6[%dma_start3A_171, %dma_start3A_172] : memref<10000x128xf32, #tpu.memory_space<hbm>> -> memref<10000x128xf32, #tpu.memory_space<hbm>>
      tpu.enqueue_indirect_dma source(%dma_start3A_173 : memref<10000x128xf32, #tpu.memory_space<hbm>>) target(%arg19 : memref<80x128xf32, #tpu.memory_space<vmem>>) offsets(%arg9 : memref<80xi32, #tpu.memory_space<vmem>>) semaphore(%arg23 : memref<!tpu.dma_semaphore, #tpu.memory_space<semaphore_mem>>)
      %dma_wait3A_174 = arith.constant 0 : i32
      %dma_wait3A_175 = arith.constant 0 : i32
      %dma_wait3A_176 = tpu.memref_slice %arg4[%dma_wait3A_174, %dma_wait3A_175] : memref<10000x16xf32, #tpu.memory_space<hbm>> -> memref<10000x16xf32, #tpu.memory_space<hbm>>
      tpu.wait_indirect_dma semaphore(%arg24 : memref<!tpu.dma_semaphore, #tpu.memory_space<semaphore_mem>>) src(%dma_wait3A_176 : memref<10000x16xf32, #tpu.memory_space<hbm>>) dst(%arg14 : memref<80x16xf32, #tpu.memory_space<vmem>>)
      %dma_wait3A_177 = arith.constant 0 : i32
      %dma_wait3A_178 = arith.constant 0 : i32
      %dma_wait3A_179 = tpu.memref_slice %arg5[%dma_wait3A_177, %dma_wait3A_178] : memref<10000x16xf32, #tpu.memory_space<hbm>> -> memref<10000x16xf32, #tpu.memory_space<hbm>>
      tpu.wait_indirect_dma semaphore(%arg24 : memref<!tpu.dma_semaphore, #tpu.memory_space<semaphore_mem>>) src(%dma_wait3A_179 : memref<10000x16xf32, #tpu.memory_space<hbm>>) dst(%arg16 : memref<80x16xf32, #tpu.memory_space<vmem>>)
      %dma_wait3A_180 = arith.constant 0 : i32
      %dma_wait3A_181 = arith.constant 0 : i32
      %dma_wait3A_182 = tpu.memref_slice %arg6[%dma_wait3A_180, %dma_wait3A_181] : memref<10000x128xf32, #tpu.memory_space<hbm>> -> memref<10000x128xf32, #tpu.memory_space<hbm>>
      tpu.wait_indirect_dma semaphore(%arg24 : memref<!tpu.dma_semaphore, #tpu.memory_space<semaphore_mem>>) src(%dma_wait3A_182 : memref<10000x128xf32, #tpu.memory_space<hbm>>) dst(%arg20 : memref<80x128xf32, #tpu.memory_space<vmem>>)
      %scan3A_183 = arith.constant 0 : i32
      %scan3A_184 = arith.constant 0 : i32
      %scan3A_185 = arith.constant 80 : i32
      %scan3A_186 = arith.addi %scan3A_184, %scan3A_185 : i32
      %scan3A_187 = arith.constant 1 : i32
      %scan3A_188 = scf.for %scan3A_198 = %scan3A_184 to %scan3A_186 step %scan3A_187 iter_args(%scan3A_199 = %scan3A_183) -> (i32)  : i32 {
        %get3A = arith.index_cast %scan3A_198 : i32 to index
        %get3A_200 = arith.constant 0 : index
        %get3A_201 = tpu.vector_load %arg14[%get3A, %get3A_200] {strides = array<i32>} : memref<80x16xf32, #tpu.memory_space<vmem>>, vector<16xf32>,
        %get3A_202 = arith.index_cast %scan3A_198 : i32 to index
        %get3A_203 = arith.constant 0 : index
        %get3A_204 = tpu.vector_load %arg16[%get3A_202, %get3A_203] {strides = array<i32>} : memref<80x16xf32, #tpu.memory_space<vmem>>, vector<16xf32>,
        %add3A_205 = arith.addf %get3A_201, %get3A_204 : vector<16xf32>
        %ge3A = arith.constant 0.000000e+00 : f32
        %ge3A_206 = vector.broadcast %ge3A : f32 to vector<16xf32>
        %ge3A_207 = arith.cmpf oge, %add3A_205, %ge3A_206 : vector<16xf32>
        %mul3A_208 = arith.constant 2.000000e-01 : f32
        %mul3A_209 = vector.broadcast %mul3A_208 : f32 to vector<16xf32>
        %mul3A_210 = arith.mulf %add3A_205, %mul3A_209 : vector<16xf32>
        %select_n3A = arith.select %ge3A_207, %add3A_205, %mul3A_210 : vector<16xi1>, vector<16xf32>
        %exp3A = math.exp %select_n3A : vector<16xf32>
        %swap3A = arith.index_cast %scan3A_198 : i32 to index
        %swap3A_211 = arith.constant 0 : index
        %swap3A_212 = tpu.vector_load %arg18[%swap3A, %swap3A_211] {strides = array<i32>} : memref<80x16xf32, #tpu.memory_space<vmem>>, vector<16xf32>,
        tpu.vector_store %arg18[%swap3A, %swap3A_211], %exp3A {strides = array<i32>} : memref<80x16xf32, #tpu.memory_space<vmem>>, vector<16xf32>,
        %broadcast_in_dim3A = arith.constant 0 : i32
        %broadcast_in_dim3A_213 = vector.broadcast %broadcast_in_dim3A : i32 to vector<16xi32>
        %reshape3A = vector.shape_cast %broadcast_in_dim3A_213 : vector<16xi32> to vector<16x1xi32>
        %gather3A = vector.shape_cast %reshape3A : vector<16x1xi32> to vector<16xi32>
        %gather3A_214 = tpu.dynamic_gather %exp3A[%gather3A] in [0] : vector<16xf32>, vector<16xi32> -> vector<16xf32>
        %get3A_215 = arith.index_cast %scan3A_198 : i32 to index
        %get3A_216 = arith.constant 0 : index
        %get3A_217 = tpu.vector_load %arg20[%get3A_215, %get3A_216] {strides = array<i32>} : memref<80x128xf32, #tpu.memory_space<vmem>>, vector<16xf32>,
        %mul3A_218 = arith.mulf %get3A_217, %gather3A_214 : vector<16xf32>
        %swap3A_219 = arith.index_cast %scan3A_198 : i32 to index
        %swap3A_220 = arith.constant 0 : index
        %swap3A_221 = tpu.vector_load %arg20[%swap3A_219, %swap3A_220] {strides = array<i32>} : memref<80x128xf32, #tpu.memory_space<vmem>>, vector<16xf32>,
        tpu.vector_store %arg20[%swap3A_219, %swap3A_220], %mul3A_218 {strides = array<i32>} : memref<80x128xf32, #tpu.memory_space<vmem>>, vector<16xf32>,
        %broadcast_in_dim3A_222 = arith.constant 1 : i32
        %broadcast_in_dim3A_223 = vector.broadcast %broadcast_in_dim3A_222 : i32 to vector<16xi32>
        %reshape3A_224 = vector.shape_cast %broadcast_in_dim3A_223 : vector<16xi32> to vector<16x1xi32>
        %gather3A_225 = vector.shape_cast %reshape3A_224 : vector<16x1xi32> to vector<16xi32>
        %gather3A_226 = tpu.dynamic_gather %exp3A[%gather3A_225] in [0] : vector<16xf32>, vector<16xi32> -> vector<16xf32>
        %get3A_227 = arith.index_cast %scan3A_198 : i32 to index
        %get3A_228 = arith.constant 16 : index
        %get3A_229 = tpu.vector_load %arg20[%get3A_227, %get3A_228] {strides = array<i32>} : memref<80x128xf32, #tpu.memory_space<vmem>>, vector<16xf32>,
        %mul3A_230 = arith.mulf %get3A_229, %gather3A_226 : vector<16xf32>
        %swap3A_231 = arith.index_cast %scan3A_198 : i32 to index
        %swap3A_232 = arith.constant 16 : index
        %swap3A_233 = tpu.vector_load %arg20[%swap3A_231, %swap3A_232] {strides = array<i32>} : memref<80x128xf32, #tpu.memory_space<vmem>>, vector<16xf32>,
        tpu.vector_store %arg20[%swap3A_231, %swap3A_232], %mul3A_230 {strides = array<i32>} : memref<80x128xf32, #tpu.memory_space<vmem>>, vector<16xf32>,
        %broadcast_in_dim3A_234 = arith.constant 2 : i32
        %broadcast_in_dim3A_235 = vector.broadcast %broadcast_in_dim3A_234 : i32 to vector<16xi32>
        %reshape3A_236 = vector.shape_cast %broadcast_in_dim3A_235 : vector<16xi32> to vector<16x1xi32>
        %gather3A_237 = vector.shape_cast %reshape3A_236 : vector<16x1xi32> to vector<16xi32>
        %gather3A_238 = tpu.dynamic_gather %exp3A[%gather3A_237] in [0] : vector<16xf32>, vector<16xi32> -> vector<16xf32>
        %get3A_239 = arith.index_cast %scan3A_198 : i32 to index
        %get3A_240 = arith.constant 32 : index
        %get3A_241 = tpu.vector_load %arg20[%get3A_239, %get3A_240] {strides = array<i32>} : memref<80x128xf32, #tpu.memory_space<vmem>>, vector<16xf32>,
        %mul3A_242 = arith.mulf %get3A_241, %gather3A_238 : vector<16xf32>
        %swap3A_243 = arith.index_cast %scan3A_198 : i32 to index
        %swap3A_244 = arith.constant 32 : index
        %swap3A_245 = tpu.vector_load %arg20[%swap3A_243, %swap3A_244] {strides = array<i32>} : memref<80x128xf32, #tpu.memory_space<vmem>>, vector<16xf32>,
        tpu.vector_store %arg20[%swap3A_243, %swap3A_244], %mul3A_242 {strides = array<i32>} : memref<80x128xf32, #tpu.memory_space<vmem>>, vector<16xf32>,
        %broadcast_in_dim3A_246 = arith.constant 3 : i32
        %broadcast_in_dim3A_247 = vector.broadcast %broadcast_in_dim3A_246 : i32 to vector<16xi32>
        %reshape3A_248 = vector.shape_cast %broadcast_in_dim3A_247 : vector<16xi32> to vector<16x1xi32>
        %gather3A_249 = vector.shape_cast %reshape3A_248 : vector<16x1xi32> to vector<16xi32>
        %gather3A_250 = tpu.dynamic_gather %exp3A[%gather3A_249] in [0] : vector<16xf32>, vector<16xi32> -> vector<16xf32>
        %get3A_251 = arith.index_cast %scan3A_198 : i32 to index
        %get3A_252 = arith.constant 48 : index
        %get3A_253 = tpu.vector_load %arg20[%get3A_251, %get3A_252] {strides = array<i32>} : memref<80x128xf32, #tpu.memory_space<vmem>>, vector<16xf32>,
        %mul3A_254 = arith.mulf %get3A_253, %gather3A_250 : vector<16xf32>
        %swap3A_255 = arith.index_cast %scan3A_198 : i32 to index
        %swap3A_256 = arith.constant 48 : index
        %swap3A_257 = tpu.vector_load %arg20[%swap3A_255, %swap3A_256] {strides = array<i32>} : memref<80x128xf32, #tpu.memory_space<vmem>>, vector<16xf32>,
        tpu.vector_store %arg20[%swap3A_255, %swap3A_256], %mul3A_254 {strides = array<i32>} : memref<80x128xf32, #tpu.memory_space<vmem>>, vector<16xf32>,
        %broadcast_in_dim3A_258 = arith.constant 4 : i32
        %broadcast_in_dim3A_259 = vector.broadcast %broadcast_in_dim3A_258 : i32 to vector<16xi32>
        %reshape3A_260 = vector.shape_cast %broadcast_in_dim3A_259 : vector<16xi32> to vector<16x1xi32>
        %gather3A_261 = vector.shape_cast %reshape3A_260 : vector<16x1xi32> to vector<16xi32>
        %gather3A_262 = tpu.dynamic_gather %exp3A[%gather3A_261] in [0] : vector<16xf32>, vector<16xi32> -> vector<16xf32>
        %get3A_263 = arith.index_cast %scan3A_198 : i32 to index
        %get3A_264 = arith.constant 64 : index
        %get3A_265 = tpu.vector_load %arg20[%get3A_263, %get3A_264] {strides = array<i32>} : memref<80x128xf32, #tpu.memory_space<vmem>>, vector<16xf32>,
        %mul3A_266 = arith.mulf %get3A_265, %gather3A_262 : vector<16xf32>
        %swap3A_267 = arith.index_cast %scan3A_198 : i32 to index
        %swap3A_268 = arith.constant 64 : index
        %swap3A_269 = tpu.vector_load %arg20[%swap3A_267, %swap3A_268] {strides = array<i32>} : memref<80x128xf32, #tpu.memory_space<vmem>>, vector<16xf32>,
        tpu.vector_store %arg20[%swap3A_267, %swap3A_268], %mul3A_266 {strides = array<i32>} : memref<80x128xf32, #tpu.memory_space<vmem>>, vector<16xf32>,
        %broadcast_in_dim3A_270 = arith.constant 5 : i32
        %broadcast_in_dim3A_271 = vector.broadcast %broadcast_in_dim3A_270 : i32 to vector<16xi32>
        %reshape3A_272 = vector.shape_cast %broadcast_in_dim3A_271 : vector<16xi32> to vector<16x1xi32>
        %gather3A_273 = vector.shape_cast %reshape3A_272 : vector<16x1xi32> to vector<16xi32>
        %gather3A_274 = tpu.dynamic_gather %exp3A[%gather3A_273] in [0] : vector<16xf32>, vector<16xi32> -> vector<16xf32>
        %get3A_275 = arith.index_cast %scan3A_198 : i32 to index
        %get3A_276 = arith.constant 80 : index
        %get3A_277 = tpu.vector_load %arg20[%get3A_275, %get3A_276] {strides = array<i32>} : memref<80x128xf32, #tpu.memory_space<vmem>>, vector<16xf32>,
        %mul3A_278 = arith.mulf %get3A_277, %gather3A_274 : vector<16xf32>
        %swap3A_279 = arith.index_cast %scan3A_198 : i32 to index
        %swap3A_280 = arith.constant 80 : index
        %swap3A_281 = tpu.vector_load %arg20[%swap3A_279, %swap3A_280] {strides = array<i32>} : memref<80x128xf32, #tpu.memory_space<vmem>>, vector<16xf32>,
        tpu.vector_store %arg20[%swap3A_279, %swap3A_280], %mul3A_278 {strides = array<i32>} : memref<80x128xf32, #tpu.memory_space<vmem>>, vector<16xf32>,
        %broadcast_in_dim3A_282 = arith.constant 6 : i32
        %broadcast_in_dim3A_283 = vector.broadcast %broadcast_in_dim3A_282 : i32 to vector<16xi32>
        %reshape3A_284 = vector.shape_cast %broadcast_in_dim3A_283 : vector<16xi32> to vector<16x1xi32>
        %gather3A_285 = vector.shape_cast %reshape3A_284 : vector<16x1xi32> to vector<16xi32>
        %gather3A_286 = tpu.dynamic_gather %exp3A[%gather3A_285] in [0] : vector<16xf32>, vector<16xi32> -> vector<16xf32>
        %get3A_287 = arith.index_cast %scan3A_198 : i32 to index
        %get3A_288 = arith.constant 96 : index
        %get3A_289 = tpu.vector_load %arg20[%get3A_287, %get3A_288] {strides = array<i32>} : memref<80x128xf32, #tpu.memory_space<vmem>>, vector<16xf32>,
        %mul3A_290 = arith.mulf %get3A_289, %gather3A_286 : vector<16xf32>
        %swap3A_291 = arith.index_cast %scan3A_198 : i32 to index
        %swap3A_292 = arith.constant 96 : index
        %swap3A_293 = tpu.vector_load %arg20[%swap3A_291, %swap3A_292] {strides = array<i32>} : memref<80x128xf32, #tpu.memory_space<vmem>>, vector<16xf32>,
        tpu.vector_store %arg20[%swap3A_291, %swap3A_292], %mul3A_290 {strides = array<i32>} : memref<80x128xf32, #tpu.memory_space<vmem>>, vector<16xf32>,
        %broadcast_in_dim3A_294 = arith.constant 7 : i32
        %broadcast_in_dim3A_295 = vector.broadcast %broadcast_in_dim3A_294 : i32 to vector<16xi32>
        %reshape3A_296 = vector.shape_cast %broadcast_in_dim3A_295 : vector<16xi32> to vector<16x1xi32>
        %gather3A_297 = vector.shape_cast %reshape3A_296 : vector<16x1xi32> to vector<16xi32>
        %gather3A_298 = tpu.dynamic_gather %exp3A[%gather3A_297] in [0] : vector<16xf32>, vector<16xi32> -> vector<16xf32>
        %get3A_299 = arith.index_cast %scan3A_198 : i32 to index
        %get3A_300 = arith.constant 112 : index
        %get3A_301 = tpu.vector_load %arg20[%get3A_299, %get3A_300] {strides = array<i32>} : memref<80x128xf32, #tpu.memory_space<vmem>>, vector<16xf32>,
        %mul3A_302 = arith.mulf %get3A_301, %gather3A_298 : vector<16xf32>
        %swap3A_303 = arith.index_cast %scan3A_198 : i32 to index
        %swap3A_304 = arith.constant 112 : index
        %swap3A_305 = tpu.vector_load %arg20[%swap3A_303, %swap3A_304] {strides = array<i32>} : memref<80x128xf32, #tpu.memory_space<vmem>>, vector<16xf32>,
        tpu.vector_store %arg20[%swap3A_303, %swap3A_304], %mul3A_302 {strides = array<i32>} : memref<80x128xf32, #tpu.memory_space<vmem>>, vector<16xf32>,
        %scan3A_306 = arith.constant 0 : i32
        scf.yield %scan3A_306 : i32
      }
      %scan3A_189 = arith.constant 80 : i32
      "tpu.region"() ({
        %run_scoped3A = tpu.sem_alloc : memref<!tpu.dma_semaphore, #tpu.memory_space<semaphore_mem>>
        %dma_start3A_198 = arith.constant 0 : i32
        %dma_start3A_199 = arith.constant 0 : i32
        %dma_start3A_200 = tpu.memref_slice %arg25[%dma_start3A_198, %dma_start3A_199] : memref<10240x16xf32, #tpu.memory_space<vmem_shared>> -> memref<10240x16xf32, #tpu.memory_space<vmem_shared>>
        tpu.enqueue_indirect_dma source(%arg18 : memref<80x16xf32, #tpu.memory_space<vmem>>) target(%dma_start3A_200 : memref<10240x16xf32, #tpu.memory_space<vmem_shared>>) offsets(%arg12 : memref<80xi32, #tpu.memory_space<vmem>>) semaphore(%run_scoped3A : memref<!tpu.dma_semaphore, #tpu.memory_space<semaphore_mem>>) {add = true}
        %dma_wait3A_201 = arith.constant 0 : i32
        %dma_wait3A_202 = arith.constant 0 : i32
        %dma_wait3A_203 = tpu.memref_slice %arg25[%dma_wait3A_201, %dma_wait3A_202] : memref<10240x16xf32, #tpu.memory_space<vmem_shared>> -> memref<10240x16xf32, #tpu.memory_space<vmem_shared>>
        tpu.wait_indirect_dma semaphore(%run_scoped3A : memref<!tpu.dma_semaphore, #tpu.memory_space<semaphore_mem>>) src(%arg18 : memref<80x16xf32, #tpu.memory_space<vmem>>) dst(%dma_wait3A_203 : memref<10240x16xf32, #tpu.memory_space<vmem_shared>>)
        tpu.yield
      }) : () -> ()
      "tpu.region"() ({
        %run_scoped3A = tpu.sem_alloc : memref<!tpu.dma_semaphore, #tpu.memory_space<semaphore_mem>>
        %dma_start3A_198 = arith.constant 0 : i32
        %dma_start3A_199 = arith.constant 0 : i32
        %dma_start3A_200 = tpu.memref_slice %arg26[%dma_start3A_198, %dma_start3A_199] : memref<10240x128xf32, #tpu.memory_space<vmem_shared>> -> memref<10240x128xf32, #tpu.memory_space<vmem_shared>>
        tpu.enqueue_indirect_dma source(%arg20 : memref<80x128xf32, #tpu.memory_space<vmem>>) target(%dma_start3A_200 : memref<10240x128xf32, #tpu.memory_space<vmem_shared>>) offsets(%arg12 : memref<80xi32, #tpu.memory_space<vmem>>) semaphore(%run_scoped3A : memref<!tpu.dma_semaphore, #tpu.memory_space<semaphore_mem>>) {add = true}
        %dma_wait3A_201 = arith.constant 0 : i32
        %dma_wait3A_202 = arith.constant 0 : i32
        %dma_wait3A_203 = tpu.memref_slice %arg26[%dma_wait3A_201, %dma_wait3A_202] : memref<10240x128xf32, #tpu.memory_space<vmem_shared>> -> memref<10240x128xf32, #tpu.memory_space<vmem_shared>>
        tpu.wait_indirect_dma semaphore(%run_scoped3A : memref<!tpu.dma_semaphore, #tpu.memory_space<semaphore_mem>>) src(%arg20 : memref<80x128xf32, #tpu.memory_space<vmem>>) dst(%dma_wait3A_203 : memref<10240x128xf32, #tpu.memory_space<vmem_shared>>)
        tpu.yield
      }) : () -> ()
      %add3A_190 = arith.constant 2 : i32
      %add3A_191 = arith.addi %add3A_156, %add3A_190 : i32
      %lt3A_192 = arith.constant 125 : i32
      %lt3A_193 = arith.cmpi slt, %add3A_191, %lt3A_192 : i32
      %convert_element_type3A_194 = arith.extui %lt3A_193 : i1 to i32
      %cond3A_195 = arith.constant 0 : i32
      %cond3A_196 = arith.cmpi ne, %convert_element_type3A_194, %cond3A_195 : i32
      scf.if %cond3A_196 {
        %add3A_198 = arith.constant 2 : i32
        %add3A_199 = arith.addi %add3A_156, %add3A_198 : i32
        %mul3A_200 = arith.constant 80 : i32
        %mul3A_201 = arith.muli %add3A_199, %mul3A_200 : i32
        %add3A_202 = arith.addi %mul3A_4, %mul3A_201 : i32
        %dma_start3A_203 = tpu.memref_slice %arg2[%add3A_202] : memref<320000xi32, #tpu.memory_space<hbm>> -> memref<80xi32, #tpu.memory_space<hbm>>
        %dma_start3A_204 = tpu.memref_slice %arg2[%add3A_202] : memref<320000xi32, #tpu.memory_space<hbm>> -> memref<80xi32, #tpu.memory_space<hbm>>
        tpu.enqueue_dma source(%dma_start3A_204 : memref<80xi32, #tpu.memory_space<hbm>>) target(%arg10 : memref<80xi32, #tpu.memory_space<vmem>>) target_semaphore(%arg22 : memref<!tpu.dma_semaphore, #tpu.memory_space<semaphore_mem>>)
        %dma_start3A_205 = tpu.memref_slice %arg3[%add3A_202] : memref<320000xi32, #tpu.memory_space<hbm>> -> memref<80xi32, #tpu.memory_space<hbm>>
        %dma_start3A_206 = tpu.memref_slice %arg3[%add3A_202] : memref<320000xi32, #tpu.memory_space<hbm>> -> memref<80xi32, #tpu.memory_space<hbm>>
        tpu.enqueue_dma source(%dma_start3A_206 : memref<80xi32, #tpu.memory_space<hbm>>) target(%arg12 : memref<80xi32, #tpu.memory_space<vmem>>) target_semaphore(%arg22 : memref<!tpu.dma_semaphore, #tpu.memory_space<semaphore_mem>>)
      } else {
      }
      %scan3A_197 = arith.constant 0 : i32
      scf.yield %scan3A_197 : i32
    }
    %scan3A_76 = arith.constant 62 : i32
    %dma_wait3A_77 = arith.constant 0 : i32
    %dma_wait3A_78 = arith.constant 0 : i32
    %dma_wait3A_79 = tpu.memref_slice %arg4[%dma_wait3A_77, %dma_wait3A_78] : memref<10000x16xf32, #tpu.memory_space<hbm>> -> memref<10000x16xf32, #tpu.memory_space<hbm>>
    tpu.wait_indirect_dma semaphore(%arg23 : memref<!tpu.dma_semaphore, #tpu.memory_space<semaphore_mem>>) src(%dma_wait3A_79 : memref<10000x16xf32, #tpu.memory_space<hbm>>) dst(%arg13 : memref<80x16xf32, #tpu.memory_space<vmem>>)
    %dma_wait3A_80 = arith.constant 0 : i32
    %dma_wait3A_81 = arith.constant 0 : i32
    %dma_wait3A_82 = tpu.memref_slice %arg5[%dma_wait3A_80, %dma_wait3A_81] : memref<10000x16xf32, #tpu.memory_space<hbm>> -> memref<10000x16xf32, #tpu.memory_space<hbm>>
    tpu.wait_indirect_dma semaphore(%arg23 : memref<!tpu.dma_semaphore, #tpu.memory_space<semaphore_mem>>) src(%dma_wait3A_82 : memref<10000x16xf32, #tpu.memory_space<hbm>>) dst(%arg15 : memref<80x16xf32, #tpu.memory_space<vmem>>)
    %dma_wait3A_83 = arith.constant 0 : i32
    %dma_wait3A_84 = arith.constant 0 : i32
    %dma_wait3A_85 = tpu.memref_slice %arg6[%dma_wait3A_83, %dma_wait3A_84] : memref<10000x128xf32, #tpu.memory_space<hbm>> -> memref<10000x128xf32, #tpu.memory_space<hbm>>
    tpu.wait_indirect_dma semaphore(%arg23 : memref<!tpu.dma_semaphore, #tpu.memory_space<semaphore_mem>>) src(%dma_wait3A_85 : memref<10000x128xf32, #tpu.memory_space<hbm>>) dst(%arg19 : memref<80x128xf32, #tpu.memory_space<vmem>>)
    %scan3A_86 = arith.constant 0 : i32
    %scan3A_87 = arith.constant 0 : i32
    %scan3A_88 = arith.constant 80 : i32
    %scan3A_89 = arith.addi %scan3A_87, %scan3A_88 : i32
    %scan3A_90 = arith.constant 1 : i32
    %scan3A_91 = scf.for %scan3A_110 = %scan3A_87 to %scan3A_89 step %scan3A_90 iter_args(%scan3A_111 = %scan3A_86) -> (i32)  : i32 {
      %get3A = arith.index_cast %scan3A_110 : i32 to index
      %get3A_112 = arith.constant 0 : index
      %get3A_113 = tpu.vector_load %arg13[%get3A, %get3A_112] {strides = array<i32>} : memref<80x16xf32, #tpu.memory_space<vmem>>, vector<16xf32>,
      %get3A_114 = arith.index_cast %scan3A_110 : i32 to index
      %get3A_115 = arith.constant 0 : index
      %get3A_116 = tpu.vector_load %arg15[%get3A_114, %get3A_115] {strides = array<i32>} : memref<80x16xf32, #tpu.memory_space<vmem>>, vector<16xf32>,
      %add3A_117 = arith.addf %get3A_113, %get3A_116 : vector<16xf32>
      %ge3A = arith.constant 0.000000e+00 : f32
      %ge3A_118 = vector.broadcast %ge3A : f32 to vector<16xf32>
      %ge3A_119 = arith.cmpf oge, %add3A_117, %ge3A_118 : vector<16xf32>
      %mul3A_120 = arith.constant 2.000000e-01 : f32
      %mul3A_121 = vector.broadcast %mul3A_120 : f32 to vector<16xf32>
      %mul3A_122 = arith.mulf %add3A_117, %mul3A_121 : vector<16xf32>
      %select_n3A = arith.select %ge3A_119, %add3A_117, %mul3A_122 : vector<16xi1>, vector<16xf32>
      %exp3A = math.exp %select_n3A : vector<16xf32>
      %swap3A = arith.index_cast %scan3A_110 : i32 to index
      %swap3A_123 = arith.constant 0 : index
      %swap3A_124 = tpu.vector_load %arg17[%swap3A, %swap3A_123] {strides = array<i32>} : memref<80x16xf32, #tpu.memory_space<vmem>>, vector<16xf32>,
      tpu.vector_store %arg17[%swap3A, %swap3A_123], %exp3A {strides = array<i32>} : memref<80x16xf32, #tpu.memory_space<vmem>>, vector<16xf32>,
      %broadcast_in_dim3A = arith.constant 0 : i32
      %broadcast_in_dim3A_125 = vector.broadcast %broadcast_in_dim3A : i32 to vector<16xi32>
      %reshape3A = vector.shape_cast %broadcast_in_dim3A_125 : vector<16xi32> to vector<16x1xi32>
      %gather3A = vector.shape_cast %reshape3A : vector<16x1xi32> to vector<16xi32>
      %gather3A_126 = tpu.dynamic_gather %exp3A[%gather3A] in [0] : vector<16xf32>, vector<16xi32> -> vector<16xf32>
      %get3A_127 = arith.index_cast %scan3A_110 : i32 to index
      %get3A_128 = arith.constant 0 : index
      %get3A_129 = tpu.vector_load %arg19[%get3A_127, %get3A_128] {strides = array<i32>} : memref<80x128xf32, #tpu.memory_space<vmem>>, vector<16xf32>,
      %mul3A_130 = arith.mulf %get3A_129, %gather3A_126 : vector<16xf32>
      %swap3A_131 = arith.index_cast %scan3A_110 : i32 to index
      %swap3A_132 = arith.constant 0 : index
      %swap3A_133 = tpu.vector_load %arg19[%swap3A_131, %swap3A_132] {strides = array<i32>} : memref<80x128xf32, #tpu.memory_space<vmem>>, vector<16xf32>,
      tpu.vector_store %arg19[%swap3A_131, %swap3A_132], %mul3A_130 {strides = array<i32>} : memref<80x128xf32, #tpu.memory_space<vmem>>, vector<16xf32>,
      %broadcast_in_dim3A_134 = arith.constant 1 : i32
      %broadcast_in_dim3A_135 = vector.broadcast %broadcast_in_dim3A_134 : i32 to vector<16xi32>
      %reshape3A_136 = vector.shape_cast %broadcast_in_dim3A_135 : vector<16xi32> to vector<16x1xi32>
      %gather3A_137 = vector.shape_cast %reshape3A_136 : vector<16x1xi32> to vector<16xi32>
      %gather3A_138 = tpu.dynamic_gather %exp3A[%gather3A_137] in [0] : vector<16xf32>, vector<16xi32> -> vector<16xf32>
      %get3A_139 = arith.index_cast %scan3A_110 : i32 to index
      %get3A_140 = arith.constant 16 : index
      %get3A_141 = tpu.vector_load %arg19[%get3A_139, %get3A_140] {strides = array<i32>} : memref<80x128xf32, #tpu.memory_space<vmem>>, vector<16xf32>,
      %mul3A_142 = arith.mulf %get3A_141, %gather3A_138 : vector<16xf32>
      %swap3A_143 = arith.index_cast %scan3A_110 : i32 to index
      %swap3A_144 = arith.constant 16 : index
      %swap3A_145 = tpu.vector_load %arg19[%swap3A_143, %swap3A_144] {strides = array<i32>} : memref<80x128xf32, #tpu.memory_space<vmem>>, vector<16xf32>,
      tpu.vector_store %arg19[%swap3A_143, %swap3A_144], %mul3A_142 {strides = array<i32>} : memref<80x128xf32, #tpu.memory_space<vmem>>, vector<16xf32>,
      %broadcast_in_dim3A_146 = arith.constant 2 : i32
      %broadcast_in_dim3A_147 = vector.broadcast %broadcast_in_dim3A_146 : i32 to vector<16xi32>
      %reshape3A_148 = vector.shape_cast %broadcast_in_dim3A_147 : vector<16xi32> to vector<16x1xi32>
      %gather3A_149 = vector.shape_cast %reshape3A_148 : vector<16x1xi32> to vector<16xi32>
      %gather3A_150 = tpu.dynamic_gather %exp3A[%gather3A_149] in [0] : vector<16xf32>, vector<16xi32> -> vector<16xf32>
      %get3A_151 = arith.index_cast %scan3A_110 : i32 to index
      %get3A_152 = arith.constant 32 : index
      %get3A_153 = tpu.vector_load %arg19[%get3A_151, %get3A_152] {strides = array<i32>} : memref<80x128xf32, #tpu.memory_space<vmem>>, vector<16xf32>,
      %mul3A_154 = arith.mulf %get3A_153, %gather3A_150 : vector<16xf32>
      %swap3A_155 = arith.index_cast %scan3A_110 : i32 to index
      %swap3A_156 = arith.constant 32 : index
      %swap3A_157 = tpu.vector_load %arg19[%swap3A_155, %swap3A_156] {strides = array<i32>} : memref<80x128xf32, #tpu.memory_space<vmem>>, vector<16xf32>,
      tpu.vector_store %arg19[%swap3A_155, %swap3A_156], %mul3A_154 {strides = array<i32>} : memref<80x128xf32, #tpu.memory_space<vmem>>, vector<16xf32>,
      %broadcast_in_dim3A_158 = arith.constant 3 : i32
      %broadcast_in_dim3A_159 = vector.broadcast %broadcast_in_dim3A_158 : i32 to vector<16xi32>
      %reshape3A_160 = vector.shape_cast %broadcast_in_dim3A_159 : vector<16xi32> to vector<16x1xi32>
      %gather3A_161 = vector.shape_cast %reshape3A_160 : vector<16x1xi32> to vector<16xi32>
      %gather3A_162 = tpu.dynamic_gather %exp3A[%gather3A_161] in [0] : vector<16xf32>, vector<16xi32> -> vector<16xf32>
      %get3A_163 = arith.index_cast %scan3A_110 : i32 to index
      %get3A_164 = arith.constant 48 : index
      %get3A_165 = tpu.vector_load %arg19[%get3A_163, %get3A_164] {strides = array<i32>} : memref<80x128xf32, #tpu.memory_space<vmem>>, vector<16xf32>,
      %mul3A_166 = arith.mulf %get3A_165, %gather3A_162 : vector<16xf32>
      %swap3A_167 = arith.index_cast %scan3A_110 : i32 to index
      %swap3A_168 = arith.constant 48 : index
      %swap3A_169 = tpu.vector_load %arg19[%swap3A_167, %swap3A_168] {strides = array<i32>} : memref<80x128xf32, #tpu.memory_space<vmem>>, vector<16xf32>,
      tpu.vector_store %arg19[%swap3A_167, %swap3A_168], %mul3A_166 {strides = array<i32>} : memref<80x128xf32, #tpu.memory_space<vmem>>, vector<16xf32>,
      %broadcast_in_dim3A_170 = arith.constant 4 : i32
      %broadcast_in_dim3A_171 = vector.broadcast %broadcast_in_dim3A_170 : i32 to vector<16xi32>
      %reshape3A_172 = vector.shape_cast %broadcast_in_dim3A_171 : vector<16xi32> to vector<16x1xi32>
      %gather3A_173 = vector.shape_cast %reshape3A_172 : vector<16x1xi32> to vector<16xi32>
      %gather3A_174 = tpu.dynamic_gather %exp3A[%gather3A_173] in [0] : vector<16xf32>, vector<16xi32> -> vector<16xf32>
      %get3A_175 = arith.index_cast %scan3A_110 : i32 to index
      %get3A_176 = arith.constant 64 : index
      %get3A_177 = tpu.vector_load %arg19[%get3A_175, %get3A_176] {strides = array<i32>} : memref<80x128xf32, #tpu.memory_space<vmem>>, vector<16xf32>,
      %mul3A_178 = arith.mulf %get3A_177, %gather3A_174 : vector<16xf32>
      %swap3A_179 = arith.index_cast %scan3A_110 : i32 to index
      %swap3A_180 = arith.constant 64 : index
      %swap3A_181 = tpu.vector_load %arg19[%swap3A_179, %swap3A_180] {strides = array<i32>} : memref<80x128xf32, #tpu.memory_space<vmem>>, vector<16xf32>,
      tpu.vector_store %arg19[%swap3A_179, %swap3A_180], %mul3A_178 {strides = array<i32>} : memref<80x128xf32, #tpu.memory_space<vmem>>, vector<16xf32>,
      %broadcast_in_dim3A_182 = arith.constant 5 : i32
      %broadcast_in_dim3A_183 = vector.broadcast %broadcast_in_dim3A_182 : i32 to vector<16xi32>
      %reshape3A_184 = vector.shape_cast %broadcast_in_dim3A_183 : vector<16xi32> to vector<16x1xi32>
      %gather3A_185 = vector.shape_cast %reshape3A_184 : vector<16x1xi32> to vector<16xi32>
      %gather3A_186 = tpu.dynamic_gather %exp3A[%gather3A_185] in [0] : vector<16xf32>, vector<16xi32> -> vector<16xf32>
      %get3A_187 = arith.index_cast %scan3A_110 : i32 to index
      %get3A_188 = arith.constant 80 : index
      %get3A_189 = tpu.vector_load %arg19[%get3A_187, %get3A_188] {strides = array<i32>} : memref<80x128xf32, #tpu.memory_space<vmem>>, vector<16xf32>,
      %mul3A_190 = arith.mulf %get3A_189, %gather3A_186 : vector<16xf32>
      %swap3A_191 = arith.index_cast %scan3A_110 : i32 to index
      %swap3A_192 = arith.constant 80 : index
      %swap3A_193 = tpu.vector_load %arg19[%swap3A_191, %swap3A_192] {strides = array<i32>} : memref<80x128xf32, #tpu.memory_space<vmem>>, vector<16xf32>,
      tpu.vector_store %arg19[%swap3A_191, %swap3A_192], %mul3A_190 {strides = array<i32>} : memref<80x128xf32, #tpu.memory_space<vmem>>, vector<16xf32>,
      %broadcast_in_dim3A_194 = arith.constant 6 : i32
      %broadcast_in_dim3A_195 = vector.broadcast %broadcast_in_dim3A_194 : i32 to vector<16xi32>
      %reshape3A_196 = vector.shape_cast %broadcast_in_dim3A_195 : vector<16xi32> to vector<16x1xi32>
      %gather3A_197 = vector.shape_cast %reshape3A_196 : vector<16x1xi32> to vector<16xi32>
      %gather3A_198 = tpu.dynamic_gather %exp3A[%gather3A_197] in [0] : vector<16xf32>, vector<16xi32> -> vector<16xf32>
      %get3A_199 = arith.index_cast %scan3A_110 : i32 to index
      %get3A_200 = arith.constant 96 : index
      %get3A_201 = tpu.vector_load %arg19[%get3A_199, %get3A_200] {strides = array<i32>} : memref<80x128xf32, #tpu.memory_space<vmem>>, vector<16xf32>,
      %mul3A_202 = arith.mulf %get3A_201, %gather3A_198 : vector<16xf32>
      %swap3A_203 = arith.index_cast %scan3A_110 : i32 to index
      %swap3A_204 = arith.constant 96 : index
      %swap3A_205 = tpu.vector_load %arg19[%swap3A_203, %swap3A_204] {strides = array<i32>} : memref<80x128xf32, #tpu.memory_space<vmem>>, vector<16xf32>,
      tpu.vector_store %arg19[%swap3A_203, %swap3A_204], %mul3A_202 {strides = array<i32>} : memref<80x128xf32, #tpu.memory_space<vmem>>, vector<16xf32>,
      %broadcast_in_dim3A_206 = arith.constant 7 : i32
      %broadcast_in_dim3A_207 = vector.broadcast %broadcast_in_dim3A_206 : i32 to vector<16xi32>
      %reshape3A_208 = vector.shape_cast %broadcast_in_dim3A_207 : vector<16xi32> to vector<16x1xi32>
      %gather3A_209 = vector.shape_cast %reshape3A_208 : vector<16x1xi32> to vector<16xi32>
      %gather3A_210 = tpu.dynamic_gather %exp3A[%gather3A_209] in [0] : vector<16xf32>, vector<16xi32> -> vector<16xf32>
      %get3A_211 = arith.index_cast %scan3A_110 : i32 to index
      %get3A_212 = arith.constant 112 : index
      %get3A_213 = tpu.vector_load %arg19[%get3A_211, %get3A_212] {strides = array<i32>} : memref<80x128xf32, #tpu.memory_space<vmem>>, vector<16xf32>,
      %mul3A_214 = arith.mulf %get3A_213, %gather3A_210 : vector<16xf32>
      %swap3A_215 = arith.index_cast %scan3A_110 : i32 to index
      %swap3A_216 = arith.constant 112 : index
      %swap3A_217 = tpu.vector_load %arg19[%swap3A_215, %swap3A_216] {strides = array<i32>} : memref<80x128xf32, #tpu.memory_space<vmem>>, vector<16xf32>,
      tpu.vector_store %arg19[%swap3A_215, %swap3A_216], %mul3A_214 {strides = array<i32>} : memref<80x128xf32, #tpu.memory_space<vmem>>, vector<16xf32>,
      %scan3A_218 = arith.constant 0 : i32
      scf.yield %scan3A_218 : i32
    }
    %scan3A_92 = arith.constant 80 : i32
    "tpu.region"() ({
      %run_scoped3A = tpu.sem_alloc : memref<!tpu.dma_semaphore, #tpu.memory_space<semaphore_mem>>
      %dma_start3A_110 = arith.constant 0 : i32
      %dma_start3A_111 = arith.constant 0 : i32
      %dma_start3A_112 = tpu.memref_slice %arg25[%dma_start3A_110, %dma_start3A_111] : memref<10240x16xf32, #tpu.memory_space<vmem_shared>> -> memref<10240x16xf32, #tpu.memory_space<vmem_shared>>
      tpu.enqueue_indirect_dma source(%arg17 : memref<80x16xf32, #tpu.memory_space<vmem>>) target(%dma_start3A_112 : memref<10240x16xf32, #tpu.memory_space<vmem_shared>>) offsets(%arg11 : memref<80xi32, #tpu.memory_space<vmem>>) semaphore(%run_scoped3A : memref<!tpu.dma_semaphore, #tpu.memory_space<semaphore_mem>>) {add = true}
      %dma_wait3A_113 = arith.constant 0 : i32
      %dma_wait3A_114 = arith.constant 0 : i32
      %dma_wait3A_115 = tpu.memref_slice %arg25[%dma_wait3A_113, %dma_wait3A_114] : memref<10240x16xf32, #tpu.memory_space<vmem_shared>> -> memref<10240x16xf32, #tpu.memory_space<vmem_shared>>
      tpu.wait_indirect_dma semaphore(%run_scoped3A : memref<!tpu.dma_semaphore, #tpu.memory_space<semaphore_mem>>) src(%arg17 : memref<80x16xf32, #tpu.memory_space<vmem>>) dst(%dma_wait3A_115 : memref<10240x16xf32, #tpu.memory_space<vmem_shared>>)
      tpu.yield
    }) : () -> ()
    "tpu.region"() ({
      %run_scoped3A = tpu.sem_alloc : memref<!tpu.dma_semaphore, #tpu.memory_space<semaphore_mem>>
      %dma_start3A_110 = arith.constant 0 : i32
      %dma_start3A_111 = arith.constant 0 : i32
      %dma_start3A_112 = tpu.memref_slice %arg26[%dma_start3A_110, %dma_start3A_111] : memref<10240x128xf32, #tpu.memory_space<vmem_shared>> -> memref<10240x128xf32, #tpu.memory_space<vmem_shared>>
      tpu.enqueue_indirect_dma source(%arg19 : memref<80x128xf32, #tpu.memory_space<vmem>>) target(%dma_start3A_112 : memref<10240x128xf32, #tpu.memory_space<vmem_shared>>) offsets(%arg11 : memref<80xi32, #tpu.memory_space<vmem>>) semaphore(%run_scoped3A : memref<!tpu.dma_semaphore, #tpu.memory_space<semaphore_mem>>) {add = true}
      %dma_wait3A_113 = arith.constant 0 : i32
      %dma_wait3A_114 = arith.constant 0 : i32
      %dma_wait3A_115 = tpu.memref_slice %arg26[%dma_wait3A_113, %dma_wait3A_114] : memref<10240x128xf32, #tpu.memory_space<vmem_shared>> -> memref<10240x128xf32, #tpu.memory_space<vmem_shared>>
      tpu.wait_indirect_dma semaphore(%run_scoped3A : memref<!tpu.dma_semaphore, #tpu.memory_space<semaphore_mem>>) src(%arg19 : memref<80x128xf32, #tpu.memory_space<vmem>>) dst(%dma_wait3A_115 : memref<10240x128xf32, #tpu.memory_space<vmem_shared>>)
      tpu.yield
    }) : () -> ()
    %barrier3A_93 = arith.constant 0 : index
    tpu.barrier barrier_id(%barrier3A_93)
    "tpu.region"() ({
      %run_scoped3A = tpu.sem_alloc : memref<!tpu.dma_semaphore, #tpu.memory_space<semaphore_mem>>
      %dma_start3A_110 = arith.constant 0 : i32
      %dma_start3A_111 = tpu.memref_slice %arg7[%arg0, %mul3A_2, %dma_start3A_110] : memref<2x10240x16xf32, #tpu.memory_space<hbm>> -> memref<1x640x16xf32, #tpu.memory_space<hbm>>
      %dma_start3A_112 = tpu.memref_squeeze %dma_start3A_111 : memref<1x640x16xf32, #tpu.memory_space<hbm>> -> memref<640x16xf32, #tpu.memory_space<hbm>>
      %dma_start3A_113 = arith.constant 0 : i32
      %dma_start3A_114 = tpu.memref_slice %arg25[%mul3A_2, %dma_start3A_113] : memref<10240x16xf32, #tpu.memory_space<vmem_shared>> -> memref<640x16xf32, #tpu.memory_space<vmem_shared>>
      tpu.enqueue_dma source(%dma_start3A_114 : memref<640x16xf32, #tpu.memory_space<vmem_shared>>) target(%dma_start3A_112 : memref<640x16xf32, #tpu.memory_space<hbm>>) target_semaphore(%run_scoped3A : memref<!tpu.dma_semaphore, #tpu.memory_space<semaphore_mem>>)
      %dma_wait3A_115 = arith.constant 0 : i32
      %dma_wait3A_116 = tpu.memref_slice %arg7[%arg0, %mul3A_2, %dma_wait3A_115] : memref<2x10240x16xf32, #tpu.memory_space<hbm>> -> memref<1x640x16xf32, #tpu.memory_space<hbm>>
      %dma_wait3A_117 = tpu.memref_squeeze %dma_wait3A_116 : memref<1x640x16xf32, #tpu.memory_space<hbm>> -> memref<640x16xf32, #tpu.memory_space<hbm>>
      %dma_wait3A_118 = arith.constant 0 : i32
      %dma_wait3A_119 = tpu.memref_slice %arg25[%mul3A_2, %dma_wait3A_118] : memref<10240x16xf32, #tpu.memory_space<vmem_shared>> -> memref<640x16xf32, #tpu.memory_space<vmem_shared>>
      tpu.wait_dma2 semaphore(%run_scoped3A : memref<!tpu.dma_semaphore, #tpu.memory_space<semaphore_mem>>) src(%dma_wait3A_119 : memref<640x16xf32, #tpu.memory_space<vmem_shared>>) dst(%dma_wait3A_117 : memref<640x16xf32, #tpu.memory_space<hbm>>)
      tpu.yield
    }) : () -> ()
    %add3A_94 = arith.constant 0 : i32
    %add3A_95 = arith.addi %mul3A_2, %add3A_94 : i32
    "tpu.region"() ({
      %run_scoped3A = tpu.sem_alloc : memref<!tpu.dma_semaphore, #tpu.memory_space<semaphore_mem>>
      %dma_start3A_110 = arith.constant 0 : i32
      %dma_start3A_111 = tpu.memref_slice %arg8[%arg0, %add3A_95, %dma_start3A_110] : memref<2x10240x128xf32, #tpu.memory_space<hbm>> -> memref<1x80x128xf32, #tpu.memory_space<hbm>>
      %dma_start3A_112 = tpu.memref_squeeze %dma_start3A_111 : memref<1x80x128xf32, #tpu.memory_space<hbm>> -> memref<80x128xf32, #tpu.memory_space<hbm>>
      %dma_start3A_113 = arith.constant 0 : i32
      %dma_start3A_114 = tpu.memref_slice %arg26[%add3A_95, %dma_start3A_113] : memref<10240x128xf32, #tpu.memory_space<vmem_shared>> -> memref<80x128xf32, #tpu.memory_space<vmem_shared>>
      tpu.enqueue_dma source(%dma_start3A_114 : memref<80x128xf32, #tpu.memory_space<vmem_shared>>) target(%dma_start3A_112 : memref<80x128xf32, #tpu.memory_space<hbm>>) target_semaphore(%run_scoped3A : memref<!tpu.dma_semaphore, #tpu.memory_space<semaphore_mem>>)
      %dma_wait3A_115 = arith.constant 0 : i32
      %dma_wait3A_116 = tpu.memref_slice %arg8[%arg0, %add3A_95, %dma_wait3A_115] : memref<2x10240x128xf32, #tpu.memory_space<hbm>> -> memref<1x80x128xf32, #tpu.memory_space<hbm>>
      %dma_wait3A_117 = tpu.memref_squeeze %dma_wait3A_116 : memref<1x80x128xf32, #tpu.memory_space<hbm>> -> memref<80x128xf32, #tpu.memory_space<hbm>>
      %dma_wait3A_118 = arith.constant 0 : i32
      %dma_wait3A_119 = tpu.memref_slice %arg26[%add3A_95, %dma_wait3A_118] : memref<10240x128xf32, #tpu.memory_space<vmem_shared>> -> memref<80x128xf32, #tpu.memory_space<vmem_shared>>
      tpu.wait_dma2 semaphore(%run_scoped3A : memref<!tpu.dma_semaphore, #tpu.memory_space<semaphore_mem>>) src(%dma_wait3A_119 : memref<80x128xf32, #tpu.memory_space<vmem_shared>>) dst(%dma_wait3A_117 : memref<80x128xf32, #tpu.memory_space<hbm>>)
      tpu.yield
    }) : () -> ()
    %add3A_96 = arith.constant 80 : i32
    %add3A_97 = arith.addi %mul3A_2, %add3A_96 : i32
    "tpu.region"() ({
      %run_scoped3A = tpu.sem_alloc : memref<!tpu.dma_semaphore, #tpu.memory_space<semaphore_mem>>
      %dma_start3A_110 = arith.constant 0 : i32
      %dma_start3A_111 = tpu.memref_slice %arg8[%arg0, %add3A_97, %dma_start3A_110] : memref<2x10240x128xf32, #tpu.memory_space<hbm>> -> memref<1x80x128xf32, #tpu.memory_space<hbm>>
      %dma_start3A_112 = tpu.memref_squeeze %dma_start3A_111 : memref<1x80x128xf32, #tpu.memory_space<hbm>> -> memref<80x128xf32, #tpu.memory_space<hbm>>
      %dma_start3A_113 = arith.constant 0 : i32
      %dma_start3A_114 = tpu.memref_slice %arg26[%add3A_97, %dma_start3A_113] : memref<10240x128xf32, #tpu.memory_space<vmem_shared>> -> memref<80x128xf32, #tpu.memory_space<vmem_shared>>
      tpu.enqueue_dma source(%dma_start3A_114 : memref<80x128xf32, #tpu.memory_space<vmem_shared>>) target(%dma_start3A_112 : memref<80x128xf32, #tpu.memory_space<hbm>>) target_semaphore(%run_scoped3A : memref<!tpu.dma_semaphore, #tpu.memory_space<semaphore_mem>>)
      %dma_wait3A_115 = arith.constant 0 : i32
      %dma_wait3A_116 = tpu.memref_slice %arg8[%arg0, %add3A_97, %dma_wait3A_115] : memref<2x10240x128xf32, #tpu.memory_space<hbm>> -> memref<1x80x128xf32, #tpu.memory_space<hbm>>
      %dma_wait3A_117 = tpu.memref_squeeze %dma_wait3A_116 : memref<1x80x128xf32, #tpu.memory_space<hbm>> -> memref<80x128xf32, #tpu.memory_space<hbm>>
      %dma_wait3A_118 = arith.constant 0 : i32
      %dma_wait3A_119 = tpu.memref_slice %arg26[%add3A_97, %dma_wait3A_118] : memref<10240x128xf32, #tpu.memory_space<vmem_shared>> -> memref<80x128xf32, #tpu.memory_space<vmem_shared>>
      tpu.wait_dma2 semaphore(%run_scoped3A : memref<!tpu.dma_semaphore, #tpu.memory_space<semaphore_mem>>) src(%dma_wait3A_119 : memref<80x128xf32, #tpu.memory_space<vmem_shared>>) dst(%dma_wait3A_117 : memref<80x128xf32, #tpu.memory_space<hbm>>)
      tpu.yield
    }) : () -> ()
    %add3A_98 = arith.constant 160 : i32
    %add3A_99 = arith.addi %mul3A_2, %add3A_98 : i32
    "tpu.region"() ({
      %run_scoped3A = tpu.sem_alloc : memref<!tpu.dma_semaphore, #tpu.memory_space<semaphore_mem>>
      %dma_start3A_110 = arith.constant 0 : i32
      %dma_start3A_111 = tpu.memref_slice %arg8[%arg0, %add3A_99, %dma_start3A_110] : memref<2x10240x128xf32, #tpu.memory_space<hbm>> -> memref<1x80x128xf32, #tpu.memory_space<hbm>>
      %dma_start3A_112 = tpu.memref_squeeze %dma_start3A_111 : memref<1x80x128xf32, #tpu.memory_space<hbm>> -> memref<80x128xf32, #tpu.memory_space<hbm>>
      %dma_start3A_113 = arith.constant 0 : i32
      %dma_start3A_114 = tpu.memref_slice %arg26[%add3A_99, %dma_start3A_113] : memref<10240x128xf32, #tpu.memory_space<vmem_shared>> -> memref<80x128xf32, #tpu.memory_space<vmem_shared>>
      tpu.enqueue_dma source(%dma_start3A_114 : memref<80x128xf32, #tpu.memory_space<vmem_shared>>) target(%dma_start3A_112 : memref<80x128xf32, #tpu.memory_space<hbm>>) target_semaphore(%run_scoped3A : memref<!tpu.dma_semaphore, #tpu.memory_space<semaphore_mem>>)
      %dma_wait3A_115 = arith.constant 0 : i32
      %dma_wait3A_116 = tpu.memref_slice %arg8[%arg0, %add3A_99, %dma_wait3A_115] : memref<2x10240x128xf32, #tpu.memory_space<hbm>> -> memref<1x80x128xf32, #tpu.memory_space<hbm>>
      %dma_wait3A_117 = tpu.memref_squeeze %dma_wait3A_116 : memref<1x80x128xf32, #tpu.memory_space<hbm>> -> memref<80x128xf32, #tpu.memory_space<hbm>>
      %dma_wait3A_118 = arith.constant 0 : i32
      %dma_wait3A_119 = tpu.memref_slice %arg26[%add3A_99, %dma_wait3A_118] : memref<10240x128xf32, #tpu.memory_space<vmem_shared>> -> memref<80x128xf32, #tpu.memory_space<vmem_shared>>
      tpu.wait_dma2 semaphore(%run_scoped3A : memref<!tpu.dma_semaphore, #tpu.memory_space<semaphore_mem>>) src(%dma_wait3A_119 : memref<80x128xf32, #tpu.memory_space<vmem_shared>>) dst(%dma_wait3A_117 : memref<80x128xf32, #tpu.memory_space<hbm>>)
      tpu.yield
    }) : () -> ()
    %add3A_100 = arith.constant 240 : i32
    %add3A_101 = arith.addi %mul3A_2, %add3A_100 : i32
    "tpu.region"() ({
      %run_scoped3A = tpu.sem_alloc : memref<!tpu.dma_semaphore, #tpu.memory_space<semaphore_mem>>
      %dma_start3A_110 = arith.constant 0 : i32
      %dma_start3A_111 = tpu.memref_slice %arg8[%arg0, %add3A_101, %dma_start3A_110] : memref<2x10240x128xf32, #tpu.memory_space<hbm>> -> memref<1x80x128xf32, #tpu.memory_space<hbm>>
      %dma_start3A_112 = tpu.memref_squeeze %dma_start3A_111 : memref<1x80x128xf32, #tpu.memory_space<hbm>> -> memref<80x128xf32, #tpu.memory_space<hbm>>
      %dma_start3A_113 = arith.constant 0 : i32
      %dma_start3A_114 = tpu.memref_slice %arg26[%add3A_101, %dma_start3A_113] : memref<10240x128xf32, #tpu.memory_space<vmem_shared>> -> memref<80x128xf32, #tpu.memory_space<vmem_shared>>
      tpu.enqueue_dma source(%dma_start3A_114 : memref<80x128xf32, #tpu.memory_space<vmem_shared>>) target(%dma_start3A_112 : memref<80x128xf32, #tpu.memory_space<hbm>>) target_semaphore(%run_scoped3A : memref<!tpu.dma_semaphore, #tpu.memory_space<semaphore_mem>>)
      %dma_wait3A_115 = arith.constant 0 : i32
      %dma_wait3A_116 = tpu.memref_slice %arg8[%arg0, %add3A_101, %dma_wait3A_115] : memref<2x10240x128xf32, #tpu.memory_space<hbm>> -> memref<1x80x128xf32, #tpu.memory_space<hbm>>
      %dma_wait3A_117 = tpu.memref_squeeze %dma_wait3A_116 : memref<1x80x128xf32, #tpu.memory_space<hbm>> -> memref<80x128xf32, #tpu.memory_space<hbm>>
      %dma_wait3A_118 = arith.constant 0 : i32
      %dma_wait3A_119 = tpu.memref_slice %arg26[%add3A_101, %dma_wait3A_118] : memref<10240x128xf32, #tpu.memory_space<vmem_shared>> -> memref<80x128xf32, #tpu.memory_space<vmem_shared>>
      tpu.wait_dma2 semaphore(%run_scoped3A : memref<!tpu.dma_semaphore, #tpu.memory_space<semaphore_mem>>) src(%dma_wait3A_119 : memref<80x128xf32, #tpu.memory_space<vmem_shared>>) dst(%dma_wait3A_117 : memref<80x128xf32, #tpu.memory_space<hbm>>)
      tpu.yield
    }) : () -> ()
    %add3A_102 = arith.constant 320 : i32
    %add3A_103 = arith.addi %mul3A_2, %add3A_102 : i32
    "tpu.region"() ({
      %run_scoped3A = tpu.sem_alloc : memref<!tpu.dma_semaphore, #tpu.memory_space<semaphore_mem>>
      %dma_start3A_110 = arith.constant 0 : i32
      %dma_start3A_111 = tpu.memref_slice %arg8[%arg0, %add3A_103, %dma_start3A_110] : memref<2x10240x128xf32, #tpu.memory_space<hbm>> -> memref<1x80x128xf32, #tpu.memory_space<hbm>>
      %dma_start3A_112 = tpu.memref_squeeze %dma_start3A_111 : memref<1x80x128xf32, #tpu.memory_space<hbm>> -> memref<80x128xf32, #tpu.memory_space<hbm>>
      %dma_start3A_113 = arith.constant 0 : i32
      %dma_start3A_114 = tpu.memref_slice %arg26[%add3A_103, %dma_start3A_113] : memref<10240x128xf32, #tpu.memory_space<vmem_shared>> -> memref<80x128xf32, #tpu.memory_space<vmem_shared>>
      tpu.enqueue_dma source(%dma_start3A_114 : memref<80x128xf32, #tpu.memory_space<vmem_shared>>) target(%dma_start3A_112 : memref<80x128xf32, #tpu.memory_space<hbm>>) target_semaphore(%run_scoped3A : memref<!tpu.dma_semaphore, #tpu.memory_space<semaphore_mem>>)
      %dma_wait3A_115 = arith.constant 0 : i32
      %dma_wait3A_116 = tpu.memref_slice %arg8[%arg0, %add3A_103, %dma_wait3A_115] : memref<2x10240x128xf32, #tpu.memory_space<hbm>> -> memref<1x80x128xf32, #tpu.memory_space<hbm>>
      %dma_wait3A_117 = tpu.memref_squeeze %dma_wait3A_116 : memref<1x80x128xf32, #tpu.memory_space<hbm>> -> memref<80x128xf32, #tpu.memory_space<hbm>>
      %dma_wait3A_118 = arith.constant 0 : i32
      %dma_wait3A_119 = tpu.memref_slice %arg26[%add3A_103, %dma_wait3A_118] : memref<10240x128xf32, #tpu.memory_space<vmem_shared>> -> memref<80x128xf32, #tpu.memory_space<vmem_shared>>
      tpu.wait_dma2 semaphore(%run_scoped3A : memref<!tpu.dma_semaphore, #tpu.memory_space<semaphore_mem>>) src(%dma_wait3A_119 : memref<80x128xf32, #tpu.memory_space<vmem_shared>>) dst(%dma_wait3A_117 : memref<80x128xf32, #tpu.memory_space<hbm>>)
      tpu.yield
    }) : () -> ()
    %add3A_104 = arith.constant 400 : i32
    %add3A_105 = arith.addi %mul3A_2, %add3A_104 : i32
    "tpu.region"() ({
      %run_scoped3A = tpu.sem_alloc : memref<!tpu.dma_semaphore, #tpu.memory_space<semaphore_mem>>
      %dma_start3A_110 = arith.constant 0 : i32
      %dma_start3A_111 = tpu.memref_slice %arg8[%arg0, %add3A_105, %dma_start3A_110] : memref<2x10240x128xf32, #tpu.memory_space<hbm>> -> memref<1x80x128xf32, #tpu.memory_space<hbm>>
      %dma_start3A_112 = tpu.memref_squeeze %dma_start3A_111 : memref<1x80x128xf32, #tpu.memory_space<hbm>> -> memref<80x128xf32, #tpu.memory_space<hbm>>
      %dma_start3A_113 = arith.constant 0 : i32
      %dma_start3A_114 = tpu.memref_slice %arg26[%add3A_105, %dma_start3A_113] : memref<10240x128xf32, #tpu.memory_space<vmem_shared>> -> memref<80x128xf32, #tpu.memory_space<vmem_shared>>
      tpu.enqueue_dma source(%dma_start3A_114 : memref<80x128xf32, #tpu.memory_space<vmem_shared>>) target(%dma_start3A_112 : memref<80x128xf32, #tpu.memory_space<hbm>>) target_semaphore(%run_scoped3A : memref<!tpu.dma_semaphore, #tpu.memory_space<semaphore_mem>>)
      %dma_wait3A_115 = arith.constant 0 : i32
      %dma_wait3A_116 = tpu.memref_slice %arg8[%arg0, %add3A_105, %dma_wait3A_115] : memref<2x10240x128xf32, #tpu.memory_space<hbm>> -> memref<1x80x128xf32, #tpu.memory_space<hbm>>
      %dma_wait3A_117 = tpu.memref_squeeze %dma_wait3A_116 : memref<1x80x128xf32, #tpu.memory_space<hbm>> -> memref<80x128xf32, #tpu.memory_space<hbm>>
      %dma_wait3A_118 = arith.constant 0 : i32
      %dma_wait3A_119 = tpu.memref_slice %arg26[%add3A_105, %dma_wait3A_118] : memref<10240x128xf32, #tpu.memory_space<vmem_shared>> -> memref<80x128xf32, #tpu.memory_space<vmem_shared>>
      tpu.wait_dma2 semaphore(%run_scoped3A : memref<!tpu.dma_semaphore, #tpu.memory_space<semaphore_mem>>) src(%dma_wait3A_119 : memref<80x128xf32, #tpu.memory_space<vmem_shared>>) dst(%dma_wait3A_117 : memref<80x128xf32, #tpu.memory_space<hbm>>)
      tpu.yield
    }) : () -> ()
    %add3A_106 = arith.constant 480 : i32
    %add3A_107 = arith.addi %mul3A_2, %add3A_106 : i32
    "tpu.region"() ({
      %run_scoped3A = tpu.sem_alloc : memref<!tpu.dma_semaphore, #tpu.memory_space<semaphore_mem>>
      %dma_start3A_110 = arith.constant 0 : i32
      %dma_start3A_111 = tpu.memref_slice %arg8[%arg0, %add3A_107, %dma_start3A_110] : memref<2x10240x128xf32, #tpu.memory_space<hbm>> -> memref<1x80x128xf32, #tpu.memory_space<hbm>>
      %dma_start3A_112 = tpu.memref_squeeze %dma_start3A_111 : memref<1x80x128xf32, #tpu.memory_space<hbm>> -> memref<80x128xf32, #tpu.memory_space<hbm>>
      %dma_start3A_113 = arith.constant 0 : i32
      %dma_start3A_114 = tpu.memref_slice %arg26[%add3A_107, %dma_start3A_113] : memref<10240x128xf32, #tpu.memory_space<vmem_shared>> -> memref<80x128xf32, #tpu.memory_space<vmem_shared>>
      tpu.enqueue_dma source(%dma_start3A_114 : memref<80x128xf32, #tpu.memory_space<vmem_shared>>) target(%dma_start3A_112 : memref<80x128xf32, #tpu.memory_space<hbm>>) target_semaphore(%run_scoped3A : memref<!tpu.dma_semaphore, #tpu.memory_space<semaphore_mem>>)
      %dma_wait3A_115 = arith.constant 0 : i32
      %dma_wait3A_116 = tpu.memref_slice %arg8[%arg0, %add3A_107, %dma_wait3A_115] : memref<2x10240x128xf32, #tpu.memory_space<hbm>> -> memref<1x80x128xf32, #tpu.memory_space<hbm>>
      %dma_wait3A_117 = tpu.memref_squeeze %dma_wait3A_116 : memref<1x80x128xf32, #tpu.memory_space<hbm>> -> memref<80x128xf32, #tpu.memory_space<hbm>>
      %dma_wait3A_118 = arith.constant 0 : i32
      %dma_wait3A_119 = tpu.memref_slice %arg26[%add3A_107, %dma_wait3A_118] : memref<10240x128xf32, #tpu.memory_space<vmem_shared>> -> memref<80x128xf32, #tpu.memory_space<vmem_shared>>
      tpu.wait_dma2 semaphore(%run_scoped3A : memref<!tpu.dma_semaphore, #tpu.memory_space<semaphore_mem>>) src(%dma_wait3A_119 : memref<80x128xf32, #tpu.memory_space<vmem_shared>>) dst(%dma_wait3A_117 : memref<80x128xf32, #tpu.memory_space<hbm>>)
      tpu.yield
    }) : () -> ()
    %add3A_108 = arith.constant 560 : i32
    %add3A_109 = arith.addi %mul3A_2, %add3A_108 : i32
    "tpu.region"() ({
      %run_scoped3A = tpu.sem_alloc : memref<!tpu.dma_semaphore, #tpu.memory_space<semaphore_mem>>
      %dma_start3A_110 = arith.constant 0 : i32
      %dma_start3A_111 = tpu.memref_slice %arg8[%arg0, %add3A_109, %dma_start3A_110] : memref<2x10240x128xf32, #tpu.memory_space<hbm>> -> memref<1x80x128xf32, #tpu.memory_space<hbm>>
      %dma_start3A_112 = tpu.memref_squeeze %dma_start3A_111 : memref<1x80x128xf32, #tpu.memory_space<hbm>> -> memref<80x128xf32, #tpu.memory_space<hbm>>
      %dma_start3A_113 = arith.constant 0 : i32
      %dma_start3A_114 = tpu.memref_slice %arg26[%add3A_109, %dma_start3A_113] : memref<10240x128xf32, #tpu.memory_space<vmem_shared>> -> memref<80x128xf32, #tpu.memory_space<vmem_shared>>
      tpu.enqueue_dma source(%dma_start3A_114 : memref<80x128xf32, #tpu.memory_space<vmem_shared>>) target(%dma_start3A_112 : memref<80x128xf32, #tpu.memory_space<hbm>>) target_semaphore(%run_scoped3A : memref<!tpu.dma_semaphore, #tpu.memory_space<semaphore_mem>>)
      %dma_wait3A_115 = arith.constant 0 : i32
      %dma_wait3A_116 = tpu.memref_slice %arg8[%arg0, %add3A_109, %dma_wait3A_115] : memref<2x10240x128xf32, #tpu.memory_space<hbm>> -> memref<1x80x128xf32, #tpu.memory_space<hbm>>
      %dma_wait3A_117 = tpu.memref_squeeze %dma_wait3A_116 : memref<1x80x128xf32, #tpu.memory_space<hbm>> -> memref<80x128xf32, #tpu.memory_space<hbm>>
      %dma_wait3A_118 = arith.constant 0 : i32
      %dma_wait3A_119 = tpu.memref_slice %arg26[%add3A_109, %dma_wait3A_118] : memref<10240x128xf32, #tpu.memory_space<vmem_shared>> -> memref<80x128xf32, #tpu.memory_space<vmem_shared>>
      tpu.wait_dma2 semaphore(%run_scoped3A : memref<!tpu.dma_semaphore, #tpu.memory_space<semaphore_mem>>) src(%dma_wait3A_119 : memref<80x128xf32, #tpu.memory_space<vmem_shared>>) dst(%dma_wait3A_117 : memref<80x128xf32, #tpu.memory_space<hbm>>)
      tpu.yield
    }) : () -> ()
    return
  }
}

#map = affine_map<(d0, d1) -> (0)>
#map1 = affine_map<(d0, d1) -> (0, 0)>
#map2 = affine_map<(d0, d1) -> (0, 0, 0)>
module attributes {stable_mosaic.version = 14 : i64} {
  func.func @kfn(%arg0: i32, %arg1: i32, %arg2: memref<320000xi32, #tpu.memory_space<hbm>>, %arg3: memref<320000xi32, #tpu.memory_space<hbm>>, %arg4: memref<10000x16xf32, #tpu.memory_space<hbm>>, %arg5: memref<10000x16xf32, #tpu.memory_space<hbm>>, %arg6: memref<10000x128xf32, #tpu.memory_space<hbm>>, %arg7: memref<2x10240x16xf32, #tpu.memory_space<hbm>>, %arg8: memref<2x10240x128xf32, #tpu.memory_space<hbm>>, %arg9: memref<80xi32, #tpu.memory_space<vmem>>, %arg10: memref<80xi32, #tpu.memory_space<vmem>>, %arg11: memref<80xi32, #tpu.memory_space<vmem>>, %arg12: memref<80xi32, #tpu.memory_space<vmem>>, %arg13: memref<80x16xf32, #tpu.memory_space<vmem>>, %arg14: memref<80x16xf32, #tpu.memory_space<vmem>>, %arg15: memref<80x16xf32, #tpu.memory_space<vmem>>, %arg16: memref<80x16xf32, #tpu.memory_space<vmem>>, %arg17: memref<80x16xf32, #tpu.memory_space<vmem>>, %arg18: memref<80x16xf32, #tpu.memory_space<vmem>>, %arg19: memref<80x128xf32, #tpu.memory_space<vmem>>, %arg20: memref<80x128xf32, #tpu.memory_space<vmem>>, %arg21: memref<!tpu.dma_semaphore, #tpu.memory_space<semaphore_mem>>, %arg22: memref<!tpu.dma_semaphore, #tpu.memory_space<semaphore_mem>>, %arg23: memref<!tpu.dma_semaphore, #tpu.memory_space<semaphore_mem>>, %arg24: memref<!tpu.dma_semaphore, #tpu.memory_space<semaphore_mem>>, %arg25: memref<10240x16xf32, #tpu.memory_space<vmem_shared>>, %arg26: memref<10240x128xf32, #tpu.memory_space<vmem_shared>>) attributes {dimension_semantics = [#tpu.dimension_semantics<core_parallel>, #tpu.dimension_semantics<subcore_parallel>], iteration_bounds = array<i64: 2, 16>, scalar_prefetch = 0 : i64, scratch_operands = 18 : i64, tpu.core_type = #tpu.core_type<sc_vector_subcore>, window_params = [{transform_indices = #map}, {transform_indices = #map}, {transform_indices = #map1}, {transform_indices = #map1}, {transform_indices = #map1}, {transform_indices = #map2}, {transform_indices = #map2}]} {
    %mul3A = arith.constant 2 : i32
    %mul3A_0 = arith.muli %arg1, %mul3A : i32
    %add3A = arith.addi %mul3A_0, %arg0 : i32
    %mul3A_1 = arith.constant 640 : i32
    %mul3A_2 = arith.muli %arg1, %mul3A_1 : i32
    %mul3A_3 = arith.constant 10000 : i32
    %mul3A_4 = arith.muli %add3A, %mul3A_3 : i32
    %scan3A = arith.constant 0 : i32
    %scan3A_5 = arith.constant 0 : i32
    %scan3A_6 = arith.constant 80 : i32
    %scan3A_7 = arith.addi %scan3A_5, %scan3A_6 : i32
    %scan3A_8 = arith.constant 1 : i32
    %scan3A_9 = scf.for %scan3A_110 = %scan3A_5 to %scan3A_7 step %scan3A_8 iter_args(%scan3A_111 = %scan3A) -> (i32)  : i32 {
      %broadcast_in_dim3A = arith.constant 0.000000e+00 : f32
      %broadcast_in_dim3A_112 = vector.broadcast %broadcast_in_dim3A : f32 to vector<16xf32>
      %swap3A = arith.index_cast %scan3A_110 : i32 to index
      %swap3A_113 = arith.constant 0 : index
      %swap3A_114 = tpu.vector_load %arg17[%swap3A, %swap3A_113] {strides = array<i32>} : memref<80x16xf32, #tpu.memory_space<vmem>>, vector<16xf32>,
      tpu.vector_store %arg17[%swap3A, %swap3A_113], %broadcast_in_dim3A_112 {strides = array<i32>} : memref<80x16xf32, #tpu.memory_space<vmem>>, vector<16xf32>,
      %broadcast_in_dim3A_115 = arith.constant 0.000000e+00 : f32
      %broadcast_in_dim3A_116 = vector.broadcast %broadcast_in_dim3A_115 : f32 to vector<16xf32>
      %swap3A_117 = arith.index_cast %scan3A_110 : i32 to index
      %swap3A_118 = arith.constant 0 : index
      %swap3A_119 = tpu.vector_load %arg19[%swap3A_117, %swap3A_118] {strides = array<i32>} : memref<80x128xf32, #tpu.memory_space<vmem>>, vector<16xf32>,
      tpu.vector_store %arg19[%swap3A_117, %swap3A_118], %broadcast_in_dim3A_116 {strides = array<i32>} : memref<80x128xf32, #tpu.memory_space<vmem>>, vector<16xf32>,
      %broadcast_in_dim3A_120 = arith.constant 0.000000e+00 : f32
      %broadcast_in_dim3A_121 = vector.broadcast %broadcast_in_dim3A_120 : f32 to vector<16xf32>
      %swap3A_122 = arith.index_cast %scan3A_110 : i32 to index
      %swap3A_123 = arith.constant 16 : index
      %swap3A_124 = tpu.vector_load %arg19[%swap3A_122, %swap3A_123] {strides = array<i32>} : memref<80x128xf32, #tpu.memory_space<vmem>>, vector<16xf32>,
      tpu.vector_store %arg19[%swap3A_122, %swap3A_123], %broadcast_in_dim3A_121 {strides = array<i32>} : memref<80x128xf32, #tpu.memory_space<vmem>>, vector<16xf32>,
      %broadcast_in_dim3A_125 = arith.constant 0.000000e+00 : f32
      %broadcast_in_dim3A_126 = vector.broadcast %broadcast_in_dim3A_125 : f32 to vector<16xf32>
      %swap3A_127 = arith.index_cast %scan3A_110 : i32 to index
      %swap3A_128 = arith.constant 32 : index
      %swap3A_129 = tpu.vector_load %arg19[%swap3A_127, %swap3A_128] {strides = array<i32>} : memref<80x128xf32, #tpu.memory_space<vmem>>, vector<16xf32>,
      tpu.vector_store %arg19[%swap3A_127, %swap3A_128], %broadcast_in_dim3A_126 {strides = array<i32>} : memref<80x128xf32, #tpu.memory_space<vmem>>, vector<16xf32>,
      %broadcast_in_dim3A_130 = arith.constant 0.000000e+00 : f32
      %broadcast_in_dim3A_131 = vector.broadcast %broadcast_in_dim3A_130 : f32 to vector<16xf32>
      %swap3A_132 = arith.index_cast %scan3A_110 : i32 to index
      %swap3A_133 = arith.constant 48 : index
      %swap3A_134 = tpu.vector_load %arg19[%swap3A_132, %swap3A_133] {strides = array<i32>} : memref<80x128xf32, #tpu.memory_space<vmem>>, vector<16xf32>,
      tpu.vector_store %arg19[%swap3A_132, %swap3A_133], %broadcast_in_dim3A_131 {strides = array<i32>} : memref<80x128xf32, #tpu.memory_space<vmem>>, vector<16xf32>,
      %broadcast_in_dim3A_135 = arith.constant 0.000000e+00 : f32
      %broadcast_in_dim3A_136 = vector.broadcast %broadcast_in_dim3A_135 : f32 to vector<16xf32>
      %swap3A_137 = arith.index_cast %scan3A_110 : i32 to index
      %swap3A_138 = arith.constant 64 : index
      %swap3A_139 = tpu.vector_load %arg19[%swap3A_137, %swap3A_138] {strides = array<i32>} : memref<80x128xf32, #tpu.memory_space<vmem>>, vector<16xf32>,
      tpu.vector_store %arg19[%swap3A_137, %swap3A_138], %broadcast_in_dim3A_136 {strides = array<i32>} : memref<80x128xf32, #tpu.memory_space<vmem>>, vector<16xf32>,
      %broadcast_in_dim3A_140 = arith.constant 0.000000e+00 : f32
      %broadcast_in_dim3A_141 = vector.broadcast %broadcast_in_dim3A_140 : f32 to vector<16xf32>
      %swap3A_142 = arith.index_cast %scan3A_110 : i32 to index
      %swap3A_143 = arith.constant 80 : index
      %swap3A_144 = tpu.vector_load %arg19[%swap3A_142, %swap3A_143] {strides = array<i32>} : memref<80x128xf32, #tpu.memory_space<vmem>>, vector<16xf32>,
      tpu.vector_store %arg19[%swap3A_142, %swap3A_143], %broadcast_in_dim3A_141 {strides = array<i32>} : memref<80x128xf32, #tpu.memory_space<vmem>>, vector<16xf32>,
      %broadcast_in_dim3A_145 = arith.constant 0.000000e+00 : f32
      %broadcast_in_dim3A_146 = vector.broadcast %broadcast_in_dim3A_145 : f32 to vector<16xf32>
      %swap3A_147 = arith.index_cast %scan3A_110 : i32 to index
      %swap3A_148 = arith.constant 96 : index
      %swap3A_149 = tpu.vector_load %arg19[%swap3A_147, %swap3A_148] {strides = array<i32>} : memref<80x128xf32, #tpu.memory_space<vmem>>, vector<16xf32>,
      tpu.vector_store %arg19[%swap3A_147, %swap3A_148], %broadcast_in_dim3A_146 {strides = array<i32>} : memref<80x128xf32, #tpu.memory_space<vmem>>, vector<16xf32>,
      %broadcast_in_dim3A_150 = arith.constant 0.000000e+00 : f32
      %broadcast_in_dim3A_151 = vector.broadcast %broadcast_in_dim3A_150 : f32 to vector<16xf32>
      %swap3A_152 = arith.index_cast %scan3A_110 : i32 to index
      %swap3A_153 = arith.constant 112 : index
      %swap3A_154 = tpu.vector_load %arg19[%swap3A_152, %swap3A_153] {strides = array<i32>} : memref<80x128xf32, #tpu.memory_space<vmem>>, vector<16xf32>,
      tpu.vector_store %arg19[%swap3A_152, %swap3A_153], %broadcast_in_dim3A_151 {strides = array<i32>} : memref<80x128xf32, #tpu.memory_space<vmem>>, vector<16xf32>,
      %scan3A_155 = arith.constant 0 : i32
      scf.yield %scan3A_155 : i32
    }
    %scan3A_10 = arith.constant 80 : i32
    %add3A_11 = arith.constant 0 : i32
    %add3A_12 = arith.addi %mul3A_2, %add3A_11 : i32
    "tpu.region"() ({
      %run_scoped3A = tpu.sem_alloc : memref<!tpu.dma_semaphore, #tpu.memory_space<semaphore_mem>>
      %dma_start3A_110 = arith.constant 0 : i32
      %dma_start3A_111 = tpu.memref_slice %arg25[%add3A_12, %dma_start3A_110] : memref<10240x16xf32, #tpu.memory_space<vmem_shared>> -> memref<80x16xf32, #tpu.memory_space<vmem_shared>>
      %dma_start3A_112 = arith.constant 0 : i32
      %dma_start3A_113 = tpu.memref_slice %arg25[%add3A_12, %dma_start3A_112] : memref<10240x16xf32, #tpu.memory_space<vmem_shared>> -> memref<80x16xf32, #tpu.memory_space<vmem_shared>>
      tpu.enqueue_dma source(%arg17 : memref<80x16xf32, #tpu.memory_space<vmem>>) target(%dma_start3A_113 : memref<80x16xf32, #tpu.memory_space<vmem_shared>>) target_semaphore(%run_scoped3A : memref<!tpu.dma_semaphore, #tpu.memory_space<semaphore_mem>>)
      %dma_wait3A_114 = arith.constant 0 : i32
      %dma_wait3A_115 = tpu.memref_slice %arg25[%add3A_12, %dma_wait3A_114] : memref<10240x16xf32, #tpu.memory_space<vmem_shared>> -> memref<80x16xf32, #tpu.memory_space<vmem_shared>>
      %dma_wait3A_116 = arith.constant 0 : i32
      %dma_wait3A_117 = tpu.memref_slice %arg25[%add3A_12, %dma_wait3A_116] : memref<10240x16xf32, #tpu.memory_space<vmem_shared>> -> memref<80x16xf32, #tpu.memory_space<vmem_shared>>
      tpu.wait_dma2 semaphore(%run_scoped3A : memref<!tpu.dma_semaphore, #tpu.memory_space<semaphore_mem>>) src(%arg17 : memref<80x16xf32, #tpu.memory_space<vmem>>) dst(%dma_wait3A_117 : memref<80x16xf32, #tpu.memory_space<vmem_shared>>)
      tpu.yield
    }) : () -> ()
    %add3A_13 = arith.constant 0 : i32
    %add3A_14 = arith.addi %mul3A_2, %add3A_13 : i32
    "tpu.region"() ({
      %run_scoped3A = tpu.sem_alloc : memref<!tpu.dma_semaphore, #tpu.memory_space<semaphore_mem>>
      %dma_start3A_110 = arith.constant 0 : i32
      %dma_start3A_111 = tpu.memref_slice %arg26[%add3A_14, %dma_start3A_110] : memref<10240x128xf32, #tpu.memory_space<vmem_shared>> -> memref<80x128xf32, #tpu.memory_space<vmem_shared>>
      %dma_start3A_112 = arith.constant 0 : i32
      %dma_start3A_113 = tpu.memref_slice %arg26[%add3A_14, %dma_start3A_112] : memref<10240x128xf32, #tpu.memory_space<vmem_shared>> -> memref<80x128xf32, #tpu.memory_space<vmem_shared>>
      tpu.enqueue_dma source(%arg19 : memref<80x128xf32, #tpu.memory_space<vmem>>) target(%dma_start3A_113 : memref<80x128xf32, #tpu.memory_space<vmem_shared>>) target_semaphore(%run_scoped3A : memref<!tpu.dma_semaphore, #tpu.memory_space<semaphore_mem>>)
      %dma_wait3A_114 = arith.constant 0 : i32
      %dma_wait3A_115 = tpu.memref_slice %arg26[%add3A_14, %dma_wait3A_114] : memref<10240x128xf32, #tpu.memory_space<vmem_shared>> -> memref<80x128xf32, #tpu.memory_space<vmem_shared>>
      %dma_wait3A_116 = arith.constant 0 : i32
      %dma_wait3A_117 = tpu.memref_slice %arg26[%add3A_14, %dma_wait3A_116] : memref<10240x128xf32, #tpu.memory_space<vmem_shared>> -> memref<80x128xf32, #tpu.memory_space<vmem_shared>>
      tpu.wait_dma2 semaphore(%run_scoped3A : memref<!tpu.dma_semaphore, #tpu.memory_space<semaphore_mem>>) src(%arg19 : memref<80x128xf32, #tpu.memory_space<vmem>>) dst(%dma_wait3A_117 : memref<80x128xf32, #tpu.memory_space<vmem_shared>>)
      tpu.yield
    }) : () -> ()
    %add3A_15 = arith.constant 80 : i32
    %add3A_16 = arith.addi %mul3A_2, %add3A_15 : i32
    "tpu.region"() ({
      %run_scoped3A = tpu.sem_alloc : memref<!tpu.dma_semaphore, #tpu.memory_space<semaphore_mem>>
      %dma_start3A_110 = arith.constant 0 : i32
      %dma_start3A_111 = tpu.memref_slice %arg25[%add3A_16, %dma_start3A_110] : memref<10240x16xf32, #tpu.memory_space<vmem_shared>> -> memref<80x16xf32, #tpu.memory_space<vmem_shared>>
      %dma_start3A_112 = arith.constant 0 : i32
      %dma_start3A_113 = tpu.memref_slice %arg25[%add3A_16, %dma_start3A_112] : memref<10240x16xf32, #tpu.memory_space<vmem_shared>> -> memref<80x16xf32, #tpu.memory_space<vmem_shared>>
      tpu.enqueue_dma source(%arg17 : memref<80x16xf32, #tpu.memory_space<vmem>>) target(%dma_start3A_113 : memref<80x16xf32, #tpu.memory_space<vmem_shared>>) target_semaphore(%run_scoped3A : memref<!tpu.dma_semaphore, #tpu.memory_space<semaphore_mem>>)
      %dma_wait3A_114 = arith.constant 0 : i32
      %dma_wait3A_115 = tpu.memref_slice %arg25[%add3A_16, %dma_wait3A_114] : memref<10240x16xf32, #tpu.memory_space<vmem_shared>> -> memref<80x16xf32, #tpu.memory_space<vmem_shared>>
      %dma_wait3A_116 = arith.constant 0 : i32
      %dma_wait3A_117 = tpu.memref_slice %arg25[%add3A_16, %dma_wait3A_116] : memref<10240x16xf32, #tpu.memory_space<vmem_shared>> -> memref<80x16xf32, #tpu.memory_space<vmem_shared>>
      tpu.wait_dma2 semaphore(%run_scoped3A : memref<!tpu.dma_semaphore, #tpu.memory_space<semaphore_mem>>) src(%arg17 : memref<80x16xf32, #tpu.memory_space<vmem>>) dst(%dma_wait3A_117 : memref<80x16xf32, #tpu.memory_space<vmem_shared>>)
      tpu.yield
    }) : () -> ()
    %add3A_17 = arith.constant 80 : i32
    %add3A_18 = arith.addi %mul3A_2, %add3A_17 : i32
    "tpu.region"() ({
      %run_scoped3A = tpu.sem_alloc : memref<!tpu.dma_semaphore, #tpu.memory_space<semaphore_mem>>
      %dma_start3A_110 = arith.constant 0 : i32
      %dma_start3A_111 = tpu.memref_slice %arg26[%add3A_18, %dma_start3A_110] : memref<10240x128xf32, #tpu.memory_space<vmem_shared>> -> memref<80x128xf32, #tpu.memory_space<vmem_shared>>
      %dma_start3A_112 = arith.constant 0 : i32
      %dma_start3A_113 = tpu.memref_slice %arg26[%add3A_18, %dma_start3A_112] : memref<10240x128xf32, #tpu.memory_space<vmem_shared>> -> memref<80x128xf32, #tpu.memory_space<vmem_shared>>
      tpu.enqueue_dma source(%arg19 : memref<80x128xf32, #tpu.memory_space<vmem>>) target(%dma_start3A_113 : memref<80x128xf32, #tpu.memory_space<vmem_shared>>) target_semaphore(%run_scoped3A : memref<!tpu.dma_semaphore, #tpu.memory_space<semaphore_mem>>)
      %dma_wait3A_114 = arith.constant 0 : i32
      %dma_wait3A_115 = tpu.memref_slice %arg26[%add3A_18, %dma_wait3A_114] : memref<10240x128xf32, #tpu.memory_space<vmem_shared>> -> memref<80x128xf32, #tpu.memory_space<vmem_shared>>
      %dma_wait3A_116 = arith.constant 0 : i32
      %dma_wait3A_117 = tpu.memref_slice %arg26[%add3A_18, %dma_wait3A_116] : memref<10240x128xf32, #tpu.memory_space<vmem_shared>> -> memref<80x128xf32, #tpu.memory_space<vmem_shared>>
      tpu.wait_dma2 semaphore(%run_scoped3A : memref<!tpu.dma_semaphore, #tpu.memory_space<semaphore_mem>>) src(%arg19 : memref<80x128xf32, #tpu.memory_space<vmem>>) dst(%dma_wait3A_117 : memref<80x128xf32, #tpu.memory_space<vmem_shared>>)
      tpu.yield
    }) : () -> ()
    %add3A_19 = arith.constant 160 : i32
    %add3A_20 = arith.addi %mul3A_2, %add3A_19 : i32
    "tpu.region"() ({
      %run_scoped3A = tpu.sem_alloc : memref<!tpu.dma_semaphore, #tpu.memory_space<semaphore_mem>>
      %dma_start3A_110 = arith.constant 0 : i32
      %dma_start3A_111 = tpu.memref_slice %arg25[%add3A_20, %dma_start3A_110] : memref<10240x16xf32, #tpu.memory_space<vmem_shared>> -> memref<80x16xf32, #tpu.memory_space<vmem_shared>>
      %dma_start3A_112 = arith.constant 0 : i32
      %dma_start3A_113 = tpu.memref_slice %arg25[%add3A_20, %dma_start3A_112] : memref<10240x16xf32, #tpu.memory_space<vmem_shared>> -> memref<80x16xf32, #tpu.memory_space<vmem_shared>>
      tpu.enqueue_dma source(%arg17 : memref<80x16xf32, #tpu.memory_space<vmem>>) target(%dma_start3A_113 : memref<80x16xf32, #tpu.memory_space<vmem_shared>>) target_semaphore(%run_scoped3A : memref<!tpu.dma_semaphore, #tpu.memory_space<semaphore_mem>>)
      %dma_wait3A_114 = arith.constant 0 : i32
      %dma_wait3A_115 = tpu.memref_slice %arg25[%add3A_20, %dma_wait3A_114] : memref<10240x16xf32, #tpu.memory_space<vmem_shared>> -> memref<80x16xf32, #tpu.memory_space<vmem_shared>>
      %dma_wait3A_116 = arith.constant 0 : i32
      %dma_wait3A_117 = tpu.memref_slice %arg25[%add3A_20, %dma_wait3A_116] : memref<10240x16xf32, #tpu.memory_space<vmem_shared>> -> memref<80x16xf32, #tpu.memory_space<vmem_shared>>
      tpu.wait_dma2 semaphore(%run_scoped3A : memref<!tpu.dma_semaphore, #tpu.memory_space<semaphore_mem>>) src(%arg17 : memref<80x16xf32, #tpu.memory_space<vmem>>) dst(%dma_wait3A_117 : memref<80x16xf32, #tpu.memory_space<vmem_shared>>)
      tpu.yield
    }) : () -> ()
    %add3A_21 = arith.constant 160 : i32
    %add3A_22 = arith.addi %mul3A_2, %add3A_21 : i32
    "tpu.region"() ({
      %run_scoped3A = tpu.sem_alloc : memref<!tpu.dma_semaphore, #tpu.memory_space<semaphore_mem>>
      %dma_start3A_110 = arith.constant 0 : i32
      %dma_start3A_111 = tpu.memref_slice %arg26[%add3A_22, %dma_start3A_110] : memref<10240x128xf32, #tpu.memory_space<vmem_shared>> -> memref<80x128xf32, #tpu.memory_space<vmem_shared>>
      %dma_start3A_112 = arith.constant 0 : i32
      %dma_start3A_113 = tpu.memref_slice %arg26[%add3A_22, %dma_start3A_112] : memref<10240x128xf32, #tpu.memory_space<vmem_shared>> -> memref<80x128xf32, #tpu.memory_space<vmem_shared>>
      tpu.enqueue_dma source(%arg19 : memref<80x128xf32, #tpu.memory_space<vmem>>) target(%dma_start3A_113 : memref<80x128xf32, #tpu.memory_space<vmem_shared>>) target_semaphore(%run_scoped3A : memref<!tpu.dma_semaphore, #tpu.memory_space<semaphore_mem>>)
      %dma_wait3A_114 = arith.constant 0 : i32
      %dma_wait3A_115 = tpu.memref_slice %arg26[%add3A_22, %dma_wait3A_114] : memref<10240x128xf32, #tpu.memory_space<vmem_shared>> -> memref<80x128xf32, #tpu.memory_space<vmem_shared>>
      %dma_wait3A_116 = arith.constant 0 : i32
      %dma_wait3A_117 = tpu.memref_slice %arg26[%add3A_22, %dma_wait3A_116] : memref<10240x128xf32, #tpu.memory_space<vmem_shared>> -> memref<80x128xf32, #tpu.memory_space<vmem_shared>>
      tpu.wait_dma2 semaphore(%run_scoped3A : memref<!tpu.dma_semaphore, #tpu.memory_space<semaphore_mem>>) src(%arg19 : memref<80x128xf32, #tpu.memory_space<vmem>>) dst(%dma_wait3A_117 : memref<80x128xf32, #tpu.memory_space<vmem_shared>>)
      tpu.yield
    }) : () -> ()
    %add3A_23 = arith.constant 240 : i32
    %add3A_24 = arith.addi %mul3A_2, %add3A_23 : i32
    "tpu.region"() ({
      %run_scoped3A = tpu.sem_alloc : memref<!tpu.dma_semaphore, #tpu.memory_space<semaphore_mem>>
      %dma_start3A_110 = arith.constant 0 : i32
      %dma_start3A_111 = tpu.memref_slice %arg25[%add3A_24, %dma_start3A_110] : memref<10240x16xf32, #tpu.memory_space<vmem_shared>> -> memref<80x16xf32, #tpu.memory_space<vmem_shared>>
      %dma_start3A_112 = arith.constant 0 : i32
      %dma_start3A_113 = tpu.memref_slice %arg25[%add3A_24, %dma_start3A_112] : memref<10240x16xf32, #tpu.memory_space<vmem_shared>> -> memref<80x16xf32, #tpu.memory_space<vmem_shared>>
      tpu.enqueue_dma source(%arg17 : memref<80x16xf32, #tpu.memory_space<vmem>>) target(%dma_start3A_113 : memref<80x16xf32, #tpu.memory_space<vmem_shared>>) target_semaphore(%run_scoped3A : memref<!tpu.dma_semaphore, #tpu.memory_space<semaphore_mem>>)
      %dma_wait3A_114 = arith.constant 0 : i32
      %dma_wait3A_115 = tpu.memref_slice %arg25[%add3A_24, %dma_wait3A_114] : memref<10240x16xf32, #tpu.memory_space<vmem_shared>> -> memref<80x16xf32, #tpu.memory_space<vmem_shared>>
      %dma_wait3A_116 = arith.constant 0 : i32
      %dma_wait3A_117 = tpu.memref_slice %arg25[%add3A_24, %dma_wait3A_116] : memref<10240x16xf32, #tpu.memory_space<vmem_shared>> -> memref<80x16xf32, #tpu.memory_space<vmem_shared>>
      tpu.wait_dma2 semaphore(%run_scoped3A : memref<!tpu.dma_semaphore, #tpu.memory_space<semaphore_mem>>) src(%arg17 : memref<80x16xf32, #tpu.memory_space<vmem>>) dst(%dma_wait3A_117 : memref<80x16xf32, #tpu.memory_space<vmem_shared>>)
      tpu.yield
    }) : () -> ()
    %add3A_25 = arith.constant 240 : i32
    %add3A_26 = arith.addi %mul3A_2, %add3A_25 : i32
    "tpu.region"() ({
      %run_scoped3A = tpu.sem_alloc : memref<!tpu.dma_semaphore, #tpu.memory_space<semaphore_mem>>
      %dma_start3A_110 = arith.constant 0 : i32
      %dma_start3A_111 = tpu.memref_slice %arg26[%add3A_26, %dma_start3A_110] : memref<10240x128xf32, #tpu.memory_space<vmem_shared>> -> memref<80x128xf32, #tpu.memory_space<vmem_shared>>
      %dma_start3A_112 = arith.constant 0 : i32
      %dma_start3A_113 = tpu.memref_slice %arg26[%add3A_26, %dma_start3A_112] : memref<10240x128xf32, #tpu.memory_space<vmem_shared>> -> memref<80x128xf32, #tpu.memory_space<vmem_shared>>
      tpu.enqueue_dma source(%arg19 : memref<80x128xf32, #tpu.memory_space<vmem>>) target(%dma_start3A_113 : memref<80x128xf32, #tpu.memory_space<vmem_shared>>) target_semaphore(%run_scoped3A : memref<!tpu.dma_semaphore, #tpu.memory_space<semaphore_mem>>)
      %dma_wait3A_114 = arith.constant 0 : i32
      %dma_wait3A_115 = tpu.memref_slice %arg26[%add3A_26, %dma_wait3A_114] : memref<10240x128xf32, #tpu.memory_space<vmem_shared>> -> memref<80x128xf32, #tpu.memory_space<vmem_shared>>
      %dma_wait3A_116 = arith.constant 0 : i32
      %dma_wait3A_117 = tpu.memref_slice %arg26[%add3A_26, %dma_wait3A_116] : memref<10240x128xf32, #tpu.memory_space<vmem_shared>> -> memref<80x128xf32, #tpu.memory_space<vmem_shared>>
      tpu.wait_dma2 semaphore(%run_scoped3A : memref<!tpu.dma_semaphore, #tpu.memory_space<semaphore_mem>>) src(%arg19 : memref<80x128xf32, #tpu.memory_space<vmem>>) dst(%dma_wait3A_117 : memref<80x128xf32, #tpu.memory_space<vmem_shared>>)
      tpu.yield
    }) : () -> ()
    %add3A_27 = arith.constant 320 : i32
    %add3A_28 = arith.addi %mul3A_2, %add3A_27 : i32
    "tpu.region"() ({
      %run_scoped3A = tpu.sem_alloc : memref<!tpu.dma_semaphore, #tpu.memory_space<semaphore_mem>>
      %dma_start3A_110 = arith.constant 0 : i32
      %dma_start3A_111 = tpu.memref_slice %arg25[%add3A_28, %dma_start3A_110] : memref<10240x16xf32, #tpu.memory_space<vmem_shared>> -> memref<80x16xf32, #tpu.memory_space<vmem_shared>>
      %dma_start3A_112 = arith.constant 0 : i32
      %dma_start3A_113 = tpu.memref_slice %arg25[%add3A_28, %dma_start3A_112] : memref<10240x16xf32, #tpu.memory_space<vmem_shared>> -> memref<80x16xf32, #tpu.memory_space<vmem_shared>>
      tpu.enqueue_dma source(%arg17 : memref<80x16xf32, #tpu.memory_space<vmem>>) target(%dma_start3A_113 : memref<80x16xf32, #tpu.memory_space<vmem_shared>>) target_semaphore(%run_scoped3A : memref<!tpu.dma_semaphore, #tpu.memory_space<semaphore_mem>>)
      %dma_wait3A_114 = arith.constant 0 : i32
      %dma_wait3A_115 = tpu.memref_slice %arg25[%add3A_28, %dma_wait3A_114] : memref<10240x16xf32, #tpu.memory_space<vmem_shared>> -> memref<80x16xf32, #tpu.memory_space<vmem_shared>>
      %dma_wait3A_116 = arith.constant 0 : i32
      %dma_wait3A_117 = tpu.memref_slice %arg25[%add3A_28, %dma_wait3A_116] : memref<10240x16xf32, #tpu.memory_space<vmem_shared>> -> memref<80x16xf32, #tpu.memory_space<vmem_shared>>
      tpu.wait_dma2 semaphore(%run_scoped3A : memref<!tpu.dma_semaphore, #tpu.memory_space<semaphore_mem>>) src(%arg17 : memref<80x16xf32, #tpu.memory_space<vmem>>) dst(%dma_wait3A_117 : memref<80x16xf32, #tpu.memory_space<vmem_shared>>)
      tpu.yield
    }) : () -> ()
    %add3A_29 = arith.constant 320 : i32
    %add3A_30 = arith.addi %mul3A_2, %add3A_29 : i32
    "tpu.region"() ({
      %run_scoped3A = tpu.sem_alloc : memref<!tpu.dma_semaphore, #tpu.memory_space<semaphore_mem>>
      %dma_start3A_110 = arith.constant 0 : i32
      %dma_start3A_111 = tpu.memref_slice %arg26[%add3A_30, %dma_start3A_110] : memref<10240x128xf32, #tpu.memory_space<vmem_shared>> -> memref<80x128xf32, #tpu.memory_space<vmem_shared>>
      %dma_start3A_112 = arith.constant 0 : i32
      %dma_start3A_113 = tpu.memref_slice %arg26[%add3A_30, %dma_start3A_112] : memref<10240x128xf32, #tpu.memory_space<vmem_shared>> -> memref<80x128xf32, #tpu.memory_space<vmem_shared>>
      tpu.enqueue_dma source(%arg19 : memref<80x128xf32, #tpu.memory_space<vmem>>) target(%dma_start3A_113 : memref<80x128xf32, #tpu.memory_space<vmem_shared>>) target_semaphore(%run_scoped3A : memref<!tpu.dma_semaphore, #tpu.memory_space<semaphore_mem>>)
      %dma_wait3A_114 = arith.constant 0 : i32
      %dma_wait3A_115 = tpu.memref_slice %arg26[%add3A_30, %dma_wait3A_114] : memref<10240x128xf32, #tpu.memory_space<vmem_shared>> -> memref<80x128xf32, #tpu.memory_space<vmem_shared>>
      %dma_wait3A_116 = arith.constant 0 : i32
      %dma_wait3A_117 = tpu.memref_slice %arg26[%add3A_30, %dma_wait3A_116] : memref<10240x128xf32, #tpu.memory_space<vmem_shared>> -> memref<80x128xf32, #tpu.memory_space<vmem_shared>>
      tpu.wait_dma2 semaphore(%run_scoped3A : memref<!tpu.dma_semaphore, #tpu.memory_space<semaphore_mem>>) src(%arg19 : memref<80x128xf32, #tpu.memory_space<vmem>>) dst(%dma_wait3A_117 : memref<80x128xf32, #tpu.memory_space<vmem_shared>>)
      tpu.yield
    }) : () -> ()
    %add3A_31 = arith.constant 400 : i32
    %add3A_32 = arith.addi %mul3A_2, %add3A_31 : i32
    "tpu.region"() ({
      %run_scoped3A = tpu.sem_alloc : memref<!tpu.dma_semaphore, #tpu.memory_space<semaphore_mem>>
      %dma_start3A_110 = arith.constant 0 : i32
      %dma_start3A_111 = tpu.memref_slice %arg25[%add3A_32, %dma_start3A_110] : memref<10240x16xf32, #tpu.memory_space<vmem_shared>> -> memref<80x16xf32, #tpu.memory_space<vmem_shared>>
      %dma_start3A_112 = arith.constant 0 : i32
      %dma_start3A_113 = tpu.memref_slice %arg25[%add3A_32, %dma_start3A_112] : memref<10240x16xf32, #tpu.memory_space<vmem_shared>> -> memref<80x16xf32, #tpu.memory_space<vmem_shared>>
      tpu.enqueue_dma source(%arg17 : memref<80x16xf32, #tpu.memory_space<vmem>>) target(%dma_start3A_113 : memref<80x16xf32, #tpu.memory_space<vmem_shared>>) target_semaphore(%run_scoped3A : memref<!tpu.dma_semaphore, #tpu.memory_space<semaphore_mem>>)
      %dma_wait3A_114 = arith.constant 0 : i32
      %dma_wait3A_115 = tpu.memref_slice %arg25[%add3A_32, %dma_wait3A_114] : memref<10240x16xf32, #tpu.memory_space<vmem_shared>> -> memref<80x16xf32, #tpu.memory_space<vmem_shared>>
      %dma_wait3A_116 = arith.constant 0 : i32
      %dma_wait3A_117 = tpu.memref_slice %arg25[%add3A_32, %dma_wait3A_116] : memref<10240x16xf32, #tpu.memory_space<vmem_shared>> -> memref<80x16xf32, #tpu.memory_space<vmem_shared>>
      tpu.wait_dma2 semaphore(%run_scoped3A : memref<!tpu.dma_semaphore, #tpu.memory_space<semaphore_mem>>) src(%arg17 : memref<80x16xf32, #tpu.memory_space<vmem>>) dst(%dma_wait3A_117 : memref<80x16xf32, #tpu.memory_space<vmem_shared>>)
      tpu.yield
    }) : () -> ()
    %add3A_33 = arith.constant 400 : i32
    %add3A_34 = arith.addi %mul3A_2, %add3A_33 : i32
    "tpu.region"() ({
      %run_scoped3A = tpu.sem_alloc : memref<!tpu.dma_semaphore, #tpu.memory_space<semaphore_mem>>
      %dma_start3A_110 = arith.constant 0 : i32
      %dma_start3A_111 = tpu.memref_slice %arg26[%add3A_34, %dma_start3A_110] : memref<10240x128xf32, #tpu.memory_space<vmem_shared>> -> memref<80x128xf32, #tpu.memory_space<vmem_shared>>
      %dma_start3A_112 = arith.constant 0 : i32
      %dma_start3A_113 = tpu.memref_slice %arg26[%add3A_34, %dma_start3A_112] : memref<10240x128xf32, #tpu.memory_space<vmem_shared>> -> memref<80x128xf32, #tpu.memory_space<vmem_shared>>
      tpu.enqueue_dma source(%arg19 : memref<80x128xf32, #tpu.memory_space<vmem>>) target(%dma_start3A_113 : memref<80x128xf32, #tpu.memory_space<vmem_shared>>) target_semaphore(%run_scoped3A : memref<!tpu.dma_semaphore, #tpu.memory_space<semaphore_mem>>)
      %dma_wait3A_114 = arith.constant 0 : i32
      %dma_wait3A_115 = tpu.memref_slice %arg26[%add3A_34, %dma_wait3A_114] : memref<10240x128xf32, #tpu.memory_space<vmem_shared>> -> memref<80x128xf32, #tpu.memory_space<vmem_shared>>
      %dma_wait3A_116 = arith.constant 0 : i32
      %dma_wait3A_117 = tpu.memref_slice %arg26[%add3A_34, %dma_wait3A_116] : memref<10240x128xf32, #tpu.memory_space<vmem_shared>> -> memref<80x128xf32, #tpu.memory_space<vmem_shared>>
      tpu.wait_dma2 semaphore(%run_scoped3A : memref<!tpu.dma_semaphore, #tpu.memory_space<semaphore_mem>>) src(%arg19 : memref<80x128xf32, #tpu.memory_space<vmem>>) dst(%dma_wait3A_117 : memref<80x128xf32, #tpu.memory_space<vmem_shared>>)
      tpu.yield
    }) : () -> ()
    %add3A_35 = arith.constant 480 : i32
    %add3A_36 = arith.addi %mul3A_2, %add3A_35 : i32
    "tpu.region"() ({
      %run_scoped3A = tpu.sem_alloc : memref<!tpu.dma_semaphore, #tpu.memory_space<semaphore_mem>>
      %dma_start3A_110 = arith.constant 0 : i32
      %dma_start3A_111 = tpu.memref_slice %arg25[%add3A_36, %dma_start3A_110] : memref<10240x16xf32, #tpu.memory_space<vmem_shared>> -> memref<80x16xf32, #tpu.memory_space<vmem_shared>>
      %dma_start3A_112 = arith.constant 0 : i32
      %dma_start3A_113 = tpu.memref_slice %arg25[%add3A_36, %dma_start3A_112] : memref<10240x16xf32, #tpu.memory_space<vmem_shared>> -> memref<80x16xf32, #tpu.memory_space<vmem_shared>>
      tpu.enqueue_dma source(%arg17 : memref<80x16xf32, #tpu.memory_space<vmem>>) target(%dma_start3A_113 : memref<80x16xf32, #tpu.memory_space<vmem_shared>>) target_semaphore(%run_scoped3A : memref<!tpu.dma_semaphore, #tpu.memory_space<semaphore_mem>>)
      %dma_wait3A_114 = arith.constant 0 : i32
      %dma_wait3A_115 = tpu.memref_slice %arg25[%add3A_36, %dma_wait3A_114] : memref<10240x16xf32, #tpu.memory_space<vmem_shared>> -> memref<80x16xf32, #tpu.memory_space<vmem_shared>>
      %dma_wait3A_116 = arith.constant 0 : i32
      %dma_wait3A_117 = tpu.memref_slice %arg25[%add3A_36, %dma_wait3A_116] : memref<10240x16xf32, #tpu.memory_space<vmem_shared>> -> memref<80x16xf32, #tpu.memory_space<vmem_shared>>
      tpu.wait_dma2 semaphore(%run_scoped3A : memref<!tpu.dma_semaphore, #tpu.memory_space<semaphore_mem>>) src(%arg17 : memref<80x16xf32, #tpu.memory_space<vmem>>) dst(%dma_wait3A_117 : memref<80x16xf32, #tpu.memory_space<vmem_shared>>)
      tpu.yield
    }) : () -> ()
    %add3A_37 = arith.constant 480 : i32
    %add3A_38 = arith.addi %mul3A_2, %add3A_37 : i32
    "tpu.region"() ({
      %run_scoped3A = tpu.sem_alloc : memref<!tpu.dma_semaphore, #tpu.memory_space<semaphore_mem>>
      %dma_start3A_110 = arith.constant 0 : i32
      %dma_start3A_111 = tpu.memref_slice %arg26[%add3A_38, %dma_start3A_110] : memref<10240x128xf32, #tpu.memory_space<vmem_shared>> -> memref<80x128xf32, #tpu.memory_space<vmem_shared>>
      %dma_start3A_112 = arith.constant 0 : i32
      %dma_start3A_113 = tpu.memref_slice %arg26[%add3A_38, %dma_start3A_112] : memref<10240x128xf32, #tpu.memory_space<vmem_shared>> -> memref<80x128xf32, #tpu.memory_space<vmem_shared>>
      tpu.enqueue_dma source(%arg19 : memref<80x128xf32, #tpu.memory_space<vmem>>) target(%dma_start3A_113 : memref<80x128xf32, #tpu.memory_space<vmem_shared>>) target_semaphore(%run_scoped3A : memref<!tpu.dma_semaphore, #tpu.memory_space<semaphore_mem>>)
      %dma_wait3A_114 = arith.constant 0 : i32
      %dma_wait3A_115 = tpu.memref_slice %arg26[%add3A_38, %dma_wait3A_114] : memref<10240x128xf32, #tpu.memory_space<vmem_shared>> -> memref<80x128xf32, #tpu.memory_space<vmem_shared>>
      %dma_wait3A_116 = arith.constant 0 : i32
      %dma_wait3A_117 = tpu.memref_slice %arg26[%add3A_38, %dma_wait3A_116] : memref<10240x128xf32, #tpu.memory_space<vmem_shared>> -> memref<80x128xf32, #tpu.memory_space<vmem_shared>>
      tpu.wait_dma2 semaphore(%run_scoped3A : memref<!tpu.dma_semaphore, #tpu.memory_space<semaphore_mem>>) src(%arg19 : memref<80x128xf32, #tpu.memory_space<vmem>>) dst(%dma_wait3A_117 : memref<80x128xf32, #tpu.memory_space<vmem_shared>>)
      tpu.yield
    }) : () -> ()
    %add3A_39 = arith.constant 560 : i32
    %add3A_40 = arith.addi %mul3A_2, %add3A_39 : i32
    "tpu.region"() ({
      %run_scoped3A = tpu.sem_alloc : memref<!tpu.dma_semaphore, #tpu.memory_space<semaphore_mem>>
      %dma_start3A_110 = arith.constant 0 : i32
      %dma_start3A_111 = tpu.memref_slice %arg25[%add3A_40, %dma_start3A_110] : memref<10240x16xf32, #tpu.memory_space<vmem_shared>> -> memref<80x16xf32, #tpu.memory_space<vmem_shared>>
      %dma_start3A_112 = arith.constant 0 : i32
      %dma_start3A_113 = tpu.memref_slice %arg25[%add3A_40, %dma_start3A_112] : memref<10240x16xf32, #tpu.memory_space<vmem_shared>> -> memref<80x16xf32, #tpu.memory_space<vmem_shared>>
      tpu.enqueue_dma source(%arg17 : memref<80x16xf32, #tpu.memory_space<vmem>>) target(%dma_start3A_113 : memref<80x16xf32, #tpu.memory_space<vmem_shared>>) target_semaphore(%run_scoped3A : memref<!tpu.dma_semaphore, #tpu.memory_space<semaphore_mem>>)
      %dma_wait3A_114 = arith.constant 0 : i32
      %dma_wait3A_115 = tpu.memref_slice %arg25[%add3A_40, %dma_wait3A_114] : memref<10240x16xf32, #tpu.memory_space<vmem_shared>> -> memref<80x16xf32, #tpu.memory_space<vmem_shared>>
      %dma_wait3A_116 = arith.constant 0 : i32
      %dma_wait3A_117 = tpu.memref_slice %arg25[%add3A_40, %dma_wait3A_116] : memref<10240x16xf32, #tpu.memory_space<vmem_shared>> -> memref<80x16xf32, #tpu.memory_space<vmem_shared>>
      tpu.wait_dma2 semaphore(%run_scoped3A : memref<!tpu.dma_semaphore, #tpu.memory_space<semaphore_mem>>) src(%arg17 : memref<80x16xf32, #tpu.memory_space<vmem>>) dst(%dma_wait3A_117 : memref<80x16xf32, #tpu.memory_space<vmem_shared>>)
      tpu.yield
    }) : () -> ()
    %add3A_41 = arith.constant 560 : i32
    %add3A_42 = arith.addi %mul3A_2, %add3A_41 : i32
    "tpu.region"() ({
      %run_scoped3A = tpu.sem_alloc : memref<!tpu.dma_semaphore, #tpu.memory_space<semaphore_mem>>
      %dma_start3A_110 = arith.constant 0 : i32
      %dma_start3A_111 = tpu.memref_slice %arg26[%add3A_42, %dma_start3A_110] : memref<10240x128xf32, #tpu.memory_space<vmem_shared>> -> memref<80x128xf32, #tpu.memory_space<vmem_shared>>
      %dma_start3A_112 = arith.constant 0 : i32
      %dma_start3A_113 = tpu.memref_slice %arg26[%add3A_42, %dma_start3A_112] : memref<10240x128xf32, #tpu.memory_space<vmem_shared>> -> memref<80x128xf32, #tpu.memory_space<vmem_shared>>
      tpu.enqueue_dma source(%arg19 : memref<80x128xf32, #tpu.memory_space<vmem>>) target(%dma_start3A_113 : memref<80x128xf32, #tpu.memory_space<vmem_shared>>) target_semaphore(%run_scoped3A : memref<!tpu.dma_semaphore, #tpu.memory_space<semaphore_mem>>)
      %dma_wait3A_114 = arith.constant 0 : i32
      %dma_wait3A_115 = tpu.memref_slice %arg26[%add3A_42, %dma_wait3A_114] : memref<10240x128xf32, #tpu.memory_space<vmem_shared>> -> memref<80x128xf32, #tpu.memory_space<vmem_shared>>
      %dma_wait3A_116 = arith.constant 0 : i32
      %dma_wait3A_117 = tpu.memref_slice %arg26[%add3A_42, %dma_wait3A_116] : memref<10240x128xf32, #tpu.memory_space<vmem_shared>> -> memref<80x128xf32, #tpu.memory_space<vmem_shared>>
      tpu.wait_dma2 semaphore(%run_scoped3A : memref<!tpu.dma_semaphore, #tpu.memory_space<semaphore_mem>>) src(%arg19 : memref<80x128xf32, #tpu.memory_space<vmem>>) dst(%dma_wait3A_117 : memref<80x128xf32, #tpu.memory_space<vmem_shared>>)
      tpu.yield
    }) : () -> ()
    %barrier3A = arith.constant 0 : index
    tpu.barrier barrier_id(%barrier3A)
    %add3A_43 = arith.constant 0 : i32
    %add3A_44 = arith.addi %mul3A_4, %add3A_43 : i32
    %dma_start3A = tpu.memref_slice %arg2[%add3A_44] : memref<320000xi32, #tpu.memory_space<hbm>> -> memref<80xi32, #tpu.memory_space<hbm>>
    %dma_start3A_45 = tpu.memref_slice %arg2[%add3A_44] : memref<320000xi32, #tpu.memory_space<hbm>> -> memref<80xi32, #tpu.memory_space<hbm>>
    tpu.enqueue_dma source(%dma_start3A_45 : memref<80xi32, #tpu.memory_space<hbm>>) target(%arg9 : memref<80xi32, #tpu.memory_space<vmem>>) target_semaphore(%arg21 : memref<!tpu.dma_semaphore, #tpu.memory_space<semaphore_mem>>)
    %dma_start3A_46 = tpu.memref_slice %arg3[%add3A_44] : memref<320000xi32, #tpu.memory_space<hbm>> -> memref<80xi32, #tpu.memory_space<hbm>>
    %dma_start3A_47 = tpu.memref_slice %arg3[%add3A_44] : memref<320000xi32, #tpu.memory_space<hbm>> -> memref<80xi32, #tpu.memory_space<hbm>>
    tpu.enqueue_dma source(%dma_start3A_47 : memref<80xi32, #tpu.memory_space<hbm>>) target(%arg11 : memref<80xi32, #tpu.memory_space<vmem>>) target_semaphore(%arg21 : memref<!tpu.dma_semaphore, #tpu.memory_space<semaphore_mem>>)
    %add3A_48 = arith.constant 80 : i32
    %add3A_49 = arith.addi %mul3A_4, %add3A_48 : i32
    %dma_start3A_50 = tpu.memref_slice %arg2[%add3A_49] : memref<320000xi32, #tpu.memory_space<hbm>> -> memref<80xi32, #tpu.memory_space<hbm>>
    %dma_start3A_51 = tpu.memref_slice %arg2[%add3A_49] : memref<320000xi32, #tpu.memory_space<hbm>> -> memref<80xi32, #tpu.memory_space<hbm>>
    tpu.enqueue_dma source(%dma_start3A_51 : memref<80xi32, #tpu.memory_space<hbm>>) target(%arg10 : memref<80xi32, #tpu.memory_space<vmem>>) target_semaphore(%arg22 : memref<!tpu.dma_semaphore, #tpu.memory_space<semaphore_mem>>)
    %dma_start3A_52 = tpu.memref_slice %arg3[%add3A_49] : memref<320000xi32, #tpu.memory_space<hbm>> -> memref<80xi32, #tpu.memory_space<hbm>>
    %dma_start3A_53 = tpu.memref_slice %arg3[%add3A_49] : memref<320000xi32, #tpu.memory_space<hbm>> -> memref<80xi32, #tpu.memory_space<hbm>>
    tpu.enqueue_dma source(%dma_start3A_53 : memref<80xi32, #tpu.memory_space<hbm>>) target(%arg12 : memref<80xi32, #tpu.memory_space<vmem>>) target_semaphore(%arg22 : memref<!tpu.dma_semaphore, #tpu.memory_space<semaphore_mem>>)
    %dma_wait3A = arith.constant 0 : i32
    %dma_wait3A_54 = tpu.memref_slice %arg2[%dma_wait3A] : memref<320000xi32, #tpu.memory_space<hbm>> -> memref<80xi32, #tpu.memory_space<hbm>>
    %dma_wait3A_55 = arith.constant 0 : i32
    %dma_wait3A_56 = tpu.memref_slice %arg2[%dma_wait3A_55] : memref<320000xi32, #tpu.memory_space<hbm>> -> memref<80xi32, #tpu.memory_space<hbm>>
    tpu.wait_dma2 semaphore(%arg21 : memref<!tpu.dma_semaphore, #tpu.memory_space<semaphore_mem>>) src(%dma_wait3A_56 : memref<80xi32, #tpu.memory_space<hbm>>) dst(%arg9 : memref<80xi32, #tpu.memory_space<vmem>>)
    %dma_wait3A_57 = arith.constant 0 : i32
    %dma_wait3A_58 = tpu.memref_slice %arg3[%dma_wait3A_57] : memref<320000xi32, #tpu.memory_space<hbm>> -> memref<80xi32, #tpu.memory_space<hbm>>
    %dma_wait3A_59 = arith.constant 0 : i32
    %dma_wait3A_60 = tpu.memref_slice %arg3[%dma_wait3A_59] : memref<320000xi32, #tpu.memory_space<hbm>> -> memref<80xi32, #tpu.memory_space<hbm>>
    tpu.wait_dma2 semaphore(%arg21 : memref<!tpu.dma_semaphore, #tpu.memory_space<semaphore_mem>>) src(%dma_wait3A_60 : memref<80xi32, #tpu.memory_space<hbm>>) dst(%arg11 : memref<80xi32, #tpu.memory_space<vmem>>)
    %dma_start3A_61 = arith.constant 0 : i32
    %dma_start3A_62 = arith.constant 0 : i32
    %dma_start3A_63 = tpu.memref_slice %arg4[%dma_start3A_61, %dma_start3A_62] : memref<10000x16xf32, #tpu.memory_space<hbm>> -> memref<10000x16xf32, #tpu.memory_space<hbm>>
    tpu.enqueue_indirect_dma source(%dma_start3A_63 : memref<10000x16xf32, #tpu.memory_space<hbm>>) target(%arg13 : memref<80x16xf32, #tpu.memory_space<vmem>>) offsets(%arg9 : memref<80xi32, #tpu.memory_space<vmem>>) semaphore(%arg23 : memref<!tpu.dma_semaphore, #tpu.memory_space<semaphore_mem>>)
    %dma_start3A_64 = arith.constant 0 : i32
    %dma_start3A_65 = arith.constant 0 : i32
    %dma_start3A_66 = tpu.memref_slice %arg5[%dma_start3A_64, %dma_start3A_65] : memref<10000x16xf32, #tpu.memory_space<hbm>> -> memref<10000x16xf32, #tpu.memory_space<hbm>>
    tpu.enqueue_indirect_dma source(%dma_start3A_66 : memref<10000x16xf32, #tpu.memory_space<hbm>>) target(%arg15 : memref<80x16xf32, #tpu.memory_space<vmem>>) offsets(%arg11 : memref<80xi32, #tpu.memory_space<vmem>>) semaphore(%arg23 : memref<!tpu.dma_semaphore, #tpu.memory_space<semaphore_mem>>)
    %dma_start3A_67 = arith.constant 0 : i32
    %dma_start3A_68 = arith.constant 0 : i32
    %dma_start3A_69 = tpu.memref_slice %arg6[%dma_start3A_67, %dma_start3A_68] : memref<10000x128xf32, #tpu.memory_space<hbm>> -> memref<10000x128xf32, #tpu.memory_space<hbm>>
    tpu.enqueue_indirect_dma source(%dma_start3A_69 : memref<10000x128xf32, #tpu.memory_space<hbm>>) target(%arg19 : memref<80x128xf32, #tpu.memory_space<vmem>>) offsets(%arg9 : memref<80xi32, #tpu.memory_space<vmem>>) semaphore(%arg23 : memref<!tpu.dma_semaphore, #tpu.memory_space<semaphore_mem>>)
    %scan3A_70 = arith.constant 0 : i32
    %scan3A_71 = arith.constant 0 : i32
    %scan3A_72 = arith.constant 62 : i32
    %scan3A_73 = arith.addi %scan3A_71, %scan3A_72 : i32
    %scan3A_74 = arith.constant 1 : i32
    %scan3A_75 = scf.for %scan3A_110 = %scan3A_71 to %scan3A_73 step %scan3A_74 iter_args(%scan3A_111 = %scan3A_70) -> (i32)  : i32 {
      %mul3A_112 = arith.constant 2 : i32
      %mul3A_113 = arith.muli %scan3A_110, %mul3A_112 : i32
      %add3A_114 = arith.constant 0 : i32
      %add3A_115 = arith.addi %mul3A_113, %add3A_114 : i32
      %dma_wait3A_116 = arith.constant 0 : i32
      %dma_wait3A_117 = tpu.memref_slice %arg2[%dma_wait3A_116] : memref<320000xi32, #tpu.memory_space<hbm>> -> memref<80xi32, #tpu.memory_space<hbm>>
      %dma_wait3A_118 = arith.constant 0 : i32
      %dma_wait3A_119 = tpu.memref_slice %arg2[%dma_wait3A_118] : memref<320000xi32, #tpu.memory_space<hbm>> -> memref<80xi32, #tpu.memory_space<hbm>>
      tpu.wait_dma2 semaphore(%arg22 : memref<!tpu.dma_semaphore, #tpu.memory_space<semaphore_mem>>) src(%dma_wait3A_119 : memref<80xi32, #tpu.memory_space<hbm>>) dst(%arg10 : memref<80xi32, #tpu.memory_space<vmem>>)
      %dma_wait3A_120 = arith.constant 0 : i32
      %dma_wait3A_121 = tpu.memref_slice %arg3[%dma_wait3A_120] : memref<320000xi32, #tpu.memory_space<hbm>> -> memref<80xi32, #tpu.memory_space<hbm>>
      %dma_wait3A_122 = arith.constant 0 : i32
      %dma_wait3A_123 = tpu.memref_slice %arg3[%dma_wait3A_122] : memref<320000xi32, #tpu.memory_space<hbm>> -> memref<80xi32, #tpu.memory_space<hbm>>
      tpu.wait_dma2 semaphore(%arg22 : memref<!tpu.dma_semaphore, #tpu.memory_space<semaphore_mem>>) src(%dma_wait3A_123 : memref<80xi32, #tpu.memory_space<hbm>>) dst(%arg12 : memref<80xi32, #tpu.memory_space<vmem>>)
      %dma_start3A_124 = arith.constant 0 : i32
      %dma_start3A_125 = arith.constant 0 : i32
      %dma_start3A_126 = tpu.memref_slice %arg4[%dma_start3A_124, %dma_start3A_125] : memref<10000x16xf32, #tpu.memory_space<hbm>> -> memref<10000x16xf32, #tpu.memory_space<hbm>>
      tpu.enqueue_indirect_dma source(%dma_start3A_126 : memref<10000x16xf32, #tpu.memory_space<hbm>>) target(%arg14 : memref<80x16xf32, #tpu.memory_space<vmem>>) offsets(%arg10 : memref<80xi32, #tpu.memory_space<vmem>>) semaphore(%arg24 : memref<!tpu.dma_semaphore, #tpu.memory_space<semaphore_mem>>)
      %dma_start3A_127 = arith.constant 0 : i32
      %dma_start3A_128 = arith.constant 0 : i32
      %dma_start3A_129 = tpu.memref_slice %arg5[%dma_start3A_127, %dma_start3A_128] : memref<10000x16xf32, #tpu.memory_space<hbm>> -> memref<10000x16xf32, #tpu.memory_space<hbm>>
      tpu.enqueue_indirect_dma source(%dma_start3A_129 : memref<10000x16xf32, #tpu.memory_space<hbm>>) target(%arg16 : memref<80x16xf32, #tpu.memory_space<vmem>>) offsets(%arg12 : memref<80xi32, #tpu.memory_space<vmem>>) semaphore(%arg24 : memref<!tpu.dma_semaphore, #tpu.memory_space<semaphore_mem>>)
      %dma_start3A_130 = arith.constant 0 : i32
      %dma_start3A_131 = arith.constant 0 : i32
      %dma_start3A_132 = tpu.memref_slice %arg6[%dma_start3A_130, %dma_start3A_131] : memref<10000x128xf32, #tpu.memory_space<hbm>> -> memref<10000x128xf32, #tpu.memory_space<hbm>>
      tpu.enqueue_indirect_dma source(%dma_start3A_132 : memref<10000x128xf32, #tpu.memory_space<hbm>>) target(%arg20 : memref<80x128xf32, #tpu.memory_space<vmem>>) offsets(%arg10 : memref<80xi32, #tpu.memory_space<vmem>>) semaphore(%arg24 : memref<!tpu.dma_semaphore, #tpu.memory_space<semaphore_mem>>)
      %dma_wait3A_133 = arith.constant 0 : i32
      %dma_wait3A_134 = arith.constant 0 : i32
      %dma_wait3A_135 = tpu.memref_slice %arg4[%dma_wait3A_133, %dma_wait3A_134] : memref<10000x16xf32, #tpu.memory_space<hbm>> -> memref<10000x16xf32, #tpu.memory_space<hbm>>
      tpu.wait_indirect_dma semaphore(%arg23 : memref<!tpu.dma_semaphore, #tpu.memory_space<semaphore_mem>>) src(%dma_wait3A_135 : memref<10000x16xf32, #tpu.memory_space<hbm>>) dst(%arg13 : memref<80x16xf32, #tpu.memory_space<vmem>>)
      %dma_wait3A_136 = arith.constant 0 : i32
      %dma_wait3A_137 = arith.constant 0 : i32
      %dma_wait3A_138 = tpu.memref_slice %arg5[%dma_wait3A_136, %dma_wait3A_137] : memref<10000x16xf32, #tpu.memory_space<hbm>> -> memref<10000x16xf32, #tpu.memory_space<hbm>>
      tpu.wait_indirect_dma semaphore(%arg23 : memref<!tpu.dma_semaphore, #tpu.memory_space<semaphore_mem>>) src(%dma_wait3A_138 : memref<10000x16xf32, #tpu.memory_space<hbm>>) dst(%arg15 : memref<80x16xf32, #tpu.memory_space<vmem>>)
      %dma_wait3A_139 = arith.constant 0 : i32
      %dma_wait3A_140 = arith.constant 0 : i32
      %dma_wait3A_141 = tpu.memref_slice %arg6[%dma_wait3A_139, %dma_wait3A_140] : memref<10000x128xf32, #tpu.memory_space<hbm>> -> memref<10000x128xf32, #tpu.memory_space<hbm>>
      tpu.wait_indirect_dma semaphore(%arg23 : memref<!tpu.dma_semaphore, #tpu.memory_space<semaphore_mem>>) src(%dma_wait3A_141 : memref<10000x128xf32, #tpu.memory_space<hbm>>) dst(%arg19 : memref<80x128xf32, #tpu.memory_space<vmem>>)
      %scan3A_142 = arith.constant 0 : i32
      %scan3A_143 = arith.constant 0 : i32
      %scan3A_144 = arith.constant 80 : i32
      %scan3A_145 = arith.addi %scan3A_143, %scan3A_144 : i32
      %scan3A_146 = arith.constant 1 : i32
      %scan3A_147 = scf.for %scan3A_198 = %scan3A_143 to %scan3A_145 step %scan3A_146 iter_args(%scan3A_199 = %scan3A_142) -> (i32)  : i32 {
        %get3A = arith.index_cast %scan3A_198 : i32 to index
        %get3A_200 = arith.constant 0 : index
        %get3A_201 = tpu.vector_load %arg13[%get3A, %get3A_200] {strides = array<i32>} : memref<80x16xf32, #tpu.memory_space<vmem>>, vector<16xf32>,
        %get3A_202 = arith.index_cast %scan3A_198 : i32 to index
        %get3A_203 = arith.constant 0 : index
        %get3A_204 = tpu.vector_load %arg15[%get3A_202, %get3A_203] {strides = array<i32>} : memref<80x16xf32, #tpu.memory_space<vmem>>, vector<16xf32>,
        %add3A_205 = arith.addf %get3A_201, %get3A_204 : vector<16xf32>
        %ge3A = arith.constant 0.000000e+00 : f32
        %ge3A_206 = vector.broadcast %ge3A : f32 to vector<16xf32>
        %ge3A_207 = arith.cmpf oge, %add3A_205, %ge3A_206 : vector<16xf32>
        %mul3A_208 = arith.constant 2.000000e-01 : f32
        %mul3A_209 = vector.broadcast %mul3A_208 : f32 to vector<16xf32>
        %mul3A_210 = arith.mulf %add3A_205, %mul3A_209 : vector<16xf32>
        %select_n3A = arith.select %ge3A_207, %add3A_205, %mul3A_210 : vector<16xi1>, vector<16xf32>
        %exp3A = math.exp %select_n3A : vector<16xf32>
        %swap3A = arith.index_cast %scan3A_198 : i32 to index
        %swap3A_211 = arith.constant 0 : index
        %swap3A_212 = tpu.vector_load %arg17[%swap3A, %swap3A_211] {strides = array<i32>} : memref<80x16xf32, #tpu.memory_space<vmem>>, vector<16xf32>,
        tpu.vector_store %arg17[%swap3A, %swap3A_211], %exp3A {strides = array<i32>} : memref<80x16xf32, #tpu.memory_space<vmem>>, vector<16xf32>,
        %broadcast_in_dim3A = arith.constant 0 : i32
        %broadcast_in_dim3A_213 = vector.broadcast %broadcast_in_dim3A : i32 to vector<16xi32>
        %reshape3A = vector.shape_cast %broadcast_in_dim3A_213 : vector<16xi32> to vector<16x1xi32>
        %gather3A = vector.shape_cast %reshape3A : vector<16x1xi32> to vector<16xi32>
        %gather3A_214 = tpu.dynamic_gather %exp3A[%gather3A] in [0] : vector<16xf32>, vector<16xi32> -> vector<16xf32>
        %get3A_215 = arith.index_cast %scan3A_198 : i32 to index
        %get3A_216 = arith.constant 0 : index
        %get3A_217 = tpu.vector_load %arg19[%get3A_215, %get3A_216] {strides = array<i32>} : memref<80x128xf32, #tpu.memory_space<vmem>>, vector<16xf32>,
        %mul3A_218 = arith.mulf %get3A_217, %gather3A_214 : vector<16xf32>
        %swap3A_219 = arith.index_cast %scan3A_198 : i32 to index
        %swap3A_220 = arith.constant 0 : index
        %swap3A_221 = tpu.vector_load %arg19[%swap3A_219, %swap3A_220] {strides = array<i32>} : memref<80x128xf32, #tpu.memory_space<vmem>>, vector<16xf32>,
        tpu.vector_store %arg19[%swap3A_219, %swap3A_220], %mul3A_218 {strides = array<i32>} : memref<80x128xf32, #tpu.memory_space<vmem>>, vector<16xf32>,
        %broadcast_in_dim3A_222 = arith.constant 1 : i32
        %broadcast_in_dim3A_223 = vector.broadcast %broadcast_in_dim3A_222 : i32 to vector<16xi32>
        %reshape3A_224 = vector.shape_cast %broadcast_in_dim3A_223 : vector<16xi32> to vector<16x1xi32>
        %gather3A_225 = vector.shape_cast %reshape3A_224 : vector<16x1xi32> to vector<16xi32>
        %gather3A_226 = tpu.dynamic_gather %exp3A[%gather3A_225] in [0] : vector<16xf32>, vector<16xi32> -> vector<16xf32>
        %get3A_227 = arith.index_cast %scan3A_198 : i32 to index
        %get3A_228 = arith.constant 16 : index
        %get3A_229 = tpu.vector_load %arg19[%get3A_227, %get3A_228] {strides = array<i32>} : memref<80x128xf32, #tpu.memory_space<vmem>>, vector<16xf32>,
        %mul3A_230 = arith.mulf %get3A_229, %gather3A_226 : vector<16xf32>
        %swap3A_231 = arith.index_cast %scan3A_198 : i32 to index
        %swap3A_232 = arith.constant 16 : index
        %swap3A_233 = tpu.vector_load %arg19[%swap3A_231, %swap3A_232] {strides = array<i32>} : memref<80x128xf32, #tpu.memory_space<vmem>>, vector<16xf32>,
        tpu.vector_store %arg19[%swap3A_231, %swap3A_232], %mul3A_230 {strides = array<i32>} : memref<80x128xf32, #tpu.memory_space<vmem>>, vector<16xf32>,
        %broadcast_in_dim3A_234 = arith.constant 2 : i32
        %broadcast_in_dim3A_235 = vector.broadcast %broadcast_in_dim3A_234 : i32 to vector<16xi32>
        %reshape3A_236 = vector.shape_cast %broadcast_in_dim3A_235 : vector<16xi32> to vector<16x1xi32>
        %gather3A_237 = vector.shape_cast %reshape3A_236 : vector<16x1xi32> to vector<16xi32>
        %gather3A_238 = tpu.dynamic_gather %exp3A[%gather3A_237] in [0] : vector<16xf32>, vector<16xi32> -> vector<16xf32>
        %get3A_239 = arith.index_cast %scan3A_198 : i32 to index
        %get3A_240 = arith.constant 32 : index
        %get3A_241 = tpu.vector_load %arg19[%get3A_239, %get3A_240] {strides = array<i32>} : memref<80x128xf32, #tpu.memory_space<vmem>>, vector<16xf32>,
        %mul3A_242 = arith.mulf %get3A_241, %gather3A_238 : vector<16xf32>
        %swap3A_243 = arith.index_cast %scan3A_198 : i32 to index
        %swap3A_244 = arith.constant 32 : index
        %swap3A_245 = tpu.vector_load %arg19[%swap3A_243, %swap3A_244] {strides = array<i32>} : memref<80x128xf32, #tpu.memory_space<vmem>>, vector<16xf32>,
        tpu.vector_store %arg19[%swap3A_243, %swap3A_244], %mul3A_242 {strides = array<i32>} : memref<80x128xf32, #tpu.memory_space<vmem>>, vector<16xf32>,
        %broadcast_in_dim3A_246 = arith.constant 3 : i32
        %broadcast_in_dim3A_247 = vector.broadcast %broadcast_in_dim3A_246 : i32 to vector<16xi32>
        %reshape3A_248 = vector.shape_cast %broadcast_in_dim3A_247 : vector<16xi32> to vector<16x1xi32>
        %gather3A_249 = vector.shape_cast %reshape3A_248 : vector<16x1xi32> to vector<16xi32>
        %gather3A_250 = tpu.dynamic_gather %exp3A[%gather3A_249] in [0] : vector<16xf32>, vector<16xi32> -> vector<16xf32>
        %get3A_251 = arith.index_cast %scan3A_198 : i32 to index
        %get3A_252 = arith.constant 48 : index
        %get3A_253 = tpu.vector_load %arg19[%get3A_251, %get3A_252] {strides = array<i32>} : memref<80x128xf32, #tpu.memory_space<vmem>>, vector<16xf32>,
        %mul3A_254 = arith.mulf %get3A_253, %gather3A_250 : vector<16xf32>
        %swap3A_255 = arith.index_cast %scan3A_198 : i32 to index
        %swap3A_256 = arith.constant 48 : index
        %swap3A_257 = tpu.vector_load %arg19[%swap3A_255, %swap3A_256] {strides = array<i32>} : memref<80x128xf32, #tpu.memory_space<vmem>>, vector<16xf32>,
        tpu.vector_store %arg19[%swap3A_255, %swap3A_256], %mul3A_254 {strides = array<i32>} : memref<80x128xf32, #tpu.memory_space<vmem>>, vector<16xf32>,
        %broadcast_in_dim3A_258 = arith.constant 4 : i32
        %broadcast_in_dim3A_259 = vector.broadcast %broadcast_in_dim3A_258 : i32 to vector<16xi32>
        %reshape3A_260 = vector.shape_cast %broadcast_in_dim3A_259 : vector<16xi32> to vector<16x1xi32>
        %gather3A_261 = vector.shape_cast %reshape3A_260 : vector<16x1xi32> to vector<16xi32>
        %gather3A_262 = tpu.dynamic_gather %exp3A[%gather3A_261] in [0] : vector<16xf32>, vector<16xi32> -> vector<16xf32>
        %get3A_263 = arith.index_cast %scan3A_198 : i32 to index
        %get3A_264 = arith.constant 64 : index
        %get3A_265 = tpu.vector_load %arg19[%get3A_263, %get3A_264] {strides = array<i32>} : memref<80x128xf32, #tpu.memory_space<vmem>>, vector<16xf32>,
        %mul3A_266 = arith.mulf %get3A_265, %gather3A_262 : vector<16xf32>
        %swap3A_267 = arith.index_cast %scan3A_198 : i32 to index
        %swap3A_268 = arith.constant 64 : index
        %swap3A_269 = tpu.vector_load %arg19[%swap3A_267, %swap3A_268] {strides = array<i32>} : memref<80x128xf32, #tpu.memory_space<vmem>>, vector<16xf32>,
        tpu.vector_store %arg19[%swap3A_267, %swap3A_268], %mul3A_266 {strides = array<i32>} : memref<80x128xf32, #tpu.memory_space<vmem>>, vector<16xf32>,
        %broadcast_in_dim3A_270 = arith.constant 5 : i32
        %broadcast_in_dim3A_271 = vector.broadcast %broadcast_in_dim3A_270 : i32 to vector<16xi32>
        %reshape3A_272 = vector.shape_cast %broadcast_in_dim3A_271 : vector<16xi32> to vector<16x1xi32>
        %gather3A_273 = vector.shape_cast %reshape3A_272 : vector<16x1xi32> to vector<16xi32>
        %gather3A_274 = tpu.dynamic_gather %exp3A[%gather3A_273] in [0] : vector<16xf32>, vector<16xi32> -> vector<16xf32>
        %get3A_275 = arith.index_cast %scan3A_198 : i32 to index
        %get3A_276 = arith.constant 80 : index
        %get3A_277 = tpu.vector_load %arg19[%get3A_275, %get3A_276] {strides = array<i32>} : memref<80x128xf32, #tpu.memory_space<vmem>>, vector<16xf32>,
        %mul3A_278 = arith.mulf %get3A_277, %gather3A_274 : vector<16xf32>
        %swap3A_279 = arith.index_cast %scan3A_198 : i32 to index
        %swap3A_280 = arith.constant 80 : index
        %swap3A_281 = tpu.vector_load %arg19[%swap3A_279, %swap3A_280] {strides = array<i32>} : memref<80x128xf32, #tpu.memory_space<vmem>>, vector<16xf32>,
        tpu.vector_store %arg19[%swap3A_279, %swap3A_280], %mul3A_278 {strides = array<i32>} : memref<80x128xf32, #tpu.memory_space<vmem>>, vector<16xf32>,
        %broadcast_in_dim3A_282 = arith.constant 6 : i32
        %broadcast_in_dim3A_283 = vector.broadcast %broadcast_in_dim3A_282 : i32 to vector<16xi32>
        %reshape3A_284 = vector.shape_cast %broadcast_in_dim3A_283 : vector<16xi32> to vector<16x1xi32>
        %gather3A_285 = vector.shape_cast %reshape3A_284 : vector<16x1xi32> to vector<16xi32>
        %gather3A_286 = tpu.dynamic_gather %exp3A[%gather3A_285] in [0] : vector<16xf32>, vector<16xi32> -> vector<16xf32>
        %get3A_287 = arith.index_cast %scan3A_198 : i32 to index
        %get3A_288 = arith.constant 96 : index
        %get3A_289 = tpu.vector_load %arg19[%get3A_287, %get3A_288] {strides = array<i32>} : memref<80x128xf32, #tpu.memory_space<vmem>>, vector<16xf32>,
        %mul3A_290 = arith.mulf %get3A_289, %gather3A_286 : vector<16xf32>
        %swap3A_291 = arith.index_cast %scan3A_198 : i32 to index
        %swap3A_292 = arith.constant 96 : index
        %swap3A_293 = tpu.vector_load %arg19[%swap3A_291, %swap3A_292] {strides = array<i32>} : memref<80x128xf32, #tpu.memory_space<vmem>>, vector<16xf32>,
        tpu.vector_store %arg19[%swap3A_291, %swap3A_292], %mul3A_290 {strides = array<i32>} : memref<80x128xf32, #tpu.memory_space<vmem>>, vector<16xf32>,
        %broadcast_in_dim3A_294 = arith.constant 7 : i32
        %broadcast_in_dim3A_295 = vector.broadcast %broadcast_in_dim3A_294 : i32 to vector<16xi32>
        %reshape3A_296 = vector.shape_cast %broadcast_in_dim3A_295 : vector<16xi32> to vector<16x1xi32>
        %gather3A_297 = vector.shape_cast %reshape3A_296 : vector<16x1xi32> to vector<16xi32>
        %gather3A_298 = tpu.dynamic_gather %exp3A[%gather3A_297] in [0] : vector<16xf32>, vector<16xi32> -> vector<16xf32>
        %get3A_299 = arith.index_cast %scan3A_198 : i32 to index
        %get3A_300 = arith.constant 112 : index
        %get3A_301 = tpu.vector_load %arg19[%get3A_299, %get3A_300] {strides = array<i32>} : memref<80x128xf32, #tpu.memory_space<vmem>>, vector<16xf32>,
        %mul3A_302 = arith.mulf %get3A_301, %gather3A_298 : vector<16xf32>
        %swap3A_303 = arith.index_cast %scan3A_198 : i32 to index
        %swap3A_304 = arith.constant 112 : index
        %swap3A_305 = tpu.vector_load %arg19[%swap3A_303, %swap3A_304] {strides = array<i32>} : memref<80x128xf32, #tpu.memory_space<vmem>>, vector<16xf32>,
        tpu.vector_store %arg19[%swap3A_303, %swap3A_304], %mul3A_302 {strides = array<i32>} : memref<80x128xf32, #tpu.memory_space<vmem>>, vector<16xf32>,
        %scan3A_306 = arith.constant 0 : i32
        scf.yield %scan3A_306 : i32
      }
      %scan3A_148 = arith.constant 80 : i32
      "tpu.region"() ({
        %run_scoped3A = tpu.sem_alloc : memref<!tpu.dma_semaphore, #tpu.memory_space<semaphore_mem>>
        %dma_start3A_198 = arith.constant 0 : i32
        %dma_start3A_199 = arith.constant 0 : i32
        %dma_start3A_200 = tpu.memref_slice %arg25[%dma_start3A_198, %dma_start3A_199] : memref<10240x16xf32, #tpu.memory_space<vmem_shared>> -> memref<10240x16xf32, #tpu.memory_space<vmem_shared>>
        tpu.enqueue_indirect_dma source(%arg17 : memref<80x16xf32, #tpu.memory_space<vmem>>) target(%dma_start3A_200 : memref<10240x16xf32, #tpu.memory_space<vmem_shared>>) offsets(%arg11 : memref<80xi32, #tpu.memory_space<vmem>>) semaphore(%run_scoped3A : memref<!tpu.dma_semaphore, #tpu.memory_space<semaphore_mem>>) {add = true}
        %dma_wait3A_201 = arith.constant 0 : i32
        %dma_wait3A_202 = arith.constant 0 : i32
        %dma_wait3A_203 = tpu.memref_slice %arg25[%dma_wait3A_201, %dma_wait3A_202] : memref<10240x16xf32, #tpu.memory_space<vmem_shared>> -> memref<10240x16xf32, #tpu.memory_space<vmem_shared>>
        tpu.wait_indirect_dma semaphore(%run_scoped3A : memref<!tpu.dma_semaphore, #tpu.memory_space<semaphore_mem>>) src(%arg17 : memref<80x16xf32, #tpu.memory_space<vmem>>) dst(%dma_wait3A_203 : memref<10240x16xf32, #tpu.memory_space<vmem_shared>>)
        tpu.yield
      }) : () -> ()
      "tpu.region"() ({
        %run_scoped3A = tpu.sem_alloc : memref<!tpu.dma_semaphore, #tpu.memory_space<semaphore_mem>>
        %dma_start3A_198 = arith.constant 0 : i32
        %dma_start3A_199 = arith.constant 0 : i32
        %dma_start3A_200 = tpu.memref_slice %arg26[%dma_start3A_198, %dma_start3A_199] : memref<10240x128xf32, #tpu.memory_space<vmem_shared>> -> memref<10240x128xf32, #tpu.memory_space<vmem_shared>>
        tpu.enqueue_indirect_dma source(%arg19 : memref<80x128xf32, #tpu.memory_space<vmem>>) target(%dma_start3A_200 : memref<10240x128xf32, #tpu.memory_space<vmem_shared>>) offsets(%arg11 : memref<80xi32, #tpu.memory_space<vmem>>) semaphore(%run_scoped3A : memref<!tpu.dma_semaphore, #tpu.memory_space<semaphore_mem>>) {add = true}
        %dma_wait3A_201 = arith.constant 0 : i32
        %dma_wait3A_202 = arith.constant 0 : i32
        %dma_wait3A_203 = tpu.memref_slice %arg26[%dma_wait3A_201, %dma_wait3A_202] : memref<10240x128xf32, #tpu.memory_space<vmem_shared>> -> memref<10240x128xf32, #tpu.memory_space<vmem_shared>>
        tpu.wait_indirect_dma semaphore(%run_scoped3A : memref<!tpu.dma_semaphore, #tpu.memory_space<semaphore_mem>>) src(%arg19 : memref<80x128xf32, #tpu.memory_space<vmem>>) dst(%dma_wait3A_203 : memref<10240x128xf32, #tpu.memory_space<vmem_shared>>)
        tpu.yield
      }) : () -> ()
      %add3A_149 = arith.constant 2 : i32
      %add3A_150 = arith.addi %add3A_115, %add3A_149 : i32
      %lt3A = arith.constant 125 : i32
      %lt3A_151 = arith.cmpi slt, %add3A_150, %lt3A : i32
      %convert_element_type3A = arith.extui %lt3A_151 : i1 to i32
      %cond3A = arith.constant 0 : i32
      %cond3A_152 = arith.cmpi ne, %convert_element_type3A, %cond3A : i32
      scf.if %cond3A_152 {
        %add3A_198 = arith.constant 2 : i32
        %add3A_199 = arith.addi %add3A_115, %add3A_198 : i32
        %mul3A_200 = arith.constant 80 : i32
        %mul3A_201 = arith.muli %add3A_199, %mul3A_200 : i32
        %add3A_202 = arith.addi %mul3A_4, %mul3A_201 : i32
        %dma_start3A_203 = tpu.memref_slice %arg2[%add3A_202] : memref<320000xi32, #tpu.memory_space<hbm>> -> memref<80xi32, #tpu.memory_space<hbm>>
        %dma_start3A_204 = tpu.memref_slice %arg2[%add3A_202] : memref<320000xi32, #tpu.memory_space<hbm>> -> memref<80xi32, #tpu.memory_space<hbm>>
        tpu.enqueue_dma source(%dma_start3A_204 : memref<80xi32, #tpu.memory_space<hbm>>) target(%arg9 : memref<80xi32, #tpu.memory_space<vmem>>) target_semaphore(%arg21 : memref<!tpu.dma_semaphore, #tpu.memory_space<semaphore_mem>>)
        %dma_start3A_205 = tpu.memref_slice %arg3[%add3A_202] : memref<320000xi32, #tpu.memory_space<hbm>> -> memref<80xi32, #tpu.memory_space<hbm>>
        %dma_start3A_206 = tpu.memref_slice %arg3[%add3A_202] : memref<320000xi32, #tpu.memory_space<hbm>> -> memref<80xi32, #tpu.memory_space<hbm>>
        tpu.enqueue_dma source(%dma_start3A_206 : memref<80xi32, #tpu.memory_space<hbm>>) target(%arg11 : memref<80xi32, #tpu.memory_space<vmem>>) target_semaphore(%arg21 : memref<!tpu.dma_semaphore, #tpu.memory_space<semaphore_mem>>)
      } else {
      }
      %mul3A_153 = arith.constant 2 : i32
      %mul3A_154 = arith.muli %scan3A_110, %mul3A_153 : i32
      %add3A_155 = arith.constant 1 : i32
      %add3A_156 = arith.addi %mul3A_154, %add3A_155 : i32
      %dma_wait3A_157 = arith.constant 0 : i32
      %dma_wait3A_158 = tpu.memref_slice %arg2[%dma_wait3A_157] : memref<320000xi32, #tpu.memory_space<hbm>> -> memref<80xi32, #tpu.memory_space<hbm>>
      %dma_wait3A_159 = arith.constant 0 : i32
      %dma_wait3A_160 = tpu.memref_slice %arg2[%dma_wait3A_159] : memref<320000xi32, #tpu.memory_space<hbm>> -> memref<80xi32, #tpu.memory_space<hbm>>
      tpu.wait_dma2 semaphore(%arg21 : memref<!tpu.dma_semaphore, #tpu.memory_space<semaphore_mem>>) src(%dma_wait3A_160 : memref<80xi32, #tpu.memory_space<hbm>>) dst(%arg9 : memref<80xi32, #tpu.memory_space<vmem>>)
      %dma_wait3A_161 = arith.constant 0 : i32
      %dma_wait3A_162 = tpu.memref_slice %arg3[%dma_wait3A_161] : memref<320000xi32, #tpu.memory_space<hbm>> -> memref<80xi32, #tpu.memory_space<hbm>>
      %dma_wait3A_163 = arith.constant 0 : i32
      %dma_wait3A_164 = tpu.memref_slice %arg3[%dma_wait3A_163] : memref<320000xi32, #tpu.memory_space<hbm>> -> memref<80xi32, #tpu.memory_space<hbm>>
      tpu.wait_dma2 semaphore(%arg21 : memref<!tpu.dma_semaphore, #tpu.memory_space<semaphore_mem>>) src(%dma_wait3A_164 : memref<80xi32, #tpu.memory_space<hbm>>) dst(%arg11 : memref<80xi32, #tpu.memory_space<vmem>>)
      %dma_start3A_165 = arith.constant 0 : i32
      %dma_start3A_166 = arith.constant 0 : i32
      %dma_start3A_167 = tpu.memref_slice %arg4[%dma_start3A_165, %dma_start3A_166] : memref<10000x16xf32, #tpu.memory_space<hbm>> -> memref<10000x16xf32, #tpu.memory_space<hbm>>
      tpu.enqueue_indirect_dma source(%dma_start3A_167 : memref<10000x16xf32, #tpu.memory_space<hbm>>) target(%arg13 : memref<80x16xf32, #tpu.memory_space<vmem>>) offsets(%arg9 : memref<80xi32, #tpu.memory_space<vmem>>) semaphore(%arg23 : memref<!tpu.dma_semaphore, #tpu.memory_space<semaphore_mem>>)
      %dma_start3A_168 = arith.constant 0 : i32
      %dma_start3A_169 = arith.constant 0 : i32
      %dma_start3A_170 = tpu.memref_slice %arg5[%dma_start3A_168, %dma_start3A_169] : memref<10000x16xf32, #tpu.memory_space<hbm>> -> memref<10000x16xf32, #tpu.memory_space<hbm>>
      tpu.enqueue_indirect_dma source(%dma_start3A_170 : memref<10000x16xf32, #tpu.memory_space<hbm>>) target(%arg15 : memref<80x16xf32, #tpu.memory_space<vmem>>) offsets(%arg11 : memref<80xi32, #tpu.memory_space<vmem>>) semaphore(%arg23 : memref<!tpu.dma_semaphore, #tpu.memory_space<semaphore_mem>>)
      %dma_start3A_171 = arith.constant 0 : i32
      %dma_start3A_172 = arith.constant 0 : i32
      %dma_start3A_173 = tpu.memref_slice %arg6[%dma_start3A_171, %dma_start3A_172] : memref<10000x128xf32, #tpu.memory_space<hbm>> -> memref<10000x128xf32, #tpu.memory_space<hbm>>
      tpu.enqueue_indirect_dma source(%dma_start3A_173 : memref<10000x128xf32, #tpu.memory_space<hbm>>) target(%arg19 : memref<80x128xf32, #tpu.memory_space<vmem>>) offsets(%arg9 : memref<80xi32, #tpu.memory_space<vmem>>) semaphore(%arg23 : memref<!tpu.dma_semaphore, #tpu.memory_space<semaphore_mem>>)
      %dma_wait3A_174 = arith.constant 0 : i32
      %dma_wait3A_175 = arith.constant 0 : i32
      %dma_wait3A_176 = tpu.memref_slice %arg4[%dma_wait3A_174, %dma_wait3A_175] : memref<10000x16xf32, #tpu.memory_space<hbm>> -> memref<10000x16xf32, #tpu.memory_space<hbm>>
      tpu.wait_indirect_dma semaphore(%arg24 : memref<!tpu.dma_semaphore, #tpu.memory_space<semaphore_mem>>) src(%dma_wait3A_176 : memref<10000x16xf32, #tpu.memory_space<hbm>>) dst(%arg14 : memref<80x16xf32, #tpu.memory_space<vmem>>)
      %dma_wait3A_177 = arith.constant 0 : i32
      %dma_wait3A_178 = arith.constant 0 : i32
      %dma_wait3A_179 = tpu.memref_slice %arg5[%dma_wait3A_177, %dma_wait3A_178] : memref<10000x16xf32, #tpu.memory_space<hbm>> -> memref<10000x16xf32, #tpu.memory_space<hbm>>
      tpu.wait_indirect_dma semaphore(%arg24 : memref<!tpu.dma_semaphore, #tpu.memory_space<semaphore_mem>>) src(%dma_wait3A_179 : memref<10000x16xf32, #tpu.memory_space<hbm>>) dst(%arg16 : memref<80x16xf32, #tpu.memory_space<vmem>>)
      %dma_wait3A_180 = arith.constant 0 : i32
      %dma_wait3A_181 = arith.constant 0 : i32
      %dma_wait3A_182 = tpu.memref_slice %arg6[%dma_wait3A_180, %dma_wait3A_181] : memref<10000x128xf32, #tpu.memory_space<hbm>> -> memref<10000x128xf32, #tpu.memory_space<hbm>>
      tpu.wait_indirect_dma semaphore(%arg24 : memref<!tpu.dma_semaphore, #tpu.memory_space<semaphore_mem>>) src(%dma_wait3A_182 : memref<10000x128xf32, #tpu.memory_space<hbm>>) dst(%arg20 : memref<80x128xf32, #tpu.memory_space<vmem>>)
      %scan3A_183 = arith.constant 0 : i32
      %scan3A_184 = arith.constant 0 : i32
      %scan3A_185 = arith.constant 80 : i32
      %scan3A_186 = arith.addi %scan3A_184, %scan3A_185 : i32
      %scan3A_187 = arith.constant 1 : i32
      %scan3A_188 = scf.for %scan3A_198 = %scan3A_184 to %scan3A_186 step %scan3A_187 iter_args(%scan3A_199 = %scan3A_183) -> (i32)  : i32 {
        %get3A = arith.index_cast %scan3A_198 : i32 to index
        %get3A_200 = arith.constant 0 : index
        %get3A_201 = tpu.vector_load %arg14[%get3A, %get3A_200] {strides = array<i32>} : memref<80x16xf32, #tpu.memory_space<vmem>>, vector<16xf32>,
        %get3A_202 = arith.index_cast %scan3A_198 : i32 to index
        %get3A_203 = arith.constant 0 : index
        %get3A_204 = tpu.vector_load %arg16[%get3A_202, %get3A_203] {strides = array<i32>} : memref<80x16xf32, #tpu.memory_space<vmem>>, vector<16xf32>,
        %add3A_205 = arith.addf %get3A_201, %get3A_204 : vector<16xf32>
        %ge3A = arith.constant 0.000000e+00 : f32
        %ge3A_206 = vector.broadcast %ge3A : f32 to vector<16xf32>
        %ge3A_207 = arith.cmpf oge, %add3A_205, %ge3A_206 : vector<16xf32>
        %mul3A_208 = arith.constant 2.000000e-01 : f32
        %mul3A_209 = vector.broadcast %mul3A_208 : f32 to vector<16xf32>
        %mul3A_210 = arith.mulf %add3A_205, %mul3A_209 : vector<16xf32>
        %select_n3A = arith.select %ge3A_207, %add3A_205, %mul3A_210 : vector<16xi1>, vector<16xf32>
        %exp3A = math.exp %select_n3A : vector<16xf32>
        %swap3A = arith.index_cast %scan3A_198 : i32 to index
        %swap3A_211 = arith.constant 0 : index
        %swap3A_212 = tpu.vector_load %arg18[%swap3A, %swap3A_211] {strides = array<i32>} : memref<80x16xf32, #tpu.memory_space<vmem>>, vector<16xf32>,
        tpu.vector_store %arg18[%swap3A, %swap3A_211], %exp3A {strides = array<i32>} : memref<80x16xf32, #tpu.memory_space<vmem>>, vector<16xf32>,
        %broadcast_in_dim3A = arith.constant 0 : i32
        %broadcast_in_dim3A_213 = vector.broadcast %broadcast_in_dim3A : i32 to vector<16xi32>
        %reshape3A = vector.shape_cast %broadcast_in_dim3A_213 : vector<16xi32> to vector<16x1xi32>
        %gather3A = vector.shape_cast %reshape3A : vector<16x1xi32> to vector<16xi32>
        %gather3A_214 = tpu.dynamic_gather %exp3A[%gather3A] in [0] : vector<16xf32>, vector<16xi32> -> vector<16xf32>
        %get3A_215 = arith.index_cast %scan3A_198 : i32 to index
        %get3A_216 = arith.constant 0 : index
        %get3A_217 = tpu.vector_load %arg20[%get3A_215, %get3A_216] {strides = array<i32>} : memref<80x128xf32, #tpu.memory_space<vmem>>, vector<16xf32>,
        %mul3A_218 = arith.mulf %get3A_217, %gather3A_214 : vector<16xf32>
        %swap3A_219 = arith.index_cast %scan3A_198 : i32 to index
        %swap3A_220 = arith.constant 0 : index
        %swap3A_221 = tpu.vector_load %arg20[%swap3A_219, %swap3A_220] {strides = array<i32>} : memref<80x128xf32, #tpu.memory_space<vmem>>, vector<16xf32>,
        tpu.vector_store %arg20[%swap3A_219, %swap3A_220], %mul3A_218 {strides = array<i32>} : memref<80x128xf32, #tpu.memory_space<vmem>>, vector<16xf32>,
        %broadcast_in_dim3A_222 = arith.constant 1 : i32
        %broadcast_in_dim3A_223 = vector.broadcast %broadcast_in_dim3A_222 : i32 to vector<16xi32>
        %reshape3A_224 = vector.shape_cast %broadcast_in_dim3A_223 : vector<16xi32> to vector<16x1xi32>
        %gather3A_225 = vector.shape_cast %reshape3A_224 : vector<16x1xi32> to vector<16xi32>
        %gather3A_226 = tpu.dynamic_gather %exp3A[%gather3A_225] in [0] : vector<16xf32>, vector<16xi32> -> vector<16xf32>
        %get3A_227 = arith.index_cast %scan3A_198 : i32 to index
        %get3A_228 = arith.constant 16 : index
        %get3A_229 = tpu.vector_load %arg20[%get3A_227, %get3A_228] {strides = array<i32>} : memref<80x128xf32, #tpu.memory_space<vmem>>, vector<16xf32>,
        %mul3A_230 = arith.mulf %get3A_229, %gather3A_226 : vector<16xf32>
        %swap3A_231 = arith.index_cast %scan3A_198 : i32 to index
        %swap3A_232 = arith.constant 16 : index
        %swap3A_233 = tpu.vector_load %arg20[%swap3A_231, %swap3A_232] {strides = array<i32>} : memref<80x128xf32, #tpu.memory_space<vmem>>, vector<16xf32>,
        tpu.vector_store %arg20[%swap3A_231, %swap3A_232], %mul3A_230 {strides = array<i32>} : memref<80x128xf32, #tpu.memory_space<vmem>>, vector<16xf32>,
        %broadcast_in_dim3A_234 = arith.constant 2 : i32
        %broadcast_in_dim3A_235 = vector.broadcast %broadcast_in_dim3A_234 : i32 to vector<16xi32>
        %reshape3A_236 = vector.shape_cast %broadcast_in_dim3A_235 : vector<16xi32> to vector<16x1xi32>
        %gather3A_237 = vector.shape_cast %reshape3A_236 : vector<16x1xi32> to vector<16xi32>
        %gather3A_238 = tpu.dynamic_gather %exp3A[%gather3A_237] in [0] : vector<16xf32>, vector<16xi32> -> vector<16xf32>
        %get3A_239 = arith.index_cast %scan3A_198 : i32 to index
        %get3A_240 = arith.constant 32 : index
        %get3A_241 = tpu.vector_load %arg20[%get3A_239, %get3A_240] {strides = array<i32>} : memref<80x128xf32, #tpu.memory_space<vmem>>, vector<16xf32>,
        %mul3A_242 = arith.mulf %get3A_241, %gather3A_238 : vector<16xf32>
        %swap3A_243 = arith.index_cast %scan3A_198 : i32 to index
        %swap3A_244 = arith.constant 32 : index
        %swap3A_245 = tpu.vector_load %arg20[%swap3A_243, %swap3A_244] {strides = array<i32>} : memref<80x128xf32, #tpu.memory_space<vmem>>, vector<16xf32>,
        tpu.vector_store %arg20[%swap3A_243, %swap3A_244], %mul3A_242 {strides = array<i32>} : memref<80x128xf32, #tpu.memory_space<vmem>>, vector<16xf32>,
        %broadcast_in_dim3A_246 = arith.constant 3 : i32
        %broadcast_in_dim3A_247 = vector.broadcast %broadcast_in_dim3A_246 : i32 to vector<16xi32>
        %reshape3A_248 = vector.shape_cast %broadcast_in_dim3A_247 : vector<16xi32> to vector<16x1xi32>
        %gather3A_249 = vector.shape_cast %reshape3A_248 : vector<16x1xi32> to vector<16xi32>
        %gather3A_250 = tpu.dynamic_gather %exp3A[%gather3A_249] in [0] : vector<16xf32>, vector<16xi32> -> vector<16xf32>
        %get3A_251 = arith.index_cast %scan3A_198 : i32 to index
        %get3A_252 = arith.constant 48 : index
        %get3A_253 = tpu.vector_load %arg20[%get3A_251, %get3A_252] {strides = array<i32>} : memref<80x128xf32, #tpu.memory_space<vmem>>, vector<16xf32>,
        %mul3A_254 = arith.mulf %get3A_253, %gather3A_250 : vector<16xf32>
        %swap3A_255 = arith.index_cast %scan3A_198 : i32 to index
        %swap3A_256 = arith.constant 48 : index
        %swap3A_257 = tpu.vector_load %arg20[%swap3A_255, %swap3A_256] {strides = array<i32>} : memref<80x128xf32, #tpu.memory_space<vmem>>, vector<16xf32>,
        tpu.vector_store %arg20[%swap3A_255, %swap3A_256], %mul3A_254 {strides = array<i32>} : memref<80x128xf32, #tpu.memory_space<vmem>>, vector<16xf32>,
        %broadcast_in_dim3A_258 = arith.constant 4 : i32
        %broadcast_in_dim3A_259 = vector.broadcast %broadcast_in_dim3A_258 : i32 to vector<16xi32>
        %reshape3A_260 = vector.shape_cast %broadcast_in_dim3A_259 : vector<16xi32> to vector<16x1xi32>
        %gather3A_261 = vector.shape_cast %reshape3A_260 : vector<16x1xi32> to vector<16xi32>
        %gather3A_262 = tpu.dynamic_gather %exp3A[%gather3A_261] in [0] : vector<16xf32>, vector<16xi32> -> vector<16xf32>
        %get3A_263 = arith.index_cast %scan3A_198 : i32 to index
        %get3A_264 = arith.constant 64 : index
        %get3A_265 = tpu.vector_load %arg20[%get3A_263, %get3A_264] {strides = array<i32>} : memref<80x128xf32, #tpu.memory_space<vmem>>, vector<16xf32>,
        %mul3A_266 = arith.mulf %get3A_265, %gather3A_262 : vector<16xf32>
        %swap3A_267 = arith.index_cast %scan3A_198 : i32 to index
        %swap3A_268 = arith.constant 64 : index
        %swap3A_269 = tpu.vector_load %arg20[%swap3A_267, %swap3A_268] {strides = array<i32>} : memref<80x128xf32, #tpu.memory_space<vmem>>, vector<16xf32>,
        tpu.vector_store %arg20[%swap3A_267, %swap3A_268], %mul3A_266 {strides = array<i32>} : memref<80x128xf32, #tpu.memory_space<vmem>>, vector<16xf32>,
        %broadcast_in_dim3A_270 = arith.constant 5 : i32
        %broadcast_in_dim3A_271 = vector.broadcast %broadcast_in_dim3A_270 : i32 to vector<16xi32>
        %reshape3A_272 = vector.shape_cast %broadcast_in_dim3A_271 : vector<16xi32> to vector<16x1xi32>
        %gather3A_273 = vector.shape_cast %reshape3A_272 : vector<16x1xi32> to vector<16xi32>
        %gather3A_274 = tpu.dynamic_gather %exp3A[%gather3A_273] in [0] : vector<16xf32>, vector<16xi32> -> vector<16xf32>
        %get3A_275 = arith.index_cast %scan3A_198 : i32 to index
        %get3A_276 = arith.constant 80 : index
        %get3A_277 = tpu.vector_load %arg20[%get3A_275, %get3A_276] {strides = array<i32>} : memref<80x128xf32, #tpu.memory_space<vmem>>, vector<16xf32>,
        %mul3A_278 = arith.mulf %get3A_277, %gather3A_274 : vector<16xf32>
        %swap3A_279 = arith.index_cast %scan3A_198 : i32 to index
        %swap3A_280 = arith.constant 80 : index
        %swap3A_281 = tpu.vector_load %arg20[%swap3A_279, %swap3A_280] {strides = array<i32>} : memref<80x128xf32, #tpu.memory_space<vmem>>, vector<16xf32>,
        tpu.vector_store %arg20[%swap3A_279, %swap3A_280], %mul3A_278 {strides = array<i32>} : memref<80x128xf32, #tpu.memory_space<vmem>>, vector<16xf32>,
        %broadcast_in_dim3A_282 = arith.constant 6 : i32
        %broadcast_in_dim3A_283 = vector.broadcast %broadcast_in_dim3A_282 : i32 to vector<16xi32>
        %reshape3A_284 = vector.shape_cast %broadcast_in_dim3A_283 : vector<16xi32> to vector<16x1xi32>
        %gather3A_285 = vector.shape_cast %reshape3A_284 : vector<16x1xi32> to vector<16xi32>
        %gather3A_286 = tpu.dynamic_gather %exp3A[%gather3A_285] in [0] : vector<16xf32>, vector<16xi32> -> vector<16xf32>
        %get3A_287 = arith.index_cast %scan3A_198 : i32 to index
        %get3A_288 = arith.constant 96 : index
        %get3A_289 = tpu.vector_load %arg20[%get3A_287, %get3A_288] {strides = array<i32>} : memref<80x128xf32, #tpu.memory_space<vmem>>, vector<16xf32>,
        %mul3A_290 = arith.mulf %get3A_289, %gather3A_286 : vector<16xf32>
        %swap3A_291 = arith.index_cast %scan3A_198 : i32 to index
        %swap3A_292 = arith.constant 96 : index
        %swap3A_293 = tpu.vector_load %arg20[%swap3A_291, %swap3A_292] {strides = array<i32>} : memref<80x128xf32, #tpu.memory_space<vmem>>, vector<16xf32>,
        tpu.vector_store %arg20[%swap3A_291, %swap3A_292], %mul3A_290 {strides = array<i32>} : memref<80x128xf32, #tpu.memory_space<vmem>>, vector<16xf32>,
        %broadcast_in_dim3A_294 = arith.constant 7 : i32
        %broadcast_in_dim3A_295 = vector.broadcast %broadcast_in_dim3A_294 : i32 to vector<16xi32>
        %reshape3A_296 = vector.shape_cast %broadcast_in_dim3A_295 : vector<16xi32> to vector<16x1xi32>
        %gather3A_297 = vector.shape_cast %reshape3A_296 : vector<16x1xi32> to vector<16xi32>
        %gather3A_298 = tpu.dynamic_gather %exp3A[%gather3A_297] in [0] : vector<16xf32>, vector<16xi32> -> vector<16xf32>
        %get3A_299 = arith.index_cast %scan3A_198 : i32 to index
        %get3A_300 = arith.constant 112 : index
        %get3A_301 = tpu.vector_load %arg20[%get3A_299, %get3A_300] {strides = array<i32>} : memref<80x128xf32, #tpu.memory_space<vmem>>, vector<16xf32>,
        %mul3A_302 = arith.mulf %get3A_301, %gather3A_298 : vector<16xf32>
        %swap3A_303 = arith.index_cast %scan3A_198 : i32 to index
        %swap3A_304 = arith.constant 112 : index
        %swap3A_305 = tpu.vector_load %arg20[%swap3A_303, %swap3A_304] {strides = array<i32>} : memref<80x128xf32, #tpu.memory_space<vmem>>, vector<16xf32>,
        tpu.vector_store %arg20[%swap3A_303, %swap3A_304], %mul3A_302 {strides = array<i32>} : memref<80x128xf32, #tpu.memory_space<vmem>>, vector<16xf32>,
        %scan3A_306 = arith.constant 0 : i32
        scf.yield %scan3A_306 : i32
      }
      %scan3A_189 = arith.constant 80 : i32
      "tpu.region"() ({
        %run_scoped3A = tpu.sem_alloc : memref<!tpu.dma_semaphore, #tpu.memory_space<semaphore_mem>>
        %dma_start3A_198 = arith.constant 0 : i32
        %dma_start3A_199 = arith.constant 0 : i32
        %dma_start3A_200 = tpu.memref_slice %arg25[%dma_start3A_198, %dma_start3A_199] : memref<10240x16xf32, #tpu.memory_space<vmem_shared>> -> memref<10240x16xf32, #tpu.memory_space<vmem_shared>>
        tpu.enqueue_indirect_dma source(%arg18 : memref<80x16xf32, #tpu.memory_space<vmem>>) target(%dma_start3A_200 : memref<10240x16xf32, #tpu.memory_space<vmem_shared>>) offsets(%arg12 : memref<80xi32, #tpu.memory_space<vmem>>) semaphore(%run_scoped3A : memref<!tpu.dma_semaphore, #tpu.memory_space<semaphore_mem>>) {add = true}
        %dma_wait3A_201 = arith.constant 0 : i32
        %dma_wait3A_202 = arith.constant 0 : i32
        %dma_wait3A_203 = tpu.memref_slice %arg25[%dma_wait3A_201, %dma_wait3A_202] : memref<10240x16xf32, #tpu.memory_space<vmem_shared>> -> memref<10240x16xf32, #tpu.memory_space<vmem_shared>>
        tpu.wait_indirect_dma semaphore(%run_scoped3A : memref<!tpu.dma_semaphore, #tpu.memory_space<semaphore_mem>>) src(%arg18 : memref<80x16xf32, #tpu.memory_space<vmem>>) dst(%dma_wait3A_203 : memref<10240x16xf32, #tpu.memory_space<vmem_shared>>)
        tpu.yield
      }) : () -> ()
      "tpu.region"() ({
        %run_scoped3A = tpu.sem_alloc : memref<!tpu.dma_semaphore, #tpu.memory_space<semaphore_mem>>
        %dma_start3A_198 = arith.constant 0 : i32
        %dma_start3A_199 = arith.constant 0 : i32
        %dma_start3A_200 = tpu.memref_slice %arg26[%dma_start3A_198, %dma_start3A_199] : memref<10240x128xf32, #tpu.memory_space<vmem_shared>> -> memref<10240x128xf32, #tpu.memory_space<vmem_shared>>
        tpu.enqueue_indirect_dma source(%arg20 : memref<80x128xf32, #tpu.memory_space<vmem>>) target(%dma_start3A_200 : memref<10240x128xf32, #tpu.memory_space<vmem_shared>>) offsets(%arg12 : memref<80xi32, #tpu.memory_space<vmem>>) semaphore(%run_scoped3A : memref<!tpu.dma_semaphore, #tpu.memory_space<semaphore_mem>>) {add = true}
        %dma_wait3A_201 = arith.constant 0 : i32
        %dma_wait3A_202 = arith.constant 0 : i32
        %dma_wait3A_203 = tpu.memref_slice %arg26[%dma_wait3A_201, %dma_wait3A_202] : memref<10240x128xf32, #tpu.memory_space<vmem_shared>> -> memref<10240x128xf32, #tpu.memory_space<vmem_shared>>
        tpu.wait_indirect_dma semaphore(%run_scoped3A : memref<!tpu.dma_semaphore, #tpu.memory_space<semaphore_mem>>) src(%arg20 : memref<80x128xf32, #tpu.memory_space<vmem>>) dst(%dma_wait3A_203 : memref<10240x128xf32, #tpu.memory_space<vmem_shared>>)
        tpu.yield
      }) : () -> ()
      %add3A_190 = arith.constant 2 : i32
      %add3A_191 = arith.addi %add3A_156, %add3A_190 : i32
      %lt3A_192 = arith.constant 125 : i32
      %lt3A_193 = arith.cmpi slt, %add3A_191, %lt3A_192 : i32
      %convert_element_type3A_194 = arith.extui %lt3A_193 : i1 to i32
      %cond3A_195 = arith.constant 0 : i32
      %cond3A_196 = arith.cmpi ne, %convert_element_type3A_194, %cond3A_195 : i32
      scf.if %cond3A_196 {
        %add3A_198 = arith.constant 2 : i32
        %add3A_199 = arith.addi %add3A_156, %add3A_198 : i32
        %mul3A_200 = arith.constant 80 : i32
        %mul3A_201 = arith.muli %add3A_199, %mul3A_200 : i32
        %add3A_202 = arith.addi %mul3A_4, %mul3A_201 : i32
        %dma_start3A_203 = tpu.memref_slice %arg2[%add3A_202] : memref<320000xi32, #tpu.memory_space<hbm>> -> memref<80xi32, #tpu.memory_space<hbm>>
        %dma_start3A_204 = tpu.memref_slice %arg2[%add3A_202] : memref<320000xi32, #tpu.memory_space<hbm>> -> memref<80xi32, #tpu.memory_space<hbm>>
        tpu.enqueue_dma source(%dma_start3A_204 : memref<80xi32, #tpu.memory_space<hbm>>) target(%arg10 : memref<80xi32, #tpu.memory_space<vmem>>) target_semaphore(%arg22 : memref<!tpu.dma_semaphore, #tpu.memory_space<semaphore_mem>>)
        %dma_start3A_205 = tpu.memref_slice %arg3[%add3A_202] : memref<320000xi32, #tpu.memory_space<hbm>> -> memref<80xi32, #tpu.memory_space<hbm>>
        %dma_start3A_206 = tpu.memref_slice %arg3[%add3A_202] : memref<320000xi32, #tpu.memory_space<hbm>> -> memref<80xi32, #tpu.memory_space<hbm>>
        tpu.enqueue_dma source(%dma_start3A_206 : memref<80xi32, #tpu.memory_space<hbm>>) target(%arg12 : memref<80xi32, #tpu.memory_space<vmem>>) target_semaphore(%arg22 : memref<!tpu.dma_semaphore, #tpu.memory_space<semaphore_mem>>)
      } else {
      }
      %scan3A_197 = arith.constant 0 : i32
      scf.yield %scan3A_197 : i32
    }
    %scan3A_76 = arith.constant 62 : i32
    %dma_wait3A_77 = arith.constant 0 : i32
    %dma_wait3A_78 = arith.constant 0 : i32
    %dma_wait3A_79 = tpu.memref_slice %arg4[%dma_wait3A_77, %dma_wait3A_78] : memref<10000x16xf32, #tpu.memory_space<hbm>> -> memref<10000x16xf32, #tpu.memory_space<hbm>>
    tpu.wait_indirect_dma semaphore(%arg23 : memref<!tpu.dma_semaphore, #tpu.memory_space<semaphore_mem>>) src(%dma_wait3A_79 : memref<10000x16xf32, #tpu.memory_space<hbm>>) dst(%arg13 : memref<80x16xf32, #tpu.memory_space<vmem>>)
    %dma_wait3A_80 = arith.constant 0 : i32
    %dma_wait3A_81 = arith.constant 0 : i32
    %dma_wait3A_82 = tpu.memref_slice %arg5[%dma_wait3A_80, %dma_wait3A_81] : memref<10000x16xf32, #tpu.memory_space<hbm>> -> memref<10000x16xf32, #tpu.memory_space<hbm>>
    tpu.wait_indirect_dma semaphore(%arg23 : memref<!tpu.dma_semaphore, #tpu.memory_space<semaphore_mem>>) src(%dma_wait3A_82 : memref<10000x16xf32, #tpu.memory_space<hbm>>) dst(%arg15 : memref<80x16xf32, #tpu.memory_space<vmem>>)
    %dma_wait3A_83 = arith.constant 0 : i32
    %dma_wait3A_84 = arith.constant 0 : i32
    %dma_wait3A_85 = tpu.memref_slice %arg6[%dma_wait3A_83, %dma_wait3A_84] : memref<10000x128xf32, #tpu.memory_space<hbm>> -> memref<10000x128xf32, #tpu.memory_space<hbm>>
    tpu.wait_indirect_dma semaphore(%arg23 : memref<!tpu.dma_semaphore, #tpu.memory_space<semaphore_mem>>) src(%dma_wait3A_85 : memref<10000x128xf32, #tpu.memory_space<hbm>>) dst(%arg19 : memref<80x128xf32, #tpu.memory_space<vmem>>)
    %scan3A_86 = arith.constant 0 : i32
    %scan3A_87 = arith.constant 0 : i32
    %scan3A_88 = arith.constant 80 : i32
    %scan3A_89 = arith.addi %scan3A_87, %scan3A_88 : i32
    %scan3A_90 = arith.constant 1 : i32
    %scan3A_91 = scf.for %scan3A_110 = %scan3A_87 to %scan3A_89 step %scan3A_90 iter_args(%scan3A_111 = %scan3A_86) -> (i32)  : i32 {
      %get3A = arith.index_cast %scan3A_110 : i32 to index
      %get3A_112 = arith.constant 0 : index
      %get3A_113 = tpu.vector_load %arg13[%get3A, %get3A_112] {strides = array<i32>} : memref<80x16xf32, #tpu.memory_space<vmem>>, vector<16xf32>,
      %get3A_114 = arith.index_cast %scan3A_110 : i32 to index
      %get3A_115 = arith.constant 0 : index
      %get3A_116 = tpu.vector_load %arg15[%get3A_114, %get3A_115] {strides = array<i32>} : memref<80x16xf32, #tpu.memory_space<vmem>>, vector<16xf32>,
      %add3A_117 = arith.addf %get3A_113, %get3A_116 : vector<16xf32>
      %ge3A = arith.constant 0.000000e+00 : f32
      %ge3A_118 = vector.broadcast %ge3A : f32 to vector<16xf32>
      %ge3A_119 = arith.cmpf oge, %add3A_117, %ge3A_118 : vector<16xf32>
      %mul3A_120 = arith.constant 2.000000e-01 : f32
      %mul3A_121 = vector.broadcast %mul3A_120 : f32 to vector<16xf32>
      %mul3A_122 = arith.mulf %add3A_117, %mul3A_121 : vector<16xf32>
      %select_n3A = arith.select %ge3A_119, %add3A_117, %mul3A_122 : vector<16xi1>, vector<16xf32>
      %exp3A = math.exp %select_n3A : vector<16xf32>
      %swap3A = arith.index_cast %scan3A_110 : i32 to index
      %swap3A_123 = arith.constant 0 : index
      %swap3A_124 = tpu.vector_load %arg17[%swap3A, %swap3A_123] {strides = array<i32>} : memref<80x16xf32, #tpu.memory_space<vmem>>, vector<16xf32>,
      tpu.vector_store %arg17[%swap3A, %swap3A_123], %exp3A {strides = array<i32>} : memref<80x16xf32, #tpu.memory_space<vmem>>, vector<16xf32>,
      %broadcast_in_dim3A = arith.constant 0 : i32
      %broadcast_in_dim3A_125 = vector.broadcast %broadcast_in_dim3A : i32 to vector<16xi32>
      %reshape3A = vector.shape_cast %broadcast_in_dim3A_125 : vector<16xi32> to vector<16x1xi32>
      %gather3A = vector.shape_cast %reshape3A : vector<16x1xi32> to vector<16xi32>
      %gather3A_126 = tpu.dynamic_gather %exp3A[%gather3A] in [0] : vector<16xf32>, vector<16xi32> -> vector<16xf32>
      %get3A_127 = arith.index_cast %scan3A_110 : i32 to index
      %get3A_128 = arith.constant 0 : index
      %get3A_129 = tpu.vector_load %arg19[%get3A_127, %get3A_128] {strides = array<i32>} : memref<80x128xf32, #tpu.memory_space<vmem>>, vector<16xf32>,
      %mul3A_130 = arith.mulf %get3A_129, %gather3A_126 : vector<16xf32>
      %swap3A_131 = arith.index_cast %scan3A_110 : i32 to index
      %swap3A_132 = arith.constant 0 : index
      %swap3A_133 = tpu.vector_load %arg19[%swap3A_131, %swap3A_132] {strides = array<i32>} : memref<80x128xf32, #tpu.memory_space<vmem>>, vector<16xf32>,
      tpu.vector_store %arg19[%swap3A_131, %swap3A_132], %mul3A_130 {strides = array<i32>} : memref<80x128xf32, #tpu.memory_space<vmem>>, vector<16xf32>,
      %broadcast_in_dim3A_134 = arith.constant 1 : i32
      %broadcast_in_dim3A_135 = vector.broadcast %broadcast_in_dim3A_134 : i32 to vector<16xi32>
      %reshape3A_136 = vector.shape_cast %broadcast_in_dim3A_135 : vector<16xi32> to vector<16x1xi32>
      %gather3A_137 = vector.shape_cast %reshape3A_136 : vector<16x1xi32> to vector<16xi32>
      %gather3A_138 = tpu.dynamic_gather %exp3A[%gather3A_137] in [0] : vector<16xf32>, vector<16xi32> -> vector<16xf32>
      %get3A_139 = arith.index_cast %scan3A_110 : i32 to index
      %get3A_140 = arith.constant 16 : index
      %get3A_141 = tpu.vector_load %arg19[%get3A_139, %get3A_140] {strides = array<i32>} : memref<80x128xf32, #tpu.memory_space<vmem>>, vector<16xf32>,
      %mul3A_142 = arith.mulf %get3A_141, %gather3A_138 : vector<16xf32>
      %swap3A_143 = arith.index_cast %scan3A_110 : i32 to index
      %swap3A_144 = arith.constant 16 : index
      %swap3A_145 = tpu.vector_load %arg19[%swap3A_143, %swap3A_144] {strides = array<i32>} : memref<80x128xf32, #tpu.memory_space<vmem>>, vector<16xf32>,
      tpu.vector_store %arg19[%swap3A_143, %swap3A_144], %mul3A_142 {strides = array<i32>} : memref<80x128xf32, #tpu.memory_space<vmem>>, vector<16xf32>,
      %broadcast_in_dim3A_146 = arith.constant 2 : i32
      %broadcast_in_dim3A_147 = vector.broadcast %broadcast_in_dim3A_146 : i32 to vector<16xi32>
      %reshape3A_148 = vector.shape_cast %broadcast_in_dim3A_147 : vector<16xi32> to vector<16x1xi32>
      %gather3A_149 = vector.shape_cast %reshape3A_148 : vector<16x1xi32> to vector<16xi32>
      %gather3A_150 = tpu.dynamic_gather %exp3A[%gather3A_149] in [0] : vector<16xf32>, vector<16xi32> -> vector<16xf32>
      %get3A_151 = arith.index_cast %scan3A_110 : i32 to index
      %get3A_152 = arith.constant 32 : index
      %get3A_153 = tpu.vector_load %arg19[%get3A_151, %get3A_152] {strides = array<i32>} : memref<80x128xf32, #tpu.memory_space<vmem>>, vector<16xf32>,
      %mul3A_154 = arith.mulf %get3A_153, %gather3A_150 : vector<16xf32>
      %swap3A_155 = arith.index_cast %scan3A_110 : i32 to index
      %swap3A_156 = arith.constant 32 : index
      %swap3A_157 = tpu.vector_load %arg19[%swap3A_155, %swap3A_156] {strides = array<i32>} : memref<80x128xf32, #tpu.memory_space<vmem>>, vector<16xf32>,
      tpu.vector_store %arg19[%swap3A_155, %swap3A_156], %mul3A_154 {strides = array<i32>} : memref<80x128xf32, #tpu.memory_space<vmem>>, vector<16xf32>,
      %broadcast_in_dim3A_158 = arith.constant 3 : i32
      %broadcast_in_dim3A_159 = vector.broadcast %broadcast_in_dim3A_158 : i32 to vector<16xi32>
      %reshape3A_160 = vector.shape_cast %broadcast_in_dim3A_159 : vector<16xi32> to vector<16x1xi32>
      %gather3A_161 = vector.shape_cast %reshape3A_160 : vector<16x1xi32> to vector<16xi32>
      %gather3A_162 = tpu.dynamic_gather %exp3A[%gather3A_161] in [0] : vector<16xf32>, vector<16xi32> -> vector<16xf32>
      %get3A_163 = arith.index_cast %scan3A_110 : i32 to index
      %get3A_164 = arith.constant 48 : index
      %get3A_165 = tpu.vector_load %arg19[%get3A_163, %get3A_164] {strides = array<i32>} : memref<80x128xf32, #tpu.memory_space<vmem>>, vector<16xf32>,
      %mul3A_166 = arith.mulf %get3A_165, %gather3A_162 : vector<16xf32>
      %swap3A_167 = arith.index_cast %scan3A_110 : i32 to index
      %swap3A_168 = arith.constant 48 : index
      %swap3A_169 = tpu.vector_load %arg19[%swap3A_167, %swap3A_168] {strides = array<i32>} : memref<80x128xf32, #tpu.memory_space<vmem>>, vector<16xf32>,
      tpu.vector_store %arg19[%swap3A_167, %swap3A_168], %mul3A_166 {strides = array<i32>} : memref<80x128xf32, #tpu.memory_space<vmem>>, vector<16xf32>,
      %broadcast_in_dim3A_170 = arith.constant 4 : i32
      %broadcast_in_dim3A_171 = vector.broadcast %broadcast_in_dim3A_170 : i32 to vector<16xi32>
      %reshape3A_172 = vector.shape_cast %broadcast_in_dim3A_171 : vector<16xi32> to vector<16x1xi32>
      %gather3A_173 = vector.shape_cast %reshape3A_172 : vector<16x1xi32> to vector<16xi32>
      %gather3A_174 = tpu.dynamic_gather %exp3A[%gather3A_173] in [0] : vector<16xf32>, vector<16xi32> -> vector<16xf32>
      %get3A_175 = arith.index_cast %scan3A_110 : i32 to index
      %get3A_176 = arith.constant 64 : index
      %get3A_177 = tpu.vector_load %arg19[%get3A_175, %get3A_176] {strides = array<i32>} : memref<80x128xf32, #tpu.memory_space<vmem>>, vector<16xf32>,
      %mul3A_178 = arith.mulf %get3A_177, %gather3A_174 : vector<16xf32>
      %swap3A_179 = arith.index_cast %scan3A_110 : i32 to index
      %swap3A_180 = arith.constant 64 : index
      %swap3A_181 = tpu.vector_load %arg19[%swap3A_179, %swap3A_180] {strides = array<i32>} : memref<80x128xf32, #tpu.memory_space<vmem>>, vector<16xf32>,
      tpu.vector_store %arg19[%swap3A_179, %swap3A_180], %mul3A_178 {strides = array<i32>} : memref<80x128xf32, #tpu.memory_space<vmem>>, vector<16xf32>,
      %broadcast_in_dim3A_182 = arith.constant 5 : i32
      %broadcast_in_dim3A_183 = vector.broadcast %broadcast_in_dim3A_182 : i32 to vector<16xi32>
      %reshape3A_184 = vector.shape_cast %broadcast_in_dim3A_183 : vector<16xi32> to vector<16x1xi32>
      %gather3A_185 = vector.shape_cast %reshape3A_184 : vector<16x1xi32> to vector<16xi32>
      %gather3A_186 = tpu.dynamic_gather %exp3A[%gather3A_185] in [0] : vector<16xf32>, vector<16xi32> -> vector<16xf32>
      %get3A_187 = arith.index_cast %scan3A_110 : i32 to index
      %get3A_188 = arith.constant 80 : index
      %get3A_189 = tpu.vector_load %arg19[%get3A_187, %get3A_188] {strides = array<i32>} : memref<80x128xf32, #tpu.memory_space<vmem>>, vector<16xf32>,
      %mul3A_190 = arith.mulf %get3A_189, %gather3A_186 : vector<16xf32>
      %swap3A_191 = arith.index_cast %scan3A_110 : i32 to index
      %swap3A_192 = arith.constant 80 : index
      %swap3A_193 = tpu.vector_load %arg19[%swap3A_191, %swap3A_192] {strides = array<i32>} : memref<80x128xf32, #tpu.memory_space<vmem>>, vector<16xf32>,
      tpu.vector_store %arg19[%swap3A_191, %swap3A_192], %mul3A_190 {strides = array<i32>} : memref<80x128xf32, #tpu.memory_space<vmem>>, vector<16xf32>,
      %broadcast_in_dim3A_194 = arith.constant 6 : i32
      %broadcast_in_dim3A_195 = vector.broadcast %broadcast_in_dim3A_194 : i32 to vector<16xi32>
      %reshape3A_196 = vector.shape_cast %broadcast_in_dim3A_195 : vector<16xi32> to vector<16x1xi32>
      %gather3A_197 = vector.shape_cast %reshape3A_196 : vector<16x1xi32> to vector<16xi32>
      %gather3A_198 = tpu.dynamic_gather %exp3A[%gather3A_197] in [0] : vector<16xf32>, vector<16xi32> -> vector<16xf32>
      %get3A_199 = arith.index_cast %scan3A_110 : i32 to index
      %get3A_200 = arith.constant 96 : index
      %get3A_201 = tpu.vector_load %arg19[%get3A_199, %get3A_200] {strides = array<i32>} : memref<80x128xf32, #tpu.memory_space<vmem>>, vector<16xf32>,
      %mul3A_202 = arith.mulf %get3A_201, %gather3A_198 : vector<16xf32>
      %swap3A_203 = arith.index_cast %scan3A_110 : i32 to index
      %swap3A_204 = arith.constant 96 : index
      %swap3A_205 = tpu.vector_load %arg19[%swap3A_203, %swap3A_204] {strides = array<i32>} : memref<80x128xf32, #tpu.memory_space<vmem>>, vector<16xf32>,
      tpu.vector_store %arg19[%swap3A_203, %swap3A_204], %mul3A_202 {strides = array<i32>} : memref<80x128xf32, #tpu.memory_space<vmem>>, vector<16xf32>,
      %broadcast_in_dim3A_206 = arith.constant 7 : i32
      %broadcast_in_dim3A_207 = vector.broadcast %broadcast_in_dim3A_206 : i32 to vector<16xi32>
      %reshape3A_208 = vector.shape_cast %broadcast_in_dim3A_207 : vector<16xi32> to vector<16x1xi32>
      %gather3A_209 = vector.shape_cast %reshape3A_208 : vector<16x1xi32> to vector<16xi32>
      %gather3A_210 = tpu.dynamic_gather %exp3A[%gather3A_209] in [0] : vector<16xf32>, vector<16xi32> -> vector<16xf32>
      %get3A_211 = arith.index_cast %scan3A_110 : i32 to index
      %get3A_212 = arith.constant 112 : index
      %get3A_213 = tpu.vector_load %arg19[%get3A_211, %get3A_212] {strides = array<i32>} : memref<80x128xf32, #tpu.memory_space<vmem>>, vector<16xf32>,
      %mul3A_214 = arith.mulf %get3A_213, %gather3A_210 : vector<16xf32>
      %swap3A_215 = arith.index_cast %scan3A_110 : i32 to index
      %swap3A_216 = arith.constant 112 : index
      %swap3A_217 = tpu.vector_load %arg19[%swap3A_215, %swap3A_216] {strides = array<i32>} : memref<80x128xf32, #tpu.memory_space<vmem>>, vector<16xf32>,
      tpu.vector_store %arg19[%swap3A_215, %swap3A_216], %mul3A_214 {strides = array<i32>} : memref<80x128xf32, #tpu.memory_space<vmem>>, vector<16xf32>,
      %scan3A_218 = arith.constant 0 : i32
      scf.yield %scan3A_218 : i32
    }
    %scan3A_92 = arith.constant 80 : i32
    "tpu.region"() ({
      %run_scoped3A = tpu.sem_alloc : memref<!tpu.dma_semaphore, #tpu.memory_space<semaphore_mem>>
      %dma_start3A_110 = arith.constant 0 : i32
      %dma_start3A_111 = arith.constant 0 : i32
      %dma_start3A_112 = tpu.memref_slice %arg25[%dma_start3A_110, %dma_start3A_111] : memref<10240x16xf32, #tpu.memory_space<vmem_shared>> -> memref<10240x16xf32, #tpu.memory_space<vmem_shared>>
      tpu.enqueue_indirect_dma source(%arg17 : memref<80x16xf32, #tpu.memory_space<vmem>>) target(%dma_start3A_112 : memref<10240x16xf32, #tpu.memory_space<vmem_shared>>) offsets(%arg11 : memref<80xi32, #tpu.memory_space<vmem>>) semaphore(%run_scoped3A : memref<!tpu.dma_semaphore, #tpu.memory_space<semaphore_mem>>) {add = true}
      %dma_wait3A_113 = arith.constant 0 : i32
      %dma_wait3A_114 = arith.constant 0 : i32
      %dma_wait3A_115 = tpu.memref_slice %arg25[%dma_wait3A_113, %dma_wait3A_114] : memref<10240x16xf32, #tpu.memory_space<vmem_shared>> -> memref<10240x16xf32, #tpu.memory_space<vmem_shared>>
      tpu.wait_indirect_dma semaphore(%run_scoped3A : memref<!tpu.dma_semaphore, #tpu.memory_space<semaphore_mem>>) src(%arg17 : memref<80x16xf32, #tpu.memory_space<vmem>>) dst(%dma_wait3A_115 : memref<10240x16xf32, #tpu.memory_space<vmem_shared>>)
      tpu.yield
    }) : () -> ()
    "tpu.region"() ({
      %run_scoped3A = tpu.sem_alloc : memref<!tpu.dma_semaphore, #tpu.memory_space<semaphore_mem>>
      %dma_start3A_110 = arith.constant 0 : i32
      %dma_start3A_111 = arith.constant 0 : i32
      %dma_start3A_112 = tpu.memref_slice %arg26[%dma_start3A_110, %dma_start3A_111] : memref<10240x128xf32, #tpu.memory_space<vmem_shared>> -> memref<10240x128xf32, #tpu.memory_space<vmem_shared>>
      tpu.enqueue_indirect_dma source(%arg19 : memref<80x128xf32, #tpu.memory_space<vmem>>) target(%dma_start3A_112 : memref<10240x128xf32, #tpu.memory_space<vmem_shared>>) offsets(%arg11 : memref<80xi32, #tpu.memory_space<vmem>>) semaphore(%run_scoped3A : memref<!tpu.dma_semaphore, #tpu.memory_space<semaphore_mem>>) {add = true}
      %dma_wait3A_113 = arith.constant 0 : i32
      %dma_wait3A_114 = arith.constant 0 : i32
      %dma_wait3A_115 = tpu.memref_slice %arg26[%dma_wait3A_113, %dma_wait3A_114] : memref<10240x128xf32, #tpu.memory_space<vmem_shared>> -> memref<10240x128xf32, #tpu.memory_space<vmem_shared>>
      tpu.wait_indirect_dma semaphore(%run_scoped3A : memref<!tpu.dma_semaphore, #tpu.memory_space<semaphore_mem>>) src(%arg19 : memref<80x128xf32, #tpu.memory_space<vmem>>) dst(%dma_wait3A_115 : memref<10240x128xf32, #tpu.memory_space<vmem_shared>>)
      tpu.yield
    }) : () -> ()
    %barrier3A_93 = arith.constant 0 : index
    tpu.barrier barrier_id(%barrier3A_93)
    "tpu.region"() ({
      %run_scoped3A = tpu.sem_alloc : memref<!tpu.dma_semaphore, #tpu.memory_space<semaphore_mem>>
      %dma_start3A_110 = arith.constant 0 : i32
      %dma_start3A_111 = tpu.memref_slice %arg7[%arg0, %mul3A_2, %dma_start3A_110] : memref<2x10240x16xf32, #tpu.memory_space<hbm>> -> memref<1x640x16xf32, #tpu.memory_space<hbm>>
      %dma_start3A_112 = tpu.memref_squeeze %dma_start3A_111 : memref<1x640x16xf32, #tpu.memory_space<hbm>> -> memref<640x16xf32, #tpu.memory_space<hbm>>
      %dma_start3A_113 = arith.constant 0 : i32
      %dma_start3A_114 = tpu.memref_slice %arg25[%mul3A_2, %dma_start3A_113] : memref<10240x16xf32, #tpu.memory_space<vmem_shared>> -> memref<640x16xf32, #tpu.memory_space<vmem_shared>>
      tpu.enqueue_dma source(%dma_start3A_114 : memref<640x16xf32, #tpu.memory_space<vmem_shared>>) target(%dma_start3A_112 : memref<640x16xf32, #tpu.memory_space<hbm>>) target_semaphore(%run_scoped3A : memref<!tpu.dma_semaphore, #tpu.memory_space<semaphore_mem>>)
      %dma_wait3A_115 = arith.constant 0 : i32
      %dma_wait3A_116 = tpu.memref_slice %arg7[%arg0, %mul3A_2, %dma_wait3A_115] : memref<2x10240x16xf32, #tpu.memory_space<hbm>> -> memref<1x640x16xf32, #tpu.memory_space<hbm>>
      %dma_wait3A_117 = tpu.memref_squeeze %dma_wait3A_116 : memref<1x640x16xf32, #tpu.memory_space<hbm>> -> memref<640x16xf32, #tpu.memory_space<hbm>>
      %dma_wait3A_118 = arith.constant 0 : i32
      %dma_wait3A_119 = tpu.memref_slice %arg25[%mul3A_2, %dma_wait3A_118] : memref<10240x16xf32, #tpu.memory_space<vmem_shared>> -> memref<640x16xf32, #tpu.memory_space<vmem_shared>>
      tpu.wait_dma2 semaphore(%run_scoped3A : memref<!tpu.dma_semaphore, #tpu.memory_space<semaphore_mem>>) src(%dma_wait3A_119 : memref<640x16xf32, #tpu.memory_space<vmem_shared>>) dst(%dma_wait3A_117 : memref<640x16xf32, #tpu.memory_space<hbm>>)
      tpu.yield
    }) : () -> ()
    %add3A_94 = arith.constant 0 : i32
    %add3A_95 = arith.addi %mul3A_2, %add3A_94 : i32
    "tpu.region"() ({
      %run_scoped3A = tpu.sem_alloc : memref<!tpu.dma_semaphore, #tpu.memory_space<semaphore_mem>>
      %dma_start3A_110 = arith.constant 0 : i32
      %dma_start3A_111 = tpu.memref_slice %arg8[%arg0, %add3A_95, %dma_start3A_110] : memref<2x10240x128xf32, #tpu.memory_space<hbm>> -> memref<1x80x128xf32, #tpu.memory_space<hbm>>
      %dma_start3A_112 = tpu.memref_squeeze %dma_start3A_111 : memref<1x80x128xf32, #tpu.memory_space<hbm>> -> memref<80x128xf32, #tpu.memory_space<hbm>>
      %dma_start3A_113 = arith.constant 0 : i32
      %dma_start3A_114 = tpu.memref_slice %arg26[%add3A_95, %dma_start3A_113] : memref<10240x128xf32, #tpu.memory_space<vmem_shared>> -> memref<80x128xf32, #tpu.memory_space<vmem_shared>>
      tpu.enqueue_dma source(%dma_start3A_114 : memref<80x128xf32, #tpu.memory_space<vmem_shared>>) target(%dma_start3A_112 : memref<80x128xf32, #tpu.memory_space<hbm>>) target_semaphore(%run_scoped3A : memref<!tpu.dma_semaphore, #tpu.memory_space<semaphore_mem>>)
      %dma_wait3A_115 = arith.constant 0 : i32
      %dma_wait3A_116 = tpu.memref_slice %arg8[%arg0, %add3A_95, %dma_wait3A_115] : memref<2x10240x128xf32, #tpu.memory_space<hbm>> -> memref<1x80x128xf32, #tpu.memory_space<hbm>>
      %dma_wait3A_117 = tpu.memref_squeeze %dma_wait3A_116 : memref<1x80x128xf32, #tpu.memory_space<hbm>> -> memref<80x128xf32, #tpu.memory_space<hbm>>
      %dma_wait3A_118 = arith.constant 0 : i32
      %dma_wait3A_119 = tpu.memref_slice %arg26[%add3A_95, %dma_wait3A_118] : memref<10240x128xf32, #tpu.memory_space<vmem_shared>> -> memref<80x128xf32, #tpu.memory_space<vmem_shared>>
      tpu.wait_dma2 semaphore(%run_scoped3A : memref<!tpu.dma_semaphore, #tpu.memory_space<semaphore_mem>>) src(%dma_wait3A_119 : memref<80x128xf32, #tpu.memory_space<vmem_shared>>) dst(%dma_wait3A_117 : memref<80x128xf32, #tpu.memory_space<hbm>>)
      tpu.yield
    }) : () -> ()
    %add3A_96 = arith.constant 80 : i32
    %add3A_97 = arith.addi %mul3A_2, %add3A_96 : i32
    "tpu.region"() ({
      %run_scoped3A = tpu.sem_alloc : memref<!tpu.dma_semaphore, #tpu.memory_space<semaphore_mem>>
      %dma_start3A_110 = arith.constant 0 : i32
      %dma_start3A_111 = tpu.memref_slice %arg8[%arg0, %add3A_97, %dma_start3A_110] : memref<2x10240x128xf32, #tpu.memory_space<hbm>> -> memref<1x80x128xf32, #tpu.memory_space<hbm>>
      %dma_start3A_112 = tpu.memref_squeeze %dma_start3A_111 : memref<1x80x128xf32, #tpu.memory_space<hbm>> -> memref<80x128xf32, #tpu.memory_space<hbm>>
      %dma_start3A_113 = arith.constant 0 : i32
      %dma_start3A_114 = tpu.memref_slice %arg26[%add3A_97, %dma_start3A_113] : memref<10240x128xf32, #tpu.memory_space<vmem_shared>> -> memref<80x128xf32, #tpu.memory_space<vmem_shared>>
      tpu.enqueue_dma source(%dma_start3A_114 : memref<80x128xf32, #tpu.memory_space<vmem_shared>>) target(%dma_start3A_112 : memref<80x128xf32, #tpu.memory_space<hbm>>) target_semaphore(%run_scoped3A : memref<!tpu.dma_semaphore, #tpu.memory_space<semaphore_mem>>)
      %dma_wait3A_115 = arith.constant 0 : i32
      %dma_wait3A_116 = tpu.memref_slice %arg8[%arg0, %add3A_97, %dma_wait3A_115] : memref<2x10240x128xf32, #tpu.memory_space<hbm>> -> memref<1x80x128xf32, #tpu.memory_space<hbm>>
      %dma_wait3A_117 = tpu.memref_squeeze %dma_wait3A_116 : memref<1x80x128xf32, #tpu.memory_space<hbm>> -> memref<80x128xf32, #tpu.memory_space<hbm>>
      %dma_wait3A_118 = arith.constant 0 : i32
      %dma_wait3A_119 = tpu.memref_slice %arg26[%add3A_97, %dma_wait3A_118] : memref<10240x128xf32, #tpu.memory_space<vmem_shared>> -> memref<80x128xf32, #tpu.memory_space<vmem_shared>>
      tpu.wait_dma2 semaphore(%run_scoped3A : memref<!tpu.dma_semaphore, #tpu.memory_space<semaphore_mem>>) src(%dma_wait3A_119 : memref<80x128xf32, #tpu.memory_space<vmem_shared>>) dst(%dma_wait3A_117 : memref<80x128xf32, #tpu.memory_space<hbm>>)
      tpu.yield
    }) : () -> ()
    %add3A_98 = arith.constant 160 : i32
    %add3A_99 = arith.addi %mul3A_2, %add3A_98 : i32
    "tpu.region"() ({
      %run_scoped3A = tpu.sem_alloc : memref<!tpu.dma_semaphore, #tpu.memory_space<semaphore_mem>>
      %dma_start3A_110 = arith.constant 0 : i32
      %dma_start3A_111 = tpu.memref_slice %arg8[%arg0, %add3A_99, %dma_start3A_110] : memref<2x10240x128xf32, #tpu.memory_space<hbm>> -> memref<1x80x128xf32, #tpu.memory_space<hbm>>
      %dma_start3A_112 = tpu.memref_squeeze %dma_start3A_111 : memref<1x80x128xf32, #tpu.memory_space<hbm>> -> memref<80x128xf32, #tpu.memory_space<hbm>>
      %dma_start3A_113 = arith.constant 0 : i32
      %dma_start3A_114 = tpu.memref_slice %arg26[%add3A_99, %dma_start3A_113] : memref<10240x128xf32, #tpu.memory_space<vmem_shared>> -> memref<80x128xf32, #tpu.memory_space<vmem_shared>>
      tpu.enqueue_dma source(%dma_start3A_114 : memref<80x128xf32, #tpu.memory_space<vmem_shared>>) target(%dma_start3A_112 : memref<80x128xf32, #tpu.memory_space<hbm>>) target_semaphore(%run_scoped3A : memref<!tpu.dma_semaphore, #tpu.memory_space<semaphore_mem>>)
      %dma_wait3A_115 = arith.constant 0 : i32
      %dma_wait3A_116 = tpu.memref_slice %arg8[%arg0, %add3A_99, %dma_wait3A_115] : memref<2x10240x128xf32, #tpu.memory_space<hbm>> -> memref<1x80x128xf32, #tpu.memory_space<hbm>>
      %dma_wait3A_117 = tpu.memref_squeeze %dma_wait3A_116 : memref<1x80x128xf32, #tpu.memory_space<hbm>> -> memref<80x128xf32, #tpu.memory_space<hbm>>
      %dma_wait3A_118 = arith.constant 0 : i32
      %dma_wait3A_119 = tpu.memref_slice %arg26[%add3A_99, %dma_wait3A_118] : memref<10240x128xf32, #tpu.memory_space<vmem_shared>> -> memref<80x128xf32, #tpu.memory_space<vmem_shared>>
      tpu.wait_dma2 semaphore(%run_scoped3A : memref<!tpu.dma_semaphore, #tpu.memory_space<semaphore_mem>>) src(%dma_wait3A_119 : memref<80x128xf32, #tpu.memory_space<vmem_shared>>) dst(%dma_wait3A_117 : memref<80x128xf32, #tpu.memory_space<hbm>>)
      tpu.yield
    }) : () -> ()
    %add3A_100 = arith.constant 240 : i32
    %add3A_101 = arith.addi %mul3A_2, %add3A_100 : i32
    "tpu.region"() ({
      %run_scoped3A = tpu.sem_alloc : memref<!tpu.dma_semaphore, #tpu.memory_space<semaphore_mem>>
      %dma_start3A_110 = arith.constant 0 : i32
      %dma_start3A_111 = tpu.memref_slice %arg8[%arg0, %add3A_101, %dma_start3A_110] : memref<2x10240x128xf32, #tpu.memory_space<hbm>> -> memref<1x80x128xf32, #tpu.memory_space<hbm>>
      %dma_start3A_112 = tpu.memref_squeeze %dma_start3A_111 : memref<1x80x128xf32, #tpu.memory_space<hbm>> -> memref<80x128xf32, #tpu.memory_space<hbm>>
      %dma_start3A_113 = arith.constant 0 : i32
      %dma_start3A_114 = tpu.memref_slice %arg26[%add3A_101, %dma_start3A_113] : memref<10240x128xf32, #tpu.memory_space<vmem_shared>> -> memref<80x128xf32, #tpu.memory_space<vmem_shared>>
      tpu.enqueue_dma source(%dma_start3A_114 : memref<80x128xf32, #tpu.memory_space<vmem_shared>>) target(%dma_start3A_112 : memref<80x128xf32, #tpu.memory_space<hbm>>) target_semaphore(%run_scoped3A : memref<!tpu.dma_semaphore, #tpu.memory_space<semaphore_mem>>)
      %dma_wait3A_115 = arith.constant 0 : i32
      %dma_wait3A_116 = tpu.memref_slice %arg8[%arg0, %add3A_101, %dma_wait3A_115] : memref<2x10240x128xf32, #tpu.memory_space<hbm>> -> memref<1x80x128xf32, #tpu.memory_space<hbm>>
      %dma_wait3A_117 = tpu.memref_squeeze %dma_wait3A_116 : memref<1x80x128xf32, #tpu.memory_space<hbm>> -> memref<80x128xf32, #tpu.memory_space<hbm>>
      %dma_wait3A_118 = arith.constant 0 : i32
      %dma_wait3A_119 = tpu.memref_slice %arg26[%add3A_101, %dma_wait3A_118] : memref<10240x128xf32, #tpu.memory_space<vmem_shared>> -> memref<80x128xf32, #tpu.memory_space<vmem_shared>>
      tpu.wait_dma2 semaphore(%run_scoped3A : memref<!tpu.dma_semaphore, #tpu.memory_space<semaphore_mem>>) src(%dma_wait3A_119 : memref<80x128xf32, #tpu.memory_space<vmem_shared>>) dst(%dma_wait3A_117 : memref<80x128xf32, #tpu.memory_space<hbm>>)
      tpu.yield
    }) : () -> ()
    %add3A_102 = arith.constant 320 : i32
    %add3A_103 = arith.addi %mul3A_2, %add3A_102 : i32
    "tpu.region"() ({
      %run_scoped3A = tpu.sem_alloc : memref<!tpu.dma_semaphore, #tpu.memory_space<semaphore_mem>>
      %dma_start3A_110 = arith.constant 0 : i32
      %dma_start3A_111 = tpu.memref_slice %arg8[%arg0, %add3A_103, %dma_start3A_110] : memref<2x10240x128xf32, #tpu.memory_space<hbm>> -> memref<1x80x128xf32, #tpu.memory_space<hbm>>
      %dma_start3A_112 = tpu.memref_squeeze %dma_start3A_111 : memref<1x80x128xf32, #tpu.memory_space<hbm>> -> memref<80x128xf32, #tpu.memory_space<hbm>>
      %dma_start3A_113 = arith.constant 0 : i32
      %dma_start3A_114 = tpu.memref_slice %arg26[%add3A_103, %dma_start3A_113] : memref<10240x128xf32, #tpu.memory_space<vmem_shared>> -> memref<80x128xf32, #tpu.memory_space<vmem_shared>>
      tpu.enqueue_dma source(%dma_start3A_114 : memref<80x128xf32, #tpu.memory_space<vmem_shared>>) target(%dma_start3A_112 : memref<80x128xf32, #tpu.memory_space<hbm>>) target_semaphore(%run_scoped3A : memref<!tpu.dma_semaphore, #tpu.memory_space<semaphore_mem>>)
      %dma_wait3A_115 = arith.constant 0 : i32
      %dma_wait3A_116 = tpu.memref_slice %arg8[%arg0, %add3A_103, %dma_wait3A_115] : memref<2x10240x128xf32, #tpu.memory_space<hbm>> -> memref<1x80x128xf32, #tpu.memory_space<hbm>>
      %dma_wait3A_117 = tpu.memref_squeeze %dma_wait3A_116 : memref<1x80x128xf32, #tpu.memory_space<hbm>> -> memref<80x128xf32, #tpu.memory_space<hbm>>
      %dma_wait3A_118 = arith.constant 0 : i32
      %dma_wait3A_119 = tpu.memref_slice %arg26[%add3A_103, %dma_wait3A_118] : memref<10240x128xf32, #tpu.memory_space<vmem_shared>> -> memref<80x128xf32, #tpu.memory_space<vmem_shared>>
      tpu.wait_dma2 semaphore(%run_scoped3A : memref<!tpu.dma_semaphore, #tpu.memory_space<semaphore_mem>>) src(%dma_wait3A_119 : memref<80x128xf32, #tpu.memory_space<vmem_shared>>) dst(%dma_wait3A_117 : memref<80x128xf32, #tpu.memory_space<hbm>>)
      tpu.yield
    }) : () -> ()
    %add3A_104 = arith.constant 400 : i32
    %add3A_105 = arith.addi %mul3A_2, %add3A_104 : i32
    "tpu.region"() ({
      %run_scoped3A = tpu.sem_alloc : memref<!tpu.dma_semaphore, #tpu.memory_space<semaphore_mem>>
      %dma_start3A_110 = arith.constant 0 : i32
      %dma_start3A_111 = tpu.memref_slice %arg8[%arg0, %add3A_105, %dma_start3A_110] : memref<2x10240x128xf32, #tpu.memory_space<hbm>> -> memref<1x80x128xf32, #tpu.memory_space<hbm>>
      %dma_start3A_112 = tpu.memref_squeeze %dma_start3A_111 : memref<1x80x128xf32, #tpu.memory_space<hbm>> -> memref<80x128xf32, #tpu.memory_space<hbm>>
      %dma_start3A_113 = arith.constant 0 : i32
      %dma_start3A_114 = tpu.memref_slice %arg26[%add3A_105, %dma_start3A_113] : memref<10240x128xf32, #tpu.memory_space<vmem_shared>> -> memref<80x128xf32, #tpu.memory_space<vmem_shared>>
      tpu.enqueue_dma source(%dma_start3A_114 : memref<80x128xf32, #tpu.memory_space<vmem_shared>>) target(%dma_start3A_112 : memref<80x128xf32, #tpu.memory_space<hbm>>) target_semaphore(%run_scoped3A : memref<!tpu.dma_semaphore, #tpu.memory_space<semaphore_mem>>)
      %dma_wait3A_115 = arith.constant 0 : i32
      %dma_wait3A_116 = tpu.memref_slice %arg8[%arg0, %add3A_105, %dma_wait3A_115] : memref<2x10240x128xf32, #tpu.memory_space<hbm>> -> memref<1x80x128xf32, #tpu.memory_space<hbm>>
      %dma_wait3A_117 = tpu.memref_squeeze %dma_wait3A_116 : memref<1x80x128xf32, #tpu.memory_space<hbm>> -> memref<80x128xf32, #tpu.memory_space<hbm>>
      %dma_wait3A_118 = arith.constant 0 : i32
      %dma_wait3A_119 = tpu.memref_slice %arg26[%add3A_105, %dma_wait3A_118] : memref<10240x128xf32, #tpu.memory_space<vmem_shared>> -> memref<80x128xf32, #tpu.memory_space<vmem_shared>>
      tpu.wait_dma2 semaphore(%run_scoped3A : memref<!tpu.dma_semaphore, #tpu.memory_space<semaphore_mem>>) src(%dma_wait3A_119 : memref<80x128xf32, #tpu.memory_space<vmem_shared>>) dst(%dma_wait3A_117 : memref<80x128xf32, #tpu.memory_space<hbm>>)
      tpu.yield
    }) : () -> ()
    %add3A_106 = arith.constant 480 : i32
    %add3A_107 = arith.addi %mul3A_2, %add3A_106 : i32
    "tpu.region"() ({
      %run_scoped3A = tpu.sem_alloc : memref<!tpu.dma_semaphore, #tpu.memory_space<semaphore_mem>>
      %dma_start3A_110 = arith.constant 0 : i32
      %dma_start3A_111 = tpu.memref_slice %arg8[%arg0, %add3A_107, %dma_start3A_110] : memref<2x10240x128xf32, #tpu.memory_space<hbm>> -> memref<1x80x128xf32, #tpu.memory_space<hbm>>
      %dma_start3A_112 = tpu.memref_squeeze %dma_start3A_111 : memref<1x80x128xf32, #tpu.memory_space<hbm>> -> memref<80x128xf32, #tpu.memory_space<hbm>>
      %dma_start3A_113 = arith.constant 0 : i32
      %dma_start3A_114 = tpu.memref_slice %arg26[%add3A_107, %dma_start3A_113] : memref<10240x128xf32, #tpu.memory_space<vmem_shared>> -> memref<80x128xf32, #tpu.memory_space<vmem_shared>>
      tpu.enqueue_dma source(%dma_start3A_114 : memref<80x128xf32, #tpu.memory_space<vmem_shared>>) target(%dma_start3A_112 : memref<80x128xf32, #tpu.memory_space<hbm>>) target_semaphore(%run_scoped3A : memref<!tpu.dma_semaphore, #tpu.memory_space<semaphore_mem>>)
      %dma_wait3A_115 = arith.constant 0 : i32
      %dma_wait3A_116 = tpu.memref_slice %arg8[%arg0, %add3A_107, %dma_wait3A_115] : memref<2x10240x128xf32, #tpu.memory_space<hbm>> -> memref<1x80x128xf32, #tpu.memory_space<hbm>>
      %dma_wait3A_117 = tpu.memref_squeeze %dma_wait3A_116 : memref<1x80x128xf32, #tpu.memory_space<hbm>> -> memref<80x128xf32, #tpu.memory_space<hbm>>
      %dma_wait3A_118 = arith.constant 0 : i32
      %dma_wait3A_119 = tpu.memref_slice %arg26[%add3A_107, %dma_wait3A_118] : memref<10240x128xf32, #tpu.memory_space<vmem_shared>> -> memref<80x128xf32, #tpu.memory_space<vmem_shared>>
      tpu.wait_dma2 semaphore(%run_scoped3A : memref<!tpu.dma_semaphore, #tpu.memory_space<semaphore_mem>>) src(%dma_wait3A_119 : memref<80x128xf32, #tpu.memory_space<vmem_shared>>) dst(%dma_wait3A_117 : memref<80x128xf32, #tpu.memory_space<hbm>>)
      tpu.yield
    }) : () -> ()
    %add3A_108 = arith.constant 560 : i32
    %add3A_109 = arith.addi %mul3A_2, %add3A_108 : i32
    "tpu.region"() ({
      %run_scoped3A = tpu.sem_alloc : memref<!tpu.dma_semaphore, #tpu.memory_space<semaphore_mem>>
      %dma_start3A_110 = arith.constant 0 : i32
      %dma_start3A_111 = tpu.memref_slice %arg8[%arg0, %add3A_109, %dma_start3A_110] : memref<2x10240x128xf32, #tpu.memory_space<hbm>> -> memref<1x80x128xf32, #tpu.memory_space<hbm>>
      %dma_start3A_112 = tpu.memref_squeeze %dma_start3A_111 : memref<1x80x128xf32, #tpu.memory_space<hbm>> -> memref<80x128xf32, #tpu.memory_space<hbm>>
      %dma_start3A_113 = arith.constant 0 : i32
      %dma_start3A_114 = tpu.memref_slice %arg26[%add3A_109, %dma_start3A_113] : memref<10240x128xf32, #tpu.memory_space<vmem_shared>> -> memref<80x128xf32, #tpu.memory_space<vmem_shared>>
      tpu.enqueue_dma source(%dma_start3A_114 : memref<80x128xf32, #tpu.memory_space<vmem_shared>>) target(%dma_start3A_112 : memref<80x128xf32, #tpu.memory_space<hbm>>) target_semaphore(%run_scoped3A : memref<!tpu.dma_semaphore, #tpu.memory_space<semaphore_mem>>)
      %dma_wait3A_115 = arith.constant 0 : i32
      %dma_wait3A_116 = tpu.memref_slice %arg8[%arg0, %add3A_109, %dma_wait3A_115] : memref<2x10240x128xf32, #tpu.memory_space<hbm>> -> memref<1x80x128xf32, #tpu.memory_space<hbm>>
      %dma_wait3A_117 = tpu.memref_squeeze %dma_wait3A_116 : memref<1x80x128xf32, #tpu.memory_space<hbm>> -> memref<80x128xf32, #tpu.memory_space<hbm>>
      %dma_wait3A_118 = arith.constant 0 : i32
      %dma_wait3A_119 = tpu.memref_slice %arg26[%add3A_109, %dma_wait3A_118] : memref<10240x128xf32, #tpu.memory_space<vmem_shared>> -> memref<80x128xf32, #tpu.memory_space<vmem_shared>>
      tpu.wait_dma2 semaphore(%run_scoped3A : memref<!tpu.dma_semaphore, #tpu.memory_space<semaphore_mem>>) src(%dma_wait3A_119 : memref<80x128xf32, #tpu.memory_space<vmem_shared>>) dst(%dma_wait3A_117 : memref<80x128xf32, #tpu.memory_space<hbm>>)
      tpu.yield
    }) : () -> ()
    return
  }
}

module attributes {stable_mosaic.version = 14 : i64} {
  func.func @body(%arg0: i32, %arg1: memref<2000x128xf32, #tpu.memory_space<vmem>>, %arg2: memref<128x128xf32, #tpu.memory_space<vmem>>, %arg3: memref<128x16xf32, #tpu.memory_space<vmem>>, %arg4: memref<128x16xf32, #tpu.memory_space<vmem>>, %arg5: memref<2000x128xf32, #tpu.memory_space<vmem>>, %arg6: memref<2000x16xf32, #tpu.memory_space<vmem>>, %arg7: memref<2000x16xf32, #tpu.memory_space<vmem>>) attributes {dimension_semantics = [#tpu.dimension_semantics<arbitrary>], iteration_bounds = array<i64: 5>, scalar_prefetch = 0 : i64, scratch_operands = 0 : i64, tpu.core_type = #tpu.core_type<tc>, window_params = [{transform_indices = @transform_0, window_bounds = array<i64: 2000, 128>}, {pipeline_mode = #tpu.pipeline_mode<synchronous>, transform_indices = @transform_1, window_bounds = array<i64: 128, 128>}, {pipeline_mode = #tpu.pipeline_mode<synchronous>, transform_indices = @transform_2, window_bounds = array<i64: 128, 16>}, {pipeline_mode = #tpu.pipeline_mode<synchronous>, transform_indices = @transform_3, window_bounds = array<i64: 128, 16>}, {transform_indices = @transform_4, window_bounds = array<i64: 2000, 128>}, {transform_indices = @transform_5, window_bounds = array<i64: 2000, 16>}, {transform_indices = @transform_6, window_bounds = array<i64: 2000, 16>}]} {
    %get3A = arith.constant 0 : index
    %get3A_0 = arith.constant 0 : index
    %get3A_1 = vector.load %arg1[%get3A, %get3A_0] : memref<2000x128xf32, #tpu.memory_space<vmem>>, vector<2000x128xf32>
    %get3A_2 = arith.constant 0 : index
    %get3A_3 = arith.constant 0 : index
    %get3A_4 = vector.load %arg2[%get3A_2, %get3A_3] : memref<128x128xf32, #tpu.memory_space<vmem>>, vector<128x128xf32>
    %dot_general3A = arith.constant dense<0.000000e+00> : vector<2000x128xf32>
    %dot_general3A_5 = tpu.matmul %get3A_1, %get3A_4, %dot_general3A {dimension_numbers = #tpu.dot_dimension_numbers<[1], [0], [0], [1], [0, 0, 1, 1], [], []>, transpose_lhs_hint = false} : vector<2000x128xf32>, vector<128x128xf32>, vector<2000x128xf32> -> vector<2000x128xf32>
    %swap3A = arith.constant 0 : index
    %swap3A_6 = arith.constant 0 : index
    %swap3A_7 = vector.load %arg5[%swap3A, %swap3A_6] : memref<2000x128xf32, #tpu.memory_space<vmem>>, vector<2000x128xf32>
    tpu.vector_store %arg5[%swap3A, %swap3A_6], %dot_general3A_5 {strides = array<i32>} : memref<2000x128xf32, #tpu.memory_space<vmem>>, vector<2000x128xf32>,
    %get3A_8 = arith.constant 0 : index
    %get3A_9 = arith.constant 0 : index
    %get3A_10 = vector.load %arg3[%get3A_8, %get3A_9] : memref<128x16xf32, #tpu.memory_space<vmem>>, vector<128x16xf32>
    %dot_general3A_11 = arith.constant dense<0.000000e+00> : vector<2000x16xf32>
    %dot_general3A_12 = tpu.matmul %dot_general3A_5, %get3A_10, %dot_general3A_11 {dimension_numbers = #tpu.dot_dimension_numbers<[1], [0], [0], [1], [0, 0, 1, 1], [], []>, transpose_lhs_hint = false} : vector<2000x128xf32>, vector<128x16xf32>, vector<2000x16xf32> -> vector<2000x16xf32>
    %swap3A_13 = arith.constant 0 : index
    %swap3A_14 = arith.constant 0 : index
    %swap3A_15 = vector.load %arg6[%swap3A_13, %swap3A_14] : memref<2000x16xf32, #tpu.memory_space<vmem>>, vector<2000x16xf32>
    tpu.vector_store %arg6[%swap3A_13, %swap3A_14], %dot_general3A_12 {strides = array<i32>} : memref<2000x16xf32, #tpu.memory_space<vmem>>, vector<2000x16xf32>,
    %get3A_16 = arith.constant 0 : index
    %get3A_17 = arith.constant 0 : index
    %get3A_18 = vector.load %arg4[%get3A_16, %get3A_17] : memref<128x16xf32, #tpu.memory_space<vmem>>, vector<128x16xf32>
    %dot_general3A_19 = arith.constant dense<0.000000e+00> : vector<2000x16xf32>
    %dot_general3A_20 = tpu.matmul %dot_general3A_5, %get3A_18, %dot_general3A_19 {dimension_numbers = #tpu.dot_dimension_numbers<[1], [0], [0], [1], [0, 0, 1, 1], [], []>, transpose_lhs_hint = false} : vector<2000x128xf32>, vector<128x16xf32>, vector<2000x16xf32> -> vector<2000x16xf32>
    %swap3A_21 = arith.constant 0 : index
    %swap3A_22 = arith.constant 0 : index
    %swap3A_23 = vector.load %arg7[%swap3A_21, %swap3A_22] : memref<2000x16xf32, #tpu.memory_space<vmem>>, vector<2000x16xf32>
    tpu.vector_store %arg7[%swap3A_21, %swap3A_22], %dot_general3A_20 {strides = array<i32>} : memref<2000x16xf32, #tpu.memory_space<vmem>>, vector<2000x16xf32>,
    return
  }
  func.func @transform_0(%arg0: i32) -> (i32, i32) {
    %c0_i32 = arith.constant 0 : i32
    %c0_i32_0 = arith.constant 0 : i32
    return %arg0, %c0_i32 : i32, i32
  }
  func.func @transform_1(%arg0: i32) -> (i32, i32) {
    %c0_i32 = arith.constant 0 : i32
    %c0_i32_0 = arith.constant 0 : i32
    %c0_i32_1 = arith.constant 0 : i32
    return %c0_i32, %c0_i32_0 : i32, i32
  }
  func.func @transform_2(%arg0: i32) -> (i32, i32) {
    %c0_i32 = arith.constant 0 : i32
    %c0_i32_0 = arith.constant 0 : i32
    %c0_i32_1 = arith.constant 0 : i32
    return %c0_i32, %c0_i32_0 : i32, i32
  }
  func.func @transform_3(%arg0: i32) -> (i32, i32) {
    %c0_i32 = arith.constant 0 : i32
    %c0_i32_0 = arith.constant 0 : i32
    %c0_i32_1 = arith.constant 0 : i32
    return %c0_i32, %c0_i32_0 : i32, i32
  }
  func.func @transform_4(%arg0: i32) -> (i32, i32) {
    %c0_i32 = arith.constant 0 : i32
    %c0_i32_0 = arith.constant 0 : i32
    return %arg0, %c0_i32 : i32, i32
  }
  func.func @transform_5(%arg0: i32) -> (i32, i32) {
    %c0_i32 = arith.constant 0 : i32
    %c0_i32_0 = arith.constant 0 : i32
    return %arg0, %c0_i32 : i32, i32
  }
  func.func @transform_6(%arg0: i32) -> (i32, i32) {
    %c0_i32 = arith.constant 0 : i32
    %c0_i32_0 = arith.constant 0 : i32
    return %arg0, %c0_i32 : i32, i32
  }
}

module attributes {stable_mosaic.version = 14 : i64} {
  func.func @body(%arg0: i32, %arg1: memref<2x2000x16xf32, #tpu.memory_space<vmem>>, %arg2: memref<2x2000x128xf32, #tpu.memory_space<vmem>>, %arg3: memref<1x128xf32, #tpu.memory_space<vmem>>, %arg4: memref<16x128xf32, #tpu.memory_space<vmem>>, %arg5: memref<128x128xf32, #tpu.memory_space<vmem>>, %arg6: memref<128x16xf32, #tpu.memory_space<vmem>>, %arg7: memref<128x16xf32, #tpu.memory_space<vmem>>, %arg8: memref<2000x128xf32, #tpu.memory_space<vmem>>, %arg9: memref<2000x16xf32, #tpu.memory_space<vmem>>, %arg10: memref<2000x16xf32, #tpu.memory_space<vmem>>) attributes {dimension_semantics = [#tpu.dimension_semantics<arbitrary>], iteration_bounds = array<i64: 5>, scalar_prefetch = 0 : i64, scratch_operands = 0 : i64, tpu.core_type = #tpu.core_type<tc>, window_params = [{transform_indices = @transform_0, window_bounds = array<i64: 2, 2000, 16>}, {transform_indices = @transform_1, window_bounds = array<i64: 2, 2000, 128>}, {pipeline_mode = #tpu.pipeline_mode<synchronous>, transform_indices = @transform_2, window_bounds = array<i64: 1, 128>}, {pipeline_mode = #tpu.pipeline_mode<synchronous>, transform_indices = @transform_3, window_bounds = array<i64: 16, 128>}, {pipeline_mode = #tpu.pipeline_mode<synchronous>, transform_indices = @transform_4, window_bounds = array<i64: 128, 128>}, {pipeline_mode = #tpu.pipeline_mode<synchronous>, transform_indices = @transform_5, window_bounds = array<i64: 128, 16>}, {pipeline_mode = #tpu.pipeline_mode<synchronous>, transform_indices = @transform_6, window_bounds = array<i64: 128, 16>}, {transform_indices = @transform_7, window_bounds = array<i64: 2000, 128>}, {transform_indices = @transform_8, window_bounds = array<i64: 2000, 16>}, {transform_indices = @transform_9, window_bounds = array<i64: 2000, 16>}]} {
    %get3A = arith.constant 0 : index
    %get3A_0 = arith.constant 0 : index
    %get3A_1 = arith.constant 0 : index
    %get3A_2 = vector.load %arg1[%get3A, %get3A_0, %get3A_1] : memref<2x2000x16xf32, #tpu.memory_space<vmem>>, vector<1x2000x16xf32>
    %get3A_3 = vector.shape_cast %get3A_2 : vector<1x2000x16xf32> to vector<2000x16xf32>
    %get3A_4 = arith.constant 1 : index
    %get3A_5 = arith.constant 0 : index
    %get3A_6 = arith.constant 0 : index
    %get3A_7 = vector.load %arg1[%get3A_4, %get3A_5, %get3A_6] : memref<2x2000x16xf32, #tpu.memory_space<vmem>>, vector<1x2000x16xf32>
    %get3A_8 = vector.shape_cast %get3A_7 : vector<1x2000x16xf32> to vector<2000x16xf32>
    %add3A = arith.addf %get3A_3, %get3A_8 : vector<2000x16xf32>
    %get3A_9 = arith.constant 0 : index
    %get3A_10 = arith.constant 0 : index
    %get3A_11 = arith.constant 0 : index
    %get3A_12 = vector.load %arg2[%get3A_9, %get3A_10, %get3A_11] : memref<2x2000x128xf32, #tpu.memory_space<vmem>>, vector<1x2000x128xf32>
    %get3A_13 = vector.shape_cast %get3A_12 : vector<1x2000x128xf32> to vector<2000x128xf32>
    %get3A_14 = arith.constant 1 : index
    %get3A_15 = arith.constant 0 : index
    %get3A_16 = arith.constant 0 : index
    %get3A_17 = vector.load %arg2[%get3A_14, %get3A_15, %get3A_16] : memref<2x2000x128xf32, #tpu.memory_space<vmem>>, vector<1x2000x128xf32>
    %get3A_18 = vector.shape_cast %get3A_17 : vector<1x2000x128xf32> to vector<2000x128xf32>
    %add3A_19 = arith.addf %get3A_13, %get3A_18 : vector<2000x128xf32>
    %add3A_20 = arith.constant 9.99999971E-10 : f32
    %add3A_21 = vector.broadcast %add3A_20 : f32 to vector<2000x16xf32>
    %add3A_22 = arith.addf %add3A, %add3A_21 : vector<2000x16xf32>
    %div3A = arith.constant 1.000000e+00 : f32
    %div3A_23 = vector.broadcast %div3A : f32 to vector<2000x16xf32>
    %div3A_24 = arith.divf %div3A_23, %add3A_22 : vector<2000x16xf32>
    %get3A_25 = arith.constant 0 : index
    %get3A_26 = arith.constant 0 : index
    %get3A_27 = vector.load %arg4[%get3A_25, %get3A_26] : memref<16x128xf32, #tpu.memory_space<vmem>>, vector<16x128xf32>
    %dot_general3A = arith.constant dense<0.000000e+00> : vector<2000x128xf32>
    %dot_general3A_28 = tpu.matmul %div3A_24, %get3A_27, %dot_general3A {dimension_numbers = #tpu.dot_dimension_numbers<[1], [0], [0], [1], [0, 0, 1, 1], [], []>, transpose_lhs_hint = false} : vector<2000x16xf32>, vector<16x128xf32>, vector<2000x128xf32> -> vector<2000x128xf32>
    %mul3A = arith.mulf %add3A_19, %dot_general3A_28 : vector<2000x128xf32>
    %get3A_29 = arith.constant 0 : index
    %get3A_30 = arith.constant 0 : index
    %get3A_31 = vector.load %arg3[%get3A_29, %get3A_30] : memref<1x128xf32, #tpu.memory_space<vmem>>, vector<1x128xf32>
    %add3A_32 = vector.broadcast %get3A_31 : vector<1x128xf32> to vector<2000x128xf32>
    %add3A_33 = arith.addf %mul3A, %add3A_32 : vector<2000x128xf32>
    %ge3A = arith.constant 0.000000e+00 : f32
    %ge3A_34 = vector.broadcast %ge3A : f32 to vector<2000x128xf32>
    %ge3A_35 = arith.cmpf oge, %add3A_33, %ge3A_34 : vector<2000x128xf32>
    %mul3A_36 = arith.constant 0.00999999977 : f32
    %mul3A_37 = vector.broadcast %mul3A_36 : f32 to vector<2000x128xf32>
    %mul3A_38 = arith.mulf %mul3A_37, %add3A_33 : vector<2000x128xf32>
    %select_n3A = arith.select %ge3A_35, %add3A_33, %mul3A_38 : vector<2000x128xi1>, vector<2000x128xf32>
    %get3A_39 = arith.constant 0 : index
    %get3A_40 = arith.constant 0 : index
    %get3A_41 = vector.load %arg5[%get3A_39, %get3A_40] : memref<128x128xf32, #tpu.memory_space<vmem>>, vector<128x128xf32>
    %dot_general3A_42 = arith.constant dense<0.000000e+00> : vector<2000x128xf32>
    %dot_general3A_43 = tpu.matmul %select_n3A, %get3A_41, %dot_general3A_42 {dimension_numbers = #tpu.dot_dimension_numbers<[1], [0], [0], [1], [0, 0, 1, 1], [], []>, transpose_lhs_hint = false} : vector<2000x128xf32>, vector<128x128xf32>, vector<2000x128xf32> -> vector<2000x128xf32>
    %swap3A = arith.constant 0 : index
    %swap3A_44 = arith.constant 0 : index
    %swap3A_45 = vector.load %arg8[%swap3A, %swap3A_44] : memref<2000x128xf32, #tpu.memory_space<vmem>>, vector<2000x128xf32>
    tpu.vector_store %arg8[%swap3A, %swap3A_44], %dot_general3A_43 {strides = array<i32>} : memref<2000x128xf32, #tpu.memory_space<vmem>>, vector<2000x128xf32>,
    %get3A_46 = arith.constant 0 : index
    %get3A_47 = arith.constant 0 : index
    %get3A_48 = vector.load %arg6[%get3A_46, %get3A_47] : memref<128x16xf32, #tpu.memory_space<vmem>>, vector<128x16xf32>
    %dot_general3A_49 = arith.constant dense<0.000000e+00> : vector<2000x16xf32>
    %dot_general3A_50 = tpu.matmul %dot_general3A_43, %get3A_48, %dot_general3A_49 {dimension_numbers = #tpu.dot_dimension_numbers<[1], [0], [0], [1], [0, 0, 1, 1], [], []>, transpose_lhs_hint = false} : vector<2000x128xf32>, vector<128x16xf32>, vector<2000x16xf32> -> vector<2000x16xf32>
    %swap3A_51 = arith.constant 0 : index
    %swap3A_52 = arith.constant 0 : index
    %swap3A_53 = vector.load %arg9[%swap3A_51, %swap3A_52] : memref<2000x16xf32, #tpu.memory_space<vmem>>, vector<2000x16xf32>
    tpu.vector_store %arg9[%swap3A_51, %swap3A_52], %dot_general3A_50 {strides = array<i32>} : memref<2000x16xf32, #tpu.memory_space<vmem>>, vector<2000x16xf32>,
    %get3A_54 = arith.constant 0 : index
    %get3A_55 = arith.constant 0 : index
    %get3A_56 = vector.load %arg7[%get3A_54, %get3A_55] : memref<128x16xf32, #tpu.memory_space<vmem>>, vector<128x16xf32>
    %dot_general3A_57 = arith.constant dense<0.000000e+00> : vector<2000x16xf32>
    %dot_general3A_58 = tpu.matmul %dot_general3A_43, %get3A_56, %dot_general3A_57 {dimension_numbers = #tpu.dot_dimension_numbers<[1], [0], [0], [1], [0, 0, 1, 1], [], []>, transpose_lhs_hint = false} : vector<2000x128xf32>, vector<128x16xf32>, vector<2000x16xf32> -> vector<2000x16xf32>
    %swap3A_59 = arith.constant 0 : index
    %swap3A_60 = arith.constant 0 : index
    %swap3A_61 = vector.load %arg10[%swap3A_59, %swap3A_60] : memref<2000x16xf32, #tpu.memory_space<vmem>>, vector<2000x16xf32>
    tpu.vector_store %arg10[%swap3A_59, %swap3A_60], %dot_general3A_58 {strides = array<i32>} : memref<2000x16xf32, #tpu.memory_space<vmem>>, vector<2000x16xf32>,
    return
  }
  func.func @transform_0(%arg0: i32) -> (i32, i32, i32) {
    %c0_i32 = arith.constant 0 : i32
    %c0_i32_0 = arith.constant 0 : i32
    %c0_i32_1 = arith.constant 0 : i32
    return %c0_i32, %arg0, %c0_i32_0 : i32, i32, i32
  }
  func.func @transform_1(%arg0: i32) -> (i32, i32, i32) {
    %c0_i32 = arith.constant 0 : i32
    %c0_i32_0 = arith.constant 0 : i32
    %c0_i32_1 = arith.constant 0 : i32
    return %c0_i32, %arg0, %c0_i32_0 : i32, i32, i32
  }
  func.func @transform_2(%arg0: i32) -> (i32, i32) {
    %c0_i32 = arith.constant 0 : i32
    %c0_i32_0 = arith.constant 0 : i32
    %c0_i32_1 = arith.constant 0 : i32
    return %c0_i32, %c0_i32_0 : i32, i32
  }
  func.func @transform_3(%arg0: i32) -> (i32, i32) {
    %c0_i32 = arith.constant 0 : i32
    %c0_i32_0 = arith.constant 0 : i32
    %c0_i32_1 = arith.constant 0 : i32
    return %c0_i32, %c0_i32_0 : i32, i32
  }
  func.func @transform_4(%arg0: i32) -> (i32, i32) {
    %c0_i32 = arith.constant 0 : i32
    %c0_i32_0 = arith.constant 0 : i32
    %c0_i32_1 = arith.constant 0 : i32
    return %c0_i32, %c0_i32_0 : i32, i32
  }
  func.func @transform_5(%arg0: i32) -> (i32, i32) {
    %c0_i32 = arith.constant 0 : i32
    %c0_i32_0 = arith.constant 0 : i32
    %c0_i32_1 = arith.constant 0 : i32
    return %c0_i32, %c0_i32_0 : i32, i32
  }
  func.func @transform_6(%arg0: i32) -> (i32, i32) {
    %c0_i32 = arith.constant 0 : i32
    %c0_i32_0 = arith.constant 0 : i32
    %c0_i32_1 = arith.constant 0 : i32
    return %c0_i32, %c0_i32_0 : i32, i32
  }
  func.func @transform_7(%arg0: i32) -> (i32, i32) {
    %c0_i32 = arith.constant 0 : i32
    %c0_i32_0 = arith.constant 0 : i32
    return %arg0, %c0_i32 : i32, i32
  }
  func.func @transform_8(%arg0: i32) -> (i32, i32) {
    %c0_i32 = arith.constant 0 : i32
    %c0_i32_0 = arith.constant 0 : i32
    return %arg0, %c0_i32 : i32, i32
  }
  func.func @transform_9(%arg0: i32) -> (i32, i32) {
    %c0_i32 = arith.constant 0 : i32
    %c0_i32_0 = arith.constant 0 : i32
    return %arg0, %c0_i32 : i32, i32
  }
}

module attributes {stable_mosaic.version = 14 : i64} {
  func.func @body(%arg0: i32, %arg1: memref<2x2000x16xf32, #tpu.memory_space<vmem>>, %arg2: memref<2x2000x128xf32, #tpu.memory_space<vmem>>, %arg3: memref<1x128xf32, #tpu.memory_space<vmem>>, %arg4: memref<16x128xf32, #tpu.memory_space<vmem>>, %arg5: memref<2000x128xf32, #tpu.memory_space<vmem>>) attributes {dimension_semantics = [#tpu.dimension_semantics<arbitrary>], iteration_bounds = array<i64: 5>, scalar_prefetch = 0 : i64, scratch_operands = 0 : i64, tpu.core_type = #tpu.core_type<tc>, window_params = [{transform_indices = @transform_0, window_bounds = array<i64: 2, 2000, 16>}, {transform_indices = @transform_1, window_bounds = array<i64: 2, 2000, 128>}, {pipeline_mode = #tpu.pipeline_mode<synchronous>, transform_indices = @transform_2, window_bounds = array<i64: 1, 128>}, {pipeline_mode = #tpu.pipeline_mode<synchronous>, transform_indices = @transform_3, window_bounds = array<i64: 16, 128>}, {transform_indices = @transform_4, window_bounds = array<i64: 2000, 128>}]} {
    %get3A = arith.constant 0 : index
    %get3A_0 = arith.constant 0 : index
    %get3A_1 = arith.constant 0 : index
    %get3A_2 = vector.load %arg1[%get3A, %get3A_0, %get3A_1] : memref<2x2000x16xf32, #tpu.memory_space<vmem>>, vector<1x2000x16xf32>
    %get3A_3 = vector.shape_cast %get3A_2 : vector<1x2000x16xf32> to vector<2000x16xf32>
    %get3A_4 = arith.constant 1 : index
    %get3A_5 = arith.constant 0 : index
    %get3A_6 = arith.constant 0 : index
    %get3A_7 = vector.load %arg1[%get3A_4, %get3A_5, %get3A_6] : memref<2x2000x16xf32, #tpu.memory_space<vmem>>, vector<1x2000x16xf32>
    %get3A_8 = vector.shape_cast %get3A_7 : vector<1x2000x16xf32> to vector<2000x16xf32>
    %add3A = arith.addf %get3A_3, %get3A_8 : vector<2000x16xf32>
    %get3A_9 = arith.constant 0 : index
    %get3A_10 = arith.constant 0 : index
    %get3A_11 = arith.constant 0 : index
    %get3A_12 = vector.load %arg2[%get3A_9, %get3A_10, %get3A_11] : memref<2x2000x128xf32, #tpu.memory_space<vmem>>, vector<1x2000x128xf32>
    %get3A_13 = vector.shape_cast %get3A_12 : vector<1x2000x128xf32> to vector<2000x128xf32>
    %get3A_14 = arith.constant 1 : index
    %get3A_15 = arith.constant 0 : index
    %get3A_16 = arith.constant 0 : index
    %get3A_17 = vector.load %arg2[%get3A_14, %get3A_15, %get3A_16] : memref<2x2000x128xf32, #tpu.memory_space<vmem>>, vector<1x2000x128xf32>
    %get3A_18 = vector.shape_cast %get3A_17 : vector<1x2000x128xf32> to vector<2000x128xf32>
    %add3A_19 = arith.addf %get3A_13, %get3A_18 : vector<2000x128xf32>
    %add3A_20 = arith.constant 9.99999971E-10 : f32
    %add3A_21 = vector.broadcast %add3A_20 : f32 to vector<2000x16xf32>
    %add3A_22 = arith.addf %add3A, %add3A_21 : vector<2000x16xf32>
    %div3A = arith.constant 1.000000e+00 : f32
    %div3A_23 = vector.broadcast %div3A : f32 to vector<2000x16xf32>
    %div3A_24 = arith.divf %div3A_23, %add3A_22 : vector<2000x16xf32>
    %get3A_25 = arith.constant 0 : index
    %get3A_26 = arith.constant 0 : index
    %get3A_27 = vector.load %arg4[%get3A_25, %get3A_26] : memref<16x128xf32, #tpu.memory_space<vmem>>, vector<16x128xf32>
    %dot_general3A = arith.constant dense<0.000000e+00> : vector<2000x128xf32>
    %dot_general3A_28 = tpu.matmul %div3A_24, %get3A_27, %dot_general3A {dimension_numbers = #tpu.dot_dimension_numbers<[1], [0], [0], [1], [0, 0, 1, 1], [], []>, transpose_lhs_hint = false} : vector<2000x16xf32>, vector<16x128xf32>, vector<2000x128xf32> -> vector<2000x128xf32>
    %mul3A = arith.mulf %add3A_19, %dot_general3A_28 : vector<2000x128xf32>
    %get3A_29 = arith.constant 0 : index
    %get3A_30 = arith.constant 0 : index
    %get3A_31 = vector.load %arg3[%get3A_29, %get3A_30] : memref<1x128xf32, #tpu.memory_space<vmem>>, vector<1x128xf32>
    %add3A_32 = vector.broadcast %get3A_31 : vector<1x128xf32> to vector<2000x128xf32>
    %add3A_33 = arith.addf %mul3A, %add3A_32 : vector<2000x128xf32>
    %swap3A = arith.constant 0 : index
    %swap3A_34 = arith.constant 0 : index
    %swap3A_35 = vector.load %arg5[%swap3A, %swap3A_34] : memref<2000x128xf32, #tpu.memory_space<vmem>>, vector<2000x128xf32>
    tpu.vector_store %arg5[%swap3A, %swap3A_34], %add3A_33 {strides = array<i32>} : memref<2000x128xf32, #tpu.memory_space<vmem>>, vector<2000x128xf32>,
    return
  }
  func.func @transform_0(%arg0: i32) -> (i32, i32, i32) {
    %c0_i32 = arith.constant 0 : i32
    %c0_i32_0 = arith.constant 0 : i32
    %c0_i32_1 = arith.constant 0 : i32
    return %c0_i32, %arg0, %c0_i32_0 : i32, i32, i32
  }
  func.func @transform_1(%arg0: i32) -> (i32, i32, i32) {
    %c0_i32 = arith.constant 0 : i32
    %c0_i32_0 = arith.constant 0 : i32
    %c0_i32_1 = arith.constant 0 : i32
    return %c0_i32, %arg0, %c0_i32_0 : i32, i32, i32
  }
  func.func @transform_2(%arg0: i32) -> (i32, i32) {
    %c0_i32 = arith.constant 0 : i32
    %c0_i32_0 = arith.constant 0 : i32
    %c0_i32_1 = arith.constant 0 : i32
    return %c0_i32, %c0_i32_0 : i32, i32
  }
  func.func @transform_3(%arg0: i32) -> (i32, i32) {
    %c0_i32 = arith.constant 0 : i32
    %c0_i32_0 = arith.constant 0 : i32
    %c0_i32_1 = arith.constant 0 : i32
    return %c0_i32, %c0_i32_0 : i32, i32
  }
  func.func @transform_4(%arg0: i32) -> (i32, i32) {
    %c0_i32 = arith.constant 0 : i32
    %c0_i32_0 = arith.constant 0 : i32
    return %arg0, %c0_i32 : i32, i32
  }
}

</mosaic_0001>

<sc_bundles>
// kernel: kernel.10.cloned.1.call-start
scs
__scs_entry_jumppad:
0x0: {  	(pc) =	sbr.rel $0x88, $3  }
0x1: {  	(tag) =	ssettag $0x0;
	lr =	simm.s32 $0x1  }
0x2: {  	[smem:$0x3F97] =	sst lr;
	_ =	strace $0xD0000000  }
0x3: {  	_ = 	snop  }
0x4: {  	_ = 	snop  }
0x5: {  	_ = 	snop  }
0x6: {  	_ = 	snop  }
0x7: {  	_ = 	snop  }
__scs_overlays_trampoline_lowered:
0x8: {  	[smem:$0x3FA6] =	sst s0  }
0x9: {  	[smem:$0x3FA7] =	sst s1  }
0xa: {  	[smem:$0x3FA8] =	sst s2  }
0xb: {  	[smem:$0x3FA9] =	sst s3  }
0xc: {  	[smem:$0x3FAA] =	sst s4  }
0xd: {  	[smem:$0x3FAB] =	sst s5  }
0xe: {  	[smem:$0x3FAC] =	sst s6  }
0xf: {  	[smem:$0x3FAD] =	sst s7  }
0x10: {  	[smem:$0x3FAE] =	sst s8  }
0x11: {  	[smem:$0x3FAF] =	sst s9;
	s0 =	simm.s32 @!p0 $0x0  }
0x12: {  	s1 =	sld [smem:$0x3F95];
	s0 =	simm.s32 @p0 $0x1  }
0x13: {  	[smem:$0x3FB0] =	sst s0;
	s0 =	simm.s32 @!p1 $0x0  }
0x14: {  	s2 =	sld [smem:$0x3F94];
	s0 =	simm.s32 @p1 $0x1  }
0x15: {  	[smem:$0x3FB1] =	sst s0;
	s0 =	simm.s32 @!p2 $0x0  }
0x16: {  	s3 =	sld [smem:$0x3FDB];
	s0 =	simm.s32 @p2 $0x1  }
0x17: {  	s4 =	simm.s32 $0x1BF5;
	[smem:$0x3FB3] =	sst s0  }
0x18: {  	s0 =	sld [smem:$0x3F96];
	_ =	swait.ge [sflag:s4], $0x0  }
0x19: {  	s7 =	sld [smem:$0x3F97]  }
0x1a: {  	s8 =	sadd.s32 $0xFFFFE003, lr  }
0x1b: {  	s9 =	sadd.s32 $0xFFFFFEF7, lr;
	s5 =	simm.s32 $0xFFFFFFFF;
	p2 =	slt.u32 s8, $0xFFFFF086  }
0x1c: {  	p1 =	slt.u32 s9, $0xF7A;
	s5 =	simm.s32 @!p2 $0x0  }
0x1d: {  	s5 =	simm.s32 @p1 $0x1;
	p0 =	seq.s32 s7, s2  }
0x1e: {  	s7 =	smul.u32 @!p0 $0xF7A, s2;
	p2 =	seq.s32 @!p0 s5, $0x0  }
0x1f: {  	s9 =	smul.u32 $0xF7A, s1;
	s8 =	simm.s32 @!p0 $0x1BF5;
	p2 =	por !p2, p0  }
0x20: {  	[sflag:s8] =	ssyncset.s32 @!p0 $0xFFFFF086;
	s6 =	sadd.s32 @!p0 s3, s7;
	s7 =	simm.s32 @!p0 $0x108  }
0x21: {  	s3 =	sadd.s32 s3, s9;
	s6 =	sadd.s32 @!p0 $0x88, s6;
	s7 =	simm.s32 @p2 $0x1082  }
0x22: {  	[simem:s7], [sflag:s8] =	dma.local @!p0 [hbm:s6], $0xF7A  }
0x23: {  	s9 =	sor.u32 $0xD0000000, s2;
	s6 =	simm.s32 $0x108;
	_ =	swait.ge @!p0 [sflag:s8], $0x0  }
0x24: {  	s3 =	sadd.s32 $0x88, s3;
	s6 =	simm.s32 @!p1 $0x1082;
	[sflag:s4] =	ssyncset.s32 $0xFFFFF086  }
0x25: {  	[simem:s6], [sflag:s4] =	dma.local [hbm:s3], $0xF7A  }
0x26: {  	[smem:$0x3F97] =	sst s1;
	(tag) =	ssettag s2;
	_ =	strace s9  }
0x27: {  	s1 =	sld [smem:$0x3FA7]  }
0x28: {  	s2 =	sld [smem:$0x3FA8]  }
0x29: {  	s4 =	sld [smem:$0x3FAA]  }
0x2a: {  	p0 =	seq.s32 s5, $0x0;
	s5 =	sld [smem:$0x3FAB]  }
0x2b: {  	s6 =	sld [smem:$0x3FAC]  }
0x2c: {  	s7 =	sld [smem:$0x3FAD]  }
0x2d: {  	s3 =	simm.s32 $0x108;
	s8 =	sld [smem:$0x3FAE]  }
0x2e: {  	s3 =	simm.s32 @!p0 $0x1082;
	s9 =	sld [smem:$0x3FAF]  }
0x2f: {  	lr =	sadd.s32 s0, s3;
	s0 =	sld [smem:$0x3FA6]  }
0x30: {  	s3 =	sld [smem:$0x3FA9]  }
0x31: {  	[smem:$0x3FB2] =	sst s10  }
0x32: {  	s10 =	sld [smem:$0x3FB0];
	_ =	sdelay $0x3  }
0x33: {  	p0 =	seq.s32 s10, $0x1;
	s10 =	sld [smem:$0x3FB2];
	_ =	sdelay $0x3  }
0x34: {  	[smem:$0x3FB2] =	sst s10  }
0x35: {  	s10 =	sld [smem:$0x3FB1];
	_ =	sdelay $0x3  }
0x36: {  	p1 =	seq.s32 s10, $0x1;
	s10 =	sld [smem:$0x3FB2];
	_ =	sdelay $0x3  }
0x37: {  	[smem:$0x3FB2] =	sst s10  }
0x38: {  	s10 =	sld [smem:$0x3FB3]  }
0x39: {  	_ = 	snop;
	(pc) =	sbr.ind lr, $3  }
0x3a: {  	_ = 	snop  }
0x3b: {  	_ = 	snop  }
0x3c: {  	p2 =	seq.s32 s10, $0x1;
	s10 =	sld [smem:$0x3FB2]  }
0x3d: {  	_ =	shalt  }
0x3e: {  	_ =	shalt  }
0x3f: {  	_ =	shalt  }
0x40: {  	_ =	shalt  }
0x41: {  	_ =	shalt  }
0x42: {  	_ =	shalt  }
0x43: {  	_ =	shalt  }
0x44: {  	_ =	shalt  }
0x45: {  	_ =	shalt  }
0x46: {  	_ =	shalt  }
0x47: {  	_ =	shalt  }
0x48: {  	_ =	shalt  }
0x49: {  	_ =	shalt  }
0x4a: {  	_ =	shalt  }
0x4b: {  	_ =	shalt  }
0x4c: {  	_ =	shalt  }
0x4d: {  	_ =	shalt  }
0x4e: {  	_ =	shalt  }
0x4f: {  	_ =	shalt  }
0x50: {  	_ =	shalt  }
0x51: {  	_ =	shalt  }
0x52: {  	_ =	shalt  }
0x53: {  	_ =	shalt  }
0x54: {  	_ =	shalt  }
0x55: {  	_ =	shalt  }
0x56: {  	_ =	shalt  }
0x57: {  	_ =	shalt  }
0x58: {  	_ =	shalt  }
0x59: {  	_ =	shalt  }
0x5a: {  	_ =	shalt  }
0x5b: {  	_ =	shalt  }
0x5c: {  	_ =	shalt  }
0x5d: {  	_ =	shalt  }
0x5e: {  	_ =	shalt  }
0x5f: {  	_ =	shalt  }
0x60: {  	_ =	shalt  }
0x61: {  	_ =	shalt  }
0x62: {  	_ =	shalt  }
0x63: {  	_ =	shalt  }
0x64: {  	_ =	shalt  }
0x65: {  	_ =	shalt  }
0x66: {  	_ =	shalt  }
0x67: {  	_ =	shalt  }
0x68: {  	_ =	shalt  }
0x69: {  	_ =	shalt  }
0x6a: {  	_ =	shalt  }
0x6b: {  	_ =	shalt  }
0x6c: {  	_ =	shalt  }
0x6d: {  	_ =	shalt  }
0x6e: {  	_ =	shalt  }
0x6f: {  	_ =	shalt  }
0x70: {  	_ =	shalt  }
0x71: {  	_ =	shalt  }
0x72: {  	_ =	shalt  }
0x73: {  	_ =	shalt  }
0x74: {  	_ =	shalt  }
0x75: {  	_ =	shalt  }
0x76: {  	_ =	shalt  }
0x77: {  	_ =	shalt  }
0x78: {  	_ =	shalt  }
0x79: {  	_ =	shalt  }
0x7a: {  	_ =	shalt  }
0x7b: {  	_ =	shalt  }
0x7c: {  	_ =	shalt  }
0x7d: {  	_ =	shalt  }
0x7e: {  	_ =	shalt  }
0x7f: {  	_ =	shalt  }
0x80: {  	_ =	shalt  }
0x81: {  	_ =	shalt  }
0x82: {  	_ =	shalt  }
0x83: {  	_ =	shalt  }
0x84: {  	_ =	shalt  }
0x85: {  	_ =	shalt  }
0x86: {  	_ =	shalt  }
0x87: {  	_ =	shalt  }
.Lfunc_end0:
.L_simem_size_0:
called_computation.1_lowered:
.L_overlay_start_0:
0x88: {  	s2 =	sld [smem:$0x3FD9]  }
0x89: {  	s3 =	sld [smem:$0x3FFE];
	_ =	sdelay $0x1  }
0x8a: {  	s1 =	srdreg.scid  }
0x8b: {  	s0 =	sand.u32 $0x1, s1  }
0x8c: {  	s17 =	sshll.u32 s0, $0xA;
	s2 =	sadd.s32 s3, s2  }
0x8d: {  	s2 =	sadd.s32 s2, s17  }
0x8e: {  	[smem:$0x3FBE] =	sst s2  }
0x8f: {  	_ = 	snop  }
0x90: {  	s2 =	sld [smem:$0x3FD0];
	(tm) =	ssettm $0x1  }
0x91: {  	s18 =	sld [smem:$0x3FFB];
	_ =	sdelay $0x3  }
0x92: {  	_ =	strace s18  }
0x93: {  	s3 =	sld [smem:$0x3FFC];
	_ =	sdelay $0x3  }
0x94: {  	_ =	strace s3  }
0x95: {  	s3 =	sld [smem:$0x3FFD];
	_ =	sdelay $0x3  }
0x96: {  	_ =	strace s3  }
0x97: {  	_ =	strace $0x8FFFFFFF  }
0x98: {  	s19 =	sld [smem:$0x3FDB];
	_ =	sdelay $0x1  }
0x99: {  	s4 =	simm.s32 $_scs_section_size  }
0x9a: {  	s5 =	simm.s32 $_size__tile_overlayer_lowered;
	s6 =	simm.s32 $_tile_overlayer_lowered  }
0x9b: {  	s22 =	simm.s32 $0x1BFF;
	s21 =	sshll.u32 s6, $0x1;
	s3 =	sadd.s32 s4, s19  }
0x9c: {  	s7 =	simm.s32 $0x0;
	s20 =	sshll.u32 s5, $0x1;
	s5 =	sadd.s32 s21, s3  }
0x9d: {  	[timem:s7], [sflag:s22] =	dma.local [hbm:s5], s20  }
0x9e: {  	_ =	swait.ge [sflag:s22], s20  }
0x9f: {  	s4 =	ssub.s32 $0x0, s20;
	[sflag:s22] =	ssyncset.done $0x0  }
0xa0: {  	[sflag:s22] =	ssyncadd.s32 s4;
	_ =	sdelay $0x1  }
0xa1: {  	s23 =	simm.s32 $0x1B8B  }
0xa2: {  	_ =	swait.ge [sflag:s23], $0x1  }
0xa3: {  	[sflag:s23] =	ssyncset.done $0x0  }
0xa4: {  	s25 =	simm.s32 $0x1B8E;
	s24 =	sld [smem:$0x3FFE];
	[sflag:s23] =	ssyncadd.s32 $0xFFFFFFFF  }
0xa5: {  	s26 =	simm.s32 $execute0_lowered;
	[smem:$0x3FD2] =	sst s25  }
0xa6: {  	s5 =	sshll.u32 s26, $0x1;
	_ =	strace $0x80000049;
	[dreg:$0x1] =	wrdreg $0xFFFFFFFF  }
0xa7: {  	s28 =	simm.s32 $_size_execute0_lowered;
	s3 =	sadd.s32 s3, s5;
	[dreg:$0x0] =	wrdreg $0x0  }
0xa8: {  	s5 =	sshll.u32 s28, $0x1;
	[dreg:$0x2] =	wrdreg s3  }
0xa9: {  	[dreg:$0x3] =	wrdreg s5  }
0xaa: {  	[dreg:$0x4] =	wrdreg $0xC0  }
0xab: {  	_ =	task [dreg:s7], $0x5FFFF  }
0xac: {  	[dreg:$0x1] =	wrdreg $0xFFFFFFFF  }
0xad: {  	[dreg:$0x0] =	wrdreg $0x60  }
0xae: {  	[dreg:$0x2] =	wrdreg s24  }
0xaf: {  	[dreg:$0x3] =	wrdreg s2  }
0xb0: {  	[dreg:$0x4] =	wrdreg $0x6F400  }
0xb1: {  	[dreg:$0x5] =	wrdreg $0x97400  }
0xb2: {  	[dreg:$0x6] =	wrdreg $0x9  }
0xb3: {  	_ =	task.clear_ibuf [dreg:s7], $0x7FFFF;
	_ =	strace $0x90000049  }
0xb4: {  	s29 =	simm.s32 $0x9;
	_ =	strace $0x8000004B  }
0xb5: {  	_ =	swait.ge [sflag:s29], $0x1  }
0xb6: {  	[sflag:s29] =	ssyncadd.s32 $0xFFFFFFFF  }
0xb7: {  	_ =	strace $0x9000004B  }
0xb8: {  	_ =	sfence  }
0xb9: {  	s30 =	sld [smem:$0x0];
	_ =	sdelay $0x2  }
0xba: {  	s31 =	sshll.u32 s1, $0xD;
	s1 =	sshrl.u32 s1, $0x2  }
0xbb: {  	s3 =	sand.u32 $0x4000, s31;
	s1 =	sadd.s32 s1, s30  }
0xbc: {  	s0 =	sor.u32 s3, s0;
	s1 =	sshll.u32 s1, $0x11  }
0xbd: {  	s0 =	sor.u32 s1, s0  }
0xbe: {  	s0 =	sadd.s32 $0x8F2B, s0  }
0xbf: {  	[sflag:s0] =	ssyncadd.remote.s32 $0x1  }
0xc0: {  	_ =	sfence.sel $0xFFFF  }
0xc1: {  	[dreg:$0x0] =	wrdreg $0xFFFFFFFF;
	(pc) =	sbr.abs _section_cstart, $3  }
0xc2: {  	[dreg:$0x1] =	wrdreg $0xFFFFFFFF  }
0xc3: {  	_ =	task.clear_ibuf [dreg:s7], $0x2FFFF;
	_ =	strace $0x9FFFFFFF  }
0xc4: {  	(tm) =	ssettm $0x7FFFFFFF  }
0xc5: {  	_ =	shalt  }
tec
execute0_lowered:
.L_overlay_start_1:
0x0: {  	(tag) =	ssettag $0x1  }
0x1: {  	s0 =	srdreg.scid  }
0x2: {  	s10 =	stileid.u32;
	s1 =	rddreg [dreg:$0x0];
	s2 =	simm.s32 $0x0  }
0x3: {  	s28 =	simm.s32 $0x50;
	s30 =	simm.s32 $0xF0;
	s4 =	smul.u32 $0x2800, s10  }
0x4: {  	s3 =	sand.u32 $0x1, s0;
	[smem:$0x7FF] =	sst s2;
	s9 =	smul.u32 $0x280, s10  }
0x5: {  	s6 =	sadd.s32 $0x27C00, s1;
	s0 =	smul.u32 $0x28000, s3;
	s24 =	ssub.s32 $0x2, s3  }
0x6: {  	s8 =	sshll.u32 s10, $0x1;
	s7 =	sshrl.u32 s24, $0x1;
	s11 =	sor.u32 $0x50, s9  }
0x7: {  	s13 =	sadd.s32 $0xA0, s9;
	s14 =	sadd.s32 $0xF0, s9;
	s0 =	sadd.s32 s4, s0  }
0x8: {  	s18 =	sadd.s32 $0x140, s9;
	s19 =	sadd.s32 $0x190, s9;
	s5 =	sshrl.u32 s0, $0x3  }
0x9: {  	s0 =	ssub.s32 s24, s7;
	s7 =	sor.u32 s3, s8;
	s8 =	smul.u32 $0x14000, s10  }
0xa: {  	s22 =	sadd.s32 $0x1E0, s9;
	s23 =	sadd.s32 $0x230, s9;
	s3 =	smul.u32 $0x140000, s3  }
0xb: {  	s15 =	sshll.u32 s11, $0x7;
	s16 =	sshll.u32 s13, $0x7;
	s17 =	sshll.u32 s14, $0x7  }
0xc: {  	s20 =	sshll.u32 s18, $0x7;
	s21 =	sshll.u32 s19, $0x7;
	s25 =	sadd.s32 s8, s3  }
0xd: {  	s11 =	sshll.u32 s11, $0x4;
	s26 =	sadd.s32 s3, s15;
	s9 =	sshrl.u32 s25, $0x3  }
0xe: {  	s0 =	smax.u32 s0, $0x1;
	s10 =	sshrl.u32 s26, $0x3;
	s9 =	sadd.s32 s6, s9  }
0xf: {  	s12 =	sadd.s32 s3, s16;
	s10 =	sadd.s32 s6, s10;
	[dreg:$0x5] =	wrdreg s9  }
0x10: {  	s24 =	sadd.s32 s3, s17;
	s12 =	sshrl.u32 s12, $0x3;
	[dreg:$0x6] =	wrdreg s10  }
0x11: {  	s25 =	sadd.s32 s3, s20;
	s9 =	sadd.s32 s6, s12;
	s12 =	rddreg [dreg:$0x3]  }
0x12: {  	s26 =	sadd.s32 s3, s21;
	s10 =	sshrl.u32 s25, $0x3;
	[dreg:$0x7] =	wrdreg s9  }
0x13: {  	s9 =	sshrl.u32 s24, $0x3;
	s24 =	sadd.s32 s6, s10;
	s10 =	rddreg [dreg:$0x2]  }
0x14: {  	s25 =	sshrl.u32 s26, $0x3;
	s9 =	sadd.s32 s6, s9;
	[dreg:$0x9] =	wrdreg s24  }
0x15: {  	s24 =	sshll.u32 s22, $0x7;
	s29 =	sadd.s32 s4, s10;
	[dreg:$0x8] =	wrdreg s9  }
0x16: {  	s9 =	sadd.s32 s6, s25;
	s25 =	sshll.u32 s23, $0x7;
	s26 =	sadd.s32 s3, s24  }
0x17: {  	[dreg:$0xa] =	wrdreg s9;
	s26 =	sshrl.u32 s26, $0x3;
	s3 =	sadd.s32 s3, s25  }
0x18: {  	s9 =	rddreg [dreg:$0x1];
	s26 =	sadd.s32 s6, s26;
	s3 =	sshrl.u32 s3, $0x3  }
0x19: {  	s4 =	sadd.s32 s11, s10;
	[dreg:$0xb] =	wrdreg s26;
	s3 =	sadd.s32 s6, s3  }
0x1a: {  	[dreg:$0xc] =	wrdreg s3;
	s3 =	sadd.s32 s5, s1;
	s5 =	smul.u32 $0x2710, s7  }
0x1b: {  	s7 =	sadd.s32 s15, s12;
	_ =	strace $0x8000004A;
	[dreg:$0xf] =	wrdreg s4  }
0x1c: {  	s31 =	sadd.s32 s8, s12;
	s11 =	sadd.s32 s16, s12;
	[dreg:$0x10] =	wrdreg s7  }
0x1d: {  	s8 =	sshll.u32 s14, $0x4;
	s14 =	sadd.s32 s17, s12;
	[dreg:$0x12] =	wrdreg s11  }
0x1e: {  	s16 =	sadd.s32 s20, s12;
	s26 =	sshll.u32 s13, $0x4;
	[dreg:$0x14] =	wrdreg s14  }
0x1f: {  	s13 =	sshll.u32 s18, $0x4;
	s18 =	sadd.s32 s21, s12;
	[dreg:$0x16] =	wrdreg s16  }
0x20: {  	s17 =	sshll.u32 s22, $0x4;
	s20 =	sadd.s32 s24, s12;
	[dreg:$0x18] =	wrdreg s18  }
0x21: {  	s22 =	sadd.s32 s25, s12;
	s15 =	sshll.u32 s19, $0x4;
	[dreg:$0x1a] =	wrdreg s20  }
0x22: {  	s19 =	sshll.u32 s23, $0x4;
	s4 =	sadd.s32 s26, s10;
	[dreg:$0x1c] =	wrdreg s22  }
0x23: {  	s11 =	sadd.s32 $0x9E00, s1;
	s3 =	sadd.s32 $0x1DC00, s3;
	[smem:$0x7FD] =	sst s0  }
0x24: {  	s14 =	sadd.s32 $0x13C00, s1;
	s0 =	simm.s32 $0x1;
	[dreg:$0xd] =	wrdreg s29  }
0x25: {  	s16 =	simm.s32 $0x3;
	s18 =	simm.s32 $0x4;
	[dreg:$0xe] =	wrdreg s31  }
0x26: {  	s20 =	simm.s32 $0x1A40;
	s22 =	simm.s32 $0x0;
	[dreg:$0x11] =	wrdreg s4  }
0x27: {  	s4 =	sadd.s32 s8, s10;
	s21 =	sshrl.u32 s5, $0x3;
	s6 =	sadd.s32 $0xA0, s5  }
0x28: {  	s7 =	sadd.s32 $0xF0, s5;
	[smem:$0x7FC] =	sst s3;
	s3 =	simm.s32 $0x140  }
0x29: {  	s5 =	simm.s32 $0x2;
	[dreg:$0x13] =	wrdreg s4;
	s4 =	sadd.s32 s13, s10  }
0x2a: {  	s23 =	sadd.s32 $0xA, s21;
	s24 =	sadd.s32 s11, s21;
	[dreg:$0x15] =	wrdreg s4  }
0x2b: {  	s13 =	simm.s32 $0x1040;
	s4 =	sadd.s32 s15, s10;
	[dreg:$0x1d] =	wrdreg s24  }
0x2c: {  	s25 =	sadd.s32 s11, s23;
	s26 =	sadd.s32 s1, s23;
	[dreg:$0x17] =	wrdreg s4  }
0x2d: {  	s23 =	simm.s32 $0x1F40;
	s15 =	simm.s32 $0x4740;
	[dreg:$0x1f] =	wrdreg s25  }
0x2e: {  	s4 =	sadd.s32 s17, s10;
	[smem:$0x7FB] =	sst s26;
	s17 =	sadd.s32 $0x18C00, s1  }
0x2f: {  	v0 =	vimm.f32 $0.0e+00;
	v1 =	vimm.s32 $0x0;
	v2 =	vimm.s32 $0x1;
	s25 =	simm.s32 $0xA0;
	[dreg:$0x19] =	wrdreg s4;
	s4 =	sadd.s32 s19, s10  }
0x30: {  	v3 =	vimm.s32 $0x2;
	v4 =	vimm.s32 $0x3;
	v5 =	vimm.s32 $0x4;
	s19 =	simm.s32 $0x1540;
	[dreg:$0x1b] =	wrdreg s4;
	s4 =	sadd.s32 s1, s21  }
0x31: {  	v6 =	vimm.s32 $0x5;
	v7 =	vimm.s32 $0x6;
	v8 =	vimm.s32 $0x7;
	s21 =	simm.s32 $0x5;
	[dreg:$0x1e] =	wrdreg s4;
	s4 =	simm.s32 $0xB40  }
.LBB2_1:
0x32: {  	s24 =	simm.s32 $0x0  }
0x33: {  	[smem:$0x7FA] =	sst s22;
	s22 =	simm.s32 $0x1F80;
	[tilespmem:s24+$0x1540] =	vst v0;
	s24 =	simm.s32 $0x40  }
.LBB2_2:
0x34: {  	p0 =	sne.s32 s24, $0x13C0;
	[tilespmem:s22+$0xFFFFFFC0] =	vst v0  }
0x35: {  	[tilespmem:s22+$0xFFFFFFD0] =	vst v0  }
0x36: {  	[tilespmem:s22+$0xFFFFFFE0] =	vst v0  }
0x37: {  	[tilespmem:s22+$0xFFFFFFF0] =	vst v0  }
.Ltmp0:
0x38: {  	[tilespmem:s22+$0x0] =	vst v0;
	(pc) =	sbr.rel @p0 .LBB2_2-.Ltmp0, $4  }
0x39: {  	[tilespmem:s22+$0x10] =	vst v0  }
0x3a: {  	[tilespmem:s22+$0x20] =	vst v0  }
0x3b: {  	s26 =	sshra.s32 s24, $0x2;
	[tilespmem:s22+$0x30] =	vst v0  }
0x3c: {  	s24 =	sadd.s32 $0x40, s24;
	s22 =	sadd.s32 $0x80, s22;
	[tilespmem:s26+$0x1540] =	vst v0  }
0x3d: {  	[tilespmem:s22+$0xFFFFFFC0] =	vst v0  }
0x3e: {  	[tilespmem:s22+$0xFFFFFFD0] =	vst v0  }
0x3f: {  	[tilespmem:s22+$0xFFFFFFE0] =	vst v0  }
0x40: {  	[tilespmem:s22+$0xFFFFFFF0] =	vst v0  }
0x41: {  	[tilespmem:s22+$0x0] =	vst v0  }
0x42: {  	[tilespmem:s22+$0x10] =	vst v0  }
0x43: {  	[tilespmem:s22+$0x20] =	vst v0  }
0x44: {  	[tilespmem:s22+$0x30] =	vst v0  }
0x45: {  	[spmem:s29] =	stream.linear.scatter [tilespmem:s19], [sflag:$0x5], $0x500, $0x38;
	[tilespmem:$0x1D740] =	vst v63  }
0x46: {  	_ =	swait.ge [sflag:s21], $0x500  }
0x47: {  	[sflag:s21] =	ssyncset.done $0x0  }
0x48: {  	[sflag:s21] =	ssyncadd.s32 $0xFFFFFB00  }
0x49: {  	[spmem:s31] =	stream.linear.scatter [tilespmem:s23], [sflag:$0x5], $0x2800, $0x38;
	[tilespmem:$0x1D740] =	vst v63  }
0x4a: {  	_ =	swait.ge [sflag:s21], $0x2800  }
0x4b: {  	[sflag:s21] =	ssyncset.done $0x0  }
0x4c: {  	s8 =	rddreg [dreg:$0xf];
	[sflag:s21] =	ssyncadd.s32 $0xFFFFD800  }
0x4d: {  	[spmem:s8] =	stream.linear.scatter [tilespmem:s19], [sflag:$0x5], $0x500, $0x38;
	[tilespmem:$0x1D740] =	vst v63  }
0x4e: {  	_ =	swait.ge [sflag:s21], $0x500  }
0x4f: {  	[sflag:s21] =	ssyncset.done $0x0  }
0x50: {  	s26 =	rddreg [dreg:$0x10];
	[sflag:s21] =	ssyncadd.s32 $0xFFFFFB00  }
0x51: {  	[spmem:s26] =	stream.linear.scatter [tilespmem:s23], [sflag:$0x5], $0x2800, $0x38;
	[tilespmem:$0x1D740] =	vst v63  }
0x52: {  	_ =	swait.ge [sflag:s21], $0x2800  }
0x53: {  	[sflag:s21] =	ssyncset.done $0x0  }
0x54: {  	s29 =	rddreg [dreg:$0x11];
	[sflag:s21] =	ssyncadd.s32 $0xFFFFD800  }
0x55: {  	[spmem:s29] =	stream.linear.scatter [tilespmem:s19], [sflag:$0x5], $0x500, $0x38;
	[tilespmem:$0x1D740] =	vst v63  }
0x56: {  	_ =	swait.ge [sflag:s21], $0x500  }
0x57: {  	[sflag:s21] =	ssyncset.done $0x0  }
0x58: {  	s31 =	rddreg [dreg:$0x12];
	[sflag:s21] =	ssyncadd.s32 $0xFFFFFB00  }
0x59: {  	[spmem:s31] =	stream.linear.scatter [tilespmem:s23], [sflag:$0x5], $0x2800, $0x38;
	[tilespmem:$0x1D740] =	vst v63  }
0x5a: {  	_ =	swait.ge [sflag:s21], $0x2800  }
0x5b: {  	[sflag:s21] =	ssyncset.done $0x0  }
0x5c: {  	s22 =	rddreg [dreg:$0x13];
	[sflag:s21] =	ssyncadd.s32 $0xFFFFD800  }
0x5d: {  	[spmem:s22] =	stream.linear.scatter [tilespmem:s19], [sflag:$0x5], $0x500, $0x38;
	[tilespmem:$0x1D740] =	vst v63  }
0x5e: {  	_ =	swait.ge [sflag:s21], $0x500  }
0x5f: {  	[sflag:s21] =	ssyncset.done $0x0  }
0x60: {  	s24 =	rddreg [dreg:$0x14];
	[sflag:s21] =	ssyncadd.s32 $0xFFFFFB00  }
0x61: {  	[spmem:s24] =	stream.linear.scatter [tilespmem:s23], [sflag:$0x5], $0x2800, $0x38;
	[tilespmem:$0x1D740] =	vst v63  }
0x62: {  	_ =	swait.ge [sflag:s21], $0x2800  }
0x63: {  	[sflag:s21] =	ssyncset.done $0x0  }
0x64: {  	s26 =	rddreg [dreg:$0x15];
	[sflag:s21] =	ssyncadd.s32 $0xFFFFD800  }
0x65: {  	[spmem:s26] =	stream.linear.scatter [tilespmem:s19], [sflag:$0x5], $0x500, $0x38;
	[tilespmem:$0x1D740] =	vst v63  }
0x66: {  	_ =	swait.ge [sflag:s21], $0x500  }
0x67: {  	[sflag:s21] =	ssyncset.done $0x0  }
0x68: {  	s29 =	rddreg [dreg:$0x16];
	[sflag:s21] =	ssyncadd.s32 $0xFFFFFB00  }
0x69: {  	[spmem:s29] =	stream.linear.scatter [tilespmem:s23], [sflag:$0x5], $0x2800, $0x38;
	[tilespmem:$0x1D740] =	vst v63  }
0x6a: {  	_ =	swait.ge [sflag:s21], $0x2800  }
0x6b: {  	[sflag:s21] =	ssyncset.done $0x0  }
0x6c: {  	s31 =	rddreg [dreg:$0x17];
	[sflag:s21] =	ssyncadd.s32 $0xFFFFD800  }
0x6d: {  	[spmem:s31] =	stream.linear.scatter [tilespmem:s19], [sflag:$0x5], $0x500, $0x38;
	[tilespmem:$0x1D740] =	vst v63  }
0x6e: {  	_ =	swait.ge [sflag:s21], $0x500  }
0x6f: {  	[sflag:s21] =	ssyncset.done $0x0  }
0x70: {  	s22 =	rddreg [dreg:$0x18];
	[sflag:s21] =	ssyncadd.s32 $0xFFFFFB00  }
0x71: {  	[spmem:s22] =	stream.linear.scatter [tilespmem:s23], [sflag:$0x5], $0x2800, $0x38;
	[tilespmem:$0x1D740] =	vst v63  }
0x72: {  	_ =	swait.ge [sflag:s21], $0x2800  }
0x73: {  	[sflag:s21] =	ssyncset.done $0x0  }
0x74: {  	s24 =	rddreg [dreg:$0x19];
	[sflag:s21] =	ssyncadd.s32 $0xFFFFD800  }
0x75: {  	[spmem:s24] =	stream.linear.scatter [tilespmem:s19], [sflag:$0x5], $0x500, $0x38;
	[tilespmem:$0x1D740] =	vst v63  }
0x76: {  	_ =	swait.ge [sflag:s21], $0x500  }
0x77: {  	[sflag:s21] =	ssyncset.done $0x0  }
0x78: {  	s26 =	rddreg [dreg:$0x1a];
	[sflag:s21] =	ssyncadd.s32 $0xFFFFFB00  }
0x79: {  	[spmem:s26] =	stream.linear.scatter [tilespmem:s23], [sflag:$0x5], $0x2800, $0x38;
	[tilespmem:$0x1D740] =	vst v63  }
0x7a: {  	_ =	swait.ge [sflag:s21], $0x2800  }
0x7b: {  	[sflag:s21] =	ssyncset.done $0x0  }
0x7c: {  	s29 =	rddreg [dreg:$0x1b];
	[sflag:s21] =	ssyncadd.s32 $0xFFFFD800  }
0x7d: {  	[spmem:s29] =	stream.linear.scatter [tilespmem:s19], [sflag:$0x5], $0x500, $0x38;
	[tilespmem:$0x1D740] =	vst v63  }
0x7e: {  	_ =	swait.ge [sflag:s21], $0x500  }
0x7f: {  	[sflag:s21] =	ssyncset.done $0x0  }
0x80: {  	s31 =	rddreg [dreg:$0x1c];
	[sflag:s21] =	ssyncadd.s32 $0xFFFFFB00  }
0x81: {  	[spmem:s31] =	stream.linear.scatter [tilespmem:s23], [sflag:$0x5], $0x2800, $0x38;
	[tilespmem:$0x1D740] =	vst v63  }
0x82: {  	_ =	swait.ge [sflag:s21], $0x2800  }
0x83: {  	[sflag:s21] =	ssyncset.done $0x0  }
0x84: {  	[sflag:s21] =	ssyncadd.s32 $0xFFFFD800  }
0x85: {  	[bflag:$0x0] =	sbarrier.arrive $0xFFFF  }
0x86: {  	s22 =	rddreg [dreg:$0x1d]  }
0x87: {  	s24 =	simm.s32 $0x0;
	s26 =	rddreg [dreg:$0x1e]  }
0x88: {  	[tilespmem:s24], [sflag:$0x1] =	stream.linear.gather [hbm4b:s22+s24], $0x50, $0x38;
	[tilespmem:$0x1D740] =	vst v63  }
0x89: {  	s29 =	rddreg [dreg:$0x1f]  }
0x8a: {  	[tilespmem:s25], [sflag:$0x1] =	stream.linear.gather [hbm4b:s26+s24], $0x50, $0x38;
	[tilespmem:$0x1D740] =	vst v63  }
0x8b: {  	s31 =	sld [smem:$0x7FB]  }
0x8c: {  	[tilespmem:s28], [sflag:$0x2] =	stream.linear.gather [hbm4b:s29+s24], $0x50, $0x38;
	[tilespmem:$0x1D740] =	vst v63  }
0x8d: {  	_ = 	snop  }
0x8e: {  	[tilespmem:s30], [sflag:$0x2] =	stream.linear.gather [hbm4b:s31+s24], $0x50, $0x38;
	[tilespmem:$0x1D740] =	vst v63  }
0x8f: {  	_ =	swait.ge [sflag:s0], $0x50  }
0x90: {  	[sflag:s0] =	ssyncset.done $0x0  }
0x91: {  	[sflag:s0] =	ssyncadd.s32 $0xFFFFFFB0  }
0x92: {  	_ =	swait.ge [sflag:s0], $0x50  }
0x93: {  	[sflag:s0] =	ssyncset.done $0x0  }
0x94: {  	[sflag:s0] =	ssyncadd.s32 $0xFFFFFFB0  }
0x95: {  	[tilespmem:s3], [sflag:$0x3] =	stream.indirect.gather [hbm4b:s14+s28], $0x10, s24, s28, $0xb8;
	[tilespmem:$0x1D740] =	vst v63  }
0x96: {  	_ = 	snop  }
0x97: {  	[tilespmem:s4], [sflag:$0x3] =	stream.indirect.gather [hbm4b:s17+s28], $0x10, s25, s28, $0xb8;
	[tilespmem:$0x1D740] =	vst v63  }
0x98: {  	_ = 	snop  }
0x99: {  	[tilespmem:s23], [sflag:$0x3] =	stream.indirect.gather [hbm4b:s9+s28], $0x80, s24, s28, $0xb8;
	[tilespmem:$0x1D740] =	vst v63  }
.LBB2_4:
0x9a: {  	_ =	swait.ge [sflag:s5], $0x50  }
0x9b: {  	[sflag:s5] =	ssyncset.done $0x0  }
0x9c: {  	[sflag:s5] =	ssyncadd.s32 $0xFFFFFFB0  }
0x9d: {  	_ =	swait.ge [sflag:s5], $0x50  }
0x9e: {  	[sflag:s5] =	ssyncset.done $0x0  }
0x9f: {  	s8 =	simm.s32 $0x640;
	[sflag:s5] =	ssyncadd.s32 $0xFFFFFFB0  }
0xa0: {  	[tilespmem:s8], [sflag:$0x4] =	stream.indirect.gather [hbm4b:s14+s28], $0x10, s28, s28, $0xb8;
	[tilespmem:$0x1D740] =	vst v63  }
0xa1: {  	_ = 	snop  }
0xa2: {  	[tilespmem:s13], [sflag:$0x4] =	stream.indirect.gather [hbm4b:s17+s28], $0x10, s30, s28, $0xb8;
	[tilespmem:$0x1D740] =	vst v63  }
0xa3: {  	_ = 	snop  }
0xa4: {  	[tilespmem:s15], [sflag:$0x4] =	stream.indirect.gather [hbm4b:s9+s28], $0x80, s28, s28, $0xb8;
	[tilespmem:$0x1D740] =	vst v63  }
0xa5: {  	_ =	swait.ge [sflag:s16], $0x500  }
0xa6: {  	[sflag:s16] =	ssyncset.done $0x0  }
0xa7: {  	[sflag:s16] =	ssyncadd.s32 $0xFFFFFB00  }
0xa8: {  	_ =	swait.ge [sflag:s16], $0x500  }
0xa9: {  	[sflag:s16] =	ssyncset.done $0x0  }
0xaa: {  	[sflag:s16] =	ssyncadd.s32 $0xFFFFFB00  }
0xab: {  	_ =	swait.ge [sflag:s16], $0x2800  }
0xac: {  	[sflag:s16] =	ssyncset.done $0x0  }
0xad: {  	s22 =	simm.s32 $0x0;
	[sflag:s16] =	ssyncadd.s32 $0xFFFFD800  }
0xae: {  	v9 =	vld [tilespmem:s22+$0x140]  }
0xaf: {  	v10 =	vld [tilespmem:s22+$0xB40];
	_ =	sdelay $0x4  }
0xb0: {  	v9 =	vadd.f32 v10, v9;
	_ =	sdelay $0x1  }
0xb1: {  	v10 =	vmul.f32 $2.000000030e-01, v9  }
0xb2: {  	vm0 =	vge.f32 v9, $0.0e+00  }
0xb3: {  	v9 =	vsel vm0, v9, v10  }
0xb4: {  	v9 =	vmul.f32 $1.442695020e+00, v9;
	_ =	sdelay $0x1  }
0xb5: {  	(erf) = vpow2.f32 v9;
	_ =	sdelay $0x8  }
0xb6: {  	v9 =	vpop (erf)  }
0xb7: {  	s26 =	simm.s32 $0x1F80;
	[tilespmem:s22+$0x1540] =	vst v9  }
0xb8: {  	v17 =	vld [tilespmem:s26+$0x30]  }
0xb9: {  	v15 =	vld [tilespmem:s26+$0x10]  }
0xba: {  	v14 =	vld [tilespmem:s26+$0xFFFFFFE0]  }
0xbb: {  	v19 =	vperm.xlane v9, v8;
	v11 =	vld [tilespmem:s26+$0x20]  }
0xbc: {  	v10 =	vperm.xlane v9, v7;
	v18 =	vperm.xlane v9, v6;
	v13 =	vld [tilespmem:s26+$0xFFFFFFD0]  }
0xbd: {  	s29 =	simm.s32 $0x40;
	s31 =	simm.s32 $0x1F80;
	v16 =	vperm.xlane v9, v3;
	v12 =	vld [tilespmem:s26+$0x0];
	v17 =	vmul.f32 v17, v19  }
.LBB2_5:
0xbe: {  	p0 =	sne.s32 s29, $0x13C0  }
0xbf: {  	v19 =	vld [tilespmem:s26+$0xFFFFFFF0];
	v15 =	vmul.f32 v15, v18;
	s31 =	sadd.s32 $0x80, s31;
	s22 =	smov.u32 s29;
	s29 =	sadd.s32 $0x40, s29  }
0xc0: {  	v20 =	vperm.xlane v9, v2;
	v18 =	vld [tilespmem:s26+$0xFFFFFFC0];
	v14 =	vmul.f32 v14, v16;
	[tilespmem:s26+$0x30] =	vst v17  }
0xc1: {  	v16 =	vperm.xlane v9, v5;
	[tilespmem:s26+$0x10] =	vst v15;
	v10 =	vmul.f32 v11, v10  }
0xc2: {  	v11 =	vmul.f32 v13, v20;
	[tilespmem:s26+$0xFFFFFFE0] =	vst v14;
	v13 =	vperm.xlane v9, v4  }
0xc3: {  	v9 =	vperm.xlane v9, v1;
	v12 =	vmul.f32 v12, v16;
	[tilespmem:s26+$0x20] =	vst v10  }
0xc4: {  	[tilespmem:s26+$0xFFFFFFD0] =	vst v11;
	v10 =	vmul.f32 v19, v13  }
0xc5: {  	v9 =	vmul.f32 v18, v9;
	[tilespmem:s26+$0x0] =	vst v12  }
0xc6: {  	[tilespmem:s26+$0xFFFFFFF0] =	vst v10  }
0xc7: {  	s22 =	sshra.s32 s22, $0x2;
	[tilespmem:s26+$0xFFFFFFC0] =	vst v9;
	s26 =	smov.u32 s31  }
0xc8: {  	v9 =	vld [tilespmem:s22+$0x140]  }
0xc9: {  	v10 =	vld [tilespmem:s22+$0xB40];
	_ =	sdelay $0x4  }
0xca: {  	v9 =	vadd.f32 v10, v9;
	_ =	sdelay $0x1  }
0xcb: {  	vm0 =	vge.f32 v9, $0.0e+00;
	v10 =	vmul.f32 $2.000000030e-01, v9;
	_ =	sdelay $0x1  }
0xcc: {  	v9 =	vsel vm0, v9, v10  }
0xcd: {  	v9 =	vmul.f32 $1.442695020e+00, v9;
	_ =	sdelay $0x1  }
0xce: {  	(erf) = vpow2.f32 v9;
	_ =	sdelay $0x8  }
0xcf: {  	v9 =	vpop (erf)  }
0xd0: {  	[tilespmem:s22+$0x1540] =	vst v9;
	v10 =	vperm.xlane v9, v7  }
0xd1: {  	v17 =	vld [tilespmem:s31+$0x30]  }
.Ltmp1:
0xd2: {  	v15 =	vld [tilespmem:s31+$0x10];
	(pc) =	sbr.rel @p0 .LBB2_5-.Ltmp1, $4  }
0xd3: {  	v19 =	vperm.xlane v9, v8;
	v14 =	vld [tilespmem:s31+$0xFFFFFFE0]  }
0xd4: {  	v11 =	vld [tilespmem:s31+$0x20]  }
0xd5: {  	v18 =	vperm.xlane v9, v6;
	v13 =	vld [tilespmem:s31+$0xFFFFFFD0]  }
0xd6: {  	v16 =	vperm.xlane v9, v3;
	v12 =	vld [tilespmem:s31+$0x0];
	v17 =	vmul.f32 v17, v19  }
0xd7: {  	v19 =	vld [tilespmem:s26+$0xFFFFFFF0];
	v15 =	vmul.f32 v15, v18  }
0xd8: {  	v18 =	vld [tilespmem:s26+$0xFFFFFFC0];
	v20 =	vperm.xlane v9, v2;
	v14 =	vmul.f32 v14, v16;
	[tilespmem:s26+$0x30] =	vst v17  }
0xd9: {  	v16 =	vperm.xlane v9, v5;
	[tilespmem:s26+$0x10] =	vst v15;
	v10 =	vmul.f32 v11, v10  }
0xda: {  	v11 =	vmul.f32 v13, v20;
	[tilespmem:s26+$0xFFFFFFE0] =	vst v14;
	v13 =	vperm.xlane v9, v4  }
0xdb: {  	v9 =	vperm.xlane v9, v1;
	v12 =	vmul.f32 v12, v16;
	[tilespmem:s26+$0x20] =	vst v10  }
0xdc: {  	[tilespmem:s26+$0xFFFFFFD0] =	vst v11;
	v10 =	vmul.f32 v19, v13  }
0xdd: {  	v9 =	vmul.f32 v18, v9;
	[tilespmem:s26+$0x0] =	vst v12  }
0xde: {  	[tilespmem:s26+$0xFFFFFFF0] =	vst v10  }
0xdf: {  	[tilespmem:s26+$0xFFFFFFC0] =	vst v9  }
0xe0: {  	[spmem:s10] =	stream.indirect.scatter.add.f32 [tilespmem:s19], [sflag:$0x5], $0x10, s25, s28, $0xb8;
	[tilespmem:$0x1D740] =	vst v63  }
0xe1: {  	_ =	swait.ge [sflag:s21], $0x500  }
0xe2: {  	[sflag:s21] =	ssyncset.done $0x0  }
0xe3: {  	s26 =	smul.u32 $0xA0, s24;
	[sflag:s21] =	ssyncadd.s32 $0xFFFFFB00  }
0xe4: {  	[spmem:s12] =	stream.indirect.scatter.add.f32 [tilespmem:s23], [sflag:$0x5], $0x80, s25, s28, $0xb8;
	[tilespmem:$0x1D740] =	vst v63  }
0xe5: {  	s22 =	sadd.s32 s26, s6;
	_ =	swait.ge [sflag:s21], $0x2800  }
0xe6: {  	s22 =	sshrl.u32 s22, $0x3;
	[sflag:s21] =	ssyncset.done $0x0  }
0xe7: {  	s31 =	simm.s32 $0x0;
	s29 =	sadd.s32 s11, s22;
	[sflag:s21] =	ssyncadd.s32 $0xFFFFD800  }
0xe8: {  	[tilespmem:s31], [sflag:$0x1] =	stream.linear.gather [hbm4b:s29+s31], $0x50, $0x38;
	[tilespmem:$0x1D740] =	vst v63  }
0xe9: {  	s22 =	sadd.s32 s1, s22  }
0xea: {  	[tilespmem:s25], [sflag:$0x1] =	stream.linear.gather [hbm4b:s22+s31], $0x50, $0x38;
	[tilespmem:$0x1D740] =	vst v63  }
0xeb: {  	_ =	swait.ge [sflag:s0], $0x50  }
0xec: {  	[sflag:s0] =	ssyncset.done $0x0  }
0xed: {  	[sflag:s0] =	ssyncadd.s32 $0xFFFFFFB0  }
0xee: {  	_ =	swait.ge [sflag:s0], $0x50  }
0xef: {  	[sflag:s0] =	ssyncset.done $0x0  }
0xf0: {  	[sflag:s0] =	ssyncadd.s32 $0xFFFFFFB0  }
0xf1: {  	[tilespmem:s3], [sflag:$0x3] =	stream.indirect.gather [hbm4b:s14+s28], $0x10, s31, s28, $0xb8;
	[tilespmem:$0x1D740] =	vst v63  }
0xf2: {  	_ = 	snop  }
0xf3: {  	[tilespmem:s4], [sflag:$0x3] =	stream.indirect.gather [hbm4b:s17+s28], $0x10, s25, s28, $0xb8;
	[tilespmem:$0x1D740] =	vst v63  }
0xf4: {  	_ = 	snop  }
0xf5: {  	[tilespmem:s23], [sflag:$0x3] =	stream.indirect.gather [hbm4b:s9+s28], $0x80, s31, s28, $0xb8;
	[tilespmem:$0x1D740] =	vst v63  }
0xf6: {  	_ =	swait.ge [sflag:s18], $0x500  }
0xf7: {  	[sflag:s18] =	ssyncset.done $0x0  }
0xf8: {  	[sflag:s18] =	ssyncadd.s32 $0xFFFFFB00  }
0xf9: {  	_ =	swait.ge [sflag:s18], $0x500  }
0xfa: {  	[sflag:s18] =	ssyncset.done $0x0  }
0xfb: {  	[sflag:s18] =	ssyncadd.s32 $0xFFFFFB00  }
0xfc: {  	_ =	swait.ge [sflag:s18], $0x2800  }
0xfd: {  	[sflag:s18] =	ssyncset.done $0x0  }
0xfe: {  	s8 =	simm.s32 $0x0;
	[sflag:s18] =	ssyncadd.s32 $0xFFFFD800  }
0xff: {  	v9 =	vld [tilespmem:s8+$0x640]  }
0x100: {  	v10 =	vld [tilespmem:s8+$0x1040];
	_ =	sdelay $0x4  }
0x101: {  	v9 =	vadd.f32 v10, v9;
	_ =	sdelay $0x1  }
0x102: {  	v10 =	vmul.f32 $2.000000030e-01, v9  }
0x103: {  	vm0 =	vge.f32 v9, $0.0e+00  }
0x104: {  	v9 =	vsel vm0, v9, v10  }
0x105: {  	v9 =	vmul.f32 $1.442695020e+00, v9;
	_ =	sdelay $0x1  }
0x106: {  	(erf) = vpow2.f32 v9;
	_ =	sdelay $0x8  }
0x107: {  	v9 =	vpop (erf)  }
0x108: {  	s29 =	simm.s32 $0x4780;
	[tilespmem:s8+$0x1A40] =	vst v9  }
0x109: {  	v17 =	vld [tilespmem:s29+$0x30]  }
0x10a: {  	v15 =	vld [tilespmem:s29+$0x10]  }
0x10b: {  	v14 =	vld [tilespmem:s29+$0xFFFFFFE0]  }
0x10c: {  	v19 =	vperm.xlane v9, v8;
	v11 =	vld [tilespmem:s29+$0x20]  }
0x10d: {  	v10 =	vperm.xlane v9, v7;
	v18 =	vperm.xlane v9, v6;
	v13 =	vld [tilespmem:s29+$0xFFFFFFD0]  }
0x10e: {  	s22 =	simm.s32 $0x4780;
	s31 =	simm.s32 $0x40;
	v16 =	vperm.xlane v9, v3;
	v12 =	vld [tilespmem:s29+$0x0];
	v17 =	vmul.f32 v17, v19  }
.LBB2_7:
0x10f: {  	p0 =	sne.s32 s31, $0x13C0  }
0x110: {  	v19 =	vld [tilespmem:s29+$0xFFFFFFF0];
	v15 =	vmul.f32 v15, v18;
	s22 =	sadd.s32 $0x80, s22;
	s8 =	smov.u32 s31;
	s31 =	sadd.s32 $0x40, s31  }
0x111: {  	v20 =	vperm.xlane v9, v2;
	v18 =	vld [tilespmem:s29+$0xFFFFFFC0];
	v14 =	vmul.f32 v14, v16;
	[tilespmem:s29+$0x30] =	vst v17  }
0x112: {  	v16 =	vperm.xlane v9, v5;
	[tilespmem:s29+$0x10] =	vst v15;
	v10 =	vmul.f32 v11, v10  }
0x113: {  	v11 =	vmul.f32 v13, v20;
	[tilespmem:s29+$0xFFFFFFE0] =	vst v14;
	v13 =	vperm.xlane v9, v4  }
0x114: {  	v9 =	vperm.xlane v9, v1;
	v12 =	vmul.f32 v12, v16;
	[tilespmem:s29+$0x20] =	vst v10  }
0x115: {  	[tilespmem:s29+$0xFFFFFFD0] =	vst v11;
	v10 =	vmul.f32 v19, v13  }
0x116: {  	v9 =	vmul.f32 v18, v9;
	[tilespmem:s29+$0x0] =	vst v12  }
0x117: {  	[tilespmem:s29+$0xFFFFFFF0] =	vst v10  }
0x118: {  	s8 =	sshra.s32 s8, $0x2;
	[tilespmem:s29+$0xFFFFFFC0] =	vst v9;
	s29 =	smov.u32 s22  }
0x119: {  	v9 =	vld [tilespmem:s8+$0x640]  }
0x11a: {  	v10 =	vld [tilespmem:s8+$0x1040];
	_ =	sdelay $0x4  }
0x11b: {  	v9 =	vadd.f32 v10, v9;
	_ =	sdelay $0x1  }
0x11c: {  	vm0 =	vge.f32 v9, $0.0e+00;
	v10 =	vmul.f32 $2.000000030e-01, v9;
	_ =	sdelay $0x1  }
0x11d: {  	v9 =	vsel vm0, v9, v10  }
0x11e: {  	v9 =	vmul.f32 $1.442695020e+00, v9;
	_ =	sdelay $0x1  }
0x11f: {  	(erf) = vpow2.f32 v9;
	_ =	sdelay $0x8  }
0x120: {  	v9 =	vpop (erf)  }
0x121: {  	[tilespmem:s8+$0x1A40] =	vst v9;
	v10 =	vperm.xlane v9, v7  }
0x122: {  	v17 =	vld [tilespmem:s22+$0x30]  }
.Ltmp2:
0x123: {  	v15 =	vld [tilespmem:s22+$0x10];
	(pc) =	sbr.rel @p0 .LBB2_7-.Ltmp2, $4  }
0x124: {  	v19 =	vperm.xlane v9, v8;
	v14 =	vld [tilespmem:s22+$0xFFFFFFE0]  }
0x125: {  	v11 =	vld [tilespmem:s22+$0x20]  }
0x126: {  	v18 =	vperm.xlane v9, v6;
	v13 =	vld [tilespmem:s22+$0xFFFFFFD0]  }
0x127: {  	v16 =	vperm.xlane v9, v3;
	v12 =	vld [tilespmem:s22+$0x0];
	v17 =	vmul.f32 v17, v19  }
0x128: {  	v19 =	vld [tilespmem:s29+$0xFFFFFFF0];
	v15 =	vmul.f32 v15, v18  }
0x129: {  	v61 =	vld [tilespmem:s29+$0xFFFFFFC0];
	v20 =	vperm.xlane v9, v2;
	v14 =	vmul.f32 v14, v16;
	[tilespmem:s29+$0x30] =	vst v17  }
0x12a: {  	v62 =	vperm.xlane v9, v5;
	[tilespmem:s29+$0x10] =	vst v15;
	v10 =	vmul.f32 v11, v10  }
0x12b: {  	v63 =	vperm.xlane v9, v4;
	v11 =	vmul.f32 v13, v20;
	[tilespmem:s29+$0xFFFFFFE0] =	vst v14  }
0x12c: {  	v9 =	vperm.xlane v9, v1;
	v12 =	vmul.f32 v12, v62;
	[tilespmem:s29+$0x20] =	vst v10  }
0x12d: {  	[tilespmem:s29+$0xFFFFFFD0] =	vst v11;
	v10 =	vmul.f32 v19, v63  }
0x12e: {  	v9 =	vmul.f32 v61, v9;
	[tilespmem:s29+$0x0] =	vst v12  }
0x12f: {  	[tilespmem:s29+$0xFFFFFFF0] =	vst v10  }
0x130: {  	[tilespmem:s29+$0xFFFFFFC0] =	vst v9  }
0x131: {  	[spmem:s10] =	stream.indirect.scatter.add.f32 [tilespmem:s20], [sflag:$0x5], $0x10, s30, s28, $0xb8;
	[tilespmem:$0x1D740] =	vst v63  }
0x132: {  	_ =	swait.ge [sflag:s21], $0x500  }
0x133: {  	p0 =	seq.s32 s24, $0x3D;
	[sflag:s21] =	ssyncset.done $0x0  }
.Ltmp3:
0x134: {  	[sflag:s21] =	ssyncadd.s32 $0xFFFFFB00;
	(pc) =	sbr.rel @p0 .LBB2_10-.Ltmp3, $4  }
0x135: {  	[spmem:s12] =	stream.indirect.scatter.add.f32 [tilespmem:s15], [sflag:$0x5], $0x80, s30, s28, $0xb8;
	[tilespmem:$0x1D740] =	vst v63  }
0x136: {  	_ =	swait.ge [sflag:s21], $0x2800  }
0x137: {  	[sflag:s21] =	ssyncset.done $0x0  }
0x138: {  	[sflag:s21] =	ssyncadd.s32 $0xFFFFD800  }
0x139: {  	s8 =	sadd.s32 s26, s7  }
.Ltmp4:
0x13a: {  	s8 =	sshrl.u32 s8, $0x3;
	(pc) =	sbr.rel .LBB2_4-.Ltmp4, $4  }
0x13b: {  	s22 =	sadd.s32 s11, s8  }
0x13c: {  	[tilespmem:s28], [sflag:$0x2] =	stream.linear.gather [hbm4b:s22+s2], $0x50, $0x38;
	[tilespmem:$0x1D740] =	vst v63  }
0x13d: {  	s24 =	sadd.s32 $0x1, s24;
	s8 =	sadd.s32 s1, s8  }
0x13e: {  	[tilespmem:s30], [sflag:$0x2] =	stream.linear.gather [hbm4b:s8+s2], $0x50, $0x38;
	[tilespmem:$0x1D740] =	vst v63  }
.LBB2_10:
0x13f: {  	_ =	swait.ge [sflag:s16], $0x500  }
0x140: {  	[sflag:s16] =	ssyncset.done $0x0  }
0x141: {  	[sflag:s16] =	ssyncadd.s32 $0xFFFFFB00  }
0x142: {  	_ =	swait.ge [sflag:s16], $0x500  }
0x143: {  	[sflag:s16] =	ssyncset.done $0x0  }
0x144: {  	[sflag:s16] =	ssyncadd.s32 $0xFFFFFB00  }
0x145: {  	_ =	swait.ge [sflag:s16], $0x2800  }
0x146: {  	[sflag:s16] =	ssyncset.done $0x0  }
0x147: {  	s8 =	simm.s32 $0x0;
	[sflag:s16] =	ssyncadd.s32 $0xFFFFD800  }
0x148: {  	v9 =	vld [tilespmem:s8+$0x140]  }
0x149: {  	v10 =	vld [tilespmem:s8+$0xB40];
	_ =	sdelay $0x4  }
0x14a: {  	v9 =	vadd.f32 v10, v9;
	_ =	sdelay $0x1  }
0x14b: {  	v10 =	vmul.f32 $2.000000030e-01, v9  }
0x14c: {  	vm0 =	vge.f32 v9, $0.0e+00  }
0x14d: {  	v9 =	vsel vm0, v9, v10  }
0x14e: {  	v9 =	vmul.f32 $1.442695020e+00, v9;
	_ =	sdelay $0x1  }
0x14f: {  	(erf) = vpow2.f32 v9;
	_ =	sdelay $0x8  }
0x150: {  	v9 =	vpop (erf)  }
0x151: {  	s24 =	simm.s32 $0x1F80;
	[tilespmem:s8+$0x1540] =	vst v9  }
0x152: {  	v17 =	vld [tilespmem:s24+$0x30]  }
0x153: {  	v15 =	vld [tilespmem:s24+$0x10]  }
0x154: {  	v14 =	vld [tilespmem:s24+$0xFFFFFFE0]  }
0x155: {  	v19 =	vperm.xlane v9, v8;
	v11 =	vld [tilespmem:s24+$0x20]  }
0x156: {  	v10 =	vperm.xlane v9, v7;
	v18 =	vperm.xlane v9, v6;
	v13 =	vld [tilespmem:s24+$0xFFFFFFD0]  }
0x157: {  	s26 =	simm.s32 $0x40;
	s22 =	simm.s32 $0x1F80;
	v16 =	vperm.xlane v9, v3;
	v12 =	vld [tilespmem:s24+$0x0];
	v17 =	vmul.f32 v17, v19  }
.LBB2_11:
0x158: {  	p0 =	sne.s32 s26, $0x13C0  }
0x159: {  	v19 =	vld [tilespmem:s24+$0xFFFFFFF0];
	v15 =	vmul.f32 v15, v18;
	s22 =	sadd.s32 $0x80, s22;
	s8 =	smov.u32 s26;
	s26 =	sadd.s32 $0x40, s26  }
0x15a: {  	v20 =	vperm.xlane v9, v2;
	v18 =	vld [tilespmem:s24+$0xFFFFFFC0];
	v14 =	vmul.f32 v14, v16;
	[tilespmem:s24+$0x30] =	vst v17  }
0x15b: {  	v16 =	vperm.xlane v9, v5;
	[tilespmem:s24+$0x10] =	vst v15;
	v10 =	vmul.f32 v11, v10  }
0x15c: {  	v11 =	vmul.f32 v13, v20;
	[tilespmem:s24+$0xFFFFFFE0] =	vst v14;
	v13 =	vperm.xlane v9, v4  }
0x15d: {  	v9 =	vperm.xlane v9, v1;
	v12 =	vmul.f32 v12, v16;
	[tilespmem:s24+$0x20] =	vst v10  }
0x15e: {  	[tilespmem:s24+$0xFFFFFFD0] =	vst v11;
	v10 =	vmul.f32 v19, v13  }
0x15f: {  	v9 =	vmul.f32 v18, v9;
	[tilespmem:s24+$0x0] =	vst v12  }
0x160: {  	[tilespmem:s24+$0xFFFFFFF0] =	vst v10  }
0x161: {  	s8 =	sshra.s32 s8, $0x2;
	[tilespmem:s24+$0xFFFFFFC0] =	vst v9;
	s24 =	smov.u32 s22  }
0x162: {  	v9 =	vld [tilespmem:s8+$0x140]  }
0x163: {  	v10 =	vld [tilespmem:s8+$0xB40];
	_ =	sdelay $0x4  }
0x164: {  	v9 =	vadd.f32 v10, v9;
	_ =	sdelay $0x1  }
0x165: {  	vm0 =	vge.f32 v9, $0.0e+00;
	v10 =	vmul.f32 $2.000000030e-01, v9;
	_ =	sdelay $0x1  }
0x166: {  	v9 =	vsel vm0, v9, v10  }
0x167: {  	v9 =	vmul.f32 $1.442695020e+00, v9;
	_ =	sdelay $0x1  }
0x168: {  	(erf) = vpow2.f32 v9;
	_ =	sdelay $0x8  }
0x169: {  	v9 =	vpop (erf)  }
0x16a: {  	[tilespmem:s8+$0x1540] =	vst v9;
	v10 =	vperm.xlane v9, v7  }
0x16b: {  	v17 =	vld [tilespmem:s22+$0x30]  }
.Ltmp5:
0x16c: {  	v15 =	vld [tilespmem:s22+$0x10];
	(pc) =	sbr.rel @p0 .LBB2_11-.Ltmp5, $4  }
0x16d: {  	v19 =	vperm.xlane v9, v8;
	v14 =	vld [tilespmem:s22+$0xFFFFFFE0]  }
0x16e: {  	v11 =	vld [tilespmem:s22+$0x20]  }
0x16f: {  	v18 =	vperm.xlane v9, v6;
	v13 =	vld [tilespmem:s22+$0xFFFFFFD0]  }
0x170: {  	v16 =	vperm.xlane v9, v3;
	v12 =	vld [tilespmem:s22+$0x0];
	v17 =	vmul.f32 v17, v19  }
0x171: {  	v19 =	vld [tilespmem:s24+$0xFFFFFFF0];
	v15 =	vmul.f32 v15, v18  }
0x172: {  	v61 =	vld [tilespmem:s24+$0xFFFFFFC0];
	v20 =	vperm.xlane v9, v2;
	v14 =	vmul.f32 v14, v16;
	[tilespmem:s24+$0x30] =	vst v17  }
0x173: {  	v62 =	vperm.xlane v9, v5;
	[tilespmem:s24+$0x10] =	vst v15;
	v10 =	vmul.f32 v11, v10  }
0x174: {  	v63 =	vperm.xlane v9, v4;
	v11 =	vmul.f32 v13, v20;
	[tilespmem:s24+$0xFFFFFFE0] =	vst v14  }
0x175: {  	v9 =	vperm.xlane v9, v1;
	v12 =	vmul.f32 v12, v62;
	[tilespmem:s24+$0x20] =	vst v10  }
0x176: {  	[tilespmem:s24+$0xFFFFFFD0] =	vst v11;
	v10 =	vmul.f32 v19, v63  }
0x177: {  	v9 =	vmul.f32 v61, v9;
	[tilespmem:s24+$0x0] =	vst v12  }
0x178: {  	[tilespmem:s24+$0xFFFFFFF0] =	vst v10  }
0x179: {  	[tilespmem:s24+$0xFFFFFFC0] =	vst v9  }
0x17a: {  	[spmem:s10] =	stream.indirect.scatter.add.f32 [tilespmem:s19], [sflag:$0x5], $0x10, s25, s28, $0xb8;
	[tilespmem:$0x1D740] =	vst v63  }
0x17b: {  	_ =	swait.ge [sflag:s21], $0x500  }
0x17c: {  	[sflag:s21] =	ssyncset.done $0x0  }
0x17d: {  	[sflag:s21] =	ssyncadd.s32 $0xFFFFFB00  }
0x17e: {  	[spmem:s12] =	stream.indirect.scatter.add.f32 [tilespmem:s23], [sflag:$0x5], $0x80, s25, s28, $0xb8;
	[tilespmem:$0x1D740] =	vst v63  }
0x17f: {  	_ =	swait.ge [sflag:s21], $0x2800  }
0x180: {  	[sflag:s21] =	ssyncset.done $0x0  }
0x181: {  	[sflag:s21] =	ssyncadd.s32 $0xFFFFD800  }
0x182: {  	[bflag:$0x0] =	sbarrier.arrive $0xFFFF  }
0x183: {  	s8 =	stileid.u32;
	s26 =	sld [smem:$0x7FC]  }
0x184: {  	s8 =	sshll.u32 s8, $0x6;
	s29 =	rddreg [dreg:$0xd]  }
0x185: {  	s8 =	sor.u32 $0x1C05, s8;
	s22 =	sshrl.u32 s29, $0x3  }
0x186: {  	[hbm:s26], [sflag:s8] =	dma.local [spmem:s22], $0x500  }
0x187: {  	_ =	swait.ge [sflag:s21], $0x500  }
0x188: {  	[sflag:s21] =	ssyncset.done $0x0;
	s31 =	rddreg [dreg:$0xe]  }
0x189: {  	s26 =	rddreg [dreg:$0x5];
	[sflag:s21] =	ssyncadd.s32 $0xFFFFFB00;
	s24 =	sshrl.u32 s31, $0x3  }
0x18a: {  	[hbm:s26], [sflag:s8] =	dma.local [spmem:s24], $0x500  }
0x18b: {  	_ =	swait.ge [sflag:s21], $0x500  }
0x18c: {  	[sflag:s21] =	ssyncset.done $0x0;
	s24 =	rddreg [dreg:$0x10]  }
0x18d: {  	s26 =	rddreg [dreg:$0x6];
	[sflag:s21] =	ssyncadd.s32 $0xFFFFFB00;
	s22 =	sshrl.u32 s24, $0x3  }
0x18e: {  	[hbm:s26], [sflag:s8] =	dma.local [spmem:s22], $0x500  }
0x18f: {  	_ =	swait.ge [sflag:s21], $0x500  }
0x190: {  	[sflag:s21] =	ssyncset.done $0x0;
	s24 =	rddreg [dreg:$0x12]  }
0x191: {  	s26 =	rddreg [dreg:$0x7];
	[sflag:s21] =	ssyncadd.s32 $0xFFFFFB00;
	s22 =	sshrl.u32 s24, $0x3  }
0x192: {  	[hbm:s26], [sflag:s8] =	dma.local [spmem:s22], $0x500  }
0x193: {  	_ =	swait.ge [sflag:s21], $0x500  }
0x194: {  	[sflag:s21] =	ssyncset.done $0x0;
	s24 =	rddreg [dreg:$0x14]  }
0x195: {  	s26 =	rddreg [dreg:$0x8];
	[sflag:s21] =	ssyncadd.s32 $0xFFFFFB00;
	s22 =	sshrl.u32 s24, $0x3  }
0x196: {  	[hbm:s26], [sflag:s8] =	dma.local [spmem:s22], $0x500  }
0x197: {  	_ =	swait.ge [sflag:s21], $0x500  }
0x198: {  	[sflag:s21] =	ssyncset.done $0x0;
	s24 =	rddreg [dreg:$0x16]  }
0x199: {  	s26 =	rddreg [dreg:$0x9];
	[sflag:s21] =	ssyncadd.s32 $0xFFFFFB00;
	s22 =	sshrl.u32 s24, $0x3  }
0x19a: {  	[hbm:s26], [sflag:s8] =	dma.local [spmem:s22], $0x500  }
0x19b: {  	_ =	swait.ge [sflag:s21], $0x500  }
0x19c: {  	[sflag:s21] =	ssyncset.done $0x0;
	s24 =	rddreg [dreg:$0x18]  }
0x19d: {  	s26 =	rddreg [dreg:$0xa];
	[sflag:s21] =	ssyncadd.s32 $0xFFFFFB00;
	s22 =	sshrl.u32 s24, $0x3  }
0x19e: {  	[hbm:s26], [sflag:s8] =	dma.local [spmem:s22], $0x500  }
0x19f: {  	_ =	swait.ge [sflag:s21], $0x500  }
0x1a0: {  	[sflag:s21] =	ssyncset.done $0x0;
	s24 =	rddreg [dreg:$0x1a]  }
0x1a1: {  	s26 =	rddreg [dreg:$0xb];
	[sflag:s21] =	ssyncadd.s32 $0xFFFFFB00;
	s22 =	sshrl.u32 s24, $0x3  }
0x1a2: {  	[hbm:s26], [sflag:s8] =	dma.local [spmem:s22], $0x500  }
0x1a3: {  	_ =	swait.ge [sflag:s21], $0x500  }
0x1a4: {  	[sflag:s21] =	ssyncset.done $0x0;
	s24 =	rddreg [dreg:$0x1c]  }
0x1a5: {  	s26 =	rddreg [dreg:$0xc];
	[sflag:s21] =	ssyncadd.s32 $0xFFFFFB00;
	s22 =	sshrl.u32 s24, $0x3  }
0x1a6: {  	[hbm:s26], [sflag:s8] =	dma.local [spmem:s22], $0x500  }
0x1a7: {  	_ =	swait.ge [sflag:s21], $0x500  }
0x1a8: {  	s24 =	sld [smem:$0x7FA]  }
0x1a9: {  	s26 =	sld [smem:$0x7FD];
	_ =	sdelay $0x1  }
0x1aa: {  	s22 =	sadd.s32 $0x1, s24  }
0x1ab: {  	p0 =	sne.s32 s22, s26  }
.Ltmp6:
0x1ac: {  	_ = 	snop;
	(pc) =	sbr.rel @p0 .LBB2_1-.Ltmp6, $3  }
0x1ad: {  	_ =	sdelay $0x1  }
0x1ae: {  	[sflag:s21] =	ssyncset.done $0x0  }
0x1af: {  	[sflag:s21] =	ssyncadd.s32 $0xFFFFFB00  }
0x1b0: {  	_ =	sfence.sel $0x180000  }
0x1b1: {  	[bflag:$0x0] =	sbarrier.arrive $0xFFFF  }
0x1b2: {  	_ =	strace $0x9000004A  }
0x1b3: {  	s0 =	stileid.u32;
	[bflag:$0x2] =	sbarrier.arrive $0xFFFF  }
0x1b4: {  	p0 =	sne.s32 s0, $0x0;
	s0 =	rddreg [dreg:$0x4]  }
0x1b5: {  	s0 =	sadd.s32 @!p0 $0x100000, s0  }
0x1b6: {  	[sflag:s0] =	ssyncadd.tile.s32 @!p0 $0x1;
	_ =	shalt  }
.Lfunc_end2:
_tile_overlayer_lowered:
.L_overlay_start_2:
0x1b7: {  	(tag) =	ssettag $0x2  }
0x1b8: {  	s0 =	rddreg [dreg:$0x0];
	s2 =	stileid.u32  }
0x1b9: {  	s1 =	rddreg [dreg:$0x1];
	p0 =	sne.s32 s2, $0x0  }
0x1ba: {  	s3 =	rddreg [dreg:$0x2];
	[bflag:$0x3] =	sbarrier.arrive $0xFFFF;
	s2 =	simm.s32 @!p0 $0x1C05  }
0x1bb: {  	[timem:s3], [sflag:s2] =	dma.local @!p0 [hbm:s0], s1  }
0x1bc: {  	s0 =	simm.s32 @!p0 $0x5  }
0x1bd: {  	_ =	swait.ge @!p0 [sflag:s0], s1  }
0x1be: {  	s1 =	ssub.s32 @!p0 $0x0, s1;
	[sflag:s0] =	ssyncset.done @!p0 $0x0  }
0x1bf: {  	[sflag:s0] =	ssyncadd.s32 @!p0 s1  }
0x1c0: {  	[bflag:$0x3] =	sbarrier.arrive $0xFFFF  }
0x1c1: {  	_ =	shalt  }

// kernel: kernel.7.cloned.1.call-start
scs
__scs_entry_jumppad:
0x0: {  	(pc) =	sbr.rel $0x88, $3  }
0x1: {  	(tag) =	ssettag $0x0;
	lr =	simm.s32 $0x1  }
0x2: {  	[smem:$0x3F97] =	sst lr;
	_ =	strace $0xD0000000  }
0x3: {  	_ = 	snop  }
0x4: {  	_ = 	snop  }
0x5: {  	_ = 	snop  }
0x6: {  	_ = 	snop  }
0x7: {  	_ = 	snop  }
__scs_overlays_trampoline_lowered:
0x8: {  	[smem:$0x3FA6] =	sst s0  }
0x9: {  	[smem:$0x3FA7] =	sst s1  }
0xa: {  	[smem:$0x3FA8] =	sst s2  }
0xb: {  	[smem:$0x3FA9] =	sst s3  }
0xc: {  	[smem:$0x3FAA] =	sst s4  }
0xd: {  	[smem:$0x3FAB] =	sst s5  }
0xe: {  	[smem:$0x3FAC] =	sst s6  }
0xf: {  	[smem:$0x3FAD] =	sst s7  }
0x10: {  	[smem:$0x3FAE] =	sst s8  }
0x11: {  	[smem:$0x3FAF] =	sst s9;
	s0 =	simm.s32 @!p0 $0x0  }
0x12: {  	s1 =	sld [smem:$0x3F95];
	s0 =	simm.s32 @p0 $0x1  }
0x13: {  	[smem:$0x3FB0] =	sst s0;
	s0 =	simm.s32 @!p1 $0x0  }
0x14: {  	s2 =	sld [smem:$0x3F94];
	s0 =	simm.s32 @p1 $0x1  }
0x15: {  	[smem:$0x3FB1] =	sst s0;
	s0 =	simm.s32 @!p2 $0x0  }
0x16: {  	s3 =	sld [smem:$0x3FDB];
	s0 =	simm.s32 @p2 $0x1  }
0x17: {  	s4 =	simm.s32 $0x1BF5;
	[smem:$0x3FB3] =	sst s0  }
0x18: {  	s0 =	sld [smem:$0x3F96];
	_ =	swait.ge [sflag:s4], $0x0  }
0x19: {  	s7 =	sld [smem:$0x3F97]  }
0x1a: {  	s8 =	sadd.s32 $0xFFFFE003, lr  }
0x1b: {  	s9 =	sadd.s32 $0xFFFFFEF7, lr;
	s5 =	simm.s32 $0xFFFFFFFF;
	p2 =	slt.u32 s8, $0xFFFFF086  }
0x1c: {  	p1 =	slt.u32 s9, $0xF7A;
	s5 =	simm.s32 @!p2 $0x0  }
0x1d: {  	s5 =	simm.s32 @p1 $0x1;
	p0 =	seq.s32 s7, s2  }
0x1e: {  	s7 =	smul.u32 @!p0 $0xF7A, s2;
	p2 =	seq.s32 @!p0 s5, $0x0  }
0x1f: {  	s9 =	smul.u32 $0xF7A, s1;
	s8 =	simm.s32 @!p0 $0x1BF5;
	p2 =	por !p2, p0  }
0x20: {  	[sflag:s8] =	ssyncset.s32 @!p0 $0xFFFFF086;
	s6 =	sadd.s32 @!p0 s3, s7;
	s7 =	simm.s32 @!p0 $0x108  }
0x21: {  	s3 =	sadd.s32 s3, s9;
	s6 =	sadd.s32 @!p0 $0x88, s6;
	s7 =	simm.s32 @p2 $0x1082  }
0x22: {  	[simem:s7], [sflag:s8] =	dma.local @!p0 [hbm:s6], $0xF7A  }
0x23: {  	s9 =	sor.u32 $0xD0000000, s2;
	s6 =	simm.s32 $0x108;
	_ =	swait.ge @!p0 [sflag:s8], $0x0  }
0x24: {  	s3 =	sadd.s32 $0x88, s3;
	s6 =	simm.s32 @!p1 $0x1082;
	[sflag:s4] =	ssyncset.s32 $0xFFFFF086  }
0x25: {  	[simem:s6], [sflag:s4] =	dma.local [hbm:s3], $0xF7A  }
0x26: {  	[smem:$0x3F97] =	sst s1;
	(tag) =	ssettag s2;
	_ =	strace s9  }
0x27: {  	s1 =	sld [smem:$0x3FA7]  }
0x28: {  	s2 =	sld [smem:$0x3FA8]  }
0x29: {  	s4 =	sld [smem:$0x3FAA]  }
0x2a: {  	p0 =	seq.s32 s5, $0x0;
	s5 =	sld [smem:$0x3FAB]  }
0x2b: {  	s6 =	sld [smem:$0x3FAC]  }
0x2c: {  	s7 =	sld [smem:$0x3FAD]  }
0x2d: {  	s3 =	simm.s32 $0x108;
	s8 =	sld [smem:$0x3FAE]  }
0x2e: {  	s3 =	simm.s32 @!p0 $0x1082;
	s9 =	sld [smem:$0x3FAF]  }
0x2f: {  	lr =	sadd.s32 s0, s3;
	s0 =	sld [smem:$0x3FA6]  }
0x30: {  	s3 =	sld [smem:$0x3FA9]  }
0x31: {  	[smem:$0x3FB2] =	sst s10  }
0x32: {  	s10 =	sld [smem:$0x3FB0];
	_ =	sdelay $0x3  }
0x33: {  	p0 =	seq.s32 s10, $0x1;
	s10 =	sld [smem:$0x3FB2];
	_ =	sdelay $0x3  }
0x34: {  	[smem:$0x3FB2] =	sst s10  }
0x35: {  	s10 =	sld [smem:$0x3FB1];
	_ =	sdelay $0x3  }
0x36: {  	p1 =	seq.s32 s10, $0x1;
	s10 =	sld [smem:$0x3FB2];
	_ =	sdelay $0x3  }
0x37: {  	[smem:$0x3FB2] =	sst s10  }
0x38: {  	s10 =	sld [smem:$0x3FB3]  }
0x39: {  	_ = 	snop;
	(pc) =	sbr.ind lr, $3  }
0x3a: {  	_ = 	snop  }
0x3b: {  	_ = 	snop  }
0x3c: {  	p2 =	seq.s32 s10, $0x1;
	s10 =	sld [smem:$0x3FB2]  }
0x3d: {  	_ =	shalt  }
0x3e: {  	_ =	shalt  }
0x3f: {  	_ =	shalt  }
0x40: {  	_ =	shalt  }
0x41: {  	_ =	shalt  }
0x42: {  	_ =	shalt  }
0x43: {  	_ =	shalt  }
0x44: {  	_ =	shalt  }
0x45: {  	_ =	shalt  }
0x46: {  	_ =	shalt  }
0x47: {  	_ =	shalt  }
0x48: {  	_ =	shalt  }
0x49: {  	_ =	shalt  }
0x4a: {  	_ =	shalt  }
0x4b: {  	_ =	shalt  }
0x4c: {  	_ =	shalt  }
0x4d: {  	_ =	shalt  }
0x4e: {  	_ =	shalt  }
0x4f: {  	_ =	shalt  }
0x50: {  	_ =	shalt  }
0x51: {  	_ =	shalt  }
0x52: {  	_ =	shalt  }
0x53: {  	_ =	shalt  }
0x54: {  	_ =	shalt  }
0x55: {  	_ =	shalt  }
0x56: {  	_ =	shalt  }
0x57: {  	_ =	shalt  }
0x58: {  	_ =	shalt  }
0x59: {  	_ =	shalt  }
0x5a: {  	_ =	shalt  }
0x5b: {  	_ =	shalt  }
0x5c: {  	_ =	shalt  }
0x5d: {  	_ =	shalt  }
0x5e: {  	_ =	shalt  }
0x5f: {  	_ =	shalt  }
0x60: {  	_ =	shalt  }
0x61: {  	_ =	shalt  }
0x62: {  	_ =	shalt  }
0x63: {  	_ =	shalt  }
0x64: {  	_ =	shalt  }
0x65: {  	_ =	shalt  }
0x66: {  	_ =	shalt  }
0x67: {  	_ =	shalt  }
0x68: {  	_ =	shalt  }
0x69: {  	_ =	shalt  }
0x6a: {  	_ =	shalt  }
0x6b: {  	_ =	shalt  }
0x6c: {  	_ =	shalt  }
0x6d: {  	_ =	shalt  }
0x6e: {  	_ =	shalt  }
0x6f: {  	_ =	shalt  }
0x70: {  	_ =	shalt  }
0x71: {  	_ =	shalt  }
0x72: {  	_ =	shalt  }
0x73: {  	_ =	shalt  }
0x74: {  	_ =	shalt  }
0x75: {  	_ =	shalt  }
0x76: {  	_ =	shalt  }
0x77: {  	_ =	shalt  }
0x78: {  	_ =	shalt  }
0x79: {  	_ =	shalt  }
0x7a: {  	_ =	shalt  }
0x7b: {  	_ =	shalt  }
0x7c: {  	_ =	shalt  }
0x7d: {  	_ =	shalt  }
0x7e: {  	_ =	shalt  }
0x7f: {  	_ =	shalt  }
0x80: {  	_ =	shalt  }
0x81: {  	_ =	shalt  }
0x82: {  	_ =	shalt  }
0x83: {  	_ =	shalt  }
0x84: {  	_ =	shalt  }
0x85: {  	_ =	shalt  }
0x86: {  	_ =	shalt  }
0x87: {  	_ =	shalt  }
.Lfunc_end0:
.L_simem_size_0:
called_computation_lowered:
.L_overlay_start_0:
0x88: {  	s2 =	sld [smem:$0x3FD9]  }
0x89: {  	s3 =	sld [smem:$0x3FFE];
	_ =	sdelay $0x1  }
0x8a: {  	s1 =	srdreg.scid  }
0x8b: {  	s0 =	sand.u32 $0x1, s1  }
0x8c: {  	s17 =	sshll.u32 s0, $0xA;
	s2 =	sadd.s32 s3, s2  }
0x8d: {  	s2 =	sadd.s32 s2, s17  }
0x8e: {  	[smem:$0x3FBE] =	sst s2  }
0x8f: {  	_ = 	snop  }
0x90: {  	s2 =	sld [smem:$0x3FD0];
	(tm) =	ssettm $0x1  }
0x91: {  	s18 =	sld [smem:$0x3FFB];
	_ =	sdelay $0x3  }
0x92: {  	_ =	strace s18  }
0x93: {  	s3 =	sld [smem:$0x3FFC];
	_ =	sdelay $0x3  }
0x94: {  	_ =	strace s3  }
0x95: {  	s3 =	sld [smem:$0x3FFD];
	_ =	sdelay $0x3  }
0x96: {  	_ =	strace s3  }
0x97: {  	_ =	strace $0x8FFFFFFF  }
0x98: {  	s19 =	sld [smem:$0x3FDB];
	_ =	sdelay $0x1  }
0x99: {  	s4 =	simm.s32 $_scs_section_size  }
0x9a: {  	s5 =	simm.s32 $_size__tile_overlayer_lowered;
	s6 =	simm.s32 $_tile_overlayer_lowered  }
0x9b: {  	s22 =	simm.s32 $0x1BFF;
	s21 =	sshll.u32 s6, $0x1;
	s3 =	sadd.s32 s4, s19  }
0x9c: {  	s7 =	simm.s32 $0x0;
	s20 =	sshll.u32 s5, $0x1;
	s5 =	sadd.s32 s21, s3  }
0x9d: {  	[timem:s7], [sflag:s22] =	dma.local [hbm:s5], s20  }
0x9e: {  	_ =	swait.ge [sflag:s22], s20  }
0x9f: {  	s4 =	ssub.s32 $0x0, s20;
	[sflag:s22] =	ssyncset.done $0x0  }
0xa0: {  	[sflag:s22] =	ssyncadd.s32 s4;
	_ =	sdelay $0x1  }
0xa1: {  	s23 =	simm.s32 $0x1B8B  }
0xa2: {  	_ =	swait.ge [sflag:s23], $0x1  }
0xa3: {  	[sflag:s23] =	ssyncset.done $0x0  }
0xa4: {  	s25 =	simm.s32 $0x1B8E;
	s24 =	sld [smem:$0x3FFE];
	[sflag:s23] =	ssyncadd.s32 $0xFFFFFFFF  }
0xa5: {  	s26 =	simm.s32 $execute0_lowered;
	[smem:$0x3FD2] =	sst s25  }
0xa6: {  	s5 =	sshll.u32 s26, $0x1;
	_ =	strace $0x80000046;
	[dreg:$0x1] =	wrdreg $0xFFFFFFFF  }
0xa7: {  	s28 =	simm.s32 $_size_execute0_lowered;
	s3 =	sadd.s32 s3, s5;
	[dreg:$0x0] =	wrdreg $0x0  }
0xa8: {  	s5 =	sshll.u32 s28, $0x1;
	[dreg:$0x2] =	wrdreg s3  }
0xa9: {  	[dreg:$0x3] =	wrdreg s5  }
0xaa: {  	[dreg:$0x4] =	wrdreg $0xC0  }
0xab: {  	_ =	task [dreg:s7], $0x5FFFF  }
0xac: {  	[dreg:$0x1] =	wrdreg $0xFFFFFFFF  }
0xad: {  	[dreg:$0x0] =	wrdreg $0x60  }
0xae: {  	[dreg:$0x2] =	wrdreg s24  }
0xaf: {  	[dreg:$0x3] =	wrdreg s2  }
0xb0: {  	[dreg:$0x4] =	wrdreg $0x6F400  }
0xb1: {  	[dreg:$0x5] =	wrdreg $0x97400  }
0xb2: {  	[dreg:$0x6] =	wrdreg $0x9  }
0xb3: {  	_ =	task.clear_ibuf [dreg:s7], $0x7FFFF;
	_ =	strace $0x90000046  }
0xb4: {  	s29 =	simm.s32 $0x9;
	_ =	strace $0x80000048  }
0xb5: {  	_ =	swait.ge [sflag:s29], $0x1  }
0xb6: {  	[sflag:s29] =	ssyncadd.s32 $0xFFFFFFFF  }
0xb7: {  	_ =	strace $0x90000048  }
0xb8: {  	_ =	sfence  }
0xb9: {  	s30 =	sld [smem:$0x0];
	_ =	sdelay $0x2  }
0xba: {  	s31 =	sshll.u32 s1, $0xD;
	s1 =	sshrl.u32 s1, $0x2  }
0xbb: {  	s3 =	sand.u32 $0x4000, s31;
	s1 =	sadd.s32 s1, s30  }
0xbc: {  	s0 =	sor.u32 s3, s0;
	s1 =	sshll.u32 s1, $0x11  }
0xbd: {  	s0 =	sor.u32 s1, s0  }
0xbe: {  	s0 =	sadd.s32 $0x8F2B, s0  }
0xbf: {  	[sflag:s0] =	ssyncadd.remote.s32 $0x1  }
0xc0: {  	_ =	sfence.sel $0xFFFF  }
0xc1: {  	[dreg:$0x0] =	wrdreg $0xFFFFFFFF;
	(pc) =	sbr.abs _section_cstart, $3  }
0xc2: {  	[dreg:$0x1] =	wrdreg $0xFFFFFFFF  }
0xc3: {  	_ =	task.clear_ibuf [dreg:s7], $0x2FFFF;
	_ =	strace $0x9FFFFFFF  }
0xc4: {  	(tm) =	ssettm $0x7FFFFFFF  }
0xc5: {  	_ =	shalt  }
tec
execute0_lowered:
.L_overlay_start_1:
0x0: {  	(tag) =	ssettag $0x1  }
0x1: {  	s0 =	srdreg.scid  }
0x2: {  	s10 =	stileid.u32;
	s1 =	rddreg [dreg:$0x0];
	s2 =	simm.s32 $0x0  }
0x3: {  	s28 =	simm.s32 $0x50;
	s30 =	simm.s32 $0xF0;
	s4 =	smul.u32 $0x2800, s10  }
0x4: {  	s3 =	sand.u32 $0x1, s0;
	[smem:$0x7FF] =	sst s2;
	s9 =	smul.u32 $0x280, s10  }
0x5: {  	s6 =	sadd.s32 $0x27C00, s1;
	s0 =	smul.u32 $0x28000, s3;
	s24 =	ssub.s32 $0x2, s3  }
0x6: {  	s8 =	sshll.u32 s10, $0x1;
	s7 =	sshrl.u32 s24, $0x1;
	s11 =	sor.u32 $0x50, s9  }
0x7: {  	s13 =	sadd.s32 $0xA0, s9;
	s14 =	sadd.s32 $0xF0, s9;
	s0 =	sadd.s32 s4, s0  }
0x8: {  	s18 =	sadd.s32 $0x140, s9;
	s19 =	sadd.s32 $0x190, s9;
	s5 =	sshrl.u32 s0, $0x3  }
0x9: {  	s0 =	ssub.s32 s24, s7;
	s7 =	sor.u32 s3, s8;
	s8 =	smul.u32 $0x14000, s10  }
0xa: {  	s22 =	sadd.s32 $0x1E0, s9;
	s23 =	sadd.s32 $0x230, s9;
	s3 =	smul.u32 $0x140000, s3  }
0xb: {  	s15 =	sshll.u32 s11, $0x7;
	s16 =	sshll.u32 s13, $0x7;
	s17 =	sshll.u32 s14, $0x7  }
0xc: {  	s20 =	sshll.u32 s18, $0x7;
	s21 =	sshll.u32 s19, $0x7;
	s25 =	sadd.s32 s8, s3  }
0xd: {  	s11 =	sshll.u32 s11, $0x4;
	s26 =	sadd.s32 s3, s15;
	s9 =	sshrl.u32 s25, $0x3  }
0xe: {  	s0 =	smax.u32 s0, $0x1;
	s10 =	sshrl.u32 s26, $0x3;
	s9 =	sadd.s32 s6, s9  }
0xf: {  	s12 =	sadd.s32 s3, s16;
	s10 =	sadd.s32 s6, s10;
	[dreg:$0x5] =	wrdreg s9  }
0x10: {  	s24 =	sadd.s32 s3, s17;
	s12 =	sshrl.u32 s12, $0x3;
	[dreg:$0x6] =	wrdreg s10  }
0x11: {  	s25 =	sadd.s32 s3, s20;
	s9 =	sadd.s32 s6, s12;
	s12 =	rddreg [dreg:$0x3]  }
0x12: {  	s26 =	sadd.s32 s3, s21;
	s10 =	sshrl.u32 s25, $0x3;
	[dreg:$0x7] =	wrdreg s9  }
0x13: {  	s9 =	sshrl.u32 s24, $0x3;
	s24 =	sadd.s32 s6, s10;
	s10 =	rddreg [dreg:$0x2]  }
0x14: {  	s25 =	sshrl.u32 s26, $0x3;
	s9 =	sadd.s32 s6, s9;
	[dreg:$0x9] =	wrdreg s24  }
0x15: {  	s24 =	sshll.u32 s22, $0x7;
	s29 =	sadd.s32 s4, s10;
	[dreg:$0x8] =	wrdreg s9  }
0x16: {  	s9 =	sadd.s32 s6, s25;
	s25 =	sshll.u32 s23, $0x7;
	s26 =	sadd.s32 s3, s24  }
0x17: {  	[dreg:$0xa] =	wrdreg s9;
	s26 =	sshrl.u32 s26, $0x3;
	s3 =	sadd.s32 s3, s25  }
0x18: {  	s9 =	rddreg [dreg:$0x1];
	s26 =	sadd.s32 s6, s26;
	s3 =	sshrl.u32 s3, $0x3  }
0x19: {  	s4 =	sadd.s32 s11, s10;
	[dreg:$0xb] =	wrdreg s26;
	s3 =	sadd.s32 s6, s3  }
0x1a: {  	[dreg:$0xc] =	wrdreg s3;
	s3 =	sadd.s32 s5, s1;
	s5 =	smul.u32 $0x2710, s7  }
0x1b: {  	s7 =	sadd.s32 s15, s12;
	_ =	strace $0x80000047;
	[dreg:$0xf] =	wrdreg s4  }
0x1c: {  	s31 =	sadd.s32 s8, s12;
	s11 =	sadd.s32 s16, s12;
	[dreg:$0x10] =	wrdreg s7  }
0x1d: {  	s8 =	sshll.u32 s14, $0x4;
	s14 =	sadd.s32 s17, s12;
	[dreg:$0x12] =	wrdreg s11  }
0x1e: {  	s16 =	sadd.s32 s20, s12;
	s26 =	sshll.u32 s13, $0x4;
	[dreg:$0x14] =	wrdreg s14  }
0x1f: {  	s13 =	sshll.u32 s18, $0x4;
	s18 =	sadd.s32 s21, s12;
	[dreg:$0x16] =	wrdreg s16  }
0x20: {  	s17 =	sshll.u32 s22, $0x4;
	s20 =	sadd.s32 s24, s12;
	[dreg:$0x18] =	wrdreg s18  }
0x21: {  	s22 =	sadd.s32 s25, s12;
	s15 =	sshll.u32 s19, $0x4;
	[dreg:$0x1a] =	wrdreg s20  }
0x22: {  	s19 =	sshll.u32 s23, $0x4;
	s4 =	sadd.s32 s26, s10;
	[dreg:$0x1c] =	wrdreg s22  }
0x23: {  	s11 =	sadd.s32 $0x9E00, s1;
	s3 =	sadd.s32 $0x1DC00, s3;
	[smem:$0x7FD] =	sst s0  }
0x24: {  	s14 =	sadd.s32 $0x13C00, s1;
	s0 =	simm.s32 $0x1;
	[dreg:$0xd] =	wrdreg s29  }
0x25: {  	s16 =	simm.s32 $0x3;
	s18 =	simm.s32 $0x4;
	[dreg:$0xe] =	wrdreg s31  }
0x26: {  	s20 =	simm.s32 $0x1A40;
	s22 =	simm.s32 $0x0;
	[dreg:$0x11] =	wrdreg s4  }
0x27: {  	s4 =	sadd.s32 s8, s10;
	s21 =	sshrl.u32 s5, $0x3;
	s6 =	sadd.s32 $0xA0, s5  }
0x28: {  	s7 =	sadd.s32 $0xF0, s5;
	[smem:$0x7FC] =	sst s3;
	s3 =	simm.s32 $0x140  }
0x29: {  	s5 =	simm.s32 $0x2;
	[dreg:$0x13] =	wrdreg s4;
	s4 =	sadd.s32 s13, s10  }
0x2a: {  	s23 =	sadd.s32 $0xA, s21;
	s24 =	sadd.s32 s11, s21;
	[dreg:$0x15] =	wrdreg s4  }
0x2b: {  	s13 =	simm.s32 $0x1040;
	s4 =	sadd.s32 s15, s10;
	[dreg:$0x1d] =	wrdreg s24  }
0x2c: {  	s25 =	sadd.s32 s11, s23;
	s26 =	sadd.s32 s1, s23;
	[dreg:$0x17] =	wrdreg s4  }
0x2d: {  	s23 =	simm.s32 $0x1F40;
	s15 =	simm.s32 $0x4740;
	[dreg:$0x1f] =	wrdreg s25  }
0x2e: {  	s4 =	sadd.s32 s17, s10;
	[smem:$0x7FB] =	sst s26;
	s17 =	sadd.s32 $0x18C00, s1  }
0x2f: {  	v0 =	vimm.f32 $0.0e+00;
	v1 =	vimm.s32 $0x0;
	v2 =	vimm.s32 $0x1;
	s25 =	simm.s32 $0xA0;
	[dreg:$0x19] =	wrdreg s4;
	s4 =	sadd.s32 s19, s10  }
0x30: {  	v3 =	vimm.s32 $0x2;
	v4 =	vimm.s32 $0x3;
	v5 =	vimm.s32 $0x4;
	s19 =	simm.s32 $0x1540;
	[dreg:$0x1b] =	wrdreg s4;
	s4 =	sadd.s32 s1, s21  }
0x31: {  	v6 =	vimm.s32 $0x5;
	v7 =	vimm.s32 $0x6;
	v8 =	vimm.s32 $0x7;
	s21 =	simm.s32 $0x5;
	[dreg:$0x1e] =	wrdreg s4;
	s4 =	simm.s32 $0xB40  }
.LBB2_1:
0x32: {  	s24 =	simm.s32 $0x0  }
0x33: {  	[smem:$0x7FA] =	sst s22;
	s22 =	simm.s32 $0x1F80;
	[tilespmem:s24+$0x1540] =	vst v0;
	s24 =	simm.s32 $0x40  }
.LBB2_2:
0x34: {  	p0 =	sne.s32 s24, $0x13C0;
	[tilespmem:s22+$0xFFFFFFC0] =	vst v0  }
0x35: {  	[tilespmem:s22+$0xFFFFFFD0] =	vst v0  }
0x36: {  	[tilespmem:s22+$0xFFFFFFE0] =	vst v0  }
0x37: {  	[tilespmem:s22+$0xFFFFFFF0] =	vst v0  }
.Ltmp0:
0x38: {  	[tilespmem:s22+$0x0] =	vst v0;
	(pc) =	sbr.rel @p0 .LBB2_2-.Ltmp0, $4  }
0x39: {  	[tilespmem:s22+$0x10] =	vst v0  }
0x3a: {  	[tilespmem:s22+$0x20] =	vst v0  }
0x3b: {  	s26 =	sshra.s32 s24, $0x2;
	[tilespmem:s22+$0x30] =	vst v0  }
0x3c: {  	s24 =	sadd.s32 $0x40, s24;
	s22 =	sadd.s32 $0x80, s22;
	[tilespmem:s26+$0x1540] =	vst v0  }
0x3d: {  	[tilespmem:s22+$0xFFFFFFC0] =	vst v0  }
0x3e: {  	[tilespmem:s22+$0xFFFFFFD0] =	vst v0  }
0x3f: {  	[tilespmem:s22+$0xFFFFFFE0] =	vst v0  }
0x40: {  	[tilespmem:s22+$0xFFFFFFF0] =	vst v0  }
0x41: {  	[tilespmem:s22+$0x0] =	vst v0  }
0x42: {  	[tilespmem:s22+$0x10] =	vst v0  }
0x43: {  	[tilespmem:s22+$0x20] =	vst v0  }
0x44: {  	[tilespmem:s22+$0x30] =	vst v0  }
0x45: {  	[spmem:s29] =	stream.linear.scatter [tilespmem:s19], [sflag:$0x5], $0x500, $0x38;
	[tilespmem:$0x1D740] =	vst v63  }
0x46: {  	_ =	swait.ge [sflag:s21], $0x500  }
0x47: {  	[sflag:s21] =	ssyncset.done $0x0  }
0x48: {  	[sflag:s21] =	ssyncadd.s32 $0xFFFFFB00  }
0x49: {  	[spmem:s31] =	stream.linear.scatter [tilespmem:s23], [sflag:$0x5], $0x2800, $0x38;
	[tilespmem:$0x1D740] =	vst v63  }
0x4a: {  	_ =	swait.ge [sflag:s21], $0x2800  }
0x4b: {  	[sflag:s21] =	ssyncset.done $0x0  }
0x4c: {  	s8 =	rddreg [dreg:$0xf];
	[sflag:s21] =	ssyncadd.s32 $0xFFFFD800  }
0x4d: {  	[spmem:s8] =	stream.linear.scatter [tilespmem:s19], [sflag:$0x5], $0x500, $0x38;
	[tilespmem:$0x1D740] =	vst v63  }
0x4e: {  	_ =	swait.ge [sflag:s21], $0x500  }
0x4f: {  	[sflag:s21] =	ssyncset.done $0x0  }
0x50: {  	s26 =	rddreg [dreg:$0x10];
	[sflag:s21] =	ssyncadd.s32 $0xFFFFFB00  }
0x51: {  	[spmem:s26] =	stream.linear.scatter [tilespmem:s23], [sflag:$0x5], $0x2800, $0x38;
	[tilespmem:$0x1D740] =	vst v63  }
0x52: {  	_ =	swait.ge [sflag:s21], $0x2800  }
0x53: {  	[sflag:s21] =	ssyncset.done $0x0  }
0x54: {  	s29 =	rddreg [dreg:$0x11];
	[sflag:s21] =	ssyncadd.s32 $0xFFFFD800  }
0x55: {  	[spmem:s29] =	stream.linear.scatter [tilespmem:s19], [sflag:$0x5], $0x500, $0x38;
	[tilespmem:$0x1D740] =	vst v63  }
0x56: {  	_ =	swait.ge [sflag:s21], $0x500  }
0x57: {  	[sflag:s21] =	ssyncset.done $0x0  }
0x58: {  	s31 =	rddreg [dreg:$0x12];
	[sflag:s21] =	ssyncadd.s32 $0xFFFFFB00  }
0x59: {  	[spmem:s31] =	stream.linear.scatter [tilespmem:s23], [sflag:$0x5], $0x2800, $0x38;
	[tilespmem:$0x1D740] =	vst v63  }
0x5a: {  	_ =	swait.ge [sflag:s21], $0x2800  }
0x5b: {  	[sflag:s21] =	ssyncset.done $0x0  }
0x5c: {  	s22 =	rddreg [dreg:$0x13];
	[sflag:s21] =	ssyncadd.s32 $0xFFFFD800  }
0x5d: {  	[spmem:s22] =	stream.linear.scatter [tilespmem:s19], [sflag:$0x5], $0x500, $0x38;
	[tilespmem:$0x1D740] =	vst v63  }
0x5e: {  	_ =	swait.ge [sflag:s21], $0x500  }
0x5f: {  	[sflag:s21] =	ssyncset.done $0x0  }
0x60: {  	s24 =	rddreg [dreg:$0x14];
	[sflag:s21] =	ssyncadd.s32 $0xFFFFFB00  }
0x61: {  	[spmem:s24] =	stream.linear.scatter [tilespmem:s23], [sflag:$0x5], $0x2800, $0x38;
	[tilespmem:$0x1D740] =	vst v63  }
0x62: {  	_ =	swait.ge [sflag:s21], $0x2800  }
0x63: {  	[sflag:s21] =	ssyncset.done $0x0  }
0x64: {  	s26 =	rddreg [dreg:$0x15];
	[sflag:s21] =	ssyncadd.s32 $0xFFFFD800  }
0x65: {  	[spmem:s26] =	stream.linear.scatter [tilespmem:s19], [sflag:$0x5], $0x500, $0x38;
	[tilespmem:$0x1D740] =	vst v63  }
0x66: {  	_ =	swait.ge [sflag:s21], $0x500  }
0x67: {  	[sflag:s21] =	ssyncset.done $0x0  }
0x68: {  	s29 =	rddreg [dreg:$0x16];
	[sflag:s21] =	ssyncadd.s32 $0xFFFFFB00  }
0x69: {  	[spmem:s29] =	stream.linear.scatter [tilespmem:s23], [sflag:$0x5], $0x2800, $0x38;
	[tilespmem:$0x1D740] =	vst v63  }
0x6a: {  	_ =	swait.ge [sflag:s21], $0x2800  }
0x6b: {  	[sflag:s21] =	ssyncset.done $0x0  }
0x6c: {  	s31 =	rddreg [dreg:$0x17];
	[sflag:s21] =	ssyncadd.s32 $0xFFFFD800  }
0x6d: {  	[spmem:s31] =	stream.linear.scatter [tilespmem:s19], [sflag:$0x5], $0x500, $0x38;
	[tilespmem:$0x1D740] =	vst v63  }
0x6e: {  	_ =	swait.ge [sflag:s21], $0x500  }
0x6f: {  	[sflag:s21] =	ssyncset.done $0x0  }
0x70: {  	s22 =	rddreg [dreg:$0x18];
	[sflag:s21] =	ssyncadd.s32 $0xFFFFFB00  }
0x71: {  	[spmem:s22] =	stream.linear.scatter [tilespmem:s23], [sflag:$0x5], $0x2800, $0x38;
	[tilespmem:$0x1D740] =	vst v63  }
0x72: {  	_ =	swait.ge [sflag:s21], $0x2800  }
0x73: {  	[sflag:s21] =	ssyncset.done $0x0  }
0x74: {  	s24 =	rddreg [dreg:$0x19];
	[sflag:s21] =	ssyncadd.s32 $0xFFFFD800  }
0x75: {  	[spmem:s24] =	stream.linear.scatter [tilespmem:s19], [sflag:$0x5], $0x500, $0x38;
	[tilespmem:$0x1D740] =	vst v63  }
0x76: {  	_ =	swait.ge [sflag:s21], $0x500  }
0x77: {  	[sflag:s21] =	ssyncset.done $0x0  }
0x78: {  	s26 =	rddreg [dreg:$0x1a];
	[sflag:s21] =	ssyncadd.s32 $0xFFFFFB00  }
0x79: {  	[spmem:s26] =	stream.linear.scatter [tilespmem:s23], [sflag:$0x5], $0x2800, $0x38;
	[tilespmem:$0x1D740] =	vst v63  }
0x7a: {  	_ =	swait.ge [sflag:s21], $0x2800  }
0x7b: {  	[sflag:s21] =	ssyncset.done $0x0  }
0x7c: {  	s29 =	rddreg [dreg:$0x1b];
	[sflag:s21] =	ssyncadd.s32 $0xFFFFD800  }
0x7d: {  	[spmem:s29] =	stream.linear.scatter [tilespmem:s19], [sflag:$0x5], $0x500, $0x38;
	[tilespmem:$0x1D740] =	vst v63  }
0x7e: {  	_ =	swait.ge [sflag:s21], $0x500  }
0x7f: {  	[sflag:s21] =	ssyncset.done $0x0  }
0x80: {  	s31 =	rddreg [dreg:$0x1c];
	[sflag:s21] =	ssyncadd.s32 $0xFFFFFB00  }
0x81: {  	[spmem:s31] =	stream.linear.scatter [tilespmem:s23], [sflag:$0x5], $0x2800, $0x38;
	[tilespmem:$0x1D740] =	vst v63  }
0x82: {  	_ =	swait.ge [sflag:s21], $0x2800  }
0x83: {  	[sflag:s21] =	ssyncset.done $0x0  }
0x84: {  	[sflag:s21] =	ssyncadd.s32 $0xFFFFD800  }
0x85: {  	[bflag:$0x0] =	sbarrier.arrive $0xFFFF  }
0x86: {  	s22 =	rddreg [dreg:$0x1d]  }
0x87: {  	s24 =	simm.s32 $0x0;
	s26 =	rddreg [dreg:$0x1e]  }
0x88: {  	[tilespmem:s24], [sflag:$0x1] =	stream.linear.gather [hbm4b:s22+s24], $0x50, $0x38;
	[tilespmem:$0x1D740] =	vst v63  }
0x89: {  	s29 =	rddreg [dreg:$0x1f]  }
0x8a: {  	[tilespmem:s25], [sflag:$0x1] =	stream.linear.gather [hbm4b:s26+s24], $0x50, $0x38;
	[tilespmem:$0x1D740] =	vst v63  }
0x8b: {  	s31 =	sld [smem:$0x7FB]  }
0x8c: {  	[tilespmem:s28], [sflag:$0x2] =	stream.linear.gather [hbm4b:s29+s24], $0x50, $0x38;
	[tilespmem:$0x1D740] =	vst v63  }
0x8d: {  	_ = 	snop  }
0x8e: {  	[tilespmem:s30], [sflag:$0x2] =	stream.linear.gather [hbm4b:s31+s24], $0x50, $0x38;
	[tilespmem:$0x1D740] =	vst v63  }
0x8f: {  	_ =	swait.ge [sflag:s0], $0x50  }
0x90: {  	[sflag:s0] =	ssyncset.done $0x0  }
0x91: {  	[sflag:s0] =	ssyncadd.s32 $0xFFFFFFB0  }
0x92: {  	_ =	swait.ge [sflag:s0], $0x50  }
0x93: {  	[sflag:s0] =	ssyncset.done $0x0  }
0x94: {  	[sflag:s0] =	ssyncadd.s32 $0xFFFFFFB0  }
0x95: {  	[tilespmem:s3], [sflag:$0x3] =	stream.indirect.gather [hbm4b:s14+s28], $0x10, s24, s28, $0xb8;
	[tilespmem:$0x1D740] =	vst v63  }
0x96: {  	_ = 	snop  }
0x97: {  	[tilespmem:s4], [sflag:$0x3] =	stream.indirect.gather [hbm4b:s17+s28], $0x10, s25, s28, $0xb8;
	[tilespmem:$0x1D740] =	vst v63  }
0x98: {  	_ = 	snop  }
0x99: {  	[tilespmem:s23], [sflag:$0x3] =	stream.indirect.gather [hbm4b:s9+s28], $0x80, s24, s28, $0xb8;
	[tilespmem:$0x1D740] =	vst v63  }
.LBB2_4:
0x9a: {  	_ =	swait.ge [sflag:s5], $0x50  }
0x9b: {  	[sflag:s5] =	ssyncset.done $0x0  }
0x9c: {  	[sflag:s5] =	ssyncadd.s32 $0xFFFFFFB0  }
0x9d: {  	_ =	swait.ge [sflag:s5], $0x50  }
0x9e: {  	[sflag:s5] =	ssyncset.done $0x0  }
0x9f: {  	s8 =	simm.s32 $0x640;
	[sflag:s5] =	ssyncadd.s32 $0xFFFFFFB0  }
0xa0: {  	[tilespmem:s8], [sflag:$0x4] =	stream.indirect.gather [hbm4b:s14+s28], $0x10, s28, s28, $0xb8;
	[tilespmem:$0x1D740] =	vst v63  }
0xa1: {  	_ = 	snop  }
0xa2: {  	[tilespmem:s13], [sflag:$0x4] =	stream.indirect.gather [hbm4b:s17+s28], $0x10, s30, s28, $0xb8;
	[tilespmem:$0x1D740] =	vst v63  }
0xa3: {  	_ = 	snop  }
0xa4: {  	[tilespmem:s15], [sflag:$0x4] =	stream.indirect.gather [hbm4b:s9+s28], $0x80, s28, s28, $0xb8;
	[tilespmem:$0x1D740] =	vst v63  }
0xa5: {  	_ =	swait.ge [sflag:s16], $0x500  }
0xa6: {  	[sflag:s16] =	ssyncset.done $0x0  }
0xa7: {  	[sflag:s16] =	ssyncadd.s32 $0xFFFFFB00  }
0xa8: {  	_ =	swait.ge [sflag:s16], $0x500  }
0xa9: {  	[sflag:s16] =	ssyncset.done $0x0  }
0xaa: {  	[sflag:s16] =	ssyncadd.s32 $0xFFFFFB00  }
0xab: {  	_ =	swait.ge [sflag:s16], $0x2800  }
0xac: {  	[sflag:s16] =	ssyncset.done $0x0  }
0xad: {  	s22 =	simm.s32 $0x0;
	[sflag:s16] =	ssyncadd.s32 $0xFFFFD800  }
0xae: {  	v9 =	vld [tilespmem:s22+$0x140]  }
0xaf: {  	v10 =	vld [tilespmem:s22+$0xB40];
	_ =	sdelay $0x4  }
0xb0: {  	v9 =	vadd.f32 v10, v9;
	_ =	sdelay $0x1  }
0xb1: {  	v10 =	vmul.f32 $2.000000030e-01, v9  }
0xb2: {  	vm0 =	vge.f32 v9, $0.0e+00  }
0xb3: {  	v9 =	vsel vm0, v9, v10  }
0xb4: {  	v9 =	vmul.f32 $1.442695020e+00, v9;
	_ =	sdelay $0x1  }
0xb5: {  	(erf) = vpow2.f32 v9;
	_ =	sdelay $0x8  }
0xb6: {  	v9 =	vpop (erf)  }
0xb7: {  	s26 =	simm.s32 $0x1F80;
	[tilespmem:s22+$0x1540] =	vst v9  }
0xb8: {  	v17 =	vld [tilespmem:s26+$0x30]  }
0xb9: {  	v15 =	vld [tilespmem:s26+$0x10]  }
0xba: {  	v14 =	vld [tilespmem:s26+$0xFFFFFFE0]  }
0xbb: {  	v19 =	vperm.xlane v9, v8;
	v11 =	vld [tilespmem:s26+$0x20]  }
0xbc: {  	v10 =	vperm.xlane v9, v7;
	v18 =	vperm.xlane v9, v6;
	v13 =	vld [tilespmem:s26+$0xFFFFFFD0]  }
0xbd: {  	s29 =	simm.s32 $0x40;
	s31 =	simm.s32 $0x1F80;
	v16 =	vperm.xlane v9, v3;
	v12 =	vld [tilespmem:s26+$0x0];
	v17 =	vmul.f32 v17, v19  }
.LBB2_5:
0xbe: {  	p0 =	sne.s32 s29, $0x13C0  }
0xbf: {  	v19 =	vld [tilespmem:s26+$0xFFFFFFF0];
	v15 =	vmul.f32 v15, v18;
	s31 =	sadd.s32 $0x80, s31;
	s22 =	smov.u32 s29;
	s29 =	sadd.s32 $0x40, s29  }
0xc0: {  	v20 =	vperm.xlane v9, v2;
	v18 =	vld [tilespmem:s26+$0xFFFFFFC0];
	v14 =	vmul.f32 v14, v16;
	[tilespmem:s26+$0x30] =	vst v17  }
0xc1: {  	v16 =	vperm.xlane v9, v5;
	[tilespmem:s26+$0x10] =	vst v15;
	v10 =	vmul.f32 v11, v10  }
0xc2: {  	v11 =	vmul.f32 v13, v20;
	[tilespmem:s26+$0xFFFFFFE0] =	vst v14;
	v13 =	vperm.xlane v9, v4  }
0xc3: {  	v9 =	vperm.xlane v9, v1;
	v12 =	vmul.f32 v12, v16;
	[tilespmem:s26+$0x20] =	vst v10  }
0xc4: {  	[tilespmem:s26+$0xFFFFFFD0] =	vst v11;
	v10 =	vmul.f32 v19, v13  }
0xc5: {  	v9 =	vmul.f32 v18, v9;
	[tilespmem:s26+$0x0] =	vst v12  }
0xc6: {  	[tilespmem:s26+$0xFFFFFFF0] =	vst v10  }
0xc7: {  	s22 =	sshra.s32 s22, $0x2;
	[tilespmem:s26+$0xFFFFFFC0] =	vst v9;
	s26 =	smov.u32 s31  }
0xc8: {  	v9 =	vld [tilespmem:s22+$0x140]  }
0xc9: {  	v10 =	vld [tilespmem:s22+$0xB40];
	_ =	sdelay $0x4  }
0xca: {  	v9 =	vadd.f32 v10, v9;
	_ =	sdelay $0x1  }
0xcb: {  	vm0 =	vge.f32 v9, $0.0e+00;
	v10 =	vmul.f32 $2.000000030e-01, v9;
	_ =	sdelay $0x1  }
0xcc: {  	v9 =	vsel vm0, v9, v10  }
0xcd: {  	v9 =	vmul.f32 $1.442695020e+00, v9;
	_ =	sdelay $0x1  }
0xce: {  	(erf) = vpow2.f32 v9;
	_ =	sdelay $0x8  }
0xcf: {  	v9 =	vpop (erf)  }
0xd0: {  	[tilespmem:s22+$0x1540] =	vst v9;
	v10 =	vperm.xlane v9, v7  }
0xd1: {  	v17 =	vld [tilespmem:s31+$0x30]  }
.Ltmp1:
0xd2: {  	v15 =	vld [tilespmem:s31+$0x10];
	(pc) =	sbr.rel @p0 .LBB2_5-.Ltmp1, $4  }
0xd3: {  	v19 =	vperm.xlane v9, v8;
	v14 =	vld [tilespmem:s31+$0xFFFFFFE0]  }
0xd4: {  	v11 =	vld [tilespmem:s31+$0x20]  }
0xd5: {  	v18 =	vperm.xlane v9, v6;
	v13 =	vld [tilespmem:s31+$0xFFFFFFD0]  }
0xd6: {  	v16 =	vperm.xlane v9, v3;
	v12 =	vld [tilespmem:s31+$0x0];
	v17 =	vmul.f32 v17, v19  }
0xd7: {  	v19 =	vld [tilespmem:s26+$0xFFFFFFF0];
	v15 =	vmul.f32 v15, v18  }
0xd8: {  	v18 =	vld [tilespmem:s26+$0xFFFFFFC0];
	v20 =	vperm.xlane v9, v2;
	v14 =	vmul.f32 v14, v16;
	[tilespmem:s26+$0x30] =	vst v17  }
0xd9: {  	v16 =	vperm.xlane v9, v5;
	[tilespmem:s26+$0x10] =	vst v15;
	v10 =	vmul.f32 v11, v10  }
0xda: {  	v11 =	vmul.f32 v13, v20;
	[tilespmem:s26+$0xFFFFFFE0] =	vst v14;
	v13 =	vperm.xlane v9, v4  }
0xdb: {  	v9 =	vperm.xlane v9, v1;
	v12 =	vmul.f32 v12, v16;
	[tilespmem:s26+$0x20] =	vst v10  }
0xdc: {  	[tilespmem:s26+$0xFFFFFFD0] =	vst v11;
	v10 =	vmul.f32 v19, v13  }
0xdd: {  	v9 =	vmul.f32 v18, v9;
	[tilespmem:s26+$0x0] =	vst v12  }
0xde: {  	[tilespmem:s26+$0xFFFFFFF0] =	vst v10  }
0xdf: {  	[tilespmem:s26+$0xFFFFFFC0] =	vst v9  }
0xe0: {  	[spmem:s10] =	stream.indirect.scatter.add.f32 [tilespmem:s19], [sflag:$0x5], $0x10, s25, s28, $0xb8;
	[tilespmem:$0x1D740] =	vst v63  }
0xe1: {  	_ =	swait.ge [sflag:s21], $0x500  }
0xe2: {  	[sflag:s21] =	ssyncset.done $0x0  }
0xe3: {  	s26 =	smul.u32 $0xA0, s24;
	[sflag:s21] =	ssyncadd.s32 $0xFFFFFB00  }
0xe4: {  	[spmem:s12] =	stream.indirect.scatter.add.f32 [tilespmem:s23], [sflag:$0x5], $0x80, s25, s28, $0xb8;
	[tilespmem:$0x1D740] =	vst v63  }
0xe5: {  	s22 =	sadd.s32 s26, s6;
	_ =	swait.ge [sflag:s21], $0x2800  }
0xe6: {  	s22 =	sshrl.u32 s22, $0x3;
	[sflag:s21] =	ssyncset.done $0x0  }
0xe7: {  	s31 =	simm.s32 $0x0;
	s29 =	sadd.s32 s11, s22;
	[sflag:s21] =	ssyncadd.s32 $0xFFFFD800  }
0xe8: {  	[tilespmem:s31], [sflag:$0x1] =	stream.linear.gather [hbm4b:s29+s31], $0x50, $0x38;
	[tilespmem:$0x1D740] =	vst v63  }
0xe9: {  	s22 =	sadd.s32 s1, s22  }
0xea: {  	[tilespmem:s25], [sflag:$0x1] =	stream.linear.gather [hbm4b:s22+s31], $0x50, $0x38;
	[tilespmem:$0x1D740] =	vst v63  }
0xeb: {  	_ =	swait.ge [sflag:s0], $0x50  }
0xec: {  	[sflag:s0] =	ssyncset.done $0x0  }
0xed: {  	[sflag:s0] =	ssyncadd.s32 $0xFFFFFFB0  }
0xee: {  	_ =	swait.ge [sflag:s0], $0x50  }
0xef: {  	[sflag:s0] =	ssyncset.done $0x0  }
0xf0: {  	[sflag:s0] =	ssyncadd.s32 $0xFFFFFFB0  }
0xf1: {  	[tilespmem:s3], [sflag:$0x3] =	stream.indirect.gather [hbm4b:s14+s28], $0x10, s31, s28, $0xb8;
	[tilespmem:$0x1D740] =	vst v63  }
0xf2: {  	_ = 	snop  }
0xf3: {  	[tilespmem:s4], [sflag:$0x3] =	stream.indirect.gather [hbm4b:s17+s28], $0x10, s25, s28, $0xb8;
	[tilespmem:$0x1D740] =	vst v63  }
0xf4: {  	_ = 	snop  }
0xf5: {  	[tilespmem:s23], [sflag:$0x3] =	stream.indirect.gather [hbm4b:s9+s28], $0x80, s31, s28, $0xb8;
	[tilespmem:$0x1D740] =	vst v63  }
0xf6: {  	_ =	swait.ge [sflag:s18], $0x500  }
0xf7: {  	[sflag:s18] =	ssyncset.done $0x0  }
0xf8: {  	[sflag:s18] =	ssyncadd.s32 $0xFFFFFB00  }
0xf9: {  	_ =	swait.ge [sflag:s18], $0x500  }
0xfa: {  	[sflag:s18] =	ssyncset.done $0x0  }
0xfb: {  	[sflag:s18] =	ssyncadd.s32 $0xFFFFFB00  }
0xfc: {  	_ =	swait.ge [sflag:s18], $0x2800  }
0xfd: {  	[sflag:s18] =	ssyncset.done $0x0  }
0xfe: {  	s8 =	simm.s32 $0x0;
	[sflag:s18] =	ssyncadd.s32 $0xFFFFD800  }
0xff: {  	v9 =	vld [tilespmem:s8+$0x640]  }
0x100: {  	v10 =	vld [tilespmem:s8+$0x1040];
	_ =	sdelay $0x4  }
0x101: {  	v9 =	vadd.f32 v10, v9;
	_ =	sdelay $0x1  }
0x102: {  	v10 =	vmul.f32 $2.000000030e-01, v9  }
0x103: {  	vm0 =	vge.f32 v9, $0.0e+00  }
0x104: {  	v9 =	vsel vm0, v9, v10  }
0x105: {  	v9 =	vmul.f32 $1.442695020e+00, v9;
	_ =	sdelay $0x1  }
0x106: {  	(erf) = vpow2.f32 v9;
	_ =	sdelay $0x8  }
0x107: {  	v9 =	vpop (erf)  }
0x108: {  	s29 =	simm.s32 $0x4780;
	[tilespmem:s8+$0x1A40] =	vst v9  }
0x109: {  	v17 =	vld [tilespmem:s29+$0x30]  }
0x10a: {  	v15 =	vld [tilespmem:s29+$0x10]  }
0x10b: {  	v14 =	vld [tilespmem:s29+$0xFFFFFFE0]  }
0x10c: {  	v19 =	vperm.xlane v9, v8;
	v11 =	vld [tilespmem:s29+$0x20]  }
0x10d: {  	v10 =	vperm.xlane v9, v7;
	v18 =	vperm.xlane v9, v6;
	v13 =	vld [tilespmem:s29+$0xFFFFFFD0]  }
0x10e: {  	s22 =	simm.s32 $0x4780;
	s31 =	simm.s32 $0x40;
	v16 =	vperm.xlane v9, v3;
	v12 =	vld [tilespmem:s29+$0x0];
	v17 =	vmul.f32 v17, v19  }
.LBB2_7:
0x10f: {  	p0 =	sne.s32 s31, $0x13C0  }
0x110: {  	v19 =	vld [tilespmem:s29+$0xFFFFFFF0];
	v15 =	vmul.f32 v15, v18;
	s22 =	sadd.s32 $0x80, s22;
	s8 =	smov.u32 s31;
	s31 =	sadd.s32 $0x40, s31  }
0x111: {  	v20 =	vperm.xlane v9, v2;
	v18 =	vld [tilespmem:s29+$0xFFFFFFC0];
	v14 =	vmul.f32 v14, v16;
	[tilespmem:s29+$0x30] =	vst v17  }
0x112: {  	v16 =	vperm.xlane v9, v5;
	[tilespmem:s29+$0x10] =	vst v15;
	v10 =	vmul.f32 v11, v10  }
0x113: {  	v11 =	vmul.f32 v13, v20;
	[tilespmem:s29+$0xFFFFFFE0] =	vst v14;
	v13 =	vperm.xlane v9, v4  }
0x114: {  	v9 =	vperm.xlane v9, v1;
	v12 =	vmul.f32 v12, v16;
	[tilespmem:s29+$0x20] =	vst v10  }
0x115: {  	[tilespmem:s29+$0xFFFFFFD0] =	vst v11;
	v10 =	vmul.f32 v19, v13  }
0x116: {  	v9 =	vmul.f32 v18, v9;
	[tilespmem:s29+$0x0] =	vst v12  }
0x117: {  	[tilespmem:s29+$0xFFFFFFF0] =	vst v10  }
0x118: {  	s8 =	sshra.s32 s8, $0x2;
	[tilespmem:s29+$0xFFFFFFC0] =	vst v9;
	s29 =	smov.u32 s22  }
0x119: {  	v9 =	vld [tilespmem:s8+$0x640]  }
0x11a: {  	v10 =	vld [tilespmem:s8+$0x1040];
	_ =	sdelay $0x4  }
0x11b: {  	v9 =	vadd.f32 v10, v9;
	_ =	sdelay $0x1  }
0x11c: {  	vm0 =	vge.f32 v9, $0.0e+00;
	v10 =	vmul.f32 $2.000000030e-01, v9;
	_ =	sdelay $0x1  }
0x11d: {  	v9 =	vsel vm0, v9, v10  }
0x11e: {  	v9 =	vmul.f32 $1.442695020e+00, v9;
	_ =	sdelay $0x1  }
0x11f: {  	(erf) = vpow2.f32 v9;
	_ =	sdelay $0x8  }
0x120: {  	v9 =	vpop (erf)  }
0x121: {  	[tilespmem:s8+$0x1A40] =	vst v9;
	v10 =	vperm.xlane v9, v7  }
0x122: {  	v17 =	vld [tilespmem:s22+$0x30]  }
.Ltmp2:
0x123: {  	v15 =	vld [tilespmem:s22+$0x10];
	(pc) =	sbr.rel @p0 .LBB2_7-.Ltmp2, $4  }
0x124: {  	v19 =	vperm.xlane v9, v8;
	v14 =	vld [tilespmem:s22+$0xFFFFFFE0]  }
0x125: {  	v11 =	vld [tilespmem:s22+$0x20]  }
0x126: {  	v18 =	vperm.xlane v9, v6;
	v13 =	vld [tilespmem:s22+$0xFFFFFFD0]  }
0x127: {  	v16 =	vperm.xlane v9, v3;
	v12 =	vld [tilespmem:s22+$0x0];
	v17 =	vmul.f32 v17, v19  }
0x128: {  	v19 =	vld [tilespmem:s29+$0xFFFFFFF0];
	v15 =	vmul.f32 v15, v18  }
0x129: {  	v61 =	vld [tilespmem:s29+$0xFFFFFFC0];
	v20 =	vperm.xlane v9, v2;
	v14 =	vmul.f32 v14, v16;
	[tilespmem:s29+$0x30] =	vst v17  }
0x12a: {  	v62 =	vperm.xlane v9, v5;
	[tilespmem:s29+$0x10] =	vst v15;
	v10 =	vmul.f32 v11, v10  }
0x12b: {  	v63 =	vperm.xlane v9, v4;
	v11 =	vmul.f32 v13, v20;
	[tilespmem:s29+$0xFFFFFFE0] =	vst v14  }
0x12c: {  	v9 =	vperm.xlane v9, v1;
	v12 =	vmul.f32 v12, v62;
	[tilespmem:s29+$0x20] =	vst v10  }
0x12d: {  	[tilespmem:s29+$0xFFFFFFD0] =	vst v11;
	v10 =	vmul.f32 v19, v63  }
0x12e: {  	v9 =	vmul.f32 v61, v9;
	[tilespmem:s29+$0x0] =	vst v12  }
0x12f: {  	[tilespmem:s29+$0xFFFFFFF0] =	vst v10  }
0x130: {  	[tilespmem:s29+$0xFFFFFFC0] =	vst v9  }
0x131: {  	[spmem:s10] =	stream.indirect.scatter.add.f32 [tilespmem:s20], [sflag:$0x5], $0x10, s30, s28, $0xb8;
	[tilespmem:$0x1D740] =	vst v63  }
0x132: {  	_ =	swait.ge [sflag:s21], $0x500  }
0x133: {  	p0 =	seq.s32 s24, $0x3D;
	[sflag:s21] =	ssyncset.done $0x0  }
.Ltmp3:
0x134: {  	[sflag:s21] =	ssyncadd.s32 $0xFFFFFB00;
	(pc) =	sbr.rel @p0 .LBB2_10-.Ltmp3, $4  }
0x135: {  	[spmem:s12] =	stream.indirect.scatter.add.f32 [tilespmem:s15], [sflag:$0x5], $0x80, s30, s28, $0xb8;
	[tilespmem:$0x1D740] =	vst v63  }
0x136: {  	_ =	swait.ge [sflag:s21], $0x2800  }
0x137: {  	[sflag:s21] =	ssyncset.done $0x0  }
0x138: {  	[sflag:s21] =	ssyncadd.s32 $0xFFFFD800  }
0x139: {  	s8 =	sadd.s32 s26, s7  }
.Ltmp4:
0x13a: {  	s8 =	sshrl.u32 s8, $0x3;
	(pc) =	sbr.rel .LBB2_4-.Ltmp4, $4  }
0x13b: {  	s22 =	sadd.s32 s11, s8  }
0x13c: {  	[tilespmem:s28], [sflag:$0x2] =	stream.linear.gather [hbm4b:s22+s2], $0x50, $0x38;
	[tilespmem:$0x1D740] =	vst v63  }
0x13d: {  	s24 =	sadd.s32 $0x1, s24;
	s8 =	sadd.s32 s1, s8  }
0x13e: {  	[tilespmem:s30], [sflag:$0x2] =	stream.linear.gather [hbm4b:s8+s2], $0x50, $0x38;
	[tilespmem:$0x1D740] =	vst v63  }
.LBB2_10:
0x13f: {  	_ =	swait.ge [sflag:s16], $0x500  }
0x140: {  	[sflag:s16] =	ssyncset.done $0x0  }
0x141: {  	[sflag:s16] =	ssyncadd.s32 $0xFFFFFB00  }
0x142: {  	_ =	swait.ge [sflag:s16], $0x500  }
0x143: {  	[sflag:s16] =	ssyncset.done $0x0  }
0x144: {  	[sflag:s16] =	ssyncadd.s32 $0xFFFFFB00  }
0x145: {  	_ =	swait.ge [sflag:s16], $0x2800  }
0x146: {  	[sflag:s16] =	ssyncset.done $0x0  }
0x147: {  	s8 =	simm.s32 $0x0;
	[sflag:s16] =	ssyncadd.s32 $0xFFFFD800  }
0x148: {  	v9 =	vld [tilespmem:s8+$0x140]  }
0x149: {  	v10 =	vld [tilespmem:s8+$0xB40];
	_ =	sdelay $0x4  }
0x14a: {  	v9 =	vadd.f32 v10, v9;
	_ =	sdelay $0x1  }
0x14b: {  	v10 =	vmul.f32 $2.000000030e-01, v9  }
0x14c: {  	vm0 =	vge.f32 v9, $0.0e+00  }
0x14d: {  	v9 =	vsel vm0, v9, v10  }
0x14e: {  	v9 =	vmul.f32 $1.442695020e+00, v9;
	_ =	sdelay $0x1  }
0x14f: {  	(erf) = vpow2.f32 v9;
	_ =	sdelay $0x8  }
0x150: {  	v9 =	vpop (erf)  }
0x151: {  	s24 =	simm.s32 $0x1F80;
	[tilespmem:s8+$0x1540] =	vst v9  }
0x152: {  	v17 =	vld [tilespmem:s24+$0x30]  }
0x153: {  	v15 =	vld [tilespmem:s24+$0x10]  }
0x154: {  	v14 =	vld [tilespmem:s24+$0xFFFFFFE0]  }
0x155: {  	v19 =	vperm.xlane v9, v8;
	v11 =	vld [tilespmem:s24+$0x20]  }
0x156: {  	v10 =	vperm.xlane v9, v7;
	v18 =	vperm.xlane v9, v6;
	v13 =	vld [tilespmem:s24+$0xFFFFFFD0]  }
0x157: {  	s26 =	simm.s32 $0x40;
	s22 =	simm.s32 $0x1F80;
	v16 =	vperm.xlane v9, v3;
	v12 =	vld [tilespmem:s24+$0x0];
	v17 =	vmul.f32 v17, v19  }
.LBB2_11:
0x158: {  	p0 =	sne.s32 s26, $0x13C0  }
0x159: {  	v19 =	vld [tilespmem:s24+$0xFFFFFFF0];
	v15 =	vmul.f32 v15, v18;
	s22 =	sadd.s32 $0x80, s22;
	s8 =	smov.u32 s26;
	s26 =	sadd.s32 $0x40, s26  }
0x15a: {  	v20 =	vperm.xlane v9, v2;
	v18 =	vld [tilespmem:s24+$0xFFFFFFC0];
	v14 =	vmul.f32 v14, v16;
	[tilespmem:s24+$0x30] =	vst v17  }
0x15b: {  	v16 =	vperm.xlane v9, v5;
	[tilespmem:s24+$0x10] =	vst v15;
	v10 =	vmul.f32 v11, v10  }
0x15c: {  	v11 =	vmul.f32 v13, v20;
	[tilespmem:s24+$0xFFFFFFE0] =	vst v14;
	v13 =	vperm.xlane v9, v4  }
0x15d: {  	v9 =	vperm.xlane v9, v1;
	v12 =	vmul.f32 v12, v16;
	[tilespmem:s24+$0x20] =	vst v10  }
0x15e: {  	[tilespmem:s24+$0xFFFFFFD0] =	vst v11;
	v10 =	vmul.f32 v19, v13  }
0x15f: {  	v9 =	vmul.f32 v18, v9;
	[tilespmem:s24+$0x0] =	vst v12  }
0x160: {  	[tilespmem:s24+$0xFFFFFFF0] =	vst v10  }
0x161: {  	s8 =	sshra.s32 s8, $0x2;
	[tilespmem:s24+$0xFFFFFFC0] =	vst v9;
	s24 =	smov.u32 s22  }
0x162: {  	v9 =	vld [tilespmem:s8+$0x140]  }
0x163: {  	v10 =	vld [tilespmem:s8+$0xB40];
	_ =	sdelay $0x4  }
0x164: {  	v9 =	vadd.f32 v10, v9;
	_ =	sdelay $0x1  }
0x165: {  	vm0 =	vge.f32 v9, $0.0e+00;
	v10 =	vmul.f32 $2.000000030e-01, v9;
	_ =	sdelay $0x1  }
0x166: {  	v9 =	vsel vm0, v9, v10  }
0x167: {  	v9 =	vmul.f32 $1.442695020e+00, v9;
	_ =	sdelay $0x1  }
0x168: {  	(erf) = vpow2.f32 v9;
	_ =	sdelay $0x8  }
0x169: {  	v9 =	vpop (erf)  }
0x16a: {  	[tilespmem:s8+$0x1540] =	vst v9;
	v10 =	vperm.xlane v9, v7  }
0x16b: {  	v17 =	vld [tilespmem:s22+$0x30]  }
.Ltmp5:
0x16c: {  	v15 =	vld [tilespmem:s22+$0x10];
	(pc) =	sbr.rel @p0 .LBB2_11-.Ltmp5, $4  }
0x16d: {  	v19 =	vperm.xlane v9, v8;
	v14 =	vld [tilespmem:s22+$0xFFFFFFE0]  }
0x16e: {  	v11 =	vld [tilespmem:s22+$0x20]  }
0x16f: {  	v18 =	vperm.xlane v9, v6;
	v13 =	vld [tilespmem:s22+$0xFFFFFFD0]  }
0x170: {  	v16 =	vperm.xlane v9, v3;
	v12 =	vld [tilespmem:s22+$0x0];
	v17 =	vmul.f32 v17, v19  }
0x171: {  	v19 =	vld [tilespmem:s24+$0xFFFFFFF0];
	v15 =	vmul.f32 v15, v18  }
0x172: {  	v61 =	vld [tilespmem:s24+$0xFFFFFFC0];
	v20 =	vperm.xlane v9, v2;
	v14 =	vmul.f32 v14, v16;
	[tilespmem:s24+$0x30] =	vst v17  }
0x173: {  	v62 =	vperm.xlane v9, v5;
	[tilespmem:s24+$0x10] =	vst v15;
	v10 =	vmul.f32 v11, v10  }
0x174: {  	v63 =	vperm.xlane v9, v4;
	v11 =	vmul.f32 v13, v20;
	[tilespmem:s24+$0xFFFFFFE0] =	vst v14  }
0x175: {  	v9 =	vperm.xlane v9, v1;
	v12 =	vmul.f32 v12, v62;
	[tilespmem:s24+$0x20] =	vst v10  }
0x176: {  	[tilespmem:s24+$0xFFFFFFD0] =	vst v11;
	v10 =	vmul.f32 v19, v63  }
0x177: {  	v9 =	vmul.f32 v61, v9;
	[tilespmem:s24+$0x0] =	vst v12  }
0x178: {  	[tilespmem:s24+$0xFFFFFFF0] =	vst v10  }
0x179: {  	[tilespmem:s24+$0xFFFFFFC0] =	vst v9  }
0x17a: {  	[spmem:s10] =	stream.indirect.scatter.add.f32 [tilespmem:s19], [sflag:$0x5], $0x10, s25, s28, $0xb8;
	[tilespmem:$0x1D740] =	vst v63  }
0x17b: {  	_ =	swait.ge [sflag:s21], $0x500  }
0x17c: {  	[sflag:s21] =	ssyncset.done $0x0  }
0x17d: {  	[sflag:s21] =	ssyncadd.s32 $0xFFFFFB00  }
0x17e: {  	[spmem:s12] =	stream.indirect.scatter.add.f32 [tilespmem:s23], [sflag:$0x5], $0x80, s25, s28, $0xb8;
	[tilespmem:$0x1D740] =	vst v63  }
0x17f: {  	_ =	swait.ge [sflag:s21], $0x2800  }
0x180: {  	[sflag:s21] =	ssyncset.done $0x0  }
0x181: {  	[sflag:s21] =	ssyncadd.s32 $0xFFFFD800  }
0x182: {  	[bflag:$0x0] =	sbarrier.arrive $0xFFFF  }
0x183: {  	s8 =	stileid.u32;
	s26 =	sld [smem:$0x7FC]  }
0x184: {  	s8 =	sshll.u32 s8, $0x6;
	s29 =	rddreg [dreg:$0xd]  }
0x185: {  	s8 =	sor.u32 $0x1C05, s8;
	s22 =	sshrl.u32 s29, $0x3  }
0x186: {  	[hbm:s26], [sflag:s8] =	dma.local [spmem:s22], $0x500  }
0x187: {  	_ =	swait.ge [sflag:s21], $0x500  }
0x188: {  	[sflag:s21] =	ssyncset.done $0x0;
	s31 =	rddreg [dreg:$0xe]  }
0x189: {  	s26 =	rddreg [dreg:$0x5];
	[sflag:s21] =	ssyncadd.s32 $0xFFFFFB00;
	s24 =	sshrl.u32 s31, $0x3  }
0x18a: {  	[hbm:s26], [sflag:s8] =	dma.local [spmem:s24], $0x500  }
0x18b: {  	_ =	swait.ge [sflag:s21], $0x500  }
0x18c: {  	[sflag:s21] =	ssyncset.done $0x0;
	s24 =	rddreg [dreg:$0x10]  }
0x18d: {  	s26 =	rddreg [dreg:$0x6];
	[sflag:s21] =	ssyncadd.s32 $0xFFFFFB00;
	s22 =	sshrl.u32 s24, $0x3  }
0x18e: {  	[hbm:s26], [sflag:s8] =	dma.local [spmem:s22], $0x500  }
0x18f: {  	_ =	swait.ge [sflag:s21], $0x500  }
0x190: {  	[sflag:s21] =	ssyncset.done $0x0;
	s24 =	rddreg [dreg:$0x12]  }
0x191: {  	s26 =	rddreg [dreg:$0x7];
	[sflag:s21] =	ssyncadd.s32 $0xFFFFFB00;
	s22 =	sshrl.u32 s24, $0x3  }
0x192: {  	[hbm:s26], [sflag:s8] =	dma.local [spmem:s22], $0x500  }
0x193: {  	_ =	swait.ge [sflag:s21], $0x500  }
0x194: {  	[sflag:s21] =	ssyncset.done $0x0;
	s24 =	rddreg [dreg:$0x14]  }
0x195: {  	s26 =	rddreg [dreg:$0x8];
	[sflag:s21] =	ssyncadd.s32 $0xFFFFFB00;
	s22 =	sshrl.u32 s24, $0x3  }
0x196: {  	[hbm:s26], [sflag:s8] =	dma.local [spmem:s22], $0x500  }
0x197: {  	_ =	swait.ge [sflag:s21], $0x500  }
0x198: {  	[sflag:s21] =	ssyncset.done $0x0;
	s24 =	rddreg [dreg:$0x16]  }
0x199: {  	s26 =	rddreg [dreg:$0x9];
	[sflag:s21] =	ssyncadd.s32 $0xFFFFFB00;
	s22 =	sshrl.u32 s24, $0x3  }
0x19a: {  	[hbm:s26], [sflag:s8] =	dma.local [spmem:s22], $0x500  }
0x19b: {  	_ =	swait.ge [sflag:s21], $0x500  }
0x19c: {  	[sflag:s21] =	ssyncset.done $0x0;
	s24 =	rddreg [dreg:$0x18]  }
0x19d: {  	s26 =	rddreg [dreg:$0xa];
	[sflag:s21] =	ssyncadd.s32 $0xFFFFFB00;
	s22 =	sshrl.u32 s24, $0x3  }
0x19e: {  	[hbm:s26], [sflag:s8] =	dma.local [spmem:s22], $0x500  }
0x19f: {  	_ =	swait.ge [sflag:s21], $0x500  }
0x1a0: {  	[sflag:s21] =	ssyncset.done $0x0;
	s24 =	rddreg [dreg:$0x1a]  }
0x1a1: {  	s26 =	rddreg [dreg:$0xb];
	[sflag:s21] =	ssyncadd.s32 $0xFFFFFB00;
	s22 =	sshrl.u32 s24, $0x3  }
0x1a2: {  	[hbm:s26], [sflag:s8] =	dma.local [spmem:s22], $0x500  }
0x1a3: {  	_ =	swait.ge [sflag:s21], $0x500  }
0x1a4: {  	[sflag:s21] =	ssyncset.done $0x0;
	s24 =	rddreg [dreg:$0x1c]  }
0x1a5: {  	s26 =	rddreg [dreg:$0xc];
	[sflag:s21] =	ssyncadd.s32 $0xFFFFFB00;
	s22 =	sshrl.u32 s24, $0x3  }
0x1a6: {  	[hbm:s26], [sflag:s8] =	dma.local [spmem:s22], $0x500  }
0x1a7: {  	_ =	swait.ge [sflag:s21], $0x500  }
0x1a8: {  	s24 =	sld [smem:$0x7FA]  }
0x1a9: {  	s26 =	sld [smem:$0x7FD];
	_ =	sdelay $0x1  }
0x1aa: {  	s22 =	sadd.s32 $0x1, s24  }
0x1ab: {  	p0 =	sne.s32 s22, s26  }
.Ltmp6:
0x1ac: {  	_ = 	snop;
	(pc) =	sbr.rel @p0 .LBB2_1-.Ltmp6, $3  }
0x1ad: {  	_ =	sdelay $0x1  }
0x1ae: {  	[sflag:s21] =	ssyncset.done $0x0  }
0x1af: {  	[sflag:s21] =	ssyncadd.s32 $0xFFFFFB00  }
0x1b0: {  	_ =	sfence.sel $0x180000  }
0x1b1: {  	[bflag:$0x0] =	sbarrier.arrive $0xFFFF  }
0x1b2: {  	_ =	strace $0x90000047  }
0x1b3: {  	s0 =	stileid.u32;
	[bflag:$0x2] =	sbarrier.arrive $0xFFFF  }
0x1b4: {  	p0 =	sne.s32 s0, $0x0;
	s0 =	rddreg [dreg:$0x4]  }
0x1b5: {  	s0 =	sadd.s32 @!p0 $0x100000, s0  }
0x1b6: {  	[sflag:s0] =	ssyncadd.tile.s32 @!p0 $0x1;
	_ =	shalt  }
.Lfunc_end2:
_tile_overlayer_lowered:
.L_overlay_start_2:
0x1b7: {  	(tag) =	ssettag $0x2  }
0x1b8: {  	s0 =	rddreg [dreg:$0x0];
	s2 =	stileid.u32  }
0x1b9: {  	s1 =	rddreg [dreg:$0x1];
	p0 =	sne.s32 s2, $0x0  }
0x1ba: {  	s3 =	rddreg [dreg:$0x2];
	[bflag:$0x3] =	sbarrier.arrive $0xFFFF;
	s2 =	simm.s32 @!p0 $0x1C05  }
0x1bb: {  	[timem:s3], [sflag:s2] =	dma.local @!p0 [hbm:s0], s1  }
0x1bc: {  	s0 =	simm.s32 @!p0 $0x5  }
0x1bd: {  	_ =	swait.ge @!p0 [sflag:s0], s1  }
0x1be: {  	s1 =	ssub.s32 @!p0 $0x0, s1;
	[sflag:s0] =	ssyncset.done @!p0 $0x0  }
0x1bf: {  	[sflag:s0] =	ssyncadd.s32 @!p0 s1  }
0x1c0: {  	[bflag:$0x3] =	sbarrier.arrive $0xFFFF  }
0x1c1: {  	_ =	shalt  }

</sc_bundles>
